<compile_context>
chip_gen: v7x
topology: tpu7x:2x2x1
jax: 0.10.2.dev20260603
libtpu: 0.0.44.dev20260713+nightly
codegen_flags: <defaults>
</compile_context>

<pallas_src>
import jax
import jax.numpy as jnp
from jax import lax
from jax.experimental import pallas as pl
from jax.experimental.pallas import tpu as pltpu
from jax.experimental.pallas import tpu_sc as plsc

B, N, K, D = 4, 2048, 8192, 3
BN = B * N
NC, NS, L = 2, 16, 16
NW = NC * NS
G = 4
KU = 4
CHUNKS = K // L
SP = 2560
PWC = SP // NW
TCP = BN - SP
PN = 256


def _sc_body(pts_hbm, keys_hbm, out_hbm, pts_v, keys_v, ids_v, rot_v, rot_i):
    wid = lax.axis_index("s") * NC + lax.axis_index("c")
    pltpu.sync_copy(keys_hbm, keys_v)
    pltpu.sync_copy(pts_hbm.at[pl.ds((TCP + wid * PWC) * D, PWC * D)], pts_v)
    iota = lax.iota(jnp.int32, L)
    inf = jnp.full((L,), jnp.inf, jnp.float32)
    zeros = jnp.zeros((L,), jnp.int32)

    def group_fn(g, _):
        res = zeros
        vs = [pts_v[pl.ds(g * (D * L) + v * L, L)] for v in range(D)]
        for sb in range(L // G):
            px, py, pz = [], [], []
            for q in range(G):
                j = D * (sb * G + q)
                px.append(jnp.full((L,), vs[j // L][j % L], jnp.float32))
                py.append(jnp.full((L,), vs[(j + 1) // L][(j + 1) % L],
                                   jnp.float32))
                pz.append(jnp.full((L,), vs[(j + 2) // L][(j + 2) % L],
                                   jnp.float32))

            def chunk_fn(c, carry):
                best = list(carry[0])
                bidx = list(carry[1])
                for u in range(KU):
                    off = (c * KU + u) * L
                    kx = keys_v[pl.ds(off, L)]
                    ky = keys_v[pl.ds(K + off, L)]
                    kz = keys_v[pl.ds(2 * K + off, L)]
                    kidx = iota + off
                    for q in range(G):
                        dx = px[q] - kx
                        dy = py[q] - ky
                        dz = pz[q] - kz
                        dist = dx * dx + dy * dy + dz * dz
                        lt = dist < best[q]
                        best[q] = jnp.where(lt, dist, best[q])
                        bidx[q] = jnp.where(lt, kidx, bidx[q])
                return tuple(best), tuple(bidx)

            best, bidx = lax.fori_loop(
                0, CHUNKS // KU, chunk_fn,
                (tuple(inf for _ in range(G)), tuple(zeros for _ in range(G))))

            for q in range(G):
                b, bi = best[q], bidx[q]
                for r in (8, 4, 2, 1):
                    rot_v[pl.ds(0, L)] = b
                    rot_v[pl.ds(L, L)] = b
                    rot_i[pl.ds(0, L)] = bi
                    rot_i[pl.ds(L, L)] = bi
                    rb = rot_v[pl.ds(r, L)]
                    ri = rot_i[pl.ds(r, L)]
                    take = (rb < b) | ((rb == b) & (ri < bi))
                    b = jnp.where(take, rb, b)
                    bi = jnp.where(take, ri, bi)
                res = jnp.where(iota == sb * G + q, bi, res)
        ids_v[pl.ds(g * L, L)] = res
        return 0

    lax.fori_loop(0, PWC // L, group_fn, 0)
    pltpu.sync_copy(ids_v, out_hbm.at[pl.ds(wid * PWC, PWC)])


def _tc_body(pts_ref, keys_t_ref, out_ref):
    px = pts_ref[:, 0:1]
    py = pts_ref[:, 1:2]
    pz = pts_ref[:, 2:3]
    kx = keys_t_ref[0:1, :]
    ky = keys_t_ref[1:2, :]
    kz = keys_t_ref[2:3, :]
    dx = px - kx
    dy = py - ky
    dz = pz - kz
    dist = dx * dx + dy * dy + dz * dz
    out_ref[:, :] = jnp.argmin(dist, axis=1, keepdims=True).astype(jnp.int32)


def kernel(pointcloud, keys, table):
    del table
    pts_flat = pointcloud.reshape(-1)
    keys_flat = jnp.concatenate([keys[:, 0], keys[:, 1], keys[:, 2]])
    keys_t = keys_flat.reshape(D, K)

    ids_sc = pl.kernel(
        _sc_body,
        out_type=jax.ShapeDtypeStruct((SP,), jnp.int32),
        mesh=plsc.VectorSubcoreMesh(core_axis_name="c", subcore_axis_name="s"),
        scratch_types=[
            pltpu.VMEM((PWC * D,), jnp.float32),
            pltpu.VMEM((D * K,), jnp.float32),
            pltpu.VMEM((PWC,), jnp.int32),
            pltpu.VMEM((2 * L,), jnp.float32),
            pltpu.VMEM((2 * L,), jnp.int32),
        ],
    )(pts_flat, keys_flat)

    ids_tc = pl.pallas_call(
        _tc_body,
        grid=(TCP // PN,),
        in_specs=[
            pl.BlockSpec((PN, D), lambda i: (i, 0)),
            pl.BlockSpec((D, K), lambda i: (0, 0)),
        ],
        out_specs=pl.BlockSpec((PN, 1), lambda i: (i, 0)),
        out_shape=jax.ShapeDtypeStruct((TCP, 1), jnp.int32),
    )(pointcloud.reshape(BN, D)[:TCP], keys_t)

    ids = jnp.concatenate([ids_tc.reshape(-1), ids_sc])
    return (ids.reshape(B, N, 1), pointcloud)

# --- scband reference (transcript-rebuilt; emitter-appended) ---
"""Pipeline reference for scband-quantized-embedding-backbone-33870112096418 (READ-ONLY COPY).

The authoritative reference and input builder live on the scoring server;
editing this copy changes nothing except your own understanding.
"""

import jax, jax.numpy as jnp
import numpy as np

B, N, K, D, EMBED = 4, 2048, 8192, 3, 64

def setup_inputs(seed: int = 0) -> dict:
    key = jax.random.key(seed)
    k1, k2, k3 = jax.random.split(key, 3)
    pointcloud = jax.random.normal(k1, (B, N, D), dtype=jnp.float32)
    keys = jax.random.normal(k2, (K, D), dtype=jnp.float32)
    table = jax.random.normal(k3, (K, EMBED), dtype=jnp.float32) * 0.02
    return {"pointcloud": pointcloud, "keys": keys, "table": table}

def reference(pointcloud, keys, table):
    # _forward: nearest-key quantization (sample_points == 0, so no FPS / shuffle).
    # dist[b, n, k] = || pointcloud[b, n] - keys[k] ||^2 ; ids = argmin over k
    diff = pointcloud[:, :, None, :] - keys[None, None, :, :]
    dist = (diff ** 2).sum(-1)
    ids = jnp.argmin(dist, axis=-1)
    # Backbone.forward returns (feats, xyz) = (ids.unsqueeze(-1), pointcloud)
    return (ids[..., None], pointcloud)

if __name__ == "__main__":
    import jax
    _d = setup_inputs()
    print(jax.jit(kernel)(*tuple(_d.values())))

</pallas_src>

<mosaic_0001>
#map = affine_map<(d0, d1) -> (0)>
module attributes {stable_mosaic.version = 14 : i64} {
  func.func @_sc_body(%arg0: i32, %arg1: i32, %arg2: memref<24576xf32, #tpu.memory_space<hbm>>, %arg3: memref<24576xf32, #tpu.memory_space<hbm>>, %arg4: memref<2560xi32, #tpu.memory_space<hbm>>, %arg5: memref<240xf32, #tpu.memory_space<vmem>>, %arg6: memref<24576xf32, #tpu.memory_space<vmem>>, %arg7: memref<80xi32, #tpu.memory_space<vmem>>, %arg8: memref<32xf32, #tpu.memory_space<vmem>>, %arg9: memref<32xi32, #tpu.memory_space<vmem>>) attributes {dimension_semantics = [#tpu.dimension_semantics<core_parallel>, #tpu.dimension_semantics<subcore_parallel>], iteration_bounds = array<i64: 2, 16>, scalar_prefetch = 0 : i64, scratch_operands = 5 : i64, tpu.core_type = #tpu.core_type<sc_vector_subcore>, window_params = [{transform_indices = #map}, {transform_indices = #map}, {transform_indices = #map}]} {
    %mul3A = arith.constant 2 : i32
    %mul3A_0 = arith.muli %arg1, %mul3A : i32
    %add3A = arith.addi %mul3A_0, %arg0 : i32
    "tpu.region"() ({
      %run_scoped3A = tpu.sem_alloc : memref<!tpu.dma_semaphore, #tpu.memory_space<semaphore_mem>>
      tpu.enqueue_dma source(%arg3 : memref<24576xf32, #tpu.memory_space<hbm>>) target(%arg6 : memref<24576xf32, #tpu.memory_space<vmem>>) target_semaphore(%run_scoped3A : memref<!tpu.dma_semaphore, #tpu.memory_space<semaphore_mem>>)
      tpu.wait_dma2 semaphore(%run_scoped3A : memref<!tpu.dma_semaphore, #tpu.memory_space<semaphore_mem>>) src(%arg3 : memref<24576xf32, #tpu.memory_space<hbm>>) dst(%arg6 : memref<24576xf32, #tpu.memory_space<vmem>>)
      tpu.yield
    }) : () -> ()
    %mul3A_1 = arith.constant 80 : i32
    %mul3A_2 = arith.muli %add3A, %mul3A_1 : i32
    %add3A_3 = arith.constant 5632 : i32
    %add3A_4 = arith.addi %add3A_3, %mul3A_2 : i32
    %mul3A_5 = arith.constant 3 : i32
    %mul3A_6 = arith.muli %add3A_4, %mul3A_5 : i32
    "tpu.region"() ({
      %run_scoped3A = tpu.sem_alloc : memref<!tpu.dma_semaphore, #tpu.memory_space<semaphore_mem>>
      %dma_start3A = tpu.memref_slice %arg2[%mul3A_6] : memref<24576xf32, #tpu.memory_space<hbm>> -> memref<240xf32, #tpu.memory_space<hbm>>
      %dma_start3A_18 = tpu.memref_slice %arg2[%mul3A_6] : memref<24576xf32, #tpu.memory_space<hbm>> -> memref<240xf32, #tpu.memory_space<hbm>>
      tpu.enqueue_dma source(%dma_start3A_18 : memref<240xf32, #tpu.memory_space<hbm>>) target(%arg5 : memref<240xf32, #tpu.memory_space<vmem>>) target_semaphore(%run_scoped3A : memref<!tpu.dma_semaphore, #tpu.memory_space<semaphore_mem>>)
      %dma_wait3A = tpu.memref_slice %arg2[%mul3A_6] : memref<24576xf32, #tpu.memory_space<hbm>> -> memref<240xf32, #tpu.memory_space<hbm>>
      %dma_wait3A_19 = tpu.memref_slice %arg2[%mul3A_6] : memref<24576xf32, #tpu.memory_space<hbm>> -> memref<240xf32, #tpu.memory_space<hbm>>
      tpu.wait_dma2 semaphore(%run_scoped3A : memref<!tpu.dma_semaphore, #tpu.memory_space<semaphore_mem>>) src(%dma_wait3A_19 : memref<240xf32, #tpu.memory_space<hbm>>) dst(%arg5 : memref<240xf32, #tpu.memory_space<vmem>>)
      tpu.yield
    }) : () -> ()
    %iota3A = tpu.iota {dimensions = array<i32: 0>} : vector<16xi32>
    %broadcast_in_dim3A = arith.constant 0x7F800000 : f32
    %broadcast_in_dim3A_7 = vector.broadcast %broadcast_in_dim3A : f32 to vector<16xf32>
    %broadcast_in_dim3A_8 = arith.constant 0 : i32
    %broadcast_in_dim3A_9 = vector.broadcast %broadcast_in_dim3A_8 : i32 to vector<16xi32>
    %scan3A = arith.constant 0 : i32
    %scan3A_10 = arith.constant 0 : i32
    %scan3A_11 = arith.constant 5 : i32
    %scan3A_12 = arith.addi %scan3A_10, %scan3A_11 : i32
    %scan3A_13 = arith.constant 1 : i32
    %scan3A_14 = scf.for %scan3A_18 = %scan3A_10 to %scan3A_12 step %scan3A_13 iter_args(%scan3A_19 = %scan3A) -> (i32)  : i32 {
      %mul3A_20 = arith.constant 48 : i32
      %mul3A_21 = arith.muli %scan3A_18, %mul3A_20 : i32
      %add3A_22 = arith.constant 0 : i32
      %add3A_23 = arith.addi %mul3A_21, %add3A_22 : i32
      %get3A = arith.index_cast %add3A_23 : i32 to index
      %get3A_24 = tpu.vector_load %arg5[%get3A] {strides = array<i32>} : memref<240xf32, #tpu.memory_space<vmem>>, vector<16xf32>,
      %get3A_25 = vector.shape_cast %get3A_24 : vector<16xf32> to vector<16xf32>
      %mul3A_26 = arith.constant 48 : i32
      %mul3A_27 = arith.muli %scan3A_18, %mul3A_26 : i32
      %add3A_28 = arith.constant 16 : i32
      %add3A_29 = arith.addi %mul3A_27, %add3A_28 : i32
      %get3A_30 = arith.index_cast %add3A_29 : i32 to index
      %get3A_31 = tpu.vector_load %arg5[%get3A_30] {strides = array<i32>} : memref<240xf32, #tpu.memory_space<vmem>>, vector<16xf32>,
      %get3A_32 = vector.shape_cast %get3A_31 : vector<16xf32> to vector<16xf32>
      %mul3A_33 = arith.constant 48 : i32
      %mul3A_34 = arith.muli %scan3A_18, %mul3A_33 : i32
      %add3A_35 = arith.constant 32 : i32
      %add3A_36 = arith.addi %mul3A_34, %add3A_35 : i32
      %get3A_37 = arith.index_cast %add3A_36 : i32 to index
      %get3A_38 = tpu.vector_load %arg5[%get3A_37] {strides = array<i32>} : memref<240xf32, #tpu.memory_space<vmem>>, vector<16xf32>,
      %get3A_39 = vector.shape_cast %get3A_38 : vector<16xf32> to vector<16xf32>
      %slice3A = vector.extract_strided_slice %get3A_25 {offsets = [0], sizes = [1], strides = [1]} : vector<16xf32> to vector<1xf32>
      %squeeze3A = vector.extract %slice3A[0] : f32 from vector<1xf32>
      %broadcast_in_dim3A_40 = vector.broadcast %squeeze3A : f32 to vector<16xf32>
      %slice3A_41 = vector.extract_strided_slice %get3A_25 {offsets = [1], sizes = [1], strides = [1]} : vector<16xf32> to vector<1xf32>
      %squeeze3A_42 = vector.extract %slice3A_41[0] : f32 from vector<1xf32>
      %broadcast_in_dim3A_43 = vector.broadcast %squeeze3A_42 : f32 to vector<16xf32>
      %slice3A_44 = vector.extract_strided_slice %get3A_25 {offsets = [2], sizes = [1], strides = [1]} : vector<16xf32> to vector<1xf32>
      %squeeze3A_45 = vector.extract %slice3A_44[0] : f32 from vector<1xf32>
      %broadcast_in_dim3A_46 = vector.broadcast %squeeze3A_45 : f32 to vector<16xf32>
      %slice3A_47 = vector.extract_strided_slice %get3A_25 {offsets = [3], sizes = [1], strides = [1]} : vector<16xf32> to vector<1xf32>
      %squeeze3A_48 = vector.extract %slice3A_47[0] : f32 from vector<1xf32>
      %broadcast_in_dim3A_49 = vector.broadcast %squeeze3A_48 : f32 to vector<16xf32>
      %slice3A_50 = vector.extract_strided_slice %get3A_25 {offsets = [4], sizes = [1], strides = [1]} : vector<16xf32> to vector<1xf32>
      %squeeze3A_51 = vector.extract %slice3A_50[0] : f32 from vector<1xf32>
      %broadcast_in_dim3A_52 = vector.broadcast %squeeze3A_51 : f32 to vector<16xf32>
      %slice3A_53 = vector.extract_strided_slice %get3A_25 {offsets = [5], sizes = [1], strides = [1]} : vector<16xf32> to vector<1xf32>
      %squeeze3A_54 = vector.extract %slice3A_53[0] : f32 from vector<1xf32>
      %broadcast_in_dim3A_55 = vector.broadcast %squeeze3A_54 : f32 to vector<16xf32>
      %slice3A_56 = vector.extract_strided_slice %get3A_25 {offsets = [6], sizes = [1], strides = [1]} : vector<16xf32> to vector<1xf32>
      %squeeze3A_57 = vector.extract %slice3A_56[0] : f32 from vector<1xf32>
      %broadcast_in_dim3A_58 = vector.broadcast %squeeze3A_57 : f32 to vector<16xf32>
      %slice3A_59 = vector.extract_strided_slice %get3A_25 {offsets = [7], sizes = [1], strides = [1]} : vector<16xf32> to vector<1xf32>
      %squeeze3A_60 = vector.extract %slice3A_59[0] : f32 from vector<1xf32>
      %broadcast_in_dim3A_61 = vector.broadcast %squeeze3A_60 : f32 to vector<16xf32>
      %slice3A_62 = vector.extract_strided_slice %get3A_25 {offsets = [8], sizes = [1], strides = [1]} : vector<16xf32> to vector<1xf32>
      %squeeze3A_63 = vector.extract %slice3A_62[0] : f32 from vector<1xf32>
      %broadcast_in_dim3A_64 = vector.broadcast %squeeze3A_63 : f32 to vector<16xf32>
      %slice3A_65 = vector.extract_strided_slice %get3A_25 {offsets = [9], sizes = [1], strides = [1]} : vector<16xf32> to vector<1xf32>
      %squeeze3A_66 = vector.extract %slice3A_65[0] : f32 from vector<1xf32>
      %broadcast_in_dim3A_67 = vector.broadcast %squeeze3A_66 : f32 to vector<16xf32>
      %slice3A_68 = vector.extract_strided_slice %get3A_25 {offsets = [10], sizes = [1], strides = [1]} : vector<16xf32> to vector<1xf32>
      %squeeze3A_69 = vector.extract %slice3A_68[0] : f32 from vector<1xf32>
      %broadcast_in_dim3A_70 = vector.broadcast %squeeze3A_69 : f32 to vector<16xf32>
      %slice3A_71 = vector.extract_strided_slice %get3A_25 {offsets = [11], sizes = [1], strides = [1]} : vector<16xf32> to vector<1xf32>
      %squeeze3A_72 = vector.extract %slice3A_71[0] : f32 from vector<1xf32>
      %broadcast_in_dim3A_73 = vector.broadcast %squeeze3A_72 : f32 to vector<16xf32>
      %scan3A_74 = arith.constant 0 : i32
      %scan3A_75 = arith.constant 128 : i32
      %scan3A_76 = arith.addi %scan3A_74, %scan3A_75 : i32
      %scan3A_77 = arith.constant 1 : i32
      %scan3A_78:8 = scf.for %scan3A_2127 = %scan3A_74 to %scan3A_76 step %scan3A_77 iter_args(%scan3A_2128 = %broadcast_in_dim3A_7, %scan3A_2129 = %broadcast_in_dim3A_7, %scan3A_2130 = %broadcast_in_dim3A_7, %scan3A_2131 = %broadcast_in_dim3A_7, %scan3A_2132 = %broadcast_in_dim3A_9, %scan3A_2133 = %broadcast_in_dim3A_9, %scan3A_2134 = %broadcast_in_dim3A_9, %scan3A_2135 = %broadcast_in_dim3A_9) -> (vector<16xf32>, vector<16xf32>, vector<16xf32>, vector<16xf32>, vector<16xi32>, vector<16xi32>, vector<16xi32>, vector<16xi32>)  : i32 {
        %mul3A_2136 = arith.constant 4 : i32
        %mul3A_2137 = arith.muli %scan3A_2127, %mul3A_2136 : i32
        %add3A_2138 = arith.constant 0 : i32
        %add3A_2139 = arith.addi %mul3A_2137, %add3A_2138 : i32
        %mul3A_2140 = arith.constant 16 : i32
        %mul3A_2141 = arith.muli %add3A_2139, %mul3A_2140 : i32
        %get3A_2142 = arith.index_cast %mul3A_2141 : i32 to index
        %get3A_2143 = tpu.vector_load %arg6[%get3A_2142] {strides = array<i32>} : memref<24576xf32, #tpu.memory_space<vmem>>, vector<16xf32>,
        %get3A_2144 = vector.shape_cast %get3A_2143 : vector<16xf32> to vector<16xf32>
        %add3A_2145 = arith.constant 8192 : i32
        %add3A_2146 = arith.addi %add3A_2145, %mul3A_2141 : i32
        %get3A_2147 = arith.index_cast %add3A_2146 : i32 to index
        %get3A_2148 = tpu.vector_load %arg6[%get3A_2147] {strides = array<i32>} : memref<24576xf32, #tpu.memory_space<vmem>>, vector<16xf32>,
        %get3A_2149 = vector.shape_cast %get3A_2148 : vector<16xf32> to vector<16xf32>
        %add3A_2150 = arith.constant 16384 : i32
        %add3A_2151 = arith.addi %add3A_2150, %mul3A_2141 : i32
        %get3A_2152 = arith.index_cast %add3A_2151 : i32 to index
        %get3A_2153 = tpu.vector_load %arg6[%get3A_2152] {strides = array<i32>} : memref<24576xf32, #tpu.memory_space<vmem>>, vector<16xf32>,
        %get3A_2154 = vector.shape_cast %get3A_2153 : vector<16xf32> to vector<16xf32>
        %add3A_2155 = vector.broadcast %mul3A_2141 : i32 to vector<16xi32>
        %add3A_2156 = arith.addi %iota3A, %add3A_2155 : vector<16xi32>
        %sub3A = arith.subf %broadcast_in_dim3A_40, %get3A_2144 : vector<16xf32>
        %sub3A_2157 = arith.subf %broadcast_in_dim3A_43, %get3A_2149 : vector<16xf32>
        %sub3A_2158 = arith.subf %broadcast_in_dim3A_46, %get3A_2154 : vector<16xf32>
        %mul3A_2159 = arith.mulf %sub3A, %sub3A : vector<16xf32>
        %mul3A_2160 = arith.mulf %sub3A_2157, %sub3A_2157 : vector<16xf32>
        %add3A_2161 = arith.addf %mul3A_2159, %mul3A_2160 : vector<16xf32>
        %mul3A_2162 = arith.mulf %sub3A_2158, %sub3A_2158 : vector<16xf32>
        %add3A_2163 = arith.addf %add3A_2161, %mul3A_2162 : vector<16xf32>
        %lt3A_2164 = arith.cmpf olt, %add3A_2163, %scan3A_2128 : vector<16xf32>
        %select_n3A_2165 = arith.select %lt3A_2164, %add3A_2163, %scan3A_2128 : vector<16xi1>, vector<16xf32>
        %select_n3A_2166 = arith.select %lt3A_2164, %add3A_2156, %scan3A_2132 : vector<16xi1>, vector<16xi32>
        %sub3A_2167 = arith.subf %broadcast_in_dim3A_49, %get3A_2144 : vector<16xf32>
        %sub3A_2168 = arith.subf %broadcast_in_dim3A_52, %get3A_2149 : vector<16xf32>
        %sub3A_2169 = arith.subf %broadcast_in_dim3A_55, %get3A_2154 : vector<16xf32>
        %mul3A_2170 = arith.mulf %sub3A_2167, %sub3A_2167 : vector<16xf32>
        %mul3A_2171 = arith.mulf %sub3A_2168, %sub3A_2168 : vector<16xf32>
        %add3A_2172 = arith.addf %mul3A_2170, %mul3A_2171 : vector<16xf32>
        %mul3A_2173 = arith.mulf %sub3A_2169, %sub3A_2169 : vector<16xf32>
        %add3A_2174 = arith.addf %add3A_2172, %mul3A_2173 : vector<16xf32>
        %lt3A_2175 = arith.cmpf olt, %add3A_2174, %scan3A_2129 : vector<16xf32>
        %select_n3A_2176 = arith.select %lt3A_2175, %add3A_2174, %scan3A_2129 : vector<16xi1>, vector<16xf32>
        %select_n3A_2177 = arith.select %lt3A_2175, %add3A_2156, %scan3A_2133 : vector<16xi1>, vector<16xi32>
        %sub3A_2178 = arith.subf %broadcast_in_dim3A_58, %get3A_2144 : vector<16xf32>
        %sub3A_2179 = arith.subf %broadcast_in_dim3A_61, %get3A_2149 : vector<16xf32>
        %sub3A_2180 = arith.subf %broadcast_in_dim3A_64, %get3A_2154 : vector<16xf32>
        %mul3A_2181 = arith.mulf %sub3A_2178, %sub3A_2178 : vector<16xf32>
        %mul3A_2182 = arith.mulf %sub3A_2179, %sub3A_2179 : vector<16xf32>
        %add3A_2183 = arith.addf %mul3A_2181, %mul3A_2182 : vector<16xf32>
        %mul3A_2184 = arith.mulf %sub3A_2180, %sub3A_2180 : vector<16xf32>
        %add3A_2185 = arith.addf %add3A_2183, %mul3A_2184 : vector<16xf32>
        %lt3A_2186 = arith.cmpf olt, %add3A_2185, %scan3A_2130 : vector<16xf32>
        %select_n3A_2187 = arith.select %lt3A_2186, %add3A_2185, %scan3A_2130 : vector<16xi1>, vector<16xf32>
        %select_n3A_2188 = arith.select %lt3A_2186, %add3A_2156, %scan3A_2134 : vector<16xi1>, vector<16xi32>
        %sub3A_2189 = arith.subf %broadcast_in_dim3A_67, %get3A_2144 : vector<16xf32>
        %sub3A_2190 = arith.subf %broadcast_in_dim3A_70, %get3A_2149 : vector<16xf32>
        %sub3A_2191 = arith.subf %broadcast_in_dim3A_73, %get3A_2154 : vector<16xf32>
        %mul3A_2192 = arith.mulf %sub3A_2189, %sub3A_2189 : vector<16xf32>
        %mul3A_2193 = arith.mulf %sub3A_2190, %sub3A_2190 : vector<16xf32>
        %add3A_2194 = arith.addf %mul3A_2192, %mul3A_2193 : vector<16xf32>
        %mul3A_2195 = arith.mulf %sub3A_2191, %sub3A_2191 : vector<16xf32>
        %add3A_2196 = arith.addf %add3A_2194, %mul3A_2195 : vector<16xf32>
        %lt3A_2197 = arith.cmpf olt, %add3A_2196, %scan3A_2131 : vector<16xf32>
        %select_n3A_2198 = arith.select %lt3A_2197, %add3A_2196, %scan3A_2131 : vector<16xi1>, vector<16xf32>
        %select_n3A_2199 = arith.select %lt3A_2197, %add3A_2156, %scan3A_2135 : vector<16xi1>, vector<16xi32>
        %mul3A_2200 = arith.constant 4 : i32
        %mul3A_2201 = arith.muli %scan3A_2127, %mul3A_2200 : i32
        %add3A_2202 = arith.constant 1 : i32
        %add3A_2203 = arith.addi %mul3A_2201, %add3A_2202 : i32
        %mul3A_2204 = arith.constant 16 : i32
        %mul3A_2205 = arith.muli %add3A_2203, %mul3A_2204 : i32
        %get3A_2206 = arith.index_cast %mul3A_2205 : i32 to index
        %get3A_2207 = tpu.vector_load %arg6[%get3A_2206] {strides = array<i32>} : memref<24576xf32, #tpu.memory_space<vmem>>, vector<16xf32>,
        %get3A_2208 = vector.shape_cast %get3A_2207 : vector<16xf32> to vector<16xf32>
        %add3A_2209 = arith.constant 8192 : i32
        %add3A_2210 = arith.addi %add3A_2209, %mul3A_2205 : i32
        %get3A_2211 = arith.index_cast %add3A_2210 : i32 to index
        %get3A_2212 = tpu.vector_load %arg6[%get3A_2211] {strides = array<i32>} : memref<24576xf32, #tpu.memory_space<vmem>>, vector<16xf32>,
        %get3A_2213 = vector.shape_cast %get3A_2212 : vector<16xf32> to vector<16xf32>
        %add3A_2214 = arith.constant 16384 : i32
        %add3A_2215 = arith.addi %add3A_2214, %mul3A_2205 : i32
        %get3A_2216 = arith.index_cast %add3A_2215 : i32 to index
        %get3A_2217 = tpu.vector_load %arg6[%get3A_2216] {strides = array<i32>} : memref<24576xf32, #tpu.memory_space<vmem>>, vector<16xf32>,
        %get3A_2218 = vector.shape_cast %get3A_2217 : vector<16xf32> to vector<16xf32>
        %add3A_2219 = vector.broadcast %mul3A_2205 : i32 to vector<16xi32>
        %add3A_2220 = arith.addi %iota3A, %add3A_2219 : vector<16xi32>
        %sub3A_2221 = arith.subf %broadcast_in_dim3A_40, %get3A_2208 : vector<16xf32>
        %sub3A_2222 = arith.subf %broadcast_in_dim3A_43, %get3A_2213 : vector<16xf32>
        %sub3A_2223 = arith.subf %broadcast_in_dim3A_46, %get3A_2218 : vector<16xf32>
        %mul3A_2224 = arith.mulf %sub3A_2221, %sub3A_2221 : vector<16xf32>
        %mul3A_2225 = arith.mulf %sub3A_2222, %sub3A_2222 : vector<16xf32>
        %add3A_2226 = arith.addf %mul3A_2224, %mul3A_2225 : vector<16xf32>
        %mul3A_2227 = arith.mulf %sub3A_2223, %sub3A_2223 : vector<16xf32>
        %add3A_2228 = arith.addf %add3A_2226, %mul3A_2227 : vector<16xf32>
        %lt3A_2229 = arith.cmpf olt, %add3A_2228, %select_n3A_2165 : vector<16xf32>
        %select_n3A_2230 = arith.select %lt3A_2229, %add3A_2228, %select_n3A_2165 : vector<16xi1>, vector<16xf32>
        %select_n3A_2231 = arith.select %lt3A_2229, %add3A_2220, %select_n3A_2166 : vector<16xi1>, vector<16xi32>
        %sub3A_2232 = arith.subf %broadcast_in_dim3A_49, %get3A_2208 : vector<16xf32>
        %sub3A_2233 = arith.subf %broadcast_in_dim3A_52, %get3A_2213 : vector<16xf32>
        %sub3A_2234 = arith.subf %broadcast_in_dim3A_55, %get3A_2218 : vector<16xf32>
        %mul3A_2235 = arith.mulf %sub3A_2232, %sub3A_2232 : vector<16xf32>
        %mul3A_2236 = arith.mulf %sub3A_2233, %sub3A_2233 : vector<16xf32>
        %add3A_2237 = arith.addf %mul3A_2235, %mul3A_2236 : vector<16xf32>
        %mul3A_2238 = arith.mulf %sub3A_2234, %sub3A_2234 : vector<16xf32>
        %add3A_2239 = arith.addf %add3A_2237, %mul3A_2238 : vector<16xf32>
        %lt3A_2240 = arith.cmpf olt, %add3A_2239, %select_n3A_2176 : vector<16xf32>
        %select_n3A_2241 = arith.select %lt3A_2240, %add3A_2239, %select_n3A_2176 : vector<16xi1>, vector<16xf32>
        %select_n3A_2242 = arith.select %lt3A_2240, %add3A_2220, %select_n3A_2177 : vector<16xi1>, vector<16xi32>
        %sub3A_2243 = arith.subf %broadcast_in_dim3A_58, %get3A_2208 : vector<16xf32>
        %sub3A_2244 = arith.subf %broadcast_in_dim3A_61, %get3A_2213 : vector<16xf32>
        %sub3A_2245 = arith.subf %broadcast_in_dim3A_64, %get3A_2218 : vector<16xf32>
        %mul3A_2246 = arith.mulf %sub3A_2243, %sub3A_2243 : vector<16xf32>
        %mul3A_2247 = arith.mulf %sub3A_2244, %sub3A_2244 : vector<16xf32>
        %add3A_2248 = arith.addf %mul3A_2246, %mul3A_2247 : vector<16xf32>
        %mul3A_2249 = arith.mulf %sub3A_2245, %sub3A_2245 : vector<16xf32>
        %add3A_2250 = arith.addf %add3A_2248, %mul3A_2249 : vector<16xf32>
        %lt3A_2251 = arith.cmpf olt, %add3A_2250, %select_n3A_2187 : vector<16xf32>
        %select_n3A_2252 = arith.select %lt3A_2251, %add3A_2250, %select_n3A_2187 : vector<16xi1>, vector<16xf32>
        %select_n3A_2253 = arith.select %lt3A_2251, %add3A_2220, %select_n3A_2188 : vector<16xi1>, vector<16xi32>
        %sub3A_2254 = arith.subf %broadcast_in_dim3A_67, %get3A_2208 : vector<16xf32>
        %sub3A_2255 = arith.subf %broadcast_in_dim3A_70, %get3A_2213 : vector<16xf32>
        %sub3A_2256 = arith.subf %broadcast_in_dim3A_73, %get3A_2218 : vector<16xf32>
        %mul3A_2257 = arith.mulf %sub3A_2254, %sub3A_2254 : vector<16xf32>
        %mul3A_2258 = arith.mulf %sub3A_2255, %sub3A_2255 : vector<16xf32>
        %add3A_2259 = arith.addf %mul3A_2257, %mul3A_2258 : vector<16xf32>
        %mul3A_2260 = arith.mulf %sub3A_2256, %sub3A_2256 : vector<16xf32>
        %add3A_2261 = arith.addf %add3A_2259, %mul3A_2260 : vector<16xf32>
        %lt3A_2262 = arith.cmpf olt, %add3A_2261, %select_n3A_2198 : vector<16xf32>
        %select_n3A_2263 = arith.select %lt3A_2262, %add3A_2261, %select_n3A_2198 : vector<16xi1>, vector<16xf32>
        %select_n3A_2264 = arith.select %lt3A_2262, %add3A_2220, %select_n3A_2199 : vector<16xi1>, vector<16xi32>
        %mul3A_2265 = arith.constant 4 : i32
        %mul3A_2266 = arith.muli %scan3A_2127, %mul3A_2265 : i32
        %add3A_2267 = arith.constant 2 : i32
        %add3A_2268 = arith.addi %mul3A_2266, %add3A_2267 : i32
        %mul3A_2269 = arith.constant 16 : i32
        %mul3A_2270 = arith.muli %add3A_2268, %mul3A_2269 : i32
        %get3A_2271 = arith.index_cast %mul3A_2270 : i32 to index
        %get3A_2272 = tpu.vector_load %arg6[%get3A_2271] {strides = array<i32>} : memref<24576xf32, #tpu.memory_space<vmem>>, vector<16xf32>,
        %get3A_2273 = vector.shape_cast %get3A_2272 : vector<16xf32> to vector<16xf32>
        %add3A_2274 = arith.constant 8192 : i32
        %add3A_2275 = arith.addi %add3A_2274, %mul3A_2270 : i32
        %get3A_2276 = arith.index_cast %add3A_2275 : i32 to index
        %get3A_2277 = tpu.vector_load %arg6[%get3A_2276] {strides = array<i32>} : memref<24576xf32, #tpu.memory_space<vmem>>, vector<16xf32>,
        %get3A_2278 = vector.shape_cast %get3A_2277 : vector<16xf32> to vector<16xf32>
        %add3A_2279 = arith.constant 16384 : i32
        %add3A_2280 = arith.addi %add3A_2279, %mul3A_2270 : i32
        %get3A_2281 = arith.index_cast %add3A_2280 : i32 to index
        %get3A_2282 = tpu.vector_load %arg6[%get3A_2281] {strides = array<i32>} : memref<24576xf32, #tpu.memory_space<vmem>>, vector<16xf32>,
        %get3A_2283 = vector.shape_cast %get3A_2282 : vector<16xf32> to vector<16xf32>
        %add3A_2284 = vector.broadcast %mul3A_2270 : i32 to vector<16xi32>
        %add3A_2285 = arith.addi %iota3A, %add3A_2284 : vector<16xi32>
        %sub3A_2286 = arith.subf %broadcast_in_dim3A_40, %get3A_2273 : vector<16xf32>
        %sub3A_2287 = arith.subf %broadcast_in_dim3A_43, %get3A_2278 : vector<16xf32>
        %sub3A_2288 = arith.subf %broadcast_in_dim3A_46, %get3A_2283 : vector<16xf32>
        %mul3A_2289 = arith.mulf %sub3A_2286, %sub3A_2286 : vector<16xf32>
        %mul3A_2290 = arith.mulf %sub3A_2287, %sub3A_2287 : vector<16xf32>
        %add3A_2291 = arith.addf %mul3A_2289, %mul3A_2290 : vector<16xf32>
        %mul3A_2292 = arith.mulf %sub3A_2288, %sub3A_2288 : vector<16xf32>
        %add3A_2293 = arith.addf %add3A_2291, %mul3A_2292 : vector<16xf32>
        %lt3A_2294 = arith.cmpf olt, %add3A_2293, %select_n3A_2230 : vector<16xf32>
        %select_n3A_2295 = arith.select %lt3A_2294, %add3A_2293, %select_n3A_2230 : vector<16xi1>, vector<16xf32>
        %select_n3A_2296 = arith.select %lt3A_2294, %add3A_2285, %select_n3A_2231 : vector<16xi1>, vector<16xi32>
        %sub3A_2297 = arith.subf %broadcast_in_dim3A_49, %get3A_2273 : vector<16xf32>
        %sub3A_2298 = arith.subf %broadcast_in_dim3A_52, %get3A_2278 : vector<16xf32>
        %sub3A_2299 = arith.subf %broadcast_in_dim3A_55, %get3A_2283 : vector<16xf32>
        %mul3A_2300 = arith.mulf %sub3A_2297, %sub3A_2297 : vector<16xf32>
        %mul3A_2301 = arith.mulf %sub3A_2298, %sub3A_2298 : vector<16xf32>
        %add3A_2302 = arith.addf %mul3A_2300, %mul3A_2301 : vector<16xf32>
        %mul3A_2303 = arith.mulf %sub3A_2299, %sub3A_2299 : vector<16xf32>
        %add3A_2304 = arith.addf %add3A_2302, %mul3A_2303 : vector<16xf32>
        %lt3A_2305 = arith.cmpf olt, %add3A_2304, %select_n3A_2241 : vector<16xf32>
        %select_n3A_2306 = arith.select %lt3A_2305, %add3A_2304, %select_n3A_2241 : vector<16xi1>, vector<16xf32>
        %select_n3A_2307 = arith.select %lt3A_2305, %add3A_2285, %select_n3A_2242 : vector<16xi1>, vector<16xi32>
        %sub3A_2308 = arith.subf %broadcast_in_dim3A_58, %get3A_2273 : vector<16xf32>
        %sub3A_2309 = arith.subf %broadcast_in_dim3A_61, %get3A_2278 : vector<16xf32>
        %sub3A_2310 = arith.subf %broadcast_in_dim3A_64, %get3A_2283 : vector<16xf32>
        %mul3A_2311 = arith.mulf %sub3A_2308, %sub3A_2308 : vector<16xf32>
        %mul3A_2312 = arith.mulf %sub3A_2309, %sub3A_2309 : vector<16xf32>
        %add3A_2313 = arith.addf %mul3A_2311, %mul3A_2312 : vector<16xf32>
        %mul3A_2314 = arith.mulf %sub3A_2310, %sub3A_2310 : vector<16xf32>
        %add3A_2315 = arith.addf %add3A_2313, %mul3A_2314 : vector<16xf32>
        %lt3A_2316 = arith.cmpf olt, %add3A_2315, %select_n3A_2252 : vector<16xf32>
        %select_n3A_2317 = arith.select %lt3A_2316, %add3A_2315, %select_n3A_2252 : vector<16xi1>, vector<16xf32>
        %select_n3A_2318 = arith.select %lt3A_2316, %add3A_2285, %select_n3A_2253 : vector<16xi1>, vector<16xi32>
        %sub3A_2319 = arith.subf %broadcast_in_dim3A_67, %get3A_2273 : vector<16xf32>
        %sub3A_2320 = arith.subf %broadcast_in_dim3A_70, %get3A_2278 : vector<16xf32>
        %sub3A_2321 = arith.subf %broadcast_in_dim3A_73, %get3A_2283 : vector<16xf32>
        %mul3A_2322 = arith.mulf %sub3A_2319, %sub3A_2319 : vector<16xf32>
        %mul3A_2323 = arith.mulf %sub3A_2320, %sub3A_2320 : vector<16xf32>
        %add3A_2324 = arith.addf %mul3A_2322, %mul3A_2323 : vector<16xf32>
        %mul3A_2325 = arith.mulf %sub3A_2321, %sub3A_2321 : vector<16xf32>
        %add3A_2326 = arith.addf %add3A_2324, %mul3A_2325 : vector<16xf32>
        %lt3A_2327 = arith.cmpf olt, %add3A_2326, %select_n3A_2263 : vector<16xf32>
        %select_n3A_2328 = arith.select %lt3A_2327, %add3A_2326, %select_n3A_2263 : vector<16xi1>, vector<16xf32>
        %select_n3A_2329 = arith.select %lt3A_2327, %add3A_2285, %select_n3A_2264 : vector<16xi1>, vector<16xi32>
        %mul3A_2330 = arith.constant 4 : i32
        %mul3A_2331 = arith.muli %scan3A_2127, %mul3A_2330 : i32
        %add3A_2332 = arith.constant 3 : i32
        %add3A_2333 = arith.addi %mul3A_2331, %add3A_2332 : i32
        %mul3A_2334 = arith.constant 16 : i32
        %mul3A_2335 = arith.muli %add3A_2333, %mul3A_2334 : i32
        %get3A_2336 = arith.index_cast %mul3A_2335 : i32 to index
        %get3A_2337 = tpu.vector_load %arg6[%get3A_2336] {strides = array<i32>} : memref<24576xf32, #tpu.memory_space<vmem>>, vector<16xf32>,
        %get3A_2338 = vector.shape_cast %get3A_2337 : vector<16xf32> to vector<16xf32>
        %add3A_2339 = arith.constant 8192 : i32
        %add3A_2340 = arith.addi %add3A_2339, %mul3A_2335 : i32
        %get3A_2341 = arith.index_cast %add3A_2340 : i32 to index
        %get3A_2342 = tpu.vector_load %arg6[%get3A_2341] {strides = array<i32>} : memref<24576xf32, #tpu.memory_space<vmem>>, vector<16xf32>,
        %get3A_2343 = vector.shape_cast %get3A_2342 : vector<16xf32> to vector<16xf32>
        %add3A_2344 = arith.constant 16384 : i32
        %add3A_2345 = arith.addi %add3A_2344, %mul3A_2335 : i32
        %get3A_2346 = arith.index_cast %add3A_2345 : i32 to index
        %get3A_2347 = tpu.vector_load %arg6[%get3A_2346] {strides = array<i32>} : memref<24576xf32, #tpu.memory_space<vmem>>, vector<16xf32>,
        %get3A_2348 = vector.shape_cast %get3A_2347 : vector<16xf32> to vector<16xf32>
        %add3A_2349 = vector.broadcast %mul3A_2335 : i32 to vector<16xi32>
        %add3A_2350 = arith.addi %iota3A, %add3A_2349 : vector<16xi32>
        %sub3A_2351 = arith.subf %broadcast_in_dim3A_40, %get3A_2338 : vector<16xf32>
        %sub3A_2352 = arith.subf %broadcast_in_dim3A_43, %get3A_2343 : vector<16xf32>
        %sub3A_2353 = arith.subf %broadcast_in_dim3A_46, %get3A_2348 : vector<16xf32>
        %mul3A_2354 = arith.mulf %sub3A_2351, %sub3A_2351 : vector<16xf32>
        %mul3A_2355 = arith.mulf %sub3A_2352, %sub3A_2352 : vector<16xf32>
        %add3A_2356 = arith.addf %mul3A_2354, %mul3A_2355 : vector<16xf32>
        %mul3A_2357 = arith.mulf %sub3A_2353, %sub3A_2353 : vector<16xf32>
        %add3A_2358 = arith.addf %add3A_2356, %mul3A_2357 : vector<16xf32>
        %lt3A_2359 = arith.cmpf olt, %add3A_2358, %select_n3A_2295 : vector<16xf32>
        %select_n3A_2360 = arith.select %lt3A_2359, %add3A_2358, %select_n3A_2295 : vector<16xi1>, vector<16xf32>
        %select_n3A_2361 = arith.select %lt3A_2359, %add3A_2350, %select_n3A_2296 : vector<16xi1>, vector<16xi32>
        %sub3A_2362 = arith.subf %broadcast_in_dim3A_49, %get3A_2338 : vector<16xf32>
        %sub3A_2363 = arith.subf %broadcast_in_dim3A_52, %get3A_2343 : vector<16xf32>
        %sub3A_2364 = arith.subf %broadcast_in_dim3A_55, %get3A_2348 : vector<16xf32>
        %mul3A_2365 = arith.mulf %sub3A_2362, %sub3A_2362 : vector<16xf32>
        %mul3A_2366 = arith.mulf %sub3A_2363, %sub3A_2363 : vector<16xf32>
        %add3A_2367 = arith.addf %mul3A_2365, %mul3A_2366 : vector<16xf32>
        %mul3A_2368 = arith.mulf %sub3A_2364, %sub3A_2364 : vector<16xf32>
        %add3A_2369 = arith.addf %add3A_2367, %mul3A_2368 : vector<16xf32>
        %lt3A_2370 = arith.cmpf olt, %add3A_2369, %select_n3A_2306 : vector<16xf32>
        %select_n3A_2371 = arith.select %lt3A_2370, %add3A_2369, %select_n3A_2306 : vector<16xi1>, vector<16xf32>
        %select_n3A_2372 = arith.select %lt3A_2370, %add3A_2350, %select_n3A_2307 : vector<16xi1>, vector<16xi32>
        %sub3A_2373 = arith.subf %broadcast_in_dim3A_58, %get3A_2338 : vector<16xf32>
        %sub3A_2374 = arith.subf %broadcast_in_dim3A_61, %get3A_2343 : vector<16xf32>
        %sub3A_2375 = arith.subf %broadcast_in_dim3A_64, %get3A_2348 : vector<16xf32>
        %mul3A_2376 = arith.mulf %sub3A_2373, %sub3A_2373 : vector<16xf32>
        %mul3A_2377 = arith.mulf %sub3A_2374, %sub3A_2374 : vector<16xf32>
        %add3A_2378 = arith.addf %mul3A_2376, %mul3A_2377 : vector<16xf32>
        %mul3A_2379 = arith.mulf %sub3A_2375, %sub3A_2375 : vector<16xf32>
        %add3A_2380 = arith.addf %add3A_2378, %mul3A_2379 : vector<16xf32>
        %lt3A_2381 = arith.cmpf olt, %add3A_2380, %select_n3A_2317 : vector<16xf32>
        %select_n3A_2382 = arith.select %lt3A_2381, %add3A_2380, %select_n3A_2317 : vector<16xi1>, vector<16xf32>
        %select_n3A_2383 = arith.select %lt3A_2381, %add3A_2350, %select_n3A_2318 : vector<16xi1>, vector<16xi32>
        %sub3A_2384 = arith.subf %broadcast_in_dim3A_67, %get3A_2338 : vector<16xf32>
        %sub3A_2385 = arith.subf %broadcast_in_dim3A_70, %get3A_2343 : vector<16xf32>
        %sub3A_2386 = arith.subf %broadcast_in_dim3A_73, %get3A_2348 : vector<16xf32>
        %mul3A_2387 = arith.mulf %sub3A_2384, %sub3A_2384 : vector<16xf32>
        %mul3A_2388 = arith.mulf %sub3A_2385, %sub3A_2385 : vector<16xf32>
        %add3A_2389 = arith.addf %mul3A_2387, %mul3A_2388 : vector<16xf32>
        %mul3A_2390 = arith.mulf %sub3A_2386, %sub3A_2386 : vector<16xf32>
        %add3A_2391 = arith.addf %add3A_2389, %mul3A_2390 : vector<16xf32>
        %lt3A_2392 = arith.cmpf olt, %add3A_2391, %select_n3A_2328 : vector<16xf32>
        %select_n3A_2393 = arith.select %lt3A_2392, %add3A_2391, %select_n3A_2328 : vector<16xi1>, vector<16xf32>
        %select_n3A_2394 = arith.select %lt3A_2392, %add3A_2350, %select_n3A_2329 : vector<16xi1>, vector<16xi32>
        scf.yield %select_n3A_2360, %select_n3A_2371, %select_n3A_2382, %select_n3A_2393, %select_n3A_2361, %select_n3A_2372, %select_n3A_2383, %select_n3A_2394 : vector<16xf32>, vector<16xf32>, vector<16xf32>, vector<16xf32>, vector<16xi32>, vector<16xi32>, vector<16xi32>, vector<16xi32>
      }
      %scan3A_79 = arith.constant 128 : i32
      %swap3A = arith.constant 0 : index
      %swap3A_80 = tpu.vector_load %arg8[%swap3A] {strides = array<i32>} : memref<32xf32, #tpu.memory_space<vmem>>, vector<16xf32>,
      %swap3A_81 = vector.shape_cast %swap3A_80 : vector<16xf32> to vector<16xf32>
      %swap3A_82 = vector.shape_cast %scan3A_78#0 : vector<16xf32> to vector<16xf32>
      tpu.vector_store %arg8[%swap3A], %swap3A_82 {strides = array<i32>} : memref<32xf32, #tpu.memory_space<vmem>>, vector<16xf32>,
      %swap3A_83 = arith.constant 16 : index
      %swap3A_84 = tpu.vector_load %arg8[%swap3A_83] {strides = array<i32>} : memref<32xf32, #tpu.memory_space<vmem>>, vector<16xf32>,
      %swap3A_85 = vector.shape_cast %swap3A_84 : vector<16xf32> to vector<16xf32>
      %swap3A_86 = vector.shape_cast %scan3A_78#0 : vector<16xf32> to vector<16xf32>
      tpu.vector_store %arg8[%swap3A_83], %swap3A_86 {strides = array<i32>} : memref<32xf32, #tpu.memory_space<vmem>>, vector<16xf32>,
      %swap3A_87 = arith.constant 0 : index
      %swap3A_88 = tpu.vector_load %arg9[%swap3A_87] {strides = array<i32>} : memref<32xi32, #tpu.memory_space<vmem>>, vector<16xi32>,
      %swap3A_89 = vector.shape_cast %swap3A_88 : vector<16xi32> to vector<16xi32>
      %swap3A_90 = vector.shape_cast %scan3A_78#4 : vector<16xi32> to vector<16xi32>
      tpu.vector_store %arg9[%swap3A_87], %swap3A_90 {strides = array<i32>} : memref<32xi32, #tpu.memory_space<vmem>>, vector<16xi32>,
      %swap3A_91 = arith.constant 16 : index
      %swap3A_92 = tpu.vector_load %arg9[%swap3A_91] {strides = array<i32>} : memref<32xi32, #tpu.memory_space<vmem>>, vector<16xi32>,
      %swap3A_93 = vector.shape_cast %swap3A_92 : vector<16xi32> to vector<16xi32>
      %swap3A_94 = vector.shape_cast %scan3A_78#4 : vector<16xi32> to vector<16xi32>
      tpu.vector_store %arg9[%swap3A_91], %swap3A_94 {strides = array<i32>} : memref<32xi32, #tpu.memory_space<vmem>>, vector<16xi32>,
      %get3A_95 = arith.constant 8 : index
      %get3A_96 = tpu.vector_load %arg8[%get3A_95] {strides = array<i32>} : memref<32xf32, #tpu.memory_space<vmem>>, vector<16xf32>,
      %get3A_97 = vector.shape_cast %get3A_96 : vector<16xf32> to vector<16xf32>
      %get3A_98 = arith.constant 8 : index
      %get3A_99 = tpu.vector_load %arg9[%get3A_98] {strides = array<i32>} : memref<32xi32, #tpu.memory_space<vmem>>, vector<16xi32>,
      %get3A_100 = vector.shape_cast %get3A_99 : vector<16xi32> to vector<16xi32>
      %lt3A = arith.cmpf olt, %get3A_97, %scan3A_78#0 : vector<16xf32>
      %eq3A = arith.cmpf oeq, %get3A_97, %scan3A_78#0 : vector<16xf32>
      %lt3A_101 = arith.cmpi slt, %get3A_100, %scan3A_78#4 : vector<16xi32>
      %and3A = arith.andi %eq3A, %lt3A_101 : vector<16xi1>
      %or3A = arith.ori %lt3A, %and3A : vector<16xi1>
      %select_n3A = arith.select %or3A, %get3A_97, %scan3A_78#0 : vector<16xi1>, vector<16xf32>
      %select_n3A_102 = arith.select %or3A, %get3A_100, %scan3A_78#4 : vector<16xi1>, vector<16xi32>
      %swap3A_103 = arith.constant 0 : index
      %swap3A_104 = tpu.vector_load %arg8[%swap3A_103] {strides = array<i32>} : memref<32xf32, #tpu.memory_space<vmem>>, vector<16xf32>,
      %swap3A_105 = vector.shape_cast %swap3A_104 : vector<16xf32> to vector<16xf32>
      %swap3A_106 = vector.shape_cast %select_n3A : vector<16xf32> to vector<16xf32>
      tpu.vector_store %arg8[%swap3A_103], %swap3A_106 {strides = array<i32>} : memref<32xf32, #tpu.memory_space<vmem>>, vector<16xf32>,
      %swap3A_107 = arith.constant 16 : index
      %swap3A_108 = tpu.vector_load %arg8[%swap3A_107] {strides = array<i32>} : memref<32xf32, #tpu.memory_space<vmem>>, vector<16xf32>,
      %swap3A_109 = vector.shape_cast %swap3A_108 : vector<16xf32> to vector<16xf32>
      %swap3A_110 = vector.shape_cast %select_n3A : vector<16xf32> to vector<16xf32>
      tpu.vector_store %arg8[%swap3A_107], %swap3A_110 {strides = array<i32>} : memref<32xf32, #tpu.memory_space<vmem>>, vector<16xf32>,
      %swap3A_111 = arith.constant 0 : index
      %swap3A_112 = tpu.vector_load %arg9[%swap3A_111] {strides = array<i32>} : memref<32xi32, #tpu.memory_space<vmem>>, vector<16xi32>,
      %swap3A_113 = vector.shape_cast %swap3A_112 : vector<16xi32> to vector<16xi32>
      %swap3A_114 = vector.shape_cast %select_n3A_102 : vector<16xi32> to vector<16xi32>
      tpu.vector_store %arg9[%swap3A_111], %swap3A_114 {strides = array<i32>} : memref<32xi32, #tpu.memory_space<vmem>>, vector<16xi32>,
      %swap3A_115 = arith.constant 16 : index
      %swap3A_116 = tpu.vector_load %arg9[%swap3A_115] {strides = array<i32>} : memref<32xi32, #tpu.memory_space<vmem>>, vector<16xi32>,
      %swap3A_117 = vector.shape_cast %swap3A_116 : vector<16xi32> to vector<16xi32>
      %swap3A_118 = vector.shape_cast %select_n3A_102 : vector<16xi32> to vector<16xi32>
      tpu.vector_store %arg9[%swap3A_115], %swap3A_118 {strides = array<i32>} : memref<32xi32, #tpu.memory_space<vmem>>, vector<16xi32>,
      %get3A_119 = arith.constant 4 : index
      %get3A_120 = tpu.vector_load %arg8[%get3A_119] {strides = array<i32>} : memref<32xf32, #tpu.memory_space<vmem>>, vector<16xf32>,
      %get3A_121 = vector.shape_cast %get3A_120 : vector<16xf32> to vector<16xf32>
      %get3A_122 = arith.constant 4 : index
      %get3A_123 = tpu.vector_load %arg9[%get3A_122] {strides = array<i32>} : memref<32xi32, #tpu.memory_space<vmem>>, vector<16xi32>,
      %get3A_124 = vector.shape_cast %get3A_123 : vector<16xi32> to vector<16xi32>
      %lt3A_125 = arith.cmpf olt, %get3A_121, %select_n3A : vector<16xf32>
      %eq3A_126 = arith.cmpf oeq, %get3A_121, %select_n3A : vector<16xf32>
      %lt3A_127 = arith.cmpi slt, %get3A_124, %select_n3A_102 : vector<16xi32>
      %and3A_128 = arith.andi %eq3A_126, %lt3A_127 : vector<16xi1>
      %or3A_129 = arith.ori %lt3A_125, %and3A_128 : vector<16xi1>
      %select_n3A_130 = arith.select %or3A_129, %get3A_121, %select_n3A : vector<16xi1>, vector<16xf32>
      %select_n3A_131 = arith.select %or3A_129, %get3A_124, %select_n3A_102 : vector<16xi1>, vector<16xi32>
      %swap3A_132 = arith.constant 0 : index
      %swap3A_133 = tpu.vector_load %arg8[%swap3A_132] {strides = array<i32>} : memref<32xf32, #tpu.memory_space<vmem>>, vector<16xf32>,
      %swap3A_134 = vector.shape_cast %swap3A_133 : vector<16xf32> to vector<16xf32>
      %swap3A_135 = vector.shape_cast %select_n3A_130 : vector<16xf32> to vector<16xf32>
      tpu.vector_store %arg8[%swap3A_132], %swap3A_135 {strides = array<i32>} : memref<32xf32, #tpu.memory_space<vmem>>, vector<16xf32>,
      %swap3A_136 = arith.constant 16 : index
      %swap3A_137 = tpu.vector_load %arg8[%swap3A_136] {strides = array<i32>} : memref<32xf32, #tpu.memory_space<vmem>>, vector<16xf32>,
      %swap3A_138 = vector.shape_cast %swap3A_137 : vector<16xf32> to vector<16xf32>
      %swap3A_139 = vector.shape_cast %select_n3A_130 : vector<16xf32> to vector<16xf32>
      tpu.vector_store %arg8[%swap3A_136], %swap3A_139 {strides = array<i32>} : memref<32xf32, #tpu.memory_space<vmem>>, vector<16xf32>,
      %swap3A_140 = arith.constant 0 : index
      %swap3A_141 = tpu.vector_load %arg9[%swap3A_140] {strides = array<i32>} : memref<32xi32, #tpu.memory_space<vmem>>, vector<16xi32>,
      %swap3A_142 = vector.shape_cast %swap3A_141 : vector<16xi32> to vector<16xi32>
      %swap3A_143 = vector.shape_cast %select_n3A_131 : vector<16xi32> to vector<16xi32>
      tpu.vector_store %arg9[%swap3A_140], %swap3A_143 {strides = array<i32>} : memref<32xi32, #tpu.memory_space<vmem>>, vector<16xi32>,
      %swap3A_144 = arith.constant 16 : index
      %swap3A_145 = tpu.vector_load %arg9[%swap3A_144] {strides = array<i32>} : memref<32xi32, #tpu.memory_space<vmem>>, vector<16xi32>,
      %swap3A_146 = vector.shape_cast %swap3A_145 : vector<16xi32> to vector<16xi32>
      %swap3A_147 = vector.shape_cast %select_n3A_131 : vector<16xi32> to vector<16xi32>
      tpu.vector_store %arg9[%swap3A_144], %swap3A_147 {strides = array<i32>} : memref<32xi32, #tpu.memory_space<vmem>>, vector<16xi32>,
      %get3A_148 = arith.constant 2 : index
      %get3A_149 = tpu.vector_load %arg8[%get3A_148] {strides = array<i32>} : memref<32xf32, #tpu.memory_space<vmem>>, vector<16xf32>,
      %get3A_150 = vector.shape_cast %get3A_149 : vector<16xf32> to vector<16xf32>
      %get3A_151 = arith.constant 2 : index
      %get3A_152 = tpu.vector_load %arg9[%get3A_151] {strides = array<i32>} : memref<32xi32, #tpu.memory_space<vmem>>, vector<16xi32>,
      %get3A_153 = vector.shape_cast %get3A_152 : vector<16xi32> to vector<16xi32>
      %lt3A_154 = arith.cmpf olt, %get3A_150, %select_n3A_130 : vector<16xf32>
      %eq3A_155 = arith.cmpf oeq, %get3A_150, %select_n3A_130 : vector<16xf32>
      %lt3A_156 = arith.cmpi slt, %get3A_153, %select_n3A_131 : vector<16xi32>
      %and3A_157 = arith.andi %eq3A_155, %lt3A_156 : vector<16xi1>
      %or3A_158 = arith.ori %lt3A_154, %and3A_157 : vector<16xi1>
      %select_n3A_159 = arith.select %or3A_158, %get3A_150, %select_n3A_130 : vector<16xi1>, vector<16xf32>
      %select_n3A_160 = arith.select %or3A_158, %get3A_153, %select_n3A_131 : vector<16xi1>, vector<16xi32>
      %swap3A_161 = arith.constant 0 : index
      %swap3A_162 = tpu.vector_load %arg8[%swap3A_161] {strides = array<i32>} : memref<32xf32, #tpu.memory_space<vmem>>, vector<16xf32>,
      %swap3A_163 = vector.shape_cast %swap3A_162 : vector<16xf32> to vector<16xf32>
      %swap3A_164 = vector.shape_cast %select_n3A_159 : vector<16xf32> to vector<16xf32>
      tpu.vector_store %arg8[%swap3A_161], %swap3A_164 {strides = array<i32>} : memref<32xf32, #tpu.memory_space<vmem>>, vector<16xf32>,
      %swap3A_165 = arith.constant 16 : index
      %swap3A_166 = tpu.vector_load %arg8[%swap3A_165] {strides = array<i32>} : memref<32xf32, #tpu.memory_space<vmem>>, vector<16xf32>,
      %swap3A_167 = vector.shape_cast %swap3A_166 : vector<16xf32> to vector<16xf32>
      %swap3A_168 = vector.shape_cast %select_n3A_159 : vector<16xf32> to vector<16xf32>
      tpu.vector_store %arg8[%swap3A_165], %swap3A_168 {strides = array<i32>} : memref<32xf32, #tpu.memory_space<vmem>>, vector<16xf32>,
      %swap3A_169 = arith.constant 0 : index
      %swap3A_170 = tpu.vector_load %arg9[%swap3A_169] {strides = array<i32>} : memref<32xi32, #tpu.memory_space<vmem>>, vector<16xi32>,
      %swap3A_171 = vector.shape_cast %swap3A_170 : vector<16xi32> to vector<16xi32>
      %swap3A_172 = vector.shape_cast %select_n3A_160 : vector<16xi32> to vector<16xi32>
      tpu.vector_store %arg9[%swap3A_169], %swap3A_172 {strides = array<i32>} : memref<32xi32, #tpu.memory_space<vmem>>, vector<16xi32>,
      %swap3A_173 = arith.constant 16 : index
      %swap3A_174 = tpu.vector_load %arg9[%swap3A_173] {strides = array<i32>} : memref<32xi32, #tpu.memory_space<vmem>>, vector<16xi32>,
      %swap3A_175 = vector.shape_cast %swap3A_174 : vector<16xi32> to vector<16xi32>
      %swap3A_176 = vector.shape_cast %select_n3A_160 : vector<16xi32> to vector<16xi32>
      tpu.vector_store %arg9[%swap3A_173], %swap3A_176 {strides = array<i32>} : memref<32xi32, #tpu.memory_space<vmem>>, vector<16xi32>,
      %get3A_177 = arith.constant 1 : index
      %get3A_178 = tpu.vector_load %arg8[%get3A_177] {strides = array<i32>} : memref<32xf32, #tpu.memory_space<vmem>>, vector<16xf32>,
      %get3A_179 = vector.shape_cast %get3A_178 : vector<16xf32> to vector<16xf32>
      %get3A_180 = arith.constant 1 : index
      %get3A_181 = tpu.vector_load %arg9[%get3A_180] {strides = array<i32>} : memref<32xi32, #tpu.memory_space<vmem>>, vector<16xi32>,
      %get3A_182 = vector.shape_cast %get3A_181 : vector<16xi32> to vector<16xi32>
      %lt3A_183 = arith.cmpf olt, %get3A_179, %select_n3A_159 : vector<16xf32>
      %eq3A_184 = arith.cmpf oeq, %get3A_179, %select_n3A_159 : vector<16xf32>
      %lt3A_185 = arith.cmpi slt, %get3A_182, %select_n3A_160 : vector<16xi32>
      %and3A_186 = arith.andi %eq3A_184, %lt3A_185 : vector<16xi1>
      %or3A_187 = arith.ori %lt3A_183, %and3A_186 : vector<16xi1>
      %select_n3A_188 = arith.select %or3A_187, %get3A_179, %select_n3A_159 : vector<16xi1>, vector<16xf32>
      %select_n3A_189 = arith.select %or3A_187, %get3A_182, %select_n3A_160 : vector<16xi1>, vector<16xi32>
      %eq3A_190 = arith.constant 0 : i32
      %eq3A_191 = vector.broadcast %eq3A_190 : i32 to vector<16xi32>
      %eq3A_192 = arith.cmpi eq, %iota3A, %eq3A_191 : vector<16xi32>
      %select_n3A_193 = arith.select %eq3A_192, %select_n3A_189, %broadcast_in_dim3A_9 : vector<16xi1>, vector<16xi32>
      %swap3A_194 = arith.constant 0 : index
      %swap3A_195 = tpu.vector_load %arg8[%swap3A_194] {strides = array<i32>} : memref<32xf32, #tpu.memory_space<vmem>>, vector<16xf32>,
      %swap3A_196 = vector.shape_cast %swap3A_195 : vector<16xf32> to vector<16xf32>
      %swap3A_197 = vector.shape_cast %scan3A_78#1 : vector<16xf32> to vector<16xf32>
      tpu.vector_store %arg8[%swap3A_194], %swap3A_197 {strides = array<i32>} : memref<32xf32, #tpu.memory_space<vmem>>, vector<16xf32>,
      %swap3A_198 = arith.constant 16 : index
      %swap3A_199 = tpu.vector_load %arg8[%swap3A_198] {strides = array<i32>} : memref<32xf32, #tpu.memory_space<vmem>>, vector<16xf32>,
      %swap3A_200 = vector.shape_cast %swap3A_199 : vector<16xf32> to vector<16xf32>
      %swap3A_201 = vector.shape_cast %scan3A_78#1 : vector<16xf32> to vector<16xf32>
      tpu.vector_store %arg8[%swap3A_198], %swap3A_201 {strides = array<i32>} : memref<32xf32, #tpu.memory_space<vmem>>, vector<16xf32>,
      %swap3A_202 = arith.constant 0 : index
      %swap3A_203 = tpu.vector_load %arg9[%swap3A_202] {strides = array<i32>} : memref<32xi32, #tpu.memory_space<vmem>>, vector<16xi32>,
      %swap3A_204 = vector.shape_cast %swap3A_203 : vector<16xi32> to vector<16xi32>
      %swap3A_205 = vector.shape_cast %scan3A_78#5 : vector<16xi32> to vector<16xi32>
      tpu.vector_store %arg9[%swap3A_202], %swap3A_205 {strides = array<i32>} : memref<32xi32, #tpu.memory_space<vmem>>, vector<16xi32>,
      %swap3A_206 = arith.constant 16 : index
      %swap3A_207 = tpu.vector_load %arg9[%swap3A_206] {strides = array<i32>} : memref<32xi32, #tpu.memory_space<vmem>>, vector<16xi32>,
      %swap3A_208 = vector.shape_cast %swap3A_207 : vector<16xi32> to vector<16xi32>
      %swap3A_209 = vector.shape_cast %scan3A_78#5 : vector<16xi32> to vector<16xi32>
      tpu.vector_store %arg9[%swap3A_206], %swap3A_209 {strides = array<i32>} : memref<32xi32, #tpu.memory_space<vmem>>, vector<16xi32>,
      %get3A_210 = arith.constant 8 : index
      %get3A_211 = tpu.vector_load %arg8[%get3A_210] {strides = array<i32>} : memref<32xf32, #tpu.memory_space<vmem>>, vector<16xf32>,
      %get3A_212 = vector.shape_cast %get3A_211 : vector<16xf32> to vector<16xf32>
      %get3A_213 = arith.constant 8 : index
      %get3A_214 = tpu.vector_load %arg9[%get3A_213] {strides = array<i32>} : memref<32xi32, #tpu.memory_space<vmem>>, vector<16xi32>,
      %get3A_215 = vector.shape_cast %get3A_214 : vector<16xi32> to vector<16xi32>
      %lt3A_216 = arith.cmpf olt, %get3A_212, %scan3A_78#1 : vector<16xf32>
      %eq3A_217 = arith.cmpf oeq, %get3A_212, %scan3A_78#1 : vector<16xf32>
      %lt3A_218 = arith.cmpi slt, %get3A_215, %scan3A_78#5 : vector<16xi32>
      %and3A_219 = arith.andi %eq3A_217, %lt3A_218 : vector<16xi1>
      %or3A_220 = arith.ori %lt3A_216, %and3A_219 : vector<16xi1>
      %select_n3A_221 = arith.select %or3A_220, %get3A_212, %scan3A_78#1 : vector<16xi1>, vector<16xf32>
      %select_n3A_222 = arith.select %or3A_220, %get3A_215, %scan3A_78#5 : vector<16xi1>, vector<16xi32>
      %swap3A_223 = arith.constant 0 : index
      %swap3A_224 = tpu.vector_load %arg8[%swap3A_223] {strides = array<i32>} : memref<32xf32, #tpu.memory_space<vmem>>, vector<16xf32>,
      %swap3A_225 = vector.shape_cast %swap3A_224 : vector<16xf32> to vector<16xf32>
      %swap3A_226 = vector.shape_cast %select_n3A_221 : vector<16xf32> to vector<16xf32>
      tpu.vector_store %arg8[%swap3A_223], %swap3A_226 {strides = array<i32>} : memref<32xf32, #tpu.memory_space<vmem>>, vector<16xf32>,
      %swap3A_227 = arith.constant 16 : index
      %swap3A_228 = tpu.vector_load %arg8[%swap3A_227] {strides = array<i32>} : memref<32xf32, #tpu.memory_space<vmem>>, vector<16xf32>,
      %swap3A_229 = vector.shape_cast %swap3A_228 : vector<16xf32> to vector<16xf32>
      %swap3A_230 = vector.shape_cast %select_n3A_221 : vector<16xf32> to vector<16xf32>
      tpu.vector_store %arg8[%swap3A_227], %swap3A_230 {strides = array<i32>} : memref<32xf32, #tpu.memory_space<vmem>>, vector<16xf32>,
      %swap3A_231 = arith.constant 0 : index
      %swap3A_232 = tpu.vector_load %arg9[%swap3A_231] {strides = array<i32>} : memref<32xi32, #tpu.memory_space<vmem>>, vector<16xi32>,
      %swap3A_233 = vector.shape_cast %swap3A_232 : vector<16xi32> to vector<16xi32>
      %swap3A_234 = vector.shape_cast %select_n3A_222 : vector<16xi32> to vector<16xi32>
      tpu.vector_store %arg9[%swap3A_231], %swap3A_234 {strides = array<i32>} : memref<32xi32, #tpu.memory_space<vmem>>, vector<16xi32>,
      %swap3A_235 = arith.constant 16 : index
      %swap3A_236 = tpu.vector_load %arg9[%swap3A_235] {strides = array<i32>} : memref<32xi32, #tpu.memory_space<vmem>>, vector<16xi32>,
      %swap3A_237 = vector.shape_cast %swap3A_236 : vector<16xi32> to vector<16xi32>
      %swap3A_238 = vector.shape_cast %select_n3A_222 : vector<16xi32> to vector<16xi32>
      tpu.vector_store %arg9[%swap3A_235], %swap3A_238 {strides = array<i32>} : memref<32xi32, #tpu.memory_space<vmem>>, vector<16xi32>,
      %get3A_239 = arith.constant 4 : index
      %get3A_240 = tpu.vector_load %arg8[%get3A_239] {strides = array<i32>} : memref<32xf32, #tpu.memory_space<vmem>>, vector<16xf32>,
      %get3A_241 = vector.shape_cast %get3A_240 : vector<16xf32> to vector<16xf32>
      %get3A_242 = arith.constant 4 : index
      %get3A_243 = tpu.vector_load %arg9[%get3A_242] {strides = array<i32>} : memref<32xi32, #tpu.memory_space<vmem>>, vector<16xi32>,
      %get3A_244 = vector.shape_cast %get3A_243 : vector<16xi32> to vector<16xi32>
      %lt3A_245 = arith.cmpf olt, %get3A_241, %select_n3A_221 : vector<16xf32>
      %eq3A_246 = arith.cmpf oeq, %get3A_241, %select_n3A_221 : vector<16xf32>
      %lt3A_247 = arith.cmpi slt, %get3A_244, %select_n3A_222 : vector<16xi32>
      %and3A_248 = arith.andi %eq3A_246, %lt3A_247 : vector<16xi1>
      %or3A_249 = arith.ori %lt3A_245, %and3A_248 : vector<16xi1>
      %select_n3A_250 = arith.select %or3A_249, %get3A_241, %select_n3A_221 : vector<16xi1>, vector<16xf32>
      %select_n3A_251 = arith.select %or3A_249, %get3A_244, %select_n3A_222 : vector<16xi1>, vector<16xi32>
      %swap3A_252 = arith.constant 0 : index
      %swap3A_253 = tpu.vector_load %arg8[%swap3A_252] {strides = array<i32>} : memref<32xf32, #tpu.memory_space<vmem>>, vector<16xf32>,
      %swap3A_254 = vector.shape_cast %swap3A_253 : vector<16xf32> to vector<16xf32>
      %swap3A_255 = vector.shape_cast %select_n3A_250 : vector<16xf32> to vector<16xf32>
      tpu.vector_store %arg8[%swap3A_252], %swap3A_255 {strides = array<i32>} : memref<32xf32, #tpu.memory_space<vmem>>, vector<16xf32>,
      %swap3A_256 = arith.constant 16 : index
      %swap3A_257 = tpu.vector_load %arg8[%swap3A_256] {strides = array<i32>} : memref<32xf32, #tpu.memory_space<vmem>>, vector<16xf32>,
      %swap3A_258 = vector.shape_cast %swap3A_257 : vector<16xf32> to vector<16xf32>
      %swap3A_259 = vector.shape_cast %select_n3A_250 : vector<16xf32> to vector<16xf32>
      tpu.vector_store %arg8[%swap3A_256], %swap3A_259 {strides = array<i32>} : memref<32xf32, #tpu.memory_space<vmem>>, vector<16xf32>,
      %swap3A_260 = arith.constant 0 : index
      %swap3A_261 = tpu.vector_load %arg9[%swap3A_260] {strides = array<i32>} : memref<32xi32, #tpu.memory_space<vmem>>, vector<16xi32>,
      %swap3A_262 = vector.shape_cast %swap3A_261 : vector<16xi32> to vector<16xi32>
      %swap3A_263 = vector.shape_cast %select_n3A_251 : vector<16xi32> to vector<16xi32>
      tpu.vector_store %arg9[%swap3A_260], %swap3A_263 {strides = array<i32>} : memref<32xi32, #tpu.memory_space<vmem>>, vector<16xi32>,
      %swap3A_264 = arith.constant 16 : index
      %swap3A_265 = tpu.vector_load %arg9[%swap3A_264] {strides = array<i32>} : memref<32xi32, #tpu.memory_space<vmem>>, vector<16xi32>,
      %swap3A_266 = vector.shape_cast %swap3A_265 : vector<16xi32> to vector<16xi32>
      %swap3A_267 = vector.shape_cast %select_n3A_251 : vector<16xi32> to vector<16xi32>
      tpu.vector_store %arg9[%swap3A_264], %swap3A_267 {strides = array<i32>} : memref<32xi32, #tpu.memory_space<vmem>>, vector<16xi32>,
      %get3A_268 = arith.constant 2 : index
      %get3A_269 = tpu.vector_load %arg8[%get3A_268] {strides = array<i32>} : memref<32xf32, #tpu.memory_space<vmem>>, vector<16xf32>,
      %get3A_270 = vector.shape_cast %get3A_269 : vector<16xf32> to vector<16xf32>
      %get3A_271 = arith.constant 2 : index
      %get3A_272 = tpu.vector_load %arg9[%get3A_271] {strides = array<i32>} : memref<32xi32, #tpu.memory_space<vmem>>, vector<16xi32>,
      %get3A_273 = vector.shape_cast %get3A_272 : vector<16xi32> to vector<16xi32>
      %lt3A_274 = arith.cmpf olt, %get3A_270, %select_n3A_250 : vector<16xf32>
      %eq3A_275 = arith.cmpf oeq, %get3A_270, %select_n3A_250 : vector<16xf32>
      %lt3A_276 = arith.cmpi slt, %get3A_273, %select_n3A_251 : vector<16xi32>
      %and3A_277 = arith.andi %eq3A_275, %lt3A_276 : vector<16xi1>
      %or3A_278 = arith.ori %lt3A_274, %and3A_277 : vector<16xi1>
      %select_n3A_279 = arith.select %or3A_278, %get3A_270, %select_n3A_250 : vector<16xi1>, vector<16xf32>
      %select_n3A_280 = arith.select %or3A_278, %get3A_273, %select_n3A_251 : vector<16xi1>, vector<16xi32>
      %swap3A_281 = arith.constant 0 : index
      %swap3A_282 = tpu.vector_load %arg8[%swap3A_281] {strides = array<i32>} : memref<32xf32, #tpu.memory_space<vmem>>, vector<16xf32>,
      %swap3A_283 = vector.shape_cast %swap3A_282 : vector<16xf32> to vector<16xf32>
      %swap3A_284 = vector.shape_cast %select_n3A_279 : vector<16xf32> to vector<16xf32>
      tpu.vector_store %arg8[%swap3A_281], %swap3A_284 {strides = array<i32>} : memref<32xf32, #tpu.memory_space<vmem>>, vector<16xf32>,
      %swap3A_285 = arith.constant 16 : index
      %swap3A_286 = tpu.vector_load %arg8[%swap3A_285] {strides = array<i32>} : memref<32xf32, #tpu.memory_space<vmem>>, vector<16xf32>,
      %swap3A_287 = vector.shape_cast %swap3A_286 : vector<16xf32> to vector<16xf32>
      %swap3A_288 = vector.shape_cast %select_n3A_279 : vector<16xf32> to vector<16xf32>
      tpu.vector_store %arg8[%swap3A_285], %swap3A_288 {strides = array<i32>} : memref<32xf32, #tpu.memory_space<vmem>>, vector<16xf32>,
      %swap3A_289 = arith.constant 0 : index
      %swap3A_290 = tpu.vector_load %arg9[%swap3A_289] {strides = array<i32>} : memref<32xi32, #tpu.memory_space<vmem>>, vector<16xi32>,
      %swap3A_291 = vector.shape_cast %swap3A_290 : vector<16xi32> to vector<16xi32>
      %swap3A_292 = vector.shape_cast %select_n3A_280 : vector<16xi32> to vector<16xi32>
      tpu.vector_store %arg9[%swap3A_289], %swap3A_292 {strides = array<i32>} : memref<32xi32, #tpu.memory_space<vmem>>, vector<16xi32>,
      %swap3A_293 = arith.constant 16 : index
      %swap3A_294 = tpu.vector_load %arg9[%swap3A_293] {strides = array<i32>} : memref<32xi32, #tpu.memory_space<vmem>>, vector<16xi32>,
      %swap3A_295 = vector.shape_cast %swap3A_294 : vector<16xi32> to vector<16xi32>
      %swap3A_296 = vector.shape_cast %select_n3A_280 : vector<16xi32> to vector<16xi32>
      tpu.vector_store %arg9[%swap3A_293], %swap3A_296 {strides = array<i32>} : memref<32xi32, #tpu.memory_space<vmem>>, vector<16xi32>,
      %get3A_297 = arith.constant 1 : index
      %get3A_298 = tpu.vector_load %arg8[%get3A_297] {strides = array<i32>} : memref<32xf32, #tpu.memory_space<vmem>>, vector<16xf32>,
      %get3A_299 = vector.shape_cast %get3A_298 : vector<16xf32> to vector<16xf32>
      %get3A_300 = arith.constant 1 : index
      %get3A_301 = tpu.vector_load %arg9[%get3A_300] {strides = array<i32>} : memref<32xi32, #tpu.memory_space<vmem>>, vector<16xi32>,
      %get3A_302 = vector.shape_cast %get3A_301 : vector<16xi32> to vector<16xi32>
      %lt3A_303 = arith.cmpf olt, %get3A_299, %select_n3A_279 : vector<16xf32>
      %eq3A_304 = arith.cmpf oeq, %get3A_299, %select_n3A_279 : vector<16xf32>
      %lt3A_305 = arith.cmpi slt, %get3A_302, %select_n3A_280 : vector<16xi32>
      %and3A_306 = arith.andi %eq3A_304, %lt3A_305 : vector<16xi1>
      %or3A_307 = arith.ori %lt3A_303, %and3A_306 : vector<16xi1>
      %select_n3A_308 = arith.select %or3A_307, %get3A_299, %select_n3A_279 : vector<16xi1>, vector<16xf32>
      %select_n3A_309 = arith.select %or3A_307, %get3A_302, %select_n3A_280 : vector<16xi1>, vector<16xi32>
      %eq3A_310 = arith.constant 1 : i32
      %eq3A_311 = vector.broadcast %eq3A_310 : i32 to vector<16xi32>
      %eq3A_312 = arith.cmpi eq, %iota3A, %eq3A_311 : vector<16xi32>
      %select_n3A_313 = arith.select %eq3A_312, %select_n3A_309, %select_n3A_193 : vector<16xi1>, vector<16xi32>
      %swap3A_314 = arith.constant 0 : index
      %swap3A_315 = tpu.vector_load %arg8[%swap3A_314] {strides = array<i32>} : memref<32xf32, #tpu.memory_space<vmem>>, vector<16xf32>,
      %swap3A_316 = vector.shape_cast %swap3A_315 : vector<16xf32> to vector<16xf32>
      %swap3A_317 = vector.shape_cast %scan3A_78#2 : vector<16xf32> to vector<16xf32>
      tpu.vector_store %arg8[%swap3A_314], %swap3A_317 {strides = array<i32>} : memref<32xf32, #tpu.memory_space<vmem>>, vector<16xf32>,
      %swap3A_318 = arith.constant 16 : index
      %swap3A_319 = tpu.vector_load %arg8[%swap3A_318] {strides = array<i32>} : memref<32xf32, #tpu.memory_space<vmem>>, vector<16xf32>,
      %swap3A_320 = vector.shape_cast %swap3A_319 : vector<16xf32> to vector<16xf32>
      %swap3A_321 = vector.shape_cast %scan3A_78#2 : vector<16xf32> to vector<16xf32>
      tpu.vector_store %arg8[%swap3A_318], %swap3A_321 {strides = array<i32>} : memref<32xf32, #tpu.memory_space<vmem>>, vector<16xf32>,
      %swap3A_322 = arith.constant 0 : index
      %swap3A_323 = tpu.vector_load %arg9[%swap3A_322] {strides = array<i32>} : memref<32xi32, #tpu.memory_space<vmem>>, vector<16xi32>,
      %swap3A_324 = vector.shape_cast %swap3A_323 : vector<16xi32> to vector<16xi32>
      %swap3A_325 = vector.shape_cast %scan3A_78#6 : vector<16xi32> to vector<16xi32>
      tpu.vector_store %arg9[%swap3A_322], %swap3A_325 {strides = array<i32>} : memref<32xi32, #tpu.memory_space<vmem>>, vector<16xi32>,
      %swap3A_326 = arith.constant 16 : index
      %swap3A_327 = tpu.vector_load %arg9[%swap3A_326] {strides = array<i32>} : memref<32xi32, #tpu.memory_space<vmem>>, vector<16xi32>,
      %swap3A_328 = vector.shape_cast %swap3A_327 : vector<16xi32> to vector<16xi32>
      %swap3A_329 = vector.shape_cast %scan3A_78#6 : vector<16xi32> to vector<16xi32>
      tpu.vector_store %arg9[%swap3A_326], %swap3A_329 {strides = array<i32>} : memref<32xi32, #tpu.memory_space<vmem>>, vector<16xi32>,
      %get3A_330 = arith.constant 8 : index
      %get3A_331 = tpu.vector_load %arg8[%get3A_330] {strides = array<i32>} : memref<32xf32, #tpu.memory_space<vmem>>, vector<16xf32>,
      %get3A_332 = vector.shape_cast %get3A_331 : vector<16xf32> to vector<16xf32>
      %get3A_333 = arith.constant 8 : index
      %get3A_334 = tpu.vector_load %arg9[%get3A_333] {strides = array<i32>} : memref<32xi32, #tpu.memory_space<vmem>>, vector<16xi32>,
      %get3A_335 = vector.shape_cast %get3A_334 : vector<16xi32> to vector<16xi32>
      %lt3A_336 = arith.cmpf olt, %get3A_332, %scan3A_78#2 : vector<16xf32>
      %eq3A_337 = arith.cmpf oeq, %get3A_332, %scan3A_78#2 : vector<16xf32>
      %lt3A_338 = arith.cmpi slt, %get3A_335, %scan3A_78#6 : vector<16xi32>
      %and3A_339 = arith.andi %eq3A_337, %lt3A_338 : vector<16xi1>
      %or3A_340 = arith.ori %lt3A_336, %and3A_339 : vector<16xi1>
      %select_n3A_341 = arith.select %or3A_340, %get3A_332, %scan3A_78#2 : vector<16xi1>, vector<16xf32>
      %select_n3A_342 = arith.select %or3A_340, %get3A_335, %scan3A_78#6 : vector<16xi1>, vector<16xi32>
      %swap3A_343 = arith.constant 0 : index
      %swap3A_344 = tpu.vector_load %arg8[%swap3A_343] {strides = array<i32>} : memref<32xf32, #tpu.memory_space<vmem>>, vector<16xf32>,
      %swap3A_345 = vector.shape_cast %swap3A_344 : vector<16xf32> to vector<16xf32>
      %swap3A_346 = vector.shape_cast %select_n3A_341 : vector<16xf32> to vector<16xf32>
      tpu.vector_store %arg8[%swap3A_343], %swap3A_346 {strides = array<i32>} : memref<32xf32, #tpu.memory_space<vmem>>, vector<16xf32>,
      %swap3A_347 = arith.constant 16 : index
      %swap3A_348 = tpu.vector_load %arg8[%swap3A_347] {strides = array<i32>} : memref<32xf32, #tpu.memory_space<vmem>>, vector<16xf32>,
      %swap3A_349 = vector.shape_cast %swap3A_348 : vector<16xf32> to vector<16xf32>
      %swap3A_350 = vector.shape_cast %select_n3A_341 : vector<16xf32> to vector<16xf32>
      tpu.vector_store %arg8[%swap3A_347], %swap3A_350 {strides = array<i32>} : memref<32xf32, #tpu.memory_space<vmem>>, vector<16xf32>,
      %swap3A_351 = arith.constant 0 : index
      %swap3A_352 = tpu.vector_load %arg9[%swap3A_351] {strides = array<i32>} : memref<32xi32, #tpu.memory_space<vmem>>, vector<16xi32>,
      %swap3A_353 = vector.shape_cast %swap3A_352 : vector<16xi32> to vector<16xi32>
      %swap3A_354 = vector.shape_cast %select_n3A_342 : vector<16xi32> to vector<16xi32>
      tpu.vector_store %arg9[%swap3A_351], %swap3A_354 {strides = array<i32>} : memref<32xi32, #tpu.memory_space<vmem>>, vector<16xi32>,
      %swap3A_355 = arith.constant 16 : index
      %swap3A_356 = tpu.vector_load %arg9[%swap3A_355] {strides = array<i32>} : memref<32xi32, #tpu.memory_space<vmem>>, vector<16xi32>,
      %swap3A_357 = vector.shape_cast %swap3A_356 : vector<16xi32> to vector<16xi32>
      %swap3A_358 = vector.shape_cast %select_n3A_342 : vector<16xi32> to vector<16xi32>
      tpu.vector_store %arg9[%swap3A_355], %swap3A_358 {strides = array<i32>} : memref<32xi32, #tpu.memory_space<vmem>>, vector<16xi32>,
      %get3A_359 = arith.constant 4 : index
      %get3A_360 = tpu.vector_load %arg8[%get3A_359] {strides = array<i32>} : memref<32xf32, #tpu.memory_space<vmem>>, vector<16xf32>,
      %get3A_361 = vector.shape_cast %get3A_360 : vector<16xf32> to vector<16xf32>
      %get3A_362 = arith.constant 4 : index
      %get3A_363 = tpu.vector_load %arg9[%get3A_362] {strides = array<i32>} : memref<32xi32, #tpu.memory_space<vmem>>, vector<16xi32>,
      %get3A_364 = vector.shape_cast %get3A_363 : vector<16xi32> to vector<16xi32>
      %lt3A_365 = arith.cmpf olt, %get3A_361, %select_n3A_341 : vector<16xf32>
      %eq3A_366 = arith.cmpf oeq, %get3A_361, %select_n3A_341 : vector<16xf32>
      %lt3A_367 = arith.cmpi slt, %get3A_364, %select_n3A_342 : vector<16xi32>
      %and3A_368 = arith.andi %eq3A_366, %lt3A_367 : vector<16xi1>
      %or3A_369 = arith.ori %lt3A_365, %and3A_368 : vector<16xi1>
      %select_n3A_370 = arith.select %or3A_369, %get3A_361, %select_n3A_341 : vector<16xi1>, vector<16xf32>
      %select_n3A_371 = arith.select %or3A_369, %get3A_364, %select_n3A_342 : vector<16xi1>, vector<16xi32>
      %swap3A_372 = arith.constant 0 : index
      %swap3A_373 = tpu.vector_load %arg8[%swap3A_372] {strides = array<i32>} : memref<32xf32, #tpu.memory_space<vmem>>, vector<16xf32>,
      %swap3A_374 = vector.shape_cast %swap3A_373 : vector<16xf32> to vector<16xf32>
      %swap3A_375 = vector.shape_cast %select_n3A_370 : vector<16xf32> to vector<16xf32>
      tpu.vector_store %arg8[%swap3A_372], %swap3A_375 {strides = array<i32>} : memref<32xf32, #tpu.memory_space<vmem>>, vector<16xf32>,
      %swap3A_376 = arith.constant 16 : index
      %swap3A_377 = tpu.vector_load %arg8[%swap3A_376] {strides = array<i32>} : memref<32xf32, #tpu.memory_space<vmem>>, vector<16xf32>,
      %swap3A_378 = vector.shape_cast %swap3A_377 : vector<16xf32> to vector<16xf32>
      %swap3A_379 = vector.shape_cast %select_n3A_370 : vector<16xf32> to vector<16xf32>
      tpu.vector_store %arg8[%swap3A_376], %swap3A_379 {strides = array<i32>} : memref<32xf32, #tpu.memory_space<vmem>>, vector<16xf32>,
      %swap3A_380 = arith.constant 0 : index
      %swap3A_381 = tpu.vector_load %arg9[%swap3A_380] {strides = array<i32>} : memref<32xi32, #tpu.memory_space<vmem>>, vector<16xi32>,
      %swap3A_382 = vector.shape_cast %swap3A_381 : vector<16xi32> to vector<16xi32>
      %swap3A_383 = vector.shape_cast %select_n3A_371 : vector<16xi32> to vector<16xi32>
      tpu.vector_store %arg9[%swap3A_380], %swap3A_383 {strides = array<i32>} : memref<32xi32, #tpu.memory_space<vmem>>, vector<16xi32>,
      %swap3A_384 = arith.constant 16 : index
      %swap3A_385 = tpu.vector_load %arg9[%swap3A_384] {strides = array<i32>} : memref<32xi32, #tpu.memory_space<vmem>>, vector<16xi32>,
      %swap3A_386 = vector.shape_cast %swap3A_385 : vector<16xi32> to vector<16xi32>
      %swap3A_387 = vector.shape_cast %select_n3A_371 : vector<16xi32> to vector<16xi32>
      tpu.vector_store %arg9[%swap3A_384], %swap3A_387 {strides = array<i32>} : memref<32xi32, #tpu.memory_space<vmem>>, vector<16xi32>,
      %get3A_388 = arith.constant 2 : index
      %get3A_389 = tpu.vector_load %arg8[%get3A_388] {strides = array<i32>} : memref<32xf32, #tpu.memory_space<vmem>>, vector<16xf32>,
      %get3A_390 = vector.shape_cast %get3A_389 : vector<16xf32> to vector<16xf32>
      %get3A_391 = arith.constant 2 : index
      %get3A_392 = tpu.vector_load %arg9[%get3A_391] {strides = array<i32>} : memref<32xi32, #tpu.memory_space<vmem>>, vector<16xi32>,
      %get3A_393 = vector.shape_cast %get3A_392 : vector<16xi32> to vector<16xi32>
      %lt3A_394 = arith.cmpf olt, %get3A_390, %select_n3A_370 : vector<16xf32>
      %eq3A_395 = arith.cmpf oeq, %get3A_390, %select_n3A_370 : vector<16xf32>
      %lt3A_396 = arith.cmpi slt, %get3A_393, %select_n3A_371 : vector<16xi32>
      %and3A_397 = arith.andi %eq3A_395, %lt3A_396 : vector<16xi1>
      %or3A_398 = arith.ori %lt3A_394, %and3A_397 : vector<16xi1>
      %select_n3A_399 = arith.select %or3A_398, %get3A_390, %select_n3A_370 : vector<16xi1>, vector<16xf32>
      %select_n3A_400 = arith.select %or3A_398, %get3A_393, %select_n3A_371 : vector<16xi1>, vector<16xi32>
      %swap3A_401 = arith.constant 0 : index
      %swap3A_402 = tpu.vector_load %arg8[%swap3A_401] {strides = array<i32>} : memref<32xf32, #tpu.memory_space<vmem>>, vector<16xf32>,
      %swap3A_403 = vector.shape_cast %swap3A_402 : vector<16xf32> to vector<16xf32>
      %swap3A_404 = vector.shape_cast %select_n3A_399 : vector<16xf32> to vector<16xf32>
      tpu.vector_store %arg8[%swap3A_401], %swap3A_404 {strides = array<i32>} : memref<32xf32, #tpu.memory_space<vmem>>, vector<16xf32>,
      %swap3A_405 = arith.constant 16 : index
      %swap3A_406 = tpu.vector_load %arg8[%swap3A_405] {strides = array<i32>} : memref<32xf32, #tpu.memory_space<vmem>>, vector<16xf32>,
      %swap3A_407 = vector.shape_cast %swap3A_406 : vector<16xf32> to vector<16xf32>
      %swap3A_408 = vector.shape_cast %select_n3A_399 : vector<16xf32> to vector<16xf32>
      tpu.vector_store %arg8[%swap3A_405], %swap3A_408 {strides = array<i32>} : memref<32xf32, #tpu.memory_space<vmem>>, vector<16xf32>,
      %swap3A_409 = arith.constant 0 : index
      %swap3A_410 = tpu.vector_load %arg9[%swap3A_409] {strides = array<i32>} : memref<32xi32, #tpu.memory_space<vmem>>, vector<16xi32>,
      %swap3A_411 = vector.shape_cast %swap3A_410 : vector<16xi32> to vector<16xi32>
      %swap3A_412 = vector.shape_cast %select_n3A_400 : vector<16xi32> to vector<16xi32>
      tpu.vector_store %arg9[%swap3A_409], %swap3A_412 {strides = array<i32>} : memref<32xi32, #tpu.memory_space<vmem>>, vector<16xi32>,
      %swap3A_413 = arith.constant 16 : index
      %swap3A_414 = tpu.vector_load %arg9[%swap3A_413] {strides = array<i32>} : memref<32xi32, #tpu.memory_space<vmem>>, vector<16xi32>,
      %swap3A_415 = vector.shape_cast %swap3A_414 : vector<16xi32> to vector<16xi32>
      %swap3A_416 = vector.shape_cast %select_n3A_400 : vector<16xi32> to vector<16xi32>
      tpu.vector_store %arg9[%swap3A_413], %swap3A_416 {strides = array<i32>} : memref<32xi32, #tpu.memory_space<vmem>>, vector<16xi32>,
      %get3A_417 = arith.constant 1 : index
      %get3A_418 = tpu.vector_load %arg8[%get3A_417] {strides = array<i32>} : memref<32xf32, #tpu.memory_space<vmem>>, vector<16xf32>,
      %get3A_419 = vector.shape_cast %get3A_418 : vector<16xf32> to vector<16xf32>
      %get3A_420 = arith.constant 1 : index
      %get3A_421 = tpu.vector_load %arg9[%get3A_420] {strides = array<i32>} : memref<32xi32, #tpu.memory_space<vmem>>, vector<16xi32>,
      %get3A_422 = vector.shape_cast %get3A_421 : vector<16xi32> to vector<16xi32>
      %lt3A_423 = arith.cmpf olt, %get3A_419, %select_n3A_399 : vector<16xf32>
      %eq3A_424 = arith.cmpf oeq, %get3A_419, %select_n3A_399 : vector<16xf32>
      %lt3A_425 = arith.cmpi slt, %get3A_422, %select_n3A_400 : vector<16xi32>
      %and3A_426 = arith.andi %eq3A_424, %lt3A_425 : vector<16xi1>
      %or3A_427 = arith.ori %lt3A_423, %and3A_426 : vector<16xi1>
      %select_n3A_428 = arith.select %or3A_427, %get3A_419, %select_n3A_399 : vector<16xi1>, vector<16xf32>
      %select_n3A_429 = arith.select %or3A_427, %get3A_422, %select_n3A_400 : vector<16xi1>, vector<16xi32>
      %eq3A_430 = arith.constant 2 : i32
      %eq3A_431 = vector.broadcast %eq3A_430 : i32 to vector<16xi32>
      %eq3A_432 = arith.cmpi eq, %iota3A, %eq3A_431 : vector<16xi32>
      %select_n3A_433 = arith.select %eq3A_432, %select_n3A_429, %select_n3A_313 : vector<16xi1>, vector<16xi32>
      %swap3A_434 = arith.constant 0 : index
      %swap3A_435 = tpu.vector_load %arg8[%swap3A_434] {strides = array<i32>} : memref<32xf32, #tpu.memory_space<vmem>>, vector<16xf32>,
      %swap3A_436 = vector.shape_cast %swap3A_435 : vector<16xf32> to vector<16xf32>
      %swap3A_437 = vector.shape_cast %scan3A_78#3 : vector<16xf32> to vector<16xf32>
      tpu.vector_store %arg8[%swap3A_434], %swap3A_437 {strides = array<i32>} : memref<32xf32, #tpu.memory_space<vmem>>, vector<16xf32>,
      %swap3A_438 = arith.constant 16 : index
      %swap3A_439 = tpu.vector_load %arg8[%swap3A_438] {strides = array<i32>} : memref<32xf32, #tpu.memory_space<vmem>>, vector<16xf32>,
      %swap3A_440 = vector.shape_cast %swap3A_439 : vector<16xf32> to vector<16xf32>
      %swap3A_441 = vector.shape_cast %scan3A_78#3 : vector<16xf32> to vector<16xf32>
      tpu.vector_store %arg8[%swap3A_438], %swap3A_441 {strides = array<i32>} : memref<32xf32, #tpu.memory_space<vmem>>, vector<16xf32>,
      %swap3A_442 = arith.constant 0 : index
      %swap3A_443 = tpu.vector_load %arg9[%swap3A_442] {strides = array<i32>} : memref<32xi32, #tpu.memory_space<vmem>>, vector<16xi32>,
      %swap3A_444 = vector.shape_cast %swap3A_443 : vector<16xi32> to vector<16xi32>
      %swap3A_445 = vector.shape_cast %scan3A_78#7 : vector<16xi32> to vector<16xi32>
      tpu.vector_store %arg9[%swap3A_442], %swap3A_445 {strides = array<i32>} : memref<32xi32, #tpu.memory_space<vmem>>, vector<16xi32>,
      %swap3A_446 = arith.constant 16 : index
      %swap3A_447 = tpu.vector_load %arg9[%swap3A_446] {strides = array<i32>} : memref<32xi32, #tpu.memory_space<vmem>>, vector<16xi32>,
      %swap3A_448 = vector.shape_cast %swap3A_447 : vector<16xi32> to vector<16xi32>
      %swap3A_449 = vector.shape_cast %scan3A_78#7 : vector<16xi32> to vector<16xi32>
      tpu.vector_store %arg9[%swap3A_446], %swap3A_449 {strides = array<i32>} : memref<32xi32, #tpu.memory_space<vmem>>, vector<16xi32>,
      %get3A_450 = arith.constant 8 : index
      %get3A_451 = tpu.vector_load %arg8[%get3A_450] {strides = array<i32>} : memref<32xf32, #tpu.memory_space<vmem>>, vector<16xf32>,
      %get3A_452 = vector.shape_cast %get3A_451 : vector<16xf32> to vector<16xf32>
      %get3A_453 = arith.constant 8 : index
      %get3A_454 = tpu.vector_load %arg9[%get3A_453] {strides = array<i32>} : memref<32xi32, #tpu.memory_space<vmem>>, vector<16xi32>,
      %get3A_455 = vector.shape_cast %get3A_454 : vector<16xi32> to vector<16xi32>
      %lt3A_456 = arith.cmpf olt, %get3A_452, %scan3A_78#3 : vector<16xf32>
      %eq3A_457 = arith.cmpf oeq, %get3A_452, %scan3A_78#3 : vector<16xf32>
      %lt3A_458 = arith.cmpi slt, %get3A_455, %scan3A_78#7 : vector<16xi32>
      %and3A_459 = arith.andi %eq3A_457, %lt3A_458 : vector<16xi1>
      %or3A_460 = arith.ori %lt3A_456, %and3A_459 : vector<16xi1>
      %select_n3A_461 = arith.select %or3A_460, %get3A_452, %scan3A_78#3 : vector<16xi1>, vector<16xf32>
      %select_n3A_462 = arith.select %or3A_460, %get3A_455, %scan3A_78#7 : vector<16xi1>, vector<16xi32>
      %swap3A_463 = arith.constant 0 : index
      %swap3A_464 = tpu.vector_load %arg8[%swap3A_463] {strides = array<i32>} : memref<32xf32, #tpu.memory_space<vmem>>, vector<16xf32>,
      %swap3A_465 = vector.shape_cast %swap3A_464 : vector<16xf32> to vector<16xf32>
      %swap3A_466 = vector.shape_cast %select_n3A_461 : vector<16xf32> to vector<16xf32>
      tpu.vector_store %arg8[%swap3A_463], %swap3A_466 {strides = array<i32>} : memref<32xf32, #tpu.memory_space<vmem>>, vector<16xf32>,
      %swap3A_467 = arith.constant 16 : index
      %swap3A_468 = tpu.vector_load %arg8[%swap3A_467] {strides = array<i32>} : memref<32xf32, #tpu.memory_space<vmem>>, vector<16xf32>,
      %swap3A_469 = vector.shape_cast %swap3A_468 : vector<16xf32> to vector<16xf32>
      %swap3A_470 = vector.shape_cast %select_n3A_461 : vector<16xf32> to vector<16xf32>
      tpu.vector_store %arg8[%swap3A_467], %swap3A_470 {strides = array<i32>} : memref<32xf32, #tpu.memory_space<vmem>>, vector<16xf32>,
      %swap3A_471 = arith.constant 0 : index
      %swap3A_472 = tpu.vector_load %arg9[%swap3A_471] {strides = array<i32>} : memref<32xi32, #tpu.memory_space<vmem>>, vector<16xi32>,
      %swap3A_473 = vector.shape_cast %swap3A_472 : vector<16xi32> to vector<16xi32>
      %swap3A_474 = vector.shape_cast %select_n3A_462 : vector<16xi32> to vector<16xi32>
      tpu.vector_store %arg9[%swap3A_471], %swap3A_474 {strides = array<i32>} : memref<32xi32, #tpu.memory_space<vmem>>, vector<16xi32>,
      %swap3A_475 = arith.constant 16 : index
      %swap3A_476 = tpu.vector_load %arg9[%swap3A_475] {strides = array<i32>} : memref<32xi32, #tpu.memory_space<vmem>>, vector<16xi32>,
      %swap3A_477 = vector.shape_cast %swap3A_476 : vector<16xi32> to vector<16xi32>
      %swap3A_478 = vector.shape_cast %select_n3A_462 : vector<16xi32> to vector<16xi32>
      tpu.vector_store %arg9[%swap3A_475], %swap3A_478 {strides = array<i32>} : memref<32xi32, #tpu.memory_space<vmem>>, vector<16xi32>,
      %get3A_479 = arith.constant 4 : index
      %get3A_480 = tpu.vector_load %arg8[%get3A_479] {strides = array<i32>} : memref<32xf32, #tpu.memory_space<vmem>>, vector<16xf32>,
      %get3A_481 = vector.shape_cast %get3A_480 : vector<16xf32> to vector<16xf32>
      %get3A_482 = arith.constant 4 : index
      %get3A_483 = tpu.vector_load %arg9[%get3A_482] {strides = array<i32>} : memref<32xi32, #tpu.memory_space<vmem>>, vector<16xi32>,
      %get3A_484 = vector.shape_cast %get3A_483 : vector<16xi32> to vector<16xi32>
      %lt3A_485 = arith.cmpf olt, %get3A_481, %select_n3A_461 : vector<16xf32>
      %eq3A_486 = arith.cmpf oeq, %get3A_481, %select_n3A_461 : vector<16xf32>
      %lt3A_487 = arith.cmpi slt, %get3A_484, %select_n3A_462 : vector<16xi32>
      %and3A_488 = arith.andi %eq3A_486, %lt3A_487 : vector<16xi1>
      %or3A_489 = arith.ori %lt3A_485, %and3A_488 : vector<16xi1>
      %select_n3A_490 = arith.select %or3A_489, %get3A_481, %select_n3A_461 : vector<16xi1>, vector<16xf32>
      %select_n3A_491 = arith.select %or3A_489, %get3A_484, %select_n3A_462 : vector<16xi1>, vector<16xi32>
      %swap3A_492 = arith.constant 0 : index
      %swap3A_493 = tpu.vector_load %arg8[%swap3A_492] {strides = array<i32>} : memref<32xf32, #tpu.memory_space<vmem>>, vector<16xf32>,
      %swap3A_494 = vector.shape_cast %swap3A_493 : vector<16xf32> to vector<16xf32>
      %swap3A_495 = vector.shape_cast %select_n3A_490 : vector<16xf32> to vector<16xf32>
      tpu.vector_store %arg8[%swap3A_492], %swap3A_495 {strides = array<i32>} : memref<32xf32, #tpu.memory_space<vmem>>, vector<16xf32>,
      %swap3A_496 = arith.constant 16 : index
      %swap3A_497 = tpu.vector_load %arg8[%swap3A_496] {strides = array<i32>} : memref<32xf32, #tpu.memory_space<vmem>>, vector<16xf32>,
      %swap3A_498 = vector.shape_cast %swap3A_497 : vector<16xf32> to vector<16xf32>
      %swap3A_499 = vector.shape_cast %select_n3A_490 : vector<16xf32> to vector<16xf32>
      tpu.vector_store %arg8[%swap3A_496], %swap3A_499 {strides = array<i32>} : memref<32xf32, #tpu.memory_space<vmem>>, vector<16xf32>,
      %swap3A_500 = arith.constant 0 : index
      %swap3A_501 = tpu.vector_load %arg9[%swap3A_500] {strides = array<i32>} : memref<32xi32, #tpu.memory_space<vmem>>, vector<16xi32>,
      %swap3A_502 = vector.shape_cast %swap3A_501 : vector<16xi32> to vector<16xi32>
      %swap3A_503 = vector.shape_cast %select_n3A_491 : vector<16xi32> to vector<16xi32>
      tpu.vector_store %arg9[%swap3A_500], %swap3A_503 {strides = array<i32>} : memref<32xi32, #tpu.memory_space<vmem>>, vector<16xi32>,
      %swap3A_504 = arith.constant 16 : index
      %swap3A_505 = tpu.vector_load %arg9[%swap3A_504] {strides = array<i32>} : memref<32xi32, #tpu.memory_space<vmem>>, vector<16xi32>,
      %swap3A_506 = vector.shape_cast %swap3A_505 : vector<16xi32> to vector<16xi32>
      %swap3A_507 = vector.shape_cast %select_n3A_491 : vector<16xi32> to vector<16xi32>
      tpu.vector_store %arg9[%swap3A_504], %swap3A_507 {strides = array<i32>} : memref<32xi32, #tpu.memory_space<vmem>>, vector<16xi32>,
      %get3A_508 = arith.constant 2 : index
      %get3A_509 = tpu.vector_load %arg8[%get3A_508] {strides = array<i32>} : memref<32xf32, #tpu.memory_space<vmem>>, vector<16xf32>,
      %get3A_510 = vector.shape_cast %get3A_509 : vector<16xf32> to vector<16xf32>
      %get3A_511 = arith.constant 2 : index
      %get3A_512 = tpu.vector_load %arg9[%get3A_511] {strides = array<i32>} : memref<32xi32, #tpu.memory_space<vmem>>, vector<16xi32>,
      %get3A_513 = vector.shape_cast %get3A_512 : vector<16xi32> to vector<16xi32>
      %lt3A_514 = arith.cmpf olt, %get3A_510, %select_n3A_490 : vector<16xf32>
      %eq3A_515 = arith.cmpf oeq, %get3A_510, %select_n3A_490 : vector<16xf32>
      %lt3A_516 = arith.cmpi slt, %get3A_513, %select_n3A_491 : vector<16xi32>
      %and3A_517 = arith.andi %eq3A_515, %lt3A_516 : vector<16xi1>
      %or3A_518 = arith.ori %lt3A_514, %and3A_517 : vector<16xi1>
      %select_n3A_519 = arith.select %or3A_518, %get3A_510, %select_n3A_490 : vector<16xi1>, vector<16xf32>
      %select_n3A_520 = arith.select %or3A_518, %get3A_513, %select_n3A_491 : vector<16xi1>, vector<16xi32>
      %swap3A_521 = arith.constant 0 : index
      %swap3A_522 = tpu.vector_load %arg8[%swap3A_521] {strides = array<i32>} : memref<32xf32, #tpu.memory_space<vmem>>, vector<16xf32>,
      %swap3A_523 = vector.shape_cast %swap3A_522 : vector<16xf32> to vector<16xf32>
      %swap3A_524 = vector.shape_cast %select_n3A_519 : vector<16xf32> to vector<16xf32>
      tpu.vector_store %arg8[%swap3A_521], %swap3A_524 {strides = array<i32>} : memref<32xf32, #tpu.memory_space<vmem>>, vector<16xf32>,
      %swap3A_525 = arith.constant 16 : index
      %swap3A_526 = tpu.vector_load %arg8[%swap3A_525] {strides = array<i32>} : memref<32xf32, #tpu.memory_space<vmem>>, vector<16xf32>,
      %swap3A_527 = vector.shape_cast %swap3A_526 : vector<16xf32> to vector<16xf32>
      %swap3A_528 = vector.shape_cast %select_n3A_519 : vector<16xf32> to vector<16xf32>
      tpu.vector_store %arg8[%swap3A_525], %swap3A_528 {strides = array<i32>} : memref<32xf32, #tpu.memory_space<vmem>>, vector<16xf32>,
      %swap3A_529 = arith.constant 0 : index
      %swap3A_530 = tpu.vector_load %arg9[%swap3A_529] {strides = array<i32>} : memref<32xi32, #tpu.memory_space<vmem>>, vector<16xi32>,
      %swap3A_531 = vector.shape_cast %swap3A_530 : vector<16xi32> to vector<16xi32>
      %swap3A_532 = vector.shape_cast %select_n3A_520 : vector<16xi32> to vector<16xi32>
      tpu.vector_store %arg9[%swap3A_529], %swap3A_532 {strides = array<i32>} : memref<32xi32, #tpu.memory_space<vmem>>, vector<16xi32>,
      %swap3A_533 = arith.constant 16 : index
      %swap3A_534 = tpu.vector_load %arg9[%swap3A_533] {strides = array<i32>} : memref<32xi32, #tpu.memory_space<vmem>>, vector<16xi32>,
      %swap3A_535 = vector.shape_cast %swap3A_534 : vector<16xi32> to vector<16xi32>
      %swap3A_536 = vector.shape_cast %select_n3A_520 : vector<16xi32> to vector<16xi32>
      tpu.vector_store %arg9[%swap3A_533], %swap3A_536 {strides = array<i32>} : memref<32xi32, #tpu.memory_space<vmem>>, vector<16xi32>,
      %get3A_537 = arith.constant 1 : index
      %get3A_538 = tpu.vector_load %arg8[%get3A_537] {strides = array<i32>} : memref<32xf32, #tpu.memory_space<vmem>>, vector<16xf32>,
      %get3A_539 = vector.shape_cast %get3A_538 : vector<16xf32> to vector<16xf32>
      %get3A_540 = arith.constant 1 : index
      %get3A_541 = tpu.vector_load %arg9[%get3A_540] {strides = array<i32>} : memref<32xi32, #tpu.memory_space<vmem>>, vector<16xi32>,
      %get3A_542 = vector.shape_cast %get3A_541 : vector<16xi32> to vector<16xi32>
      %lt3A_543 = arith.cmpf olt, %get3A_539, %select_n3A_519 : vector<16xf32>
      %eq3A_544 = arith.cmpf oeq, %get3A_539, %select_n3A_519 : vector<16xf32>
      %lt3A_545 = arith.cmpi slt, %get3A_542, %select_n3A_520 : vector<16xi32>
      %and3A_546 = arith.andi %eq3A_544, %lt3A_545 : vector<16xi1>
      %or3A_547 = arith.ori %lt3A_543, %and3A_546 : vector<16xi1>
      %select_n3A_548 = arith.select %or3A_547, %get3A_539, %select_n3A_519 : vector<16xi1>, vector<16xf32>
      %select_n3A_549 = arith.select %or3A_547, %get3A_542, %select_n3A_520 : vector<16xi1>, vector<16xi32>
      %eq3A_550 = arith.constant 3 : i32
      %eq3A_551 = vector.broadcast %eq3A_550 : i32 to vector<16xi32>
      %eq3A_552 = arith.cmpi eq, %iota3A, %eq3A_551 : vector<16xi32>
      %select_n3A_553 = arith.select %eq3A_552, %select_n3A_549, %select_n3A_433 : vector<16xi1>, vector<16xi32>
      %slice3A_554 = vector.extract_strided_slice %get3A_25 {offsets = [12], sizes = [1], strides = [1]} : vector<16xf32> to vector<1xf32>
      %squeeze3A_555 = vector.extract %slice3A_554[0] : f32 from vector<1xf32>
      %broadcast_in_dim3A_556 = vector.broadcast %squeeze3A_555 : f32 to vector<16xf32>
      %slice3A_557 = vector.extract_strided_slice %get3A_25 {offsets = [13], sizes = [1], strides = [1]} : vector<16xf32> to vector<1xf32>
      %squeeze3A_558 = vector.extract %slice3A_557[0] : f32 from vector<1xf32>
      %broadcast_in_dim3A_559 = vector.broadcast %squeeze3A_558 : f32 to vector<16xf32>
      %slice3A_560 = vector.extract_strided_slice %get3A_25 {offsets = [14], sizes = [1], strides = [1]} : vector<16xf32> to vector<1xf32>
      %squeeze3A_561 = vector.extract %slice3A_560[0] : f32 from vector<1xf32>
      %broadcast_in_dim3A_562 = vector.broadcast %squeeze3A_561 : f32 to vector<16xf32>
      %slice3A_563 = vector.extract_strided_slice %get3A_25 {offsets = [15], sizes = [1], strides = [1]} : vector<16xf32> to vector<1xf32>
      %squeeze3A_564 = vector.extract %slice3A_563[0] : f32 from vector<1xf32>
      %broadcast_in_dim3A_565 = vector.broadcast %squeeze3A_564 : f32 to vector<16xf32>
      %slice3A_566 = vector.extract_strided_slice %get3A_32 {offsets = [0], sizes = [1], strides = [1]} : vector<16xf32> to vector<1xf32>
      %squeeze3A_567 = vector.extract %slice3A_566[0] : f32 from vector<1xf32>
      %broadcast_in_dim3A_568 = vector.broadcast %squeeze3A_567 : f32 to vector<16xf32>
      %slice3A_569 = vector.extract_strided_slice %get3A_32 {offsets = [1], sizes = [1], strides = [1]} : vector<16xf32> to vector<1xf32>
      %squeeze3A_570 = vector.extract %slice3A_569[0] : f32 from vector<1xf32>
      %broadcast_in_dim3A_571 = vector.broadcast %squeeze3A_570 : f32 to vector<16xf32>
      %slice3A_572 = vector.extract_strided_slice %get3A_32 {offsets = [2], sizes = [1], strides = [1]} : vector<16xf32> to vector<1xf32>
      %squeeze3A_573 = vector.extract %slice3A_572[0] : f32 from vector<1xf32>
      %broadcast_in_dim3A_574 = vector.broadcast %squeeze3A_573 : f32 to vector<16xf32>
      %slice3A_575 = vector.extract_strided_slice %get3A_32 {offsets = [3], sizes = [1], strides = [1]} : vector<16xf32> to vector<1xf32>
      %squeeze3A_576 = vector.extract %slice3A_575[0] : f32 from vector<1xf32>
      %broadcast_in_dim3A_577 = vector.broadcast %squeeze3A_576 : f32 to vector<16xf32>
      %slice3A_578 = vector.extract_strided_slice %get3A_32 {offsets = [4], sizes = [1], strides = [1]} : vector<16xf32> to vector<1xf32>
      %squeeze3A_579 = vector.extract %slice3A_578[0] : f32 from vector<1xf32>
      %broadcast_in_dim3A_580 = vector.broadcast %squeeze3A_579 : f32 to vector<16xf32>
      %slice3A_581 = vector.extract_strided_slice %get3A_32 {offsets = [5], sizes = [1], strides = [1]} : vector<16xf32> to vector<1xf32>
      %squeeze3A_582 = vector.extract %slice3A_581[0] : f32 from vector<1xf32>
      %broadcast_in_dim3A_583 = vector.broadcast %squeeze3A_582 : f32 to vector<16xf32>
      %slice3A_584 = vector.extract_strided_slice %get3A_32 {offsets = [6], sizes = [1], strides = [1]} : vector<16xf32> to vector<1xf32>
      %squeeze3A_585 = vector.extract %slice3A_584[0] : f32 from vector<1xf32>
      %broadcast_in_dim3A_586 = vector.broadcast %squeeze3A_585 : f32 to vector<16xf32>
      %slice3A_587 = vector.extract_strided_slice %get3A_32 {offsets = [7], sizes = [1], strides = [1]} : vector<16xf32> to vector<1xf32>
      %squeeze3A_588 = vector.extract %slice3A_587[0] : f32 from vector<1xf32>
      %broadcast_in_dim3A_589 = vector.broadcast %squeeze3A_588 : f32 to vector<16xf32>
      %scan3A_590 = arith.constant 0 : i32
      %scan3A_591 = arith.constant 128 : i32
      %scan3A_592 = arith.addi %scan3A_590, %scan3A_591 : i32
      %scan3A_593 = arith.constant 1 : i32
      %scan3A_594:8 = scf.for %scan3A_2127 = %scan3A_590 to %scan3A_592 step %scan3A_593 iter_args(%scan3A_2128 = %broadcast_in_dim3A_7, %scan3A_2129 = %broadcast_in_dim3A_7, %scan3A_2130 = %broadcast_in_dim3A_7, %scan3A_2131 = %broadcast_in_dim3A_7, %scan3A_2132 = %broadcast_in_dim3A_9, %scan3A_2133 = %broadcast_in_dim3A_9, %scan3A_2134 = %broadcast_in_dim3A_9, %scan3A_2135 = %broadcast_in_dim3A_9) -> (vector<16xf32>, vector<16xf32>, vector<16xf32>, vector<16xf32>, vector<16xi32>, vector<16xi32>, vector<16xi32>, vector<16xi32>)  : i32 {
        %mul3A_2136 = arith.constant 4 : i32
        %mul3A_2137 = arith.muli %scan3A_2127, %mul3A_2136 : i32
        %add3A_2138 = arith.constant 0 : i32
        %add3A_2139 = arith.addi %mul3A_2137, %add3A_2138 : i32
        %mul3A_2140 = arith.constant 16 : i32
        %mul3A_2141 = arith.muli %add3A_2139, %mul3A_2140 : i32
        %get3A_2142 = arith.index_cast %mul3A_2141 : i32 to index
        %get3A_2143 = tpu.vector_load %arg6[%get3A_2142] {strides = array<i32>} : memref<24576xf32, #tpu.memory_space<vmem>>, vector<16xf32>,
        %get3A_2144 = vector.shape_cast %get3A_2143 : vector<16xf32> to vector<16xf32>
        %add3A_2145 = arith.constant 8192 : i32
        %add3A_2146 = arith.addi %add3A_2145, %mul3A_2141 : i32
        %get3A_2147 = arith.index_cast %add3A_2146 : i32 to index
        %get3A_2148 = tpu.vector_load %arg6[%get3A_2147] {strides = array<i32>} : memref<24576xf32, #tpu.memory_space<vmem>>, vector<16xf32>,
        %get3A_2149 = vector.shape_cast %get3A_2148 : vector<16xf32> to vector<16xf32>
        %add3A_2150 = arith.constant 16384 : i32
        %add3A_2151 = arith.addi %add3A_2150, %mul3A_2141 : i32
        %get3A_2152 = arith.index_cast %add3A_2151 : i32 to index
        %get3A_2153 = tpu.vector_load %arg6[%get3A_2152] {strides = array<i32>} : memref<24576xf32, #tpu.memory_space<vmem>>, vector<16xf32>,
        %get3A_2154 = vector.shape_cast %get3A_2153 : vector<16xf32> to vector<16xf32>
        %add3A_2155 = vector.broadcast %mul3A_2141 : i32 to vector<16xi32>
        %add3A_2156 = arith.addi %iota3A, %add3A_2155 : vector<16xi32>
        %sub3A = arith.subf %broadcast_in_dim3A_556, %get3A_2144 : vector<16xf32>
        %sub3A_2157 = arith.subf %broadcast_in_dim3A_559, %get3A_2149 : vector<16xf32>
        %sub3A_2158 = arith.subf %broadcast_in_dim3A_562, %get3A_2154 : vector<16xf32>
        %mul3A_2159 = arith.mulf %sub3A, %sub3A : vector<16xf32>
        %mul3A_2160 = arith.mulf %sub3A_2157, %sub3A_2157 : vector<16xf32>
        %add3A_2161 = arith.addf %mul3A_2159, %mul3A_2160 : vector<16xf32>
        %mul3A_2162 = arith.mulf %sub3A_2158, %sub3A_2158 : vector<16xf32>
        %add3A_2163 = arith.addf %add3A_2161, %mul3A_2162 : vector<16xf32>
        %lt3A_2164 = arith.cmpf olt, %add3A_2163, %scan3A_2128 : vector<16xf32>
        %select_n3A_2165 = arith.select %lt3A_2164, %add3A_2163, %scan3A_2128 : vector<16xi1>, vector<16xf32>
        %select_n3A_2166 = arith.select %lt3A_2164, %add3A_2156, %scan3A_2132 : vector<16xi1>, vector<16xi32>
        %sub3A_2167 = arith.subf %broadcast_in_dim3A_565, %get3A_2144 : vector<16xf32>
        %sub3A_2168 = arith.subf %broadcast_in_dim3A_568, %get3A_2149 : vector<16xf32>
        %sub3A_2169 = arith.subf %broadcast_in_dim3A_571, %get3A_2154 : vector<16xf32>
        %mul3A_2170 = arith.mulf %sub3A_2167, %sub3A_2167 : vector<16xf32>
        %mul3A_2171 = arith.mulf %sub3A_2168, %sub3A_2168 : vector<16xf32>
        %add3A_2172 = arith.addf %mul3A_2170, %mul3A_2171 : vector<16xf32>
        %mul3A_2173 = arith.mulf %sub3A_2169, %sub3A_2169 : vector<16xf32>
        %add3A_2174 = arith.addf %add3A_2172, %mul3A_2173 : vector<16xf32>
        %lt3A_2175 = arith.cmpf olt, %add3A_2174, %scan3A_2129 : vector<16xf32>
        %select_n3A_2176 = arith.select %lt3A_2175, %add3A_2174, %scan3A_2129 : vector<16xi1>, vector<16xf32>
        %select_n3A_2177 = arith.select %lt3A_2175, %add3A_2156, %scan3A_2133 : vector<16xi1>, vector<16xi32>
        %sub3A_2178 = arith.subf %broadcast_in_dim3A_574, %get3A_2144 : vector<16xf32>
        %sub3A_2179 = arith.subf %broadcast_in_dim3A_577, %get3A_2149 : vector<16xf32>
        %sub3A_2180 = arith.subf %broadcast_in_dim3A_580, %get3A_2154 : vector<16xf32>
        %mul3A_2181 = arith.mulf %sub3A_2178, %sub3A_2178 : vector<16xf32>
        %mul3A_2182 = arith.mulf %sub3A_2179, %sub3A_2179 : vector<16xf32>
        %add3A_2183 = arith.addf %mul3A_2181, %mul3A_2182 : vector<16xf32>
        %mul3A_2184 = arith.mulf %sub3A_2180, %sub3A_2180 : vector<16xf32>
        %add3A_2185 = arith.addf %add3A_2183, %mul3A_2184 : vector<16xf32>
        %lt3A_2186 = arith.cmpf olt, %add3A_2185, %scan3A_2130 : vector<16xf32>
        %select_n3A_2187 = arith.select %lt3A_2186, %add3A_2185, %scan3A_2130 : vector<16xi1>, vector<16xf32>
        %select_n3A_2188 = arith.select %lt3A_2186, %add3A_2156, %scan3A_2134 : vector<16xi1>, vector<16xi32>
        %sub3A_2189 = arith.subf %broadcast_in_dim3A_583, %get3A_2144 : vector<16xf32>
        %sub3A_2190 = arith.subf %broadcast_in_dim3A_586, %get3A_2149 : vector<16xf32>
        %sub3A_2191 = arith.subf %broadcast_in_dim3A_589, %get3A_2154 : vector<16xf32>
        %mul3A_2192 = arith.mulf %sub3A_2189, %sub3A_2189 : vector<16xf32>
        %mul3A_2193 = arith.mulf %sub3A_2190, %sub3A_2190 : vector<16xf32>
        %add3A_2194 = arith.addf %mul3A_2192, %mul3A_2193 : vector<16xf32>
        %mul3A_2195 = arith.mulf %sub3A_2191, %sub3A_2191 : vector<16xf32>
        %add3A_2196 = arith.addf %add3A_2194, %mul3A_2195 : vector<16xf32>
        %lt3A_2197 = arith.cmpf olt, %add3A_2196, %scan3A_2131 : vector<16xf32>
        %select_n3A_2198 = arith.select %lt3A_2197, %add3A_2196, %scan3A_2131 : vector<16xi1>, vector<16xf32>
        %select_n3A_2199 = arith.select %lt3A_2197, %add3A_2156, %scan3A_2135 : vector<16xi1>, vector<16xi32>
        %mul3A_2200 = arith.constant 4 : i32
        %mul3A_2201 = arith.muli %scan3A_2127, %mul3A_2200 : i32
        %add3A_2202 = arith.constant 1 : i32
        %add3A_2203 = arith.addi %mul3A_2201, %add3A_2202 : i32
        %mul3A_2204 = arith.constant 16 : i32
        %mul3A_2205 = arith.muli %add3A_2203, %mul3A_2204 : i32
        %get3A_2206 = arith.index_cast %mul3A_2205 : i32 to index
        %get3A_2207 = tpu.vector_load %arg6[%get3A_2206] {strides = array<i32>} : memref<24576xf32, #tpu.memory_space<vmem>>, vector<16xf32>,
        %get3A_2208 = vector.shape_cast %get3A_2207 : vector<16xf32> to vector<16xf32>
        %add3A_2209 = arith.constant 8192 : i32
        %add3A_2210 = arith.addi %add3A_2209, %mul3A_2205 : i32
        %get3A_2211 = arith.index_cast %add3A_2210 : i32 to index
        %get3A_2212 = tpu.vector_load %arg6[%get3A_2211] {strides = array<i32>} : memref<24576xf32, #tpu.memory_space<vmem>>, vector<16xf32>,
        %get3A_2213 = vector.shape_cast %get3A_2212 : vector<16xf32> to vector<16xf32>
        %add3A_2214 = arith.constant 16384 : i32
        %add3A_2215 = arith.addi %add3A_2214, %mul3A_2205 : i32
        %get3A_2216 = arith.index_cast %add3A_2215 : i32 to index
        %get3A_2217 = tpu.vector_load %arg6[%get3A_2216] {strides = array<i32>} : memref<24576xf32, #tpu.memory_space<vmem>>, vector<16xf32>,
        %get3A_2218 = vector.shape_cast %get3A_2217 : vector<16xf32> to vector<16xf32>
        %add3A_2219 = vector.broadcast %mul3A_2205 : i32 to vector<16xi32>
        %add3A_2220 = arith.addi %iota3A, %add3A_2219 : vector<16xi32>
        %sub3A_2221 = arith.subf %broadcast_in_dim3A_556, %get3A_2208 : vector<16xf32>
        %sub3A_2222 = arith.subf %broadcast_in_dim3A_559, %get3A_2213 : vector<16xf32>
        %sub3A_2223 = arith.subf %broadcast_in_dim3A_562, %get3A_2218 : vector<16xf32>
        %mul3A_2224 = arith.mulf %sub3A_2221, %sub3A_2221 : vector<16xf32>
        %mul3A_2225 = arith.mulf %sub3A_2222, %sub3A_2222 : vector<16xf32>
        %add3A_2226 = arith.addf %mul3A_2224, %mul3A_2225 : vector<16xf32>
        %mul3A_2227 = arith.mulf %sub3A_2223, %sub3A_2223 : vector<16xf32>
        %add3A_2228 = arith.addf %add3A_2226, %mul3A_2227 : vector<16xf32>
        %lt3A_2229 = arith.cmpf olt, %add3A_2228, %select_n3A_2165 : vector<16xf32>
        %select_n3A_2230 = arith.select %lt3A_2229, %add3A_2228, %select_n3A_2165 : vector<16xi1>, vector<16xf32>
        %select_n3A_2231 = arith.select %lt3A_2229, %add3A_2220, %select_n3A_2166 : vector<16xi1>, vector<16xi32>
        %sub3A_2232 = arith.subf %broadcast_in_dim3A_565, %get3A_2208 : vector<16xf32>
        %sub3A_2233 = arith.subf %broadcast_in_dim3A_568, %get3A_2213 : vector<16xf32>
        %sub3A_2234 = arith.subf %broadcast_in_dim3A_571, %get3A_2218 : vector<16xf32>
        %mul3A_2235 = arith.mulf %sub3A_2232, %sub3A_2232 : vector<16xf32>
        %mul3A_2236 = arith.mulf %sub3A_2233, %sub3A_2233 : vector<16xf32>
        %add3A_2237 = arith.addf %mul3A_2235, %mul3A_2236 : vector<16xf32>
        %mul3A_2238 = arith.mulf %sub3A_2234, %sub3A_2234 : vector<16xf32>
        %add3A_2239 = arith.addf %add3A_2237, %mul3A_2238 : vector<16xf32>
        %lt3A_2240 = arith.cmpf olt, %add3A_2239, %select_n3A_2176 : vector<16xf32>
        %select_n3A_2241 = arith.select %lt3A_2240, %add3A_2239, %select_n3A_2176 : vector<16xi1>, vector<16xf32>
        %select_n3A_2242 = arith.select %lt3A_2240, %add3A_2220, %select_n3A_2177 : vector<16xi1>, vector<16xi32>
        %sub3A_2243 = arith.subf %broadcast_in_dim3A_574, %get3A_2208 : vector<16xf32>
        %sub3A_2244 = arith.subf %broadcast_in_dim3A_577, %get3A_2213 : vector<16xf32>
        %sub3A_2245 = arith.subf %broadcast_in_dim3A_580, %get3A_2218 : vector<16xf32>
        %mul3A_2246 = arith.mulf %sub3A_2243, %sub3A_2243 : vector<16xf32>
        %mul3A_2247 = arith.mulf %sub3A_2244, %sub3A_2244 : vector<16xf32>
        %add3A_2248 = arith.addf %mul3A_2246, %mul3A_2247 : vector<16xf32>
        %mul3A_2249 = arith.mulf %sub3A_2245, %sub3A_2245 : vector<16xf32>
        %add3A_2250 = arith.addf %add3A_2248, %mul3A_2249 : vector<16xf32>
        %lt3A_2251 = arith.cmpf olt, %add3A_2250, %select_n3A_2187 : vector<16xf32>
        %select_n3A_2252 = arith.select %lt3A_2251, %add3A_2250, %select_n3A_2187 : vector<16xi1>, vector<16xf32>
        %select_n3A_2253 = arith.select %lt3A_2251, %add3A_2220, %select_n3A_2188 : vector<16xi1>, vector<16xi32>
        %sub3A_2254 = arith.subf %broadcast_in_dim3A_583, %get3A_2208 : vector<16xf32>
        %sub3A_2255 = arith.subf %broadcast_in_dim3A_586, %get3A_2213 : vector<16xf32>
        %sub3A_2256 = arith.subf %broadcast_in_dim3A_589, %get3A_2218 : vector<16xf32>
        %mul3A_2257 = arith.mulf %sub3A_2254, %sub3A_2254 : vector<16xf32>
        %mul3A_2258 = arith.mulf %sub3A_2255, %sub3A_2255 : vector<16xf32>
        %add3A_2259 = arith.addf %mul3A_2257, %mul3A_2258 : vector<16xf32>
        %mul3A_2260 = arith.mulf %sub3A_2256, %sub3A_2256 : vector<16xf32>
        %add3A_2261 = arith.addf %add3A_2259, %mul3A_2260 : vector<16xf32>
        %lt3A_2262 = arith.cmpf olt, %add3A_2261, %select_n3A_2198 : vector<16xf32>
        %select_n3A_2263 = arith.select %lt3A_2262, %add3A_2261, %select_n3A_2198 : vector<16xi1>, vector<16xf32>
        %select_n3A_2264 = arith.select %lt3A_2262, %add3A_2220, %select_n3A_2199 : vector<16xi1>, vector<16xi32>
        %mul3A_2265 = arith.constant 4 : i32
        %mul3A_2266 = arith.muli %scan3A_2127, %mul3A_2265 : i32
        %add3A_2267 = arith.constant 2 : i32
        %add3A_2268 = arith.addi %mul3A_2266, %add3A_2267 : i32
        %mul3A_2269 = arith.constant 16 : i32
        %mul3A_2270 = arith.muli %add3A_2268, %mul3A_2269 : i32
        %get3A_2271 = arith.index_cast %mul3A_2270 : i32 to index
        %get3A_2272 = tpu.vector_load %arg6[%get3A_2271] {strides = array<i32>} : memref<24576xf32, #tpu.memory_space<vmem>>, vector<16xf32>,
        %get3A_2273 = vector.shape_cast %get3A_2272 : vector<16xf32> to vector<16xf32>
        %add3A_2274 = arith.constant 8192 : i32
        %add3A_2275 = arith.addi %add3A_2274, %mul3A_2270 : i32
        %get3A_2276 = arith.index_cast %add3A_2275 : i32 to index
        %get3A_2277 = tpu.vector_load %arg6[%get3A_2276] {strides = array<i32>} : memref<24576xf32, #tpu.memory_space<vmem>>, vector<16xf32>,
        %get3A_2278 = vector.shape_cast %get3A_2277 : vector<16xf32> to vector<16xf32>
        %add3A_2279 = arith.constant 16384 : i32
        %add3A_2280 = arith.addi %add3A_2279, %mul3A_2270 : i32
        %get3A_2281 = arith.index_cast %add3A_2280 : i32 to index
        %get3A_2282 = tpu.vector_load %arg6[%get3A_2281] {strides = array<i32>} : memref<24576xf32, #tpu.memory_space<vmem>>, vector<16xf32>,
        %get3A_2283 = vector.shape_cast %get3A_2282 : vector<16xf32> to vector<16xf32>
        %add3A_2284 = vector.broadcast %mul3A_2270 : i32 to vector<16xi32>
        %add3A_2285 = arith.addi %iota3A, %add3A_2284 : vector<16xi32>
        %sub3A_2286 = arith.subf %broadcast_in_dim3A_556, %get3A_2273 : vector<16xf32>
        %sub3A_2287 = arith.subf %broadcast_in_dim3A_559, %get3A_2278 : vector<16xf32>
        %sub3A_2288 = arith.subf %broadcast_in_dim3A_562, %get3A_2283 : vector<16xf32>
        %mul3A_2289 = arith.mulf %sub3A_2286, %sub3A_2286 : vector<16xf32>
        %mul3A_2290 = arith.mulf %sub3A_2287, %sub3A_2287 : vector<16xf32>
        %add3A_2291 = arith.addf %mul3A_2289, %mul3A_2290 : vector<16xf32>
        %mul3A_2292 = arith.mulf %sub3A_2288, %sub3A_2288 : vector<16xf32>
        %add3A_2293 = arith.addf %add3A_2291, %mul3A_2292 : vector<16xf32>
        %lt3A_2294 = arith.cmpf olt, %add3A_2293, %select_n3A_2230 : vector<16xf32>
        %select_n3A_2295 = arith.select %lt3A_2294, %add3A_2293, %select_n3A_2230 : vector<16xi1>, vector<16xf32>
        %select_n3A_2296 = arith.select %lt3A_2294, %add3A_2285, %select_n3A_2231 : vector<16xi1>, vector<16xi32>
        %sub3A_2297 = arith.subf %broadcast_in_dim3A_565, %get3A_2273 : vector<16xf32>
        %sub3A_2298 = arith.subf %broadcast_in_dim3A_568, %get3A_2278 : vector<16xf32>
        %sub3A_2299 = arith.subf %broadcast_in_dim3A_571, %get3A_2283 : vector<16xf32>
        %mul3A_2300 = arith.mulf %sub3A_2297, %sub3A_2297 : vector<16xf32>
        %mul3A_2301 = arith.mulf %sub3A_2298, %sub3A_2298 : vector<16xf32>
        %add3A_2302 = arith.addf %mul3A_2300, %mul3A_2301 : vector<16xf32>
        %mul3A_2303 = arith.mulf %sub3A_2299, %sub3A_2299 : vector<16xf32>
        %add3A_2304 = arith.addf %add3A_2302, %mul3A_2303 : vector<16xf32>
        %lt3A_2305 = arith.cmpf olt, %add3A_2304, %select_n3A_2241 : vector<16xf32>
        %select_n3A_2306 = arith.select %lt3A_2305, %add3A_2304, %select_n3A_2241 : vector<16xi1>, vector<16xf32>
        %select_n3A_2307 = arith.select %lt3A_2305, %add3A_2285, %select_n3A_2242 : vector<16xi1>, vector<16xi32>
        %sub3A_2308 = arith.subf %broadcast_in_dim3A_574, %get3A_2273 : vector<16xf32>
        %sub3A_2309 = arith.subf %broadcast_in_dim3A_577, %get3A_2278 : vector<16xf32>
        %sub3A_2310 = arith.subf %broadcast_in_dim3A_580, %get3A_2283 : vector<16xf32>
        %mul3A_2311 = arith.mulf %sub3A_2308, %sub3A_2308 : vector<16xf32>
        %mul3A_2312 = arith.mulf %sub3A_2309, %sub3A_2309 : vector<16xf32>
        %add3A_2313 = arith.addf %mul3A_2311, %mul3A_2312 : vector<16xf32>
        %mul3A_2314 = arith.mulf %sub3A_2310, %sub3A_2310 : vector<16xf32>
        %add3A_2315 = arith.addf %add3A_2313, %mul3A_2314 : vector<16xf32>
        %lt3A_2316 = arith.cmpf olt, %add3A_2315, %select_n3A_2252 : vector<16xf32>
        %select_n3A_2317 = arith.select %lt3A_2316, %add3A_2315, %select_n3A_2252 : vector<16xi1>, vector<16xf32>
        %select_n3A_2318 = arith.select %lt3A_2316, %add3A_2285, %select_n3A_2253 : vector<16xi1>, vector<16xi32>
        %sub3A_2319 = arith.subf %broadcast_in_dim3A_583, %get3A_2273 : vector<16xf32>
        %sub3A_2320 = arith.subf %broadcast_in_dim3A_586, %get3A_2278 : vector<16xf32>
        %sub3A_2321 = arith.subf %broadcast_in_dim3A_589, %get3A_2283 : vector<16xf32>
        %mul3A_2322 = arith.mulf %sub3A_2319, %sub3A_2319 : vector<16xf32>
        %mul3A_2323 = arith.mulf %sub3A_2320, %sub3A_2320 : vector<16xf32>
        %add3A_2324 = arith.addf %mul3A_2322, %mul3A_2323 : vector<16xf32>
        %mul3A_2325 = arith.mulf %sub3A_2321, %sub3A_2321 : vector<16xf32>
        %add3A_2326 = arith.addf %add3A_2324, %mul3A_2325 : vector<16xf32>
        %lt3A_2327 = arith.cmpf olt, %add3A_2326, %select_n3A_2263 : vector<16xf32>
        %select_n3A_2328 = arith.select %lt3A_2327, %add3A_2326, %select_n3A_2263 : vector<16xi1>, vector<16xf32>
        %select_n3A_2329 = arith.select %lt3A_2327, %add3A_2285, %select_n3A_2264 : vector<16xi1>, vector<16xi32>
        %mul3A_2330 = arith.constant 4 : i32
        %mul3A_2331 = arith.muli %scan3A_2127, %mul3A_2330 : i32
        %add3A_2332 = arith.constant 3 : i32
        %add3A_2333 = arith.addi %mul3A_2331, %add3A_2332 : i32
        %mul3A_2334 = arith.constant 16 : i32
        %mul3A_2335 = arith.muli %add3A_2333, %mul3A_2334 : i32
        %get3A_2336 = arith.index_cast %mul3A_2335 : i32 to index
        %get3A_2337 = tpu.vector_load %arg6[%get3A_2336] {strides = array<i32>} : memref<24576xf32, #tpu.memory_space<vmem>>, vector<16xf32>,
        %get3A_2338 = vector.shape_cast %get3A_2337 : vector<16xf32> to vector<16xf32>
        %add3A_2339 = arith.constant 8192 : i32
        %add3A_2340 = arith.addi %add3A_2339, %mul3A_2335 : i32
        %get3A_2341 = arith.index_cast %add3A_2340 : i32 to index
        %get3A_2342 = tpu.vector_load %arg6[%get3A_2341] {strides = array<i32>} : memref<24576xf32, #tpu.memory_space<vmem>>, vector<16xf32>,
        %get3A_2343 = vector.shape_cast %get3A_2342 : vector<16xf32> to vector<16xf32>
        %add3A_2344 = arith.constant 16384 : i32
        %add3A_2345 = arith.addi %add3A_2344, %mul3A_2335 : i32
        %get3A_2346 = arith.index_cast %add3A_2345 : i32 to index
        %get3A_2347 = tpu.vector_load %arg6[%get3A_2346] {strides = array<i32>} : memref<24576xf32, #tpu.memory_space<vmem>>, vector<16xf32>,
        %get3A_2348 = vector.shape_cast %get3A_2347 : vector<16xf32> to vector<16xf32>
        %add3A_2349 = vector.broadcast %mul3A_2335 : i32 to vector<16xi32>
        %add3A_2350 = arith.addi %iota3A, %add3A_2349 : vector<16xi32>
        %sub3A_2351 = arith.subf %broadcast_in_dim3A_556, %get3A_2338 : vector<16xf32>
        %sub3A_2352 = arith.subf %broadcast_in_dim3A_559, %get3A_2343 : vector<16xf32>
        %sub3A_2353 = arith.subf %broadcast_in_dim3A_562, %get3A_2348 : vector<16xf32>
        %mul3A_2354 = arith.mulf %sub3A_2351, %sub3A_2351 : vector<16xf32>
        %mul3A_2355 = arith.mulf %sub3A_2352, %sub3A_2352 : vector<16xf32>
        %add3A_2356 = arith.addf %mul3A_2354, %mul3A_2355 : vector<16xf32>
        %mul3A_2357 = arith.mulf %sub3A_2353, %sub3A_2353 : vector<16xf32>
        %add3A_2358 = arith.addf %add3A_2356, %mul3A_2357 : vector<16xf32>
        %lt3A_2359 = arith.cmpf olt, %add3A_2358, %select_n3A_2295 : vector<16xf32>
        %select_n3A_2360 = arith.select %lt3A_2359, %add3A_2358, %select_n3A_2295 : vector<16xi1>, vector<16xf32>
        %select_n3A_2361 = arith.select %lt3A_2359, %add3A_2350, %select_n3A_2296 : vector<16xi1>, vector<16xi32>
        %sub3A_2362 = arith.subf %broadcast_in_dim3A_565, %get3A_2338 : vector<16xf32>
        %sub3A_2363 = arith.subf %broadcast_in_dim3A_568, %get3A_2343 : vector<16xf32>
        %sub3A_2364 = arith.subf %broadcast_in_dim3A_571, %get3A_2348 : vector<16xf32>
        %mul3A_2365 = arith.mulf %sub3A_2362, %sub3A_2362 : vector<16xf32>
        %mul3A_2366 = arith.mulf %sub3A_2363, %sub3A_2363 : vector<16xf32>
        %add3A_2367 = arith.addf %mul3A_2365, %mul3A_2366 : vector<16xf32>
        %mul3A_2368 = arith.mulf %sub3A_2364, %sub3A_2364 : vector<16xf32>
        %add3A_2369 = arith.addf %add3A_2367, %mul3A_2368 : vector<16xf32>
        %lt3A_2370 = arith.cmpf olt, %add3A_2369, %select_n3A_2306 : vector<16xf32>
        %select_n3A_2371 = arith.select %lt3A_2370, %add3A_2369, %select_n3A_2306 : vector<16xi1>, vector<16xf32>
        %select_n3A_2372 = arith.select %lt3A_2370, %add3A_2350, %select_n3A_2307 : vector<16xi1>, vector<16xi32>
        %sub3A_2373 = arith.subf %broadcast_in_dim3A_574, %get3A_2338 : vector<16xf32>
        %sub3A_2374 = arith.subf %broadcast_in_dim3A_577, %get3A_2343 : vector<16xf32>
        %sub3A_2375 = arith.subf %broadcast_in_dim3A_580, %get3A_2348 : vector<16xf32>
        %mul3A_2376 = arith.mulf %sub3A_2373, %sub3A_2373 : vector<16xf32>
        %mul3A_2377 = arith.mulf %sub3A_2374, %sub3A_2374 : vector<16xf32>
        %add3A_2378 = arith.addf %mul3A_2376, %mul3A_2377 : vector<16xf32>
        %mul3A_2379 = arith.mulf %sub3A_2375, %sub3A_2375 : vector<16xf32>
        %add3A_2380 = arith.addf %add3A_2378, %mul3A_2379 : vector<16xf32>
        %lt3A_2381 = arith.cmpf olt, %add3A_2380, %select_n3A_2317 : vector<16xf32>
        %select_n3A_2382 = arith.select %lt3A_2381, %add3A_2380, %select_n3A_2317 : vector<16xi1>, vector<16xf32>
        %select_n3A_2383 = arith.select %lt3A_2381, %add3A_2350, %select_n3A_2318 : vector<16xi1>, vector<16xi32>
        %sub3A_2384 = arith.subf %broadcast_in_dim3A_583, %get3A_2338 : vector<16xf32>
        %sub3A_2385 = arith.subf %broadcast_in_dim3A_586, %get3A_2343 : vector<16xf32>
        %sub3A_2386 = arith.subf %broadcast_in_dim3A_589, %get3A_2348 : vector<16xf32>
        %mul3A_2387 = arith.mulf %sub3A_2384, %sub3A_2384 : vector<16xf32>
        %mul3A_2388 = arith.mulf %sub3A_2385, %sub3A_2385 : vector<16xf32>
        %add3A_2389 = arith.addf %mul3A_2387, %mul3A_2388 : vector<16xf32>
        %mul3A_2390 = arith.mulf %sub3A_2386, %sub3A_2386 : vector<16xf32>
        %add3A_2391 = arith.addf %add3A_2389, %mul3A_2390 : vector<16xf32>
        %lt3A_2392 = arith.cmpf olt, %add3A_2391, %select_n3A_2328 : vector<16xf32>
        %select_n3A_2393 = arith.select %lt3A_2392, %add3A_2391, %select_n3A_2328 : vector<16xi1>, vector<16xf32>
        %select_n3A_2394 = arith.select %lt3A_2392, %add3A_2350, %select_n3A_2329 : vector<16xi1>, vector<16xi32>
        scf.yield %select_n3A_2360, %select_n3A_2371, %select_n3A_2382, %select_n3A_2393, %select_n3A_2361, %select_n3A_2372, %select_n3A_2383, %select_n3A_2394 : vector<16xf32>, vector<16xf32>, vector<16xf32>, vector<16xf32>, vector<16xi32>, vector<16xi32>, vector<16xi32>, vector<16xi32>
      }
      %scan3A_595 = arith.constant 128 : i32
      %swap3A_596 = arith.constant 0 : index
      %swap3A_597 = tpu.vector_load %arg8[%swap3A_596] {strides = array<i32>} : memref<32xf32, #tpu.memory_space<vmem>>, vector<16xf32>,
      %swap3A_598 = vector.shape_cast %swap3A_597 : vector<16xf32> to vector<16xf32>
      %swap3A_599 = vector.shape_cast %scan3A_594#0 : vector<16xf32> to vector<16xf32>
      tpu.vector_store %arg8[%swap3A_596], %swap3A_599 {strides = array<i32>} : memref<32xf32, #tpu.memory_space<vmem>>, vector<16xf32>,
      %swap3A_600 = arith.constant 16 : index
      %swap3A_601 = tpu.vector_load %arg8[%swap3A_600] {strides = array<i32>} : memref<32xf32, #tpu.memory_space<vmem>>, vector<16xf32>,
      %swap3A_602 = vector.shape_cast %swap3A_601 : vector<16xf32> to vector<16xf32>
      %swap3A_603 = vector.shape_cast %scan3A_594#0 : vector<16xf32> to vector<16xf32>
      tpu.vector_store %arg8[%swap3A_600], %swap3A_603 {strides = array<i32>} : memref<32xf32, #tpu.memory_space<vmem>>, vector<16xf32>,
      %swap3A_604 = arith.constant 0 : index
      %swap3A_605 = tpu.vector_load %arg9[%swap3A_604] {strides = array<i32>} : memref<32xi32, #tpu.memory_space<vmem>>, vector<16xi32>,
      %swap3A_606 = vector.shape_cast %swap3A_605 : vector<16xi32> to vector<16xi32>
      %swap3A_607 = vector.shape_cast %scan3A_594#4 : vector<16xi32> to vector<16xi32>
      tpu.vector_store %arg9[%swap3A_604], %swap3A_607 {strides = array<i32>} : memref<32xi32, #tpu.memory_space<vmem>>, vector<16xi32>,
      %swap3A_608 = arith.constant 16 : index
      %swap3A_609 = tpu.vector_load %arg9[%swap3A_608] {strides = array<i32>} : memref<32xi32, #tpu.memory_space<vmem>>, vector<16xi32>,
      %swap3A_610 = vector.shape_cast %swap3A_609 : vector<16xi32> to vector<16xi32>
      %swap3A_611 = vector.shape_cast %scan3A_594#4 : vector<16xi32> to vector<16xi32>
      tpu.vector_store %arg9[%swap3A_608], %swap3A_611 {strides = array<i32>} : memref<32xi32, #tpu.memory_space<vmem>>, vector<16xi32>,
      %get3A_612 = arith.constant 8 : index
      %get3A_613 = tpu.vector_load %arg8[%get3A_612] {strides = array<i32>} : memref<32xf32, #tpu.memory_space<vmem>>, vector<16xf32>,
      %get3A_614 = vector.shape_cast %get3A_613 : vector<16xf32> to vector<16xf32>
      %get3A_615 = arith.constant 8 : index
      %get3A_616 = tpu.vector_load %arg9[%get3A_615] {strides = array<i32>} : memref<32xi32, #tpu.memory_space<vmem>>, vector<16xi32>,
      %get3A_617 = vector.shape_cast %get3A_616 : vector<16xi32> to vector<16xi32>
      %lt3A_618 = arith.cmpf olt, %get3A_614, %scan3A_594#0 : vector<16xf32>
      %eq3A_619 = arith.cmpf oeq, %get3A_614, %scan3A_594#0 : vector<16xf32>
      %lt3A_620 = arith.cmpi slt, %get3A_617, %scan3A_594#4 : vector<16xi32>
      %and3A_621 = arith.andi %eq3A_619, %lt3A_620 : vector<16xi1>
      %or3A_622 = arith.ori %lt3A_618, %and3A_621 : vector<16xi1>
      %select_n3A_623 = arith.select %or3A_622, %get3A_614, %scan3A_594#0 : vector<16xi1>, vector<16xf32>
      %select_n3A_624 = arith.select %or3A_622, %get3A_617, %scan3A_594#4 : vector<16xi1>, vector<16xi32>
      %swap3A_625 = arith.constant 0 : index
      %swap3A_626 = tpu.vector_load %arg8[%swap3A_625] {strides = array<i32>} : memref<32xf32, #tpu.memory_space<vmem>>, vector<16xf32>,
      %swap3A_627 = vector.shape_cast %swap3A_626 : vector<16xf32> to vector<16xf32>
      %swap3A_628 = vector.shape_cast %select_n3A_623 : vector<16xf32> to vector<16xf32>
      tpu.vector_store %arg8[%swap3A_625], %swap3A_628 {strides = array<i32>} : memref<32xf32, #tpu.memory_space<vmem>>, vector<16xf32>,
      %swap3A_629 = arith.constant 16 : index
      %swap3A_630 = tpu.vector_load %arg8[%swap3A_629] {strides = array<i32>} : memref<32xf32, #tpu.memory_space<vmem>>, vector<16xf32>,
      %swap3A_631 = vector.shape_cast %swap3A_630 : vector<16xf32> to vector<16xf32>
      %swap3A_632 = vector.shape_cast %select_n3A_623 : vector<16xf32> to vector<16xf32>
      tpu.vector_store %arg8[%swap3A_629], %swap3A_632 {strides = array<i32>} : memref<32xf32, #tpu.memory_space<vmem>>, vector<16xf32>,
      %swap3A_633 = arith.constant 0 : index
      %swap3A_634 = tpu.vector_load %arg9[%swap3A_633] {strides = array<i32>} : memref<32xi32, #tpu.memory_space<vmem>>, vector<16xi32>,
      %swap3A_635 = vector.shape_cast %swap3A_634 : vector<16xi32> to vector<16xi32>
      %swap3A_636 = vector.shape_cast %select_n3A_624 : vector<16xi32> to vector<16xi32>
      tpu.vector_store %arg9[%swap3A_633], %swap3A_636 {strides = array<i32>} : memref<32xi32, #tpu.memory_space<vmem>>, vector<16xi32>,
      %swap3A_637 = arith.constant 16 : index
      %swap3A_638 = tpu.vector_load %arg9[%swap3A_637] {strides = array<i32>} : memref<32xi32, #tpu.memory_space<vmem>>, vector<16xi32>,
      %swap3A_639 = vector.shape_cast %swap3A_638 : vector<16xi32> to vector<16xi32>
      %swap3A_640 = vector.shape_cast %select_n3A_624 : vector<16xi32> to vector<16xi32>
      tpu.vector_store %arg9[%swap3A_637], %swap3A_640 {strides = array<i32>} : memref<32xi32, #tpu.memory_space<vmem>>, vector<16xi32>,
      %get3A_641 = arith.constant 4 : index
      %get3A_642 = tpu.vector_load %arg8[%get3A_641] {strides = array<i32>} : memref<32xf32, #tpu.memory_space<vmem>>, vector<16xf32>,
      %get3A_643 = vector.shape_cast %get3A_642 : vector<16xf32> to vector<16xf32>
      %get3A_644 = arith.constant 4 : index
      %get3A_645 = tpu.vector_load %arg9[%get3A_644] {strides = array<i32>} : memref<32xi32, #tpu.memory_space<vmem>>, vector<16xi32>,
      %get3A_646 = vector.shape_cast %get3A_645 : vector<16xi32> to vector<16xi32>
      %lt3A_647 = arith.cmpf olt, %get3A_643, %select_n3A_623 : vector<16xf32>
      %eq3A_648 = arith.cmpf oeq, %get3A_643, %select_n3A_623 : vector<16xf32>
      %lt3A_649 = arith.cmpi slt, %get3A_646, %select_n3A_624 : vector<16xi32>
      %and3A_650 = arith.andi %eq3A_648, %lt3A_649 : vector<16xi1>
      %or3A_651 = arith.ori %lt3A_647, %and3A_650 : vector<16xi1>
      %select_n3A_652 = arith.select %or3A_651, %get3A_643, %select_n3A_623 : vector<16xi1>, vector<16xf32>
      %select_n3A_653 = arith.select %or3A_651, %get3A_646, %select_n3A_624 : vector<16xi1>, vector<16xi32>
      %swap3A_654 = arith.constant 0 : index
      %swap3A_655 = tpu.vector_load %arg8[%swap3A_654] {strides = array<i32>} : memref<32xf32, #tpu.memory_space<vmem>>, vector<16xf32>,
      %swap3A_656 = vector.shape_cast %swap3A_655 : vector<16xf32> to vector<16xf32>
      %swap3A_657 = vector.shape_cast %select_n3A_652 : vector<16xf32> to vector<16xf32>
      tpu.vector_store %arg8[%swap3A_654], %swap3A_657 {strides = array<i32>} : memref<32xf32, #tpu.memory_space<vmem>>, vector<16xf32>,
      %swap3A_658 = arith.constant 16 : index
      %swap3A_659 = tpu.vector_load %arg8[%swap3A_658] {strides = array<i32>} : memref<32xf32, #tpu.memory_space<vmem>>, vector<16xf32>,
      %swap3A_660 = vector.shape_cast %swap3A_659 : vector<16xf32> to vector<16xf32>
      %swap3A_661 = vector.shape_cast %select_n3A_652 : vector<16xf32> to vector<16xf32>
      tpu.vector_store %arg8[%swap3A_658], %swap3A_661 {strides = array<i32>} : memref<32xf32, #tpu.memory_space<vmem>>, vector<16xf32>,
      %swap3A_662 = arith.constant 0 : index
      %swap3A_663 = tpu.vector_load %arg9[%swap3A_662] {strides = array<i32>} : memref<32xi32, #tpu.memory_space<vmem>>, vector<16xi32>,
      %swap3A_664 = vector.shape_cast %swap3A_663 : vector<16xi32> to vector<16xi32>
      %swap3A_665 = vector.shape_cast %select_n3A_653 : vector<16xi32> to vector<16xi32>
      tpu.vector_store %arg9[%swap3A_662], %swap3A_665 {strides = array<i32>} : memref<32xi32, #tpu.memory_space<vmem>>, vector<16xi32>,
      %swap3A_666 = arith.constant 16 : index
      %swap3A_667 = tpu.vector_load %arg9[%swap3A_666] {strides = array<i32>} : memref<32xi32, #tpu.memory_space<vmem>>, vector<16xi32>,
      %swap3A_668 = vector.shape_cast %swap3A_667 : vector<16xi32> to vector<16xi32>
      %swap3A_669 = vector.shape_cast %select_n3A_653 : vector<16xi32> to vector<16xi32>
      tpu.vector_store %arg9[%swap3A_666], %swap3A_669 {strides = array<i32>} : memref<32xi32, #tpu.memory_space<vmem>>, vector<16xi32>,
      %get3A_670 = arith.constant 2 : index
      %get3A_671 = tpu.vector_load %arg8[%get3A_670] {strides = array<i32>} : memref<32xf32, #tpu.memory_space<vmem>>, vector<16xf32>,
      %get3A_672 = vector.shape_cast %get3A_671 : vector<16xf32> to vector<16xf32>
      %get3A_673 = arith.constant 2 : index
      %get3A_674 = tpu.vector_load %arg9[%get3A_673] {strides = array<i32>} : memref<32xi32, #tpu.memory_space<vmem>>, vector<16xi32>,
      %get3A_675 = vector.shape_cast %get3A_674 : vector<16xi32> to vector<16xi32>
      %lt3A_676 = arith.cmpf olt, %get3A_672, %select_n3A_652 : vector<16xf32>
      %eq3A_677 = arith.cmpf oeq, %get3A_672, %select_n3A_652 : vector<16xf32>
      %lt3A_678 = arith.cmpi slt, %get3A_675, %select_n3A_653 : vector<16xi32>
      %and3A_679 = arith.andi %eq3A_677, %lt3A_678 : vector<16xi1>
      %or3A_680 = arith.ori %lt3A_676, %and3A_679 : vector<16xi1>
      %select_n3A_681 = arith.select %or3A_680, %get3A_672, %select_n3A_652 : vector<16xi1>, vector<16xf32>
      %select_n3A_682 = arith.select %or3A_680, %get3A_675, %select_n3A_653 : vector<16xi1>, vector<16xi32>
      %swap3A_683 = arith.constant 0 : index
      %swap3A_684 = tpu.vector_load %arg8[%swap3A_683] {strides = array<i32>} : memref<32xf32, #tpu.memory_space<vmem>>, vector<16xf32>,
      %swap3A_685 = vector.shape_cast %swap3A_684 : vector<16xf32> to vector<16xf32>
      %swap3A_686 = vector.shape_cast %select_n3A_681 : vector<16xf32> to vector<16xf32>
      tpu.vector_store %arg8[%swap3A_683], %swap3A_686 {strides = array<i32>} : memref<32xf32, #tpu.memory_space<vmem>>, vector<16xf32>,
      %swap3A_687 = arith.constant 16 : index
      %swap3A_688 = tpu.vector_load %arg8[%swap3A_687] {strides = array<i32>} : memref<32xf32, #tpu.memory_space<vmem>>, vector<16xf32>,
      %swap3A_689 = vector.shape_cast %swap3A_688 : vector<16xf32> to vector<16xf32>
      %swap3A_690 = vector.shape_cast %select_n3A_681 : vector<16xf32> to vector<16xf32>
      tpu.vector_store %arg8[%swap3A_687], %swap3A_690 {strides = array<i32>} : memref<32xf32, #tpu.memory_space<vmem>>, vector<16xf32>,
      %swap3A_691 = arith.constant 0 : index
      %swap3A_692 = tpu.vector_load %arg9[%swap3A_691] {strides = array<i32>} : memref<32xi32, #tpu.memory_space<vmem>>, vector<16xi32>,
      %swap3A_693 = vector.shape_cast %swap3A_692 : vector<16xi32> to vector<16xi32>
      %swap3A_694 = vector.shape_cast %select_n3A_682 : vector<16xi32> to vector<16xi32>
      tpu.vector_store %arg9[%swap3A_691], %swap3A_694 {strides = array<i32>} : memref<32xi32, #tpu.memory_space<vmem>>, vector<16xi32>,
      %swap3A_695 = arith.constant 16 : index
      %swap3A_696 = tpu.vector_load %arg9[%swap3A_695] {strides = array<i32>} : memref<32xi32, #tpu.memory_space<vmem>>, vector<16xi32>,
      %swap3A_697 = vector.shape_cast %swap3A_696 : vector<16xi32> to vector<16xi32>
      %swap3A_698 = vector.shape_cast %select_n3A_682 : vector<16xi32> to vector<16xi32>
      tpu.vector_store %arg9[%swap3A_695], %swap3A_698 {strides = array<i32>} : memref<32xi32, #tpu.memory_space<vmem>>, vector<16xi32>,
      %get3A_699 = arith.constant 1 : index
      %get3A_700 = tpu.vector_load %arg8[%get3A_699] {strides = array<i32>} : memref<32xf32, #tpu.memory_space<vmem>>, vector<16xf32>,
      %get3A_701 = vector.shape_cast %get3A_700 : vector<16xf32> to vector<16xf32>
      %get3A_702 = arith.constant 1 : index
      %get3A_703 = tpu.vector_load %arg9[%get3A_702] {strides = array<i32>} : memref<32xi32, #tpu.memory_space<vmem>>, vector<16xi32>,
      %get3A_704 = vector.shape_cast %get3A_703 : vector<16xi32> to vector<16xi32>
      %lt3A_705 = arith.cmpf olt, %get3A_701, %select_n3A_681 : vector<16xf32>
      %eq3A_706 = arith.cmpf oeq, %get3A_701, %select_n3A_681 : vector<16xf32>
      %lt3A_707 = arith.cmpi slt, %get3A_704, %select_n3A_682 : vector<16xi32>
      %and3A_708 = arith.andi %eq3A_706, %lt3A_707 : vector<16xi1>
      %or3A_709 = arith.ori %lt3A_705, %and3A_708 : vector<16xi1>
      %select_n3A_710 = arith.select %or3A_709, %get3A_701, %select_n3A_681 : vector<16xi1>, vector<16xf32>
      %select_n3A_711 = arith.select %or3A_709, %get3A_704, %select_n3A_682 : vector<16xi1>, vector<16xi32>
      %eq3A_712 = arith.constant 4 : i32
      %eq3A_713 = vector.broadcast %eq3A_712 : i32 to vector<16xi32>
      %eq3A_714 = arith.cmpi eq, %iota3A, %eq3A_713 : vector<16xi32>
      %select_n3A_715 = arith.select %eq3A_714, %select_n3A_711, %select_n3A_553 : vector<16xi1>, vector<16xi32>
      %swap3A_716 = arith.constant 0 : index
      %swap3A_717 = tpu.vector_load %arg8[%swap3A_716] {strides = array<i32>} : memref<32xf32, #tpu.memory_space<vmem>>, vector<16xf32>,
      %swap3A_718 = vector.shape_cast %swap3A_717 : vector<16xf32> to vector<16xf32>
      %swap3A_719 = vector.shape_cast %scan3A_594#1 : vector<16xf32> to vector<16xf32>
      tpu.vector_store %arg8[%swap3A_716], %swap3A_719 {strides = array<i32>} : memref<32xf32, #tpu.memory_space<vmem>>, vector<16xf32>,
      %swap3A_720 = arith.constant 16 : index
      %swap3A_721 = tpu.vector_load %arg8[%swap3A_720] {strides = array<i32>} : memref<32xf32, #tpu.memory_space<vmem>>, vector<16xf32>,
      %swap3A_722 = vector.shape_cast %swap3A_721 : vector<16xf32> to vector<16xf32>
      %swap3A_723 = vector.shape_cast %scan3A_594#1 : vector<16xf32> to vector<16xf32>
      tpu.vector_store %arg8[%swap3A_720], %swap3A_723 {strides = array<i32>} : memref<32xf32, #tpu.memory_space<vmem>>, vector<16xf32>,
      %swap3A_724 = arith.constant 0 : index
      %swap3A_725 = tpu.vector_load %arg9[%swap3A_724] {strides = array<i32>} : memref<32xi32, #tpu.memory_space<vmem>>, vector<16xi32>,
      %swap3A_726 = vector.shape_cast %swap3A_725 : vector<16xi32> to vector<16xi32>
      %swap3A_727 = vector.shape_cast %scan3A_594#5 : vector<16xi32> to vector<16xi32>
      tpu.vector_store %arg9[%swap3A_724], %swap3A_727 {strides = array<i32>} : memref<32xi32, #tpu.memory_space<vmem>>, vector<16xi32>,
      %swap3A_728 = arith.constant 16 : index
      %swap3A_729 = tpu.vector_load %arg9[%swap3A_728] {strides = array<i32>} : memref<32xi32, #tpu.memory_space<vmem>>, vector<16xi32>,
      %swap3A_730 = vector.shape_cast %swap3A_729 : vector<16xi32> to vector<16xi32>
      %swap3A_731 = vector.shape_cast %scan3A_594#5 : vector<16xi32> to vector<16xi32>
      tpu.vector_store %arg9[%swap3A_728], %swap3A_731 {strides = array<i32>} : memref<32xi32, #tpu.memory_space<vmem>>, vector<16xi32>,
      %get3A_732 = arith.constant 8 : index
      %get3A_733 = tpu.vector_load %arg8[%get3A_732] {strides = array<i32>} : memref<32xf32, #tpu.memory_space<vmem>>, vector<16xf32>,
      %get3A_734 = vector.shape_cast %get3A_733 : vector<16xf32> to vector<16xf32>
      %get3A_735 = arith.constant 8 : index
      %get3A_736 = tpu.vector_load %arg9[%get3A_735] {strides = array<i32>} : memref<32xi32, #tpu.memory_space<vmem>>, vector<16xi32>,
      %get3A_737 = vector.shape_cast %get3A_736 : vector<16xi32> to vector<16xi32>
      %lt3A_738 = arith.cmpf olt, %get3A_734, %scan3A_594#1 : vector<16xf32>
      %eq3A_739 = arith.cmpf oeq, %get3A_734, %scan3A_594#1 : vector<16xf32>
      %lt3A_740 = arith.cmpi slt, %get3A_737, %scan3A_594#5 : vector<16xi32>
      %and3A_741 = arith.andi %eq3A_739, %lt3A_740 : vector<16xi1>
      %or3A_742 = arith.ori %lt3A_738, %and3A_741 : vector<16xi1>
      %select_n3A_743 = arith.select %or3A_742, %get3A_734, %scan3A_594#1 : vector<16xi1>, vector<16xf32>
      %select_n3A_744 = arith.select %or3A_742, %get3A_737, %scan3A_594#5 : vector<16xi1>, vector<16xi32>
      %swap3A_745 = arith.constant 0 : index
      %swap3A_746 = tpu.vector_load %arg8[%swap3A_745] {strides = array<i32>} : memref<32xf32, #tpu.memory_space<vmem>>, vector<16xf32>,
      %swap3A_747 = vector.shape_cast %swap3A_746 : vector<16xf32> to vector<16xf32>
      %swap3A_748 = vector.shape_cast %select_n3A_743 : vector<16xf32> to vector<16xf32>
      tpu.vector_store %arg8[%swap3A_745], %swap3A_748 {strides = array<i32>} : memref<32xf32, #tpu.memory_space<vmem>>, vector<16xf32>,
      %swap3A_749 = arith.constant 16 : index
      %swap3A_750 = tpu.vector_load %arg8[%swap3A_749] {strides = array<i32>} : memref<32xf32, #tpu.memory_space<vmem>>, vector<16xf32>,
      %swap3A_751 = vector.shape_cast %swap3A_750 : vector<16xf32> to vector<16xf32>
      %swap3A_752 = vector.shape_cast %select_n3A_743 : vector<16xf32> to vector<16xf32>
      tpu.vector_store %arg8[%swap3A_749], %swap3A_752 {strides = array<i32>} : memref<32xf32, #tpu.memory_space<vmem>>, vector<16xf32>,
      %swap3A_753 = arith.constant 0 : index
      %swap3A_754 = tpu.vector_load %arg9[%swap3A_753] {strides = array<i32>} : memref<32xi32, #tpu.memory_space<vmem>>, vector<16xi32>,
      %swap3A_755 = vector.shape_cast %swap3A_754 : vector<16xi32> to vector<16xi32>
      %swap3A_756 = vector.shape_cast %select_n3A_744 : vector<16xi32> to vector<16xi32>
      tpu.vector_store %arg9[%swap3A_753], %swap3A_756 {strides = array<i32>} : memref<32xi32, #tpu.memory_space<vmem>>, vector<16xi32>,
      %swap3A_757 = arith.constant 16 : index
      %swap3A_758 = tpu.vector_load %arg9[%swap3A_757] {strides = array<i32>} : memref<32xi32, #tpu.memory_space<vmem>>, vector<16xi32>,
      %swap3A_759 = vector.shape_cast %swap3A_758 : vector<16xi32> to vector<16xi32>
      %swap3A_760 = vector.shape_cast %select_n3A_744 : vector<16xi32> to vector<16xi32>
      tpu.vector_store %arg9[%swap3A_757], %swap3A_760 {strides = array<i32>} : memref<32xi32, #tpu.memory_space<vmem>>, vector<16xi32>,
      %get3A_761 = arith.constant 4 : index
      %get3A_762 = tpu.vector_load %arg8[%get3A_761] {strides = array<i32>} : memref<32xf32, #tpu.memory_space<vmem>>, vector<16xf32>,
      %get3A_763 = vector.shape_cast %get3A_762 : vector<16xf32> to vector<16xf32>
      %get3A_764 = arith.constant 4 : index
      %get3A_765 = tpu.vector_load %arg9[%get3A_764] {strides = array<i32>} : memref<32xi32, #tpu.memory_space<vmem>>, vector<16xi32>,
      %get3A_766 = vector.shape_cast %get3A_765 : vector<16xi32> to vector<16xi32>
      %lt3A_767 = arith.cmpf olt, %get3A_763, %select_n3A_743 : vector<16xf32>
      %eq3A_768 = arith.cmpf oeq, %get3A_763, %select_n3A_743 : vector<16xf32>
      %lt3A_769 = arith.cmpi slt, %get3A_766, %select_n3A_744 : vector<16xi32>
      %and3A_770 = arith.andi %eq3A_768, %lt3A_769 : vector<16xi1>
      %or3A_771 = arith.ori %lt3A_767, %and3A_770 : vector<16xi1>
      %select_n3A_772 = arith.select %or3A_771, %get3A_763, %select_n3A_743 : vector<16xi1>, vector<16xf32>
      %select_n3A_773 = arith.select %or3A_771, %get3A_766, %select_n3A_744 : vector<16xi1>, vector<16xi32>
      %swap3A_774 = arith.constant 0 : index
      %swap3A_775 = tpu.vector_load %arg8[%swap3A_774] {strides = array<i32>} : memref<32xf32, #tpu.memory_space<vmem>>, vector<16xf32>,
      %swap3A_776 = vector.shape_cast %swap3A_775 : vector<16xf32> to vector<16xf32>
      %swap3A_777 = vector.shape_cast %select_n3A_772 : vector<16xf32> to vector<16xf32>
      tpu.vector_store %arg8[%swap3A_774], %swap3A_777 {strides = array<i32>} : memref<32xf32, #tpu.memory_space<vmem>>, vector<16xf32>,
      %swap3A_778 = arith.constant 16 : index
      %swap3A_779 = tpu.vector_load %arg8[%swap3A_778] {strides = array<i32>} : memref<32xf32, #tpu.memory_space<vmem>>, vector<16xf32>,
      %swap3A_780 = vector.shape_cast %swap3A_779 : vector<16xf32> to vector<16xf32>
      %swap3A_781 = vector.shape_cast %select_n3A_772 : vector<16xf32> to vector<16xf32>
      tpu.vector_store %arg8[%swap3A_778], %swap3A_781 {strides = array<i32>} : memref<32xf32, #tpu.memory_space<vmem>>, vector<16xf32>,
      %swap3A_782 = arith.constant 0 : index
      %swap3A_783 = tpu.vector_load %arg9[%swap3A_782] {strides = array<i32>} : memref<32xi32, #tpu.memory_space<vmem>>, vector<16xi32>,
      %swap3A_784 = vector.shape_cast %swap3A_783 : vector<16xi32> to vector<16xi32>
      %swap3A_785 = vector.shape_cast %select_n3A_773 : vector<16xi32> to vector<16xi32>
      tpu.vector_store %arg9[%swap3A_782], %swap3A_785 {strides = array<i32>} : memref<32xi32, #tpu.memory_space<vmem>>, vector<16xi32>,
      %swap3A_786 = arith.constant 16 : index
      %swap3A_787 = tpu.vector_load %arg9[%swap3A_786] {strides = array<i32>} : memref<32xi32, #tpu.memory_space<vmem>>, vector<16xi32>,
      %swap3A_788 = vector.shape_cast %swap3A_787 : vector<16xi32> to vector<16xi32>
      %swap3A_789 = vector.shape_cast %select_n3A_773 : vector<16xi32> to vector<16xi32>
      tpu.vector_store %arg9[%swap3A_786], %swap3A_789 {strides = array<i32>} : memref<32xi32, #tpu.memory_space<vmem>>, vector<16xi32>,
      %get3A_790 = arith.constant 2 : index
      %get3A_791 = tpu.vector_load %arg8[%get3A_790] {strides = array<i32>} : memref<32xf32, #tpu.memory_space<vmem>>, vector<16xf32>,
      %get3A_792 = vector.shape_cast %get3A_791 : vector<16xf32> to vector<16xf32>
      %get3A_793 = arith.constant 2 : index
      %get3A_794 = tpu.vector_load %arg9[%get3A_793] {strides = array<i32>} : memref<32xi32, #tpu.memory_space<vmem>>, vector<16xi32>,
      %get3A_795 = vector.shape_cast %get3A_794 : vector<16xi32> to vector<16xi32>
      %lt3A_796 = arith.cmpf olt, %get3A_792, %select_n3A_772 : vector<16xf32>
      %eq3A_797 = arith.cmpf oeq, %get3A_792, %select_n3A_772 : vector<16xf32>
      %lt3A_798 = arith.cmpi slt, %get3A_795, %select_n3A_773 : vector<16xi32>
      %and3A_799 = arith.andi %eq3A_797, %lt3A_798 : vector<16xi1>
      %or3A_800 = arith.ori %lt3A_796, %and3A_799 : vector<16xi1>
      %select_n3A_801 = arith.select %or3A_800, %get3A_792, %select_n3A_772 : vector<16xi1>, vector<16xf32>
      %select_n3A_802 = arith.select %or3A_800, %get3A_795, %select_n3A_773 : vector<16xi1>, vector<16xi32>
      %swap3A_803 = arith.constant 0 : index
      %swap3A_804 = tpu.vector_load %arg8[%swap3A_803] {strides = array<i32>} : memref<32xf32, #tpu.memory_space<vmem>>, vector<16xf32>,
      %swap3A_805 = vector.shape_cast %swap3A_804 : vector<16xf32> to vector<16xf32>
      %swap3A_806 = vector.shape_cast %select_n3A_801 : vector<16xf32> to vector<16xf32>
      tpu.vector_store %arg8[%swap3A_803], %swap3A_806 {strides = array<i32>} : memref<32xf32, #tpu.memory_space<vmem>>, vector<16xf32>,
      %swap3A_807 = arith.constant 16 : index
      %swap3A_808 = tpu.vector_load %arg8[%swap3A_807] {strides = array<i32>} : memref<32xf32, #tpu.memory_space<vmem>>, vector<16xf32>,
      %swap3A_809 = vector.shape_cast %swap3A_808 : vector<16xf32> to vector<16xf32>
      %swap3A_810 = vector.shape_cast %select_n3A_801 : vector<16xf32> to vector<16xf32>
      tpu.vector_store %arg8[%swap3A_807], %swap3A_810 {strides = array<i32>} : memref<32xf32, #tpu.memory_space<vmem>>, vector<16xf32>,
      %swap3A_811 = arith.constant 0 : index
      %swap3A_812 = tpu.vector_load %arg9[%swap3A_811] {strides = array<i32>} : memref<32xi32, #tpu.memory_space<vmem>>, vector<16xi32>,
      %swap3A_813 = vector.shape_cast %swap3A_812 : vector<16xi32> to vector<16xi32>
      %swap3A_814 = vector.shape_cast %select_n3A_802 : vector<16xi32> to vector<16xi32>
      tpu.vector_store %arg9[%swap3A_811], %swap3A_814 {strides = array<i32>} : memref<32xi32, #tpu.memory_space<vmem>>, vector<16xi32>,
      %swap3A_815 = arith.constant 16 : index
      %swap3A_816 = tpu.vector_load %arg9[%swap3A_815] {strides = array<i32>} : memref<32xi32, #tpu.memory_space<vmem>>, vector<16xi32>,
      %swap3A_817 = vector.shape_cast %swap3A_816 : vector<16xi32> to vector<16xi32>
      %swap3A_818 = vector.shape_cast %select_n3A_802 : vector<16xi32> to vector<16xi32>
      tpu.vector_store %arg9[%swap3A_815], %swap3A_818 {strides = array<i32>} : memref<32xi32, #tpu.memory_space<vmem>>, vector<16xi32>,
      %get3A_819 = arith.constant 1 : index
      %get3A_820 = tpu.vector_load %arg8[%get3A_819] {strides = array<i32>} : memref<32xf32, #tpu.memory_space<vmem>>, vector<16xf32>,
      %get3A_821 = vector.shape_cast %get3A_820 : vector<16xf32> to vector<16xf32>
      %get3A_822 = arith.constant 1 : index
      %get3A_823 = tpu.vector_load %arg9[%get3A_822] {strides = array<i32>} : memref<32xi32, #tpu.memory_space<vmem>>, vector<16xi32>,
      %get3A_824 = vector.shape_cast %get3A_823 : vector<16xi32> to vector<16xi32>
      %lt3A_825 = arith.cmpf olt, %get3A_821, %select_n3A_801 : vector<16xf32>
      %eq3A_826 = arith.cmpf oeq, %get3A_821, %select_n3A_801 : vector<16xf32>
      %lt3A_827 = arith.cmpi slt, %get3A_824, %select_n3A_802 : vector<16xi32>
      %and3A_828 = arith.andi %eq3A_826, %lt3A_827 : vector<16xi1>
      %or3A_829 = arith.ori %lt3A_825, %and3A_828 : vector<16xi1>
      %select_n3A_830 = arith.select %or3A_829, %get3A_821, %select_n3A_801 : vector<16xi1>, vector<16xf32>
      %select_n3A_831 = arith.select %or3A_829, %get3A_824, %select_n3A_802 : vector<16xi1>, vector<16xi32>
      %eq3A_832 = arith.constant 5 : i32
      %eq3A_833 = vector.broadcast %eq3A_832 : i32 to vector<16xi32>
      %eq3A_834 = arith.cmpi eq, %iota3A, %eq3A_833 : vector<16xi32>
      %select_n3A_835 = arith.select %eq3A_834, %select_n3A_831, %select_n3A_715 : vector<16xi1>, vector<16xi32>
      %swap3A_836 = arith.constant 0 : index
      %swap3A_837 = tpu.vector_load %arg8[%swap3A_836] {strides = array<i32>} : memref<32xf32, #tpu.memory_space<vmem>>, vector<16xf32>,
      %swap3A_838 = vector.shape_cast %swap3A_837 : vector<16xf32> to vector<16xf32>
      %swap3A_839 = vector.shape_cast %scan3A_594#2 : vector<16xf32> to vector<16xf32>
      tpu.vector_store %arg8[%swap3A_836], %swap3A_839 {strides = array<i32>} : memref<32xf32, #tpu.memory_space<vmem>>, vector<16xf32>,
      %swap3A_840 = arith.constant 16 : index
      %swap3A_841 = tpu.vector_load %arg8[%swap3A_840] {strides = array<i32>} : memref<32xf32, #tpu.memory_space<vmem>>, vector<16xf32>,
      %swap3A_842 = vector.shape_cast %swap3A_841 : vector<16xf32> to vector<16xf32>
      %swap3A_843 = vector.shape_cast %scan3A_594#2 : vector<16xf32> to vector<16xf32>
      tpu.vector_store %arg8[%swap3A_840], %swap3A_843 {strides = array<i32>} : memref<32xf32, #tpu.memory_space<vmem>>, vector<16xf32>,
      %swap3A_844 = arith.constant 0 : index
      %swap3A_845 = tpu.vector_load %arg9[%swap3A_844] {strides = array<i32>} : memref<32xi32, #tpu.memory_space<vmem>>, vector<16xi32>,
      %swap3A_846 = vector.shape_cast %swap3A_845 : vector<16xi32> to vector<16xi32>
      %swap3A_847 = vector.shape_cast %scan3A_594#6 : vector<16xi32> to vector<16xi32>
      tpu.vector_store %arg9[%swap3A_844], %swap3A_847 {strides = array<i32>} : memref<32xi32, #tpu.memory_space<vmem>>, vector<16xi32>,
      %swap3A_848 = arith.constant 16 : index
      %swap3A_849 = tpu.vector_load %arg9[%swap3A_848] {strides = array<i32>} : memref<32xi32, #tpu.memory_space<vmem>>, vector<16xi32>,
      %swap3A_850 = vector.shape_cast %swap3A_849 : vector<16xi32> to vector<16xi32>
      %swap3A_851 = vector.shape_cast %scan3A_594#6 : vector<16xi32> to vector<16xi32>
      tpu.vector_store %arg9[%swap3A_848], %swap3A_851 {strides = array<i32>} : memref<32xi32, #tpu.memory_space<vmem>>, vector<16xi32>,
      %get3A_852 = arith.constant 8 : index
      %get3A_853 = tpu.vector_load %arg8[%get3A_852] {strides = array<i32>} : memref<32xf32, #tpu.memory_space<vmem>>, vector<16xf32>,
      %get3A_854 = vector.shape_cast %get3A_853 : vector<16xf32> to vector<16xf32>
      %get3A_855 = arith.constant 8 : index
      %get3A_856 = tpu.vector_load %arg9[%get3A_855] {strides = array<i32>} : memref<32xi32, #tpu.memory_space<vmem>>, vector<16xi32>,
      %get3A_857 = vector.shape_cast %get3A_856 : vector<16xi32> to vector<16xi32>
      %lt3A_858 = arith.cmpf olt, %get3A_854, %scan3A_594#2 : vector<16xf32>
      %eq3A_859 = arith.cmpf oeq, %get3A_854, %scan3A_594#2 : vector<16xf32>
      %lt3A_860 = arith.cmpi slt, %get3A_857, %scan3A_594#6 : vector<16xi32>
      %and3A_861 = arith.andi %eq3A_859, %lt3A_860 : vector<16xi1>
      %or3A_862 = arith.ori %lt3A_858, %and3A_861 : vector<16xi1>
      %select_n3A_863 = arith.select %or3A_862, %get3A_854, %scan3A_594#2 : vector<16xi1>, vector<16xf32>
      %select_n3A_864 = arith.select %or3A_862, %get3A_857, %scan3A_594#6 : vector<16xi1>, vector<16xi32>
      %swap3A_865 = arith.constant 0 : index
      %swap3A_866 = tpu.vector_load %arg8[%swap3A_865] {strides = array<i32>} : memref<32xf32, #tpu.memory_space<vmem>>, vector<16xf32>,
      %swap3A_867 = vector.shape_cast %swap3A_866 : vector<16xf32> to vector<16xf32>
      %swap3A_868 = vector.shape_cast %select_n3A_863 : vector<16xf32> to vector<16xf32>
      tpu.vector_store %arg8[%swap3A_865], %swap3A_868 {strides = array<i32>} : memref<32xf32, #tpu.memory_space<vmem>>, vector<16xf32>,
      %swap3A_869 = arith.constant 16 : index
      %swap3A_870 = tpu.vector_load %arg8[%swap3A_869] {strides = array<i32>} : memref<32xf32, #tpu.memory_space<vmem>>, vector<16xf32>,
      %swap3A_871 = vector.shape_cast %swap3A_870 : vector<16xf32> to vector<16xf32>
      %swap3A_872 = vector.shape_cast %select_n3A_863 : vector<16xf32> to vector<16xf32>
      tpu.vector_store %arg8[%swap3A_869], %swap3A_872 {strides = array<i32>} : memref<32xf32, #tpu.memory_space<vmem>>, vector<16xf32>,
      %swap3A_873 = arith.constant 0 : index
      %swap3A_874 = tpu.vector_load %arg9[%swap3A_873] {strides = array<i32>} : memref<32xi32, #tpu.memory_space<vmem>>, vector<16xi32>,
      %swap3A_875 = vector.shape_cast %swap3A_874 : vector<16xi32> to vector<16xi32>
      %swap3A_876 = vector.shape_cast %select_n3A_864 : vector<16xi32> to vector<16xi32>
      tpu.vector_store %arg9[%swap3A_873], %swap3A_876 {strides = array<i32>} : memref<32xi32, #tpu.memory_space<vmem>>, vector<16xi32>,
      %swap3A_877 = arith.constant 16 : index
      %swap3A_878 = tpu.vector_load %arg9[%swap3A_877] {strides = array<i32>} : memref<32xi32, #tpu.memory_space<vmem>>, vector<16xi32>,
      %swap3A_879 = vector.shape_cast %swap3A_878 : vector<16xi32> to vector<16xi32>
      %swap3A_880 = vector.shape_cast %select_n3A_864 : vector<16xi32> to vector<16xi32>
      tpu.vector_store %arg9[%swap3A_877], %swap3A_880 {strides = array<i32>} : memref<32xi32, #tpu.memory_space<vmem>>, vector<16xi32>,
      %get3A_881 = arith.constant 4 : index
      %get3A_882 = tpu.vector_load %arg8[%get3A_881] {strides = array<i32>} : memref<32xf32, #tpu.memory_space<vmem>>, vector<16xf32>,
      %get3A_883 = vector.shape_cast %get3A_882 : vector<16xf32> to vector<16xf32>
      %get3A_884 = arith.constant 4 : index
      %get3A_885 = tpu.vector_load %arg9[%get3A_884] {strides = array<i32>} : memref<32xi32, #tpu.memory_space<vmem>>, vector<16xi32>,
      %get3A_886 = vector.shape_cast %get3A_885 : vector<16xi32> to vector<16xi32>
      %lt3A_887 = arith.cmpf olt, %get3A_883, %select_n3A_863 : vector<16xf32>
      %eq3A_888 = arith.cmpf oeq, %get3A_883, %select_n3A_863 : vector<16xf32>
      %lt3A_889 = arith.cmpi slt, %get3A_886, %select_n3A_864 : vector<16xi32>
      %and3A_890 = arith.andi %eq3A_888, %lt3A_889 : vector<16xi1>
      %or3A_891 = arith.ori %lt3A_887, %and3A_890 : vector<16xi1>
      %select_n3A_892 = arith.select %or3A_891, %get3A_883, %select_n3A_863 : vector<16xi1>, vector<16xf32>
      %select_n3A_893 = arith.select %or3A_891, %get3A_886, %select_n3A_864 : vector<16xi1>, vector<16xi32>
      %swap3A_894 = arith.constant 0 : index
      %swap3A_895 = tpu.vector_load %arg8[%swap3A_894] {strides = array<i32>} : memref<32xf32, #tpu.memory_space<vmem>>, vector<16xf32>,
      %swap3A_896 = vector.shape_cast %swap3A_895 : vector<16xf32> to vector<16xf32>
      %swap3A_897 = vector.shape_cast %select_n3A_892 : vector<16xf32> to vector<16xf32>
      tpu.vector_store %arg8[%swap3A_894], %swap3A_897 {strides = array<i32>} : memref<32xf32, #tpu.memory_space<vmem>>, vector<16xf32>,
      %swap3A_898 = arith.constant 16 : index
      %swap3A_899 = tpu.vector_load %arg8[%swap3A_898] {strides = array<i32>} : memref<32xf32, #tpu.memory_space<vmem>>, vector<16xf32>,
      %swap3A_900 = vector.shape_cast %swap3A_899 : vector<16xf32> to vector<16xf32>
      %swap3A_901 = vector.shape_cast %select_n3A_892 : vector<16xf32> to vector<16xf32>
      tpu.vector_store %arg8[%swap3A_898], %swap3A_901 {strides = array<i32>} : memref<32xf32, #tpu.memory_space<vmem>>, vector<16xf32>,
      %swap3A_902 = arith.constant 0 : index
      %swap3A_903 = tpu.vector_load %arg9[%swap3A_902] {strides = array<i32>} : memref<32xi32, #tpu.memory_space<vmem>>, vector<16xi32>,
      %swap3A_904 = vector.shape_cast %swap3A_903 : vector<16xi32> to vector<16xi32>
      %swap3A_905 = vector.shape_cast %select_n3A_893 : vector<16xi32> to vector<16xi32>
      tpu.vector_store %arg9[%swap3A_902], %swap3A_905 {strides = array<i32>} : memref<32xi32, #tpu.memory_space<vmem>>, vector<16xi32>,
      %swap3A_906 = arith.constant 16 : index
      %swap3A_907 = tpu.vector_load %arg9[%swap3A_906] {strides = array<i32>} : memref<32xi32, #tpu.memory_space<vmem>>, vector<16xi32>,
      %swap3A_908 = vector.shape_cast %swap3A_907 : vector<16xi32> to vector<16xi32>
      %swap3A_909 = vector.shape_cast %select_n3A_893 : vector<16xi32> to vector<16xi32>
      tpu.vector_store %arg9[%swap3A_906], %swap3A_909 {strides = array<i32>} : memref<32xi32, #tpu.memory_space<vmem>>, vector<16xi32>,
      %get3A_910 = arith.constant 2 : index
      %get3A_911 = tpu.vector_load %arg8[%get3A_910] {strides = array<i32>} : memref<32xf32, #tpu.memory_space<vmem>>, vector<16xf32>,
      %get3A_912 = vector.shape_cast %get3A_911 : vector<16xf32> to vector<16xf32>
      %get3A_913 = arith.constant 2 : index
      %get3A_914 = tpu.vector_load %arg9[%get3A_913] {strides = array<i32>} : memref<32xi32, #tpu.memory_space<vmem>>, vector<16xi32>,
      %get3A_915 = vector.shape_cast %get3A_914 : vector<16xi32> to vector<16xi32>
      %lt3A_916 = arith.cmpf olt, %get3A_912, %select_n3A_892 : vector<16xf32>
      %eq3A_917 = arith.cmpf oeq, %get3A_912, %select_n3A_892 : vector<16xf32>
      %lt3A_918 = arith.cmpi slt, %get3A_915, %select_n3A_893 : vector<16xi32>
      %and3A_919 = arith.andi %eq3A_917, %lt3A_918 : vector<16xi1>
      %or3A_920 = arith.ori %lt3A_916, %and3A_919 : vector<16xi1>
      %select_n3A_921 = arith.select %or3A_920, %get3A_912, %select_n3A_892 : vector<16xi1>, vector<16xf32>
      %select_n3A_922 = arith.select %or3A_920, %get3A_915, %select_n3A_893 : vector<16xi1>, vector<16xi32>
      %swap3A_923 = arith.constant 0 : index
      %swap3A_924 = tpu.vector_load %arg8[%swap3A_923] {strides = array<i32>} : memref<32xf32, #tpu.memory_space<vmem>>, vector<16xf32>,
      %swap3A_925 = vector.shape_cast %swap3A_924 : vector<16xf32> to vector<16xf32>
      %swap3A_926 = vector.shape_cast %select_n3A_921 : vector<16xf32> to vector<16xf32>
      tpu.vector_store %arg8[%swap3A_923], %swap3A_926 {strides = array<i32>} : memref<32xf32, #tpu.memory_space<vmem>>, vector<16xf32>,
      %swap3A_927 = arith.constant 16 : index
      %swap3A_928 = tpu.vector_load %arg8[%swap3A_927] {strides = array<i32>} : memref<32xf32, #tpu.memory_space<vmem>>, vector<16xf32>,
      %swap3A_929 = vector.shape_cast %swap3A_928 : vector<16xf32> to vector<16xf32>
      %swap3A_930 = vector.shape_cast %select_n3A_921 : vector<16xf32> to vector<16xf32>
      tpu.vector_store %arg8[%swap3A_927], %swap3A_930 {strides = array<i32>} : memref<32xf32, #tpu.memory_space<vmem>>, vector<16xf32>,
      %swap3A_931 = arith.constant 0 : index
      %swap3A_932 = tpu.vector_load %arg9[%swap3A_931] {strides = array<i32>} : memref<32xi32, #tpu.memory_space<vmem>>, vector<16xi32>,
      %swap3A_933 = vector.shape_cast %swap3A_932 : vector<16xi32> to vector<16xi32>
      %swap3A_934 = vector.shape_cast %select_n3A_922 : vector<16xi32> to vector<16xi32>
      tpu.vector_store %arg9[%swap3A_931], %swap3A_934 {strides = array<i32>} : memref<32xi32, #tpu.memory_space<vmem>>, vector<16xi32>,
      %swap3A_935 = arith.constant 16 : index
      %swap3A_936 = tpu.vector_load %arg9[%swap3A_935] {strides = array<i32>} : memref<32xi32, #tpu.memory_space<vmem>>, vector<16xi32>,
      %swap3A_937 = vector.shape_cast %swap3A_936 : vector<16xi32> to vector<16xi32>
      %swap3A_938 = vector.shape_cast %select_n3A_922 : vector<16xi32> to vector<16xi32>
      tpu.vector_store %arg9[%swap3A_935], %swap3A_938 {strides = array<i32>} : memref<32xi32, #tpu.memory_space<vmem>>, vector<16xi32>,
      %get3A_939 = arith.constant 1 : index
      %get3A_940 = tpu.vector_load %arg8[%get3A_939] {strides = array<i32>} : memref<32xf32, #tpu.memory_space<vmem>>, vector<16xf32>,
      %get3A_941 = vector.shape_cast %get3A_940 : vector<16xf32> to vector<16xf32>
      %get3A_942 = arith.constant 1 : index
      %get3A_943 = tpu.vector_load %arg9[%get3A_942] {strides = array<i32>} : memref<32xi32, #tpu.memory_space<vmem>>, vector<16xi32>,
      %get3A_944 = vector.shape_cast %get3A_943 : vector<16xi32> to vector<16xi32>
      %lt3A_945 = arith.cmpf olt, %get3A_941, %select_n3A_921 : vector<16xf32>
      %eq3A_946 = arith.cmpf oeq, %get3A_941, %select_n3A_921 : vector<16xf32>
      %lt3A_947 = arith.cmpi slt, %get3A_944, %select_n3A_922 : vector<16xi32>
      %and3A_948 = arith.andi %eq3A_946, %lt3A_947 : vector<16xi1>
      %or3A_949 = arith.ori %lt3A_945, %and3A_948 : vector<16xi1>
      %select_n3A_950 = arith.select %or3A_949, %get3A_941, %select_n3A_921 : vector<16xi1>, vector<16xf32>
      %select_n3A_951 = arith.select %or3A_949, %get3A_944, %select_n3A_922 : vector<16xi1>, vector<16xi32>
      %eq3A_952 = arith.constant 6 : i32
      %eq3A_953 = vector.broadcast %eq3A_952 : i32 to vector<16xi32>
      %eq3A_954 = arith.cmpi eq, %iota3A, %eq3A_953 : vector<16xi32>
      %select_n3A_955 = arith.select %eq3A_954, %select_n3A_951, %select_n3A_835 : vector<16xi1>, vector<16xi32>
      %swap3A_956 = arith.constant 0 : index
      %swap3A_957 = tpu.vector_load %arg8[%swap3A_956] {strides = array<i32>} : memref<32xf32, #tpu.memory_space<vmem>>, vector<16xf32>,
      %swap3A_958 = vector.shape_cast %swap3A_957 : vector<16xf32> to vector<16xf32>
      %swap3A_959 = vector.shape_cast %scan3A_594#3 : vector<16xf32> to vector<16xf32>
      tpu.vector_store %arg8[%swap3A_956], %swap3A_959 {strides = array<i32>} : memref<32xf32, #tpu.memory_space<vmem>>, vector<16xf32>,
      %swap3A_960 = arith.constant 16 : index
      %swap3A_961 = tpu.vector_load %arg8[%swap3A_960] {strides = array<i32>} : memref<32xf32, #tpu.memory_space<vmem>>, vector<16xf32>,
      %swap3A_962 = vector.shape_cast %swap3A_961 : vector<16xf32> to vector<16xf32>
      %swap3A_963 = vector.shape_cast %scan3A_594#3 : vector<16xf32> to vector<16xf32>
      tpu.vector_store %arg8[%swap3A_960], %swap3A_963 {strides = array<i32>} : memref<32xf32, #tpu.memory_space<vmem>>, vector<16xf32>,
      %swap3A_964 = arith.constant 0 : index
      %swap3A_965 = tpu.vector_load %arg9[%swap3A_964] {strides = array<i32>} : memref<32xi32, #tpu.memory_space<vmem>>, vector<16xi32>,
      %swap3A_966 = vector.shape_cast %swap3A_965 : vector<16xi32> to vector<16xi32>
      %swap3A_967 = vector.shape_cast %scan3A_594#7 : vector<16xi32> to vector<16xi32>
      tpu.vector_store %arg9[%swap3A_964], %swap3A_967 {strides = array<i32>} : memref<32xi32, #tpu.memory_space<vmem>>, vector<16xi32>,
      %swap3A_968 = arith.constant 16 : index
      %swap3A_969 = tpu.vector_load %arg9[%swap3A_968] {strides = array<i32>} : memref<32xi32, #tpu.memory_space<vmem>>, vector<16xi32>,
      %swap3A_970 = vector.shape_cast %swap3A_969 : vector<16xi32> to vector<16xi32>
      %swap3A_971 = vector.shape_cast %scan3A_594#7 : vector<16xi32> to vector<16xi32>
      tpu.vector_store %arg9[%swap3A_968], %swap3A_971 {strides = array<i32>} : memref<32xi32, #tpu.memory_space<vmem>>, vector<16xi32>,
      %get3A_972 = arith.constant 8 : index
      %get3A_973 = tpu.vector_load %arg8[%get3A_972] {strides = array<i32>} : memref<32xf32, #tpu.memory_space<vmem>>, vector<16xf32>,
      %get3A_974 = vector.shape_cast %get3A_973 : vector<16xf32> to vector<16xf32>
      %get3A_975 = arith.constant 8 : index
      %get3A_976 = tpu.vector_load %arg9[%get3A_975] {strides = array<i32>} : memref<32xi32, #tpu.memory_space<vmem>>, vector<16xi32>,
      %get3A_977 = vector.shape_cast %get3A_976 : vector<16xi32> to vector<16xi32>
      %lt3A_978 = arith.cmpf olt, %get3A_974, %scan3A_594#3 : vector<16xf32>
      %eq3A_979 = arith.cmpf oeq, %get3A_974, %scan3A_594#3 : vector<16xf32>
      %lt3A_980 = arith.cmpi slt, %get3A_977, %scan3A_594#7 : vector<16xi32>
      %and3A_981 = arith.andi %eq3A_979, %lt3A_980 : vector<16xi1>
      %or3A_982 = arith.ori %lt3A_978, %and3A_981 : vector<16xi1>
      %select_n3A_983 = arith.select %or3A_982, %get3A_974, %scan3A_594#3 : vector<16xi1>, vector<16xf32>
      %select_n3A_984 = arith.select %or3A_982, %get3A_977, %scan3A_594#7 : vector<16xi1>, vector<16xi32>
      %swap3A_985 = arith.constant 0 : index
      %swap3A_986 = tpu.vector_load %arg8[%swap3A_985] {strides = array<i32>} : memref<32xf32, #tpu.memory_space<vmem>>, vector<16xf32>,
      %swap3A_987 = vector.shape_cast %swap3A_986 : vector<16xf32> to vector<16xf32>
      %swap3A_988 = vector.shape_cast %select_n3A_983 : vector<16xf32> to vector<16xf32>
      tpu.vector_store %arg8[%swap3A_985], %swap3A_988 {strides = array<i32>} : memref<32xf32, #tpu.memory_space<vmem>>, vector<16xf32>,
      %swap3A_989 = arith.constant 16 : index
      %swap3A_990 = tpu.vector_load %arg8[%swap3A_989] {strides = array<i32>} : memref<32xf32, #tpu.memory_space<vmem>>, vector<16xf32>,
      %swap3A_991 = vector.shape_cast %swap3A_990 : vector<16xf32> to vector<16xf32>
      %swap3A_992 = vector.shape_cast %select_n3A_983 : vector<16xf32> to vector<16xf32>
      tpu.vector_store %arg8[%swap3A_989], %swap3A_992 {strides = array<i32>} : memref<32xf32, #tpu.memory_space<vmem>>, vector<16xf32>,
      %swap3A_993 = arith.constant 0 : index
      %swap3A_994 = tpu.vector_load %arg9[%swap3A_993] {strides = array<i32>} : memref<32xi32, #tpu.memory_space<vmem>>, vector<16xi32>,
      %swap3A_995 = vector.shape_cast %swap3A_994 : vector<16xi32> to vector<16xi32>
      %swap3A_996 = vector.shape_cast %select_n3A_984 : vector<16xi32> to vector<16xi32>
      tpu.vector_store %arg9[%swap3A_993], %swap3A_996 {strides = array<i32>} : memref<32xi32, #tpu.memory_space<vmem>>, vector<16xi32>,
      %swap3A_997 = arith.constant 16 : index
      %swap3A_998 = tpu.vector_load %arg9[%swap3A_997] {strides = array<i32>} : memref<32xi32, #tpu.memory_space<vmem>>, vector<16xi32>,
      %swap3A_999 = vector.shape_cast %swap3A_998 : vector<16xi32> to vector<16xi32>
      %swap3A_1000 = vector.shape_cast %select_n3A_984 : vector<16xi32> to vector<16xi32>
      tpu.vector_store %arg9[%swap3A_997], %swap3A_1000 {strides = array<i32>} : memref<32xi32, #tpu.memory_space<vmem>>, vector<16xi32>,
      %get3A_1001 = arith.constant 4 : index
      %get3A_1002 = tpu.vector_load %arg8[%get3A_1001] {strides = array<i32>} : memref<32xf32, #tpu.memory_space<vmem>>, vector<16xf32>,
      %get3A_1003 = vector.shape_cast %get3A_1002 : vector<16xf32> to vector<16xf32>
      %get3A_1004 = arith.constant 4 : index
      %get3A_1005 = tpu.vector_load %arg9[%get3A_1004] {strides = array<i32>} : memref<32xi32, #tpu.memory_space<vmem>>, vector<16xi32>,
      %get3A_1006 = vector.shape_cast %get3A_1005 : vector<16xi32> to vector<16xi32>
      %lt3A_1007 = arith.cmpf olt, %get3A_1003, %select_n3A_983 : vector<16xf32>
      %eq3A_1008 = arith.cmpf oeq, %get3A_1003, %select_n3A_983 : vector<16xf32>
      %lt3A_1009 = arith.cmpi slt, %get3A_1006, %select_n3A_984 : vector<16xi32>
      %and3A_1010 = arith.andi %eq3A_1008, %lt3A_1009 : vector<16xi1>
      %or3A_1011 = arith.ori %lt3A_1007, %and3A_1010 : vector<16xi1>
      %select_n3A_1012 = arith.select %or3A_1011, %get3A_1003, %select_n3A_983 : vector<16xi1>, vector<16xf32>
      %select_n3A_1013 = arith.select %or3A_1011, %get3A_1006, %select_n3A_984 : vector<16xi1>, vector<16xi32>
      %swap3A_1014 = arith.constant 0 : index
      %swap3A_1015 = tpu.vector_load %arg8[%swap3A_1014] {strides = array<i32>} : memref<32xf32, #tpu.memory_space<vmem>>, vector<16xf32>,
      %swap3A_1016 = vector.shape_cast %swap3A_1015 : vector<16xf32> to vector<16xf32>
      %swap3A_1017 = vector.shape_cast %select_n3A_1012 : vector<16xf32> to vector<16xf32>
      tpu.vector_store %arg8[%swap3A_1014], %swap3A_1017 {strides = array<i32>} : memref<32xf32, #tpu.memory_space<vmem>>, vector<16xf32>,
      %swap3A_1018 = arith.constant 16 : index
      %swap3A_1019 = tpu.vector_load %arg8[%swap3A_1018] {strides = array<i32>} : memref<32xf32, #tpu.memory_space<vmem>>, vector<16xf32>,
      %swap3A_1020 = vector.shape_cast %swap3A_1019 : vector<16xf32> to vector<16xf32>
      %swap3A_1021 = vector.shape_cast %select_n3A_1012 : vector<16xf32> to vector<16xf32>
      tpu.vector_store %arg8[%swap3A_1018], %swap3A_1021 {strides = array<i32>} : memref<32xf32, #tpu.memory_space<vmem>>, vector<16xf32>,
      %swap3A_1022 = arith.constant 0 : index
      %swap3A_1023 = tpu.vector_load %arg9[%swap3A_1022] {strides = array<i32>} : memref<32xi32, #tpu.memory_space<vmem>>, vector<16xi32>,
      %swap3A_1024 = vector.shape_cast %swap3A_1023 : vector<16xi32> to vector<16xi32>
      %swap3A_1025 = vector.shape_cast %select_n3A_1013 : vector<16xi32> to vector<16xi32>
      tpu.vector_store %arg9[%swap3A_1022], %swap3A_1025 {strides = array<i32>} : memref<32xi32, #tpu.memory_space<vmem>>, vector<16xi32>,
      %swap3A_1026 = arith.constant 16 : index
      %swap3A_1027 = tpu.vector_load %arg9[%swap3A_1026] {strides = array<i32>} : memref<32xi32, #tpu.memory_space<vmem>>, vector<16xi32>,
      %swap3A_1028 = vector.shape_cast %swap3A_1027 : vector<16xi32> to vector<16xi32>
      %swap3A_1029 = vector.shape_cast %select_n3A_1013 : vector<16xi32> to vector<16xi32>
      tpu.vector_store %arg9[%swap3A_1026], %swap3A_1029 {strides = array<i32>} : memref<32xi32, #tpu.memory_space<vmem>>, vector<16xi32>,
      %get3A_1030 = arith.constant 2 : index
      %get3A_1031 = tpu.vector_load %arg8[%get3A_1030] {strides = array<i32>} : memref<32xf32, #tpu.memory_space<vmem>>, vector<16xf32>,
      %get3A_1032 = vector.shape_cast %get3A_1031 : vector<16xf32> to vector<16xf32>
      %get3A_1033 = arith.constant 2 : index
      %get3A_1034 = tpu.vector_load %arg9[%get3A_1033] {strides = array<i32>} : memref<32xi32, #tpu.memory_space<vmem>>, vector<16xi32>,
      %get3A_1035 = vector.shape_cast %get3A_1034 : vector<16xi32> to vector<16xi32>
      %lt3A_1036 = arith.cmpf olt, %get3A_1032, %select_n3A_1012 : vector<16xf32>
      %eq3A_1037 = arith.cmpf oeq, %get3A_1032, %select_n3A_1012 : vector<16xf32>
      %lt3A_1038 = arith.cmpi slt, %get3A_1035, %select_n3A_1013 : vector<16xi32>
      %and3A_1039 = arith.andi %eq3A_1037, %lt3A_1038 : vector<16xi1>
      %or3A_1040 = arith.ori %lt3A_1036, %and3A_1039 : vector<16xi1>
      %select_n3A_1041 = arith.select %or3A_1040, %get3A_1032, %select_n3A_1012 : vector<16xi1>, vector<16xf32>
      %select_n3A_1042 = arith.select %or3A_1040, %get3A_1035, %select_n3A_1013 : vector<16xi1>, vector<16xi32>
      %swap3A_1043 = arith.constant 0 : index
      %swap3A_1044 = tpu.vector_load %arg8[%swap3A_1043] {strides = array<i32>} : memref<32xf32, #tpu.memory_space<vmem>>, vector<16xf32>,
      %swap3A_1045 = vector.shape_cast %swap3A_1044 : vector<16xf32> to vector<16xf32>
      %swap3A_1046 = vector.shape_cast %select_n3A_1041 : vector<16xf32> to vector<16xf32>
      tpu.vector_store %arg8[%swap3A_1043], %swap3A_1046 {strides = array<i32>} : memref<32xf32, #tpu.memory_space<vmem>>, vector<16xf32>,
      %swap3A_1047 = arith.constant 16 : index
      %swap3A_1048 = tpu.vector_load %arg8[%swap3A_1047] {strides = array<i32>} : memref<32xf32, #tpu.memory_space<vmem>>, vector<16xf32>,
      %swap3A_1049 = vector.shape_cast %swap3A_1048 : vector<16xf32> to vector<16xf32>
      %swap3A_1050 = vector.shape_cast %select_n3A_1041 : vector<16xf32> to vector<16xf32>
      tpu.vector_store %arg8[%swap3A_1047], %swap3A_1050 {strides = array<i32>} : memref<32xf32, #tpu.memory_space<vmem>>, vector<16xf32>,
      %swap3A_1051 = arith.constant 0 : index
      %swap3A_1052 = tpu.vector_load %arg9[%swap3A_1051] {strides = array<i32>} : memref<32xi32, #tpu.memory_space<vmem>>, vector<16xi32>,
      %swap3A_1053 = vector.shape_cast %swap3A_1052 : vector<16xi32> to vector<16xi32>
      %swap3A_1054 = vector.shape_cast %select_n3A_1042 : vector<16xi32> to vector<16xi32>
      tpu.vector_store %arg9[%swap3A_1051], %swap3A_1054 {strides = array<i32>} : memref<32xi32, #tpu.memory_space<vmem>>, vector<16xi32>,
      %swap3A_1055 = arith.constant 16 : index
      %swap3A_1056 = tpu.vector_load %arg9[%swap3A_1055] {strides = array<i32>} : memref<32xi32, #tpu.memory_space<vmem>>, vector<16xi32>,
      %swap3A_1057 = vector.shape_cast %swap3A_1056 : vector<16xi32> to vector<16xi32>
      %swap3A_1058 = vector.shape_cast %select_n3A_1042 : vector<16xi32> to vector<16xi32>
      tpu.vector_store %arg9[%swap3A_1055], %swap3A_1058 {strides = array<i32>} : memref<32xi32, #tpu.memory_space<vmem>>, vector<16xi32>,
      %get3A_1059 = arith.constant 1 : index
      %get3A_1060 = tpu.vector_load %arg8[%get3A_1059] {strides = array<i32>} : memref<32xf32, #tpu.memory_space<vmem>>, vector<16xf32>,
      %get3A_1061 = vector.shape_cast %get3A_1060 : vector<16xf32> to vector<16xf32>
      %get3A_1062 = arith.constant 1 : index
      %get3A_1063 = tpu.vector_load %arg9[%get3A_1062] {strides = array<i32>} : memref<32xi32, #tpu.memory_space<vmem>>, vector<16xi32>,
      %get3A_1064 = vector.shape_cast %get3A_1063 : vector<16xi32> to vector<16xi32>
      %lt3A_1065 = arith.cmpf olt, %get3A_1061, %select_n3A_1041 : vector<16xf32>
      %eq3A_1066 = arith.cmpf oeq, %get3A_1061, %select_n3A_1041 : vector<16xf32>
      %lt3A_1067 = arith.cmpi slt, %get3A_1064, %select_n3A_1042 : vector<16xi32>
      %and3A_1068 = arith.andi %eq3A_1066, %lt3A_1067 : vector<16xi1>
      %or3A_1069 = arith.ori %lt3A_1065, %and3A_1068 : vector<16xi1>
      %select_n3A_1070 = arith.select %or3A_1069, %get3A_1061, %select_n3A_1041 : vector<16xi1>, vector<16xf32>
      %select_n3A_1071 = arith.select %or3A_1069, %get3A_1064, %select_n3A_1042 : vector<16xi1>, vector<16xi32>
      %eq3A_1072 = arith.constant 7 : i32
      %eq3A_1073 = vector.broadcast %eq3A_1072 : i32 to vector<16xi32>
      %eq3A_1074 = arith.cmpi eq, %iota3A, %eq3A_1073 : vector<16xi32>
      %select_n3A_1075 = arith.select %eq3A_1074, %select_n3A_1071, %select_n3A_955 : vector<16xi1>, vector<16xi32>
      %slice3A_1076 = vector.extract_strided_slice %get3A_32 {offsets = [8], sizes = [1], strides = [1]} : vector<16xf32> to vector<1xf32>
      %squeeze3A_1077 = vector.extract %slice3A_1076[0] : f32 from vector<1xf32>
      %broadcast_in_dim3A_1078 = vector.broadcast %squeeze3A_1077 : f32 to vector<16xf32>
      %slice3A_1079 = vector.extract_strided_slice %get3A_32 {offsets = [9], sizes = [1], strides = [1]} : vector<16xf32> to vector<1xf32>
      %squeeze3A_1080 = vector.extract %slice3A_1079[0] : f32 from vector<1xf32>
      %broadcast_in_dim3A_1081 = vector.broadcast %squeeze3A_1080 : f32 to vector<16xf32>
      %slice3A_1082 = vector.extract_strided_slice %get3A_32 {offsets = [10], sizes = [1], strides = [1]} : vector<16xf32> to vector<1xf32>
      %squeeze3A_1083 = vector.extract %slice3A_1082[0] : f32 from vector<1xf32>
      %broadcast_in_dim3A_1084 = vector.broadcast %squeeze3A_1083 : f32 to vector<16xf32>
      %slice3A_1085 = vector.extract_strided_slice %get3A_32 {offsets = [11], sizes = [1], strides = [1]} : vector<16xf32> to vector<1xf32>
      %squeeze3A_1086 = vector.extract %slice3A_1085[0] : f32 from vector<1xf32>
      %broadcast_in_dim3A_1087 = vector.broadcast %squeeze3A_1086 : f32 to vector<16xf32>
      %slice3A_1088 = vector.extract_strided_slice %get3A_32 {offsets = [12], sizes = [1], strides = [1]} : vector<16xf32> to vector<1xf32>
      %squeeze3A_1089 = vector.extract %slice3A_1088[0] : f32 from vector<1xf32>
      %broadcast_in_dim3A_1090 = vector.broadcast %squeeze3A_1089 : f32 to vector<16xf32>
      %slice3A_1091 = vector.extract_strided_slice %get3A_32 {offsets = [13], sizes = [1], strides = [1]} : vector<16xf32> to vector<1xf32>
      %squeeze3A_1092 = vector.extract %slice3A_1091[0] : f32 from vector<1xf32>
      %broadcast_in_dim3A_1093 = vector.broadcast %squeeze3A_1092 : f32 to vector<16xf32>
      %slice3A_1094 = vector.extract_strided_slice %get3A_32 {offsets = [14], sizes = [1], strides = [1]} : vector<16xf32> to vector<1xf32>
      %squeeze3A_1095 = vector.extract %slice3A_1094[0] : f32 from vector<1xf32>
      %broadcast_in_dim3A_1096 = vector.broadcast %squeeze3A_1095 : f32 to vector<16xf32>
      %slice3A_1097 = vector.extract_strided_slice %get3A_32 {offsets = [15], sizes = [1], strides = [1]} : vector<16xf32> to vector<1xf32>
      %squeeze3A_1098 = vector.extract %slice3A_1097[0] : f32 from vector<1xf32>
      %broadcast_in_dim3A_1099 = vector.broadcast %squeeze3A_1098 : f32 to vector<16xf32>
      %slice3A_1100 = vector.extract_strided_slice %get3A_39 {offsets = [0], sizes = [1], strides = [1]} : vector<16xf32> to vector<1xf32>
      %squeeze3A_1101 = vector.extract %slice3A_1100[0] : f32 from vector<1xf32>
      %broadcast_in_dim3A_1102 = vector.broadcast %squeeze3A_1101 : f32 to vector<16xf32>
      %slice3A_1103 = vector.extract_strided_slice %get3A_39 {offsets = [1], sizes = [1], strides = [1]} : vector<16xf32> to vector<1xf32>
      %squeeze3A_1104 = vector.extract %slice3A_1103[0] : f32 from vector<1xf32>
      %broadcast_in_dim3A_1105 = vector.broadcast %squeeze3A_1104 : f32 to vector<16xf32>
      %slice3A_1106 = vector.extract_strided_slice %get3A_39 {offsets = [2], sizes = [1], strides = [1]} : vector<16xf32> to vector<1xf32>
      %squeeze3A_1107 = vector.extract %slice3A_1106[0] : f32 from vector<1xf32>
      %broadcast_in_dim3A_1108 = vector.broadcast %squeeze3A_1107 : f32 to vector<16xf32>
      %slice3A_1109 = vector.extract_strided_slice %get3A_39 {offsets = [3], sizes = [1], strides = [1]} : vector<16xf32> to vector<1xf32>
      %squeeze3A_1110 = vector.extract %slice3A_1109[0] : f32 from vector<1xf32>
      %broadcast_in_dim3A_1111 = vector.broadcast %squeeze3A_1110 : f32 to vector<16xf32>
      %scan3A_1112 = arith.constant 0 : i32
      %scan3A_1113 = arith.constant 128 : i32
      %scan3A_1114 = arith.addi %scan3A_1112, %scan3A_1113 : i32
      %scan3A_1115 = arith.constant 1 : i32
      %scan3A_1116:8 = scf.for %scan3A_2127 = %scan3A_1112 to %scan3A_1114 step %scan3A_1115 iter_args(%scan3A_2128 = %broadcast_in_dim3A_7, %scan3A_2129 = %broadcast_in_dim3A_7, %scan3A_2130 = %broadcast_in_dim3A_7, %scan3A_2131 = %broadcast_in_dim3A_7, %scan3A_2132 = %broadcast_in_dim3A_9, %scan3A_2133 = %broadcast_in_dim3A_9, %scan3A_2134 = %broadcast_in_dim3A_9, %scan3A_2135 = %broadcast_in_dim3A_9) -> (vector<16xf32>, vector<16xf32>, vector<16xf32>, vector<16xf32>, vector<16xi32>, vector<16xi32>, vector<16xi32>, vector<16xi32>)  : i32 {
        %mul3A_2136 = arith.constant 4 : i32
        %mul3A_2137 = arith.muli %scan3A_2127, %mul3A_2136 : i32
        %add3A_2138 = arith.constant 0 : i32
        %add3A_2139 = arith.addi %mul3A_2137, %add3A_2138 : i32
        %mul3A_2140 = arith.constant 16 : i32
        %mul3A_2141 = arith.muli %add3A_2139, %mul3A_2140 : i32
        %get3A_2142 = arith.index_cast %mul3A_2141 : i32 to index
        %get3A_2143 = tpu.vector_load %arg6[%get3A_2142] {strides = array<i32>} : memref<24576xf32, #tpu.memory_space<vmem>>, vector<16xf32>,
        %get3A_2144 = vector.shape_cast %get3A_2143 : vector<16xf32> to vector<16xf32>
        %add3A_2145 = arith.constant 8192 : i32
        %add3A_2146 = arith.addi %add3A_2145, %mul3A_2141 : i32
        %get3A_2147 = arith.index_cast %add3A_2146 : i32 to index
        %get3A_2148 = tpu.vector_load %arg6[%get3A_2147] {strides = array<i32>} : memref<24576xf32, #tpu.memory_space<vmem>>, vector<16xf32>,
        %get3A_2149 = vector.shape_cast %get3A_2148 : vector<16xf32> to vector<16xf32>
        %add3A_2150 = arith.constant 16384 : i32
        %add3A_2151 = arith.addi %add3A_2150, %mul3A_2141 : i32
        %get3A_2152 = arith.index_cast %add3A_2151 : i32 to index
        %get3A_2153 = tpu.vector_load %arg6[%get3A_2152] {strides = array<i32>} : memref<24576xf32, #tpu.memory_space<vmem>>, vector<16xf32>,
        %get3A_2154 = vector.shape_cast %get3A_2153 : vector<16xf32> to vector<16xf32>
        %add3A_2155 = vector.broadcast %mul3A_2141 : i32 to vector<16xi32>
        %add3A_2156 = arith.addi %iota3A, %add3A_2155 : vector<16xi32>
        %sub3A = arith.subf %broadcast_in_dim3A_1078, %get3A_2144 : vector<16xf32>
        %sub3A_2157 = arith.subf %broadcast_in_dim3A_1081, %get3A_2149 : vector<16xf32>
        %sub3A_2158 = arith.subf %broadcast_in_dim3A_1084, %get3A_2154 : vector<16xf32>
        %mul3A_2159 = arith.mulf %sub3A, %sub3A : vector<16xf32>
        %mul3A_2160 = arith.mulf %sub3A_2157, %sub3A_2157 : vector<16xf32>
        %add3A_2161 = arith.addf %mul3A_2159, %mul3A_2160 : vector<16xf32>
        %mul3A_2162 = arith.mulf %sub3A_2158, %sub3A_2158 : vector<16xf32>
        %add3A_2163 = arith.addf %add3A_2161, %mul3A_2162 : vector<16xf32>
        %lt3A_2164 = arith.cmpf olt, %add3A_2163, %scan3A_2128 : vector<16xf32>
        %select_n3A_2165 = arith.select %lt3A_2164, %add3A_2163, %scan3A_2128 : vector<16xi1>, vector<16xf32>
        %select_n3A_2166 = arith.select %lt3A_2164, %add3A_2156, %scan3A_2132 : vector<16xi1>, vector<16xi32>
        %sub3A_2167 = arith.subf %broadcast_in_dim3A_1087, %get3A_2144 : vector<16xf32>
        %sub3A_2168 = arith.subf %broadcast_in_dim3A_1090, %get3A_2149 : vector<16xf32>
        %sub3A_2169 = arith.subf %broadcast_in_dim3A_1093, %get3A_2154 : vector<16xf32>
        %mul3A_2170 = arith.mulf %sub3A_2167, %sub3A_2167 : vector<16xf32>
        %mul3A_2171 = arith.mulf %sub3A_2168, %sub3A_2168 : vector<16xf32>
        %add3A_2172 = arith.addf %mul3A_2170, %mul3A_2171 : vector<16xf32>
        %mul3A_2173 = arith.mulf %sub3A_2169, %sub3A_2169 : vector<16xf32>
        %add3A_2174 = arith.addf %add3A_2172, %mul3A_2173 : vector<16xf32>
        %lt3A_2175 = arith.cmpf olt, %add3A_2174, %scan3A_2129 : vector<16xf32>
        %select_n3A_2176 = arith.select %lt3A_2175, %add3A_2174, %scan3A_2129 : vector<16xi1>, vector<16xf32>
        %select_n3A_2177 = arith.select %lt3A_2175, %add3A_2156, %scan3A_2133 : vector<16xi1>, vector<16xi32>
        %sub3A_2178 = arith.subf %broadcast_in_dim3A_1096, %get3A_2144 : vector<16xf32>
        %sub3A_2179 = arith.subf %broadcast_in_dim3A_1099, %get3A_2149 : vector<16xf32>
        %sub3A_2180 = arith.subf %broadcast_in_dim3A_1102, %get3A_2154 : vector<16xf32>
        %mul3A_2181 = arith.mulf %sub3A_2178, %sub3A_2178 : vector<16xf32>
        %mul3A_2182 = arith.mulf %sub3A_2179, %sub3A_2179 : vector<16xf32>
        %add3A_2183 = arith.addf %mul3A_2181, %mul3A_2182 : vector<16xf32>
        %mul3A_2184 = arith.mulf %sub3A_2180, %sub3A_2180 : vector<16xf32>
        %add3A_2185 = arith.addf %add3A_2183, %mul3A_2184 : vector<16xf32>
        %lt3A_2186 = arith.cmpf olt, %add3A_2185, %scan3A_2130 : vector<16xf32>
        %select_n3A_2187 = arith.select %lt3A_2186, %add3A_2185, %scan3A_2130 : vector<16xi1>, vector<16xf32>
        %select_n3A_2188 = arith.select %lt3A_2186, %add3A_2156, %scan3A_2134 : vector<16xi1>, vector<16xi32>
        %sub3A_2189 = arith.subf %broadcast_in_dim3A_1105, %get3A_2144 : vector<16xf32>
        %sub3A_2190 = arith.subf %broadcast_in_dim3A_1108, %get3A_2149 : vector<16xf32>
        %sub3A_2191 = arith.subf %broadcast_in_dim3A_1111, %get3A_2154 : vector<16xf32>
        %mul3A_2192 = arith.mulf %sub3A_2189, %sub3A_2189 : vector<16xf32>
        %mul3A_2193 = arith.mulf %sub3A_2190, %sub3A_2190 : vector<16xf32>
        %add3A_2194 = arith.addf %mul3A_2192, %mul3A_2193 : vector<16xf32>
        %mul3A_2195 = arith.mulf %sub3A_2191, %sub3A_2191 : vector<16xf32>
        %add3A_2196 = arith.addf %add3A_2194, %mul3A_2195 : vector<16xf32>
        %lt3A_2197 = arith.cmpf olt, %add3A_2196, %scan3A_2131 : vector<16xf32>
        %select_n3A_2198 = arith.select %lt3A_2197, %add3A_2196, %scan3A_2131 : vector<16xi1>, vector<16xf32>
        %select_n3A_2199 = arith.select %lt3A_2197, %add3A_2156, %scan3A_2135 : vector<16xi1>, vector<16xi32>
        %mul3A_2200 = arith.constant 4 : i32
        %mul3A_2201 = arith.muli %scan3A_2127, %mul3A_2200 : i32
        %add3A_2202 = arith.constant 1 : i32
        %add3A_2203 = arith.addi %mul3A_2201, %add3A_2202 : i32
        %mul3A_2204 = arith.constant 16 : i32
        %mul3A_2205 = arith.muli %add3A_2203, %mul3A_2204 : i32
        %get3A_2206 = arith.index_cast %mul3A_2205 : i32 to index
        %get3A_2207 = tpu.vector_load %arg6[%get3A_2206] {strides = array<i32>} : memref<24576xf32, #tpu.memory_space<vmem>>, vector<16xf32>,
        %get3A_2208 = vector.shape_cast %get3A_2207 : vector<16xf32> to vector<16xf32>
        %add3A_2209 = arith.constant 8192 : i32
        %add3A_2210 = arith.addi %add3A_2209, %mul3A_2205 : i32
        %get3A_2211 = arith.index_cast %add3A_2210 : i32 to index
        %get3A_2212 = tpu.vector_load %arg6[%get3A_2211] {strides = array<i32>} : memref<24576xf32, #tpu.memory_space<vmem>>, vector<16xf32>,
        %get3A_2213 = vector.shape_cast %get3A_2212 : vector<16xf32> to vector<16xf32>
        %add3A_2214 = arith.constant 16384 : i32
        %add3A_2215 = arith.addi %add3A_2214, %mul3A_2205 : i32
        %get3A_2216 = arith.index_cast %add3A_2215 : i32 to index
        %get3A_2217 = tpu.vector_load %arg6[%get3A_2216] {strides = array<i32>} : memref<24576xf32, #tpu.memory_space<vmem>>, vector<16xf32>,
        %get3A_2218 = vector.shape_cast %get3A_2217 : vector<16xf32> to vector<16xf32>
        %add3A_2219 = vector.broadcast %mul3A_2205 : i32 to vector<16xi32>
        %add3A_2220 = arith.addi %iota3A, %add3A_2219 : vector<16xi32>
        %sub3A_2221 = arith.subf %broadcast_in_dim3A_1078, %get3A_2208 : vector<16xf32>
        %sub3A_2222 = arith.subf %broadcast_in_dim3A_1081, %get3A_2213 : vector<16xf32>
        %sub3A_2223 = arith.subf %broadcast_in_dim3A_1084, %get3A_2218 : vector<16xf32>
        %mul3A_2224 = arith.mulf %sub3A_2221, %sub3A_2221 : vector<16xf32>
        %mul3A_2225 = arith.mulf %sub3A_2222, %sub3A_2222 : vector<16xf32>
        %add3A_2226 = arith.addf %mul3A_2224, %mul3A_2225 : vector<16xf32>
        %mul3A_2227 = arith.mulf %sub3A_2223, %sub3A_2223 : vector<16xf32>
        %add3A_2228 = arith.addf %add3A_2226, %mul3A_2227 : vector<16xf32>
        %lt3A_2229 = arith.cmpf olt, %add3A_2228, %select_n3A_2165 : vector<16xf32>
        %select_n3A_2230 = arith.select %lt3A_2229, %add3A_2228, %select_n3A_2165 : vector<16xi1>, vector<16xf32>
        %select_n3A_2231 = arith.select %lt3A_2229, %add3A_2220, %select_n3A_2166 : vector<16xi1>, vector<16xi32>
        %sub3A_2232 = arith.subf %broadcast_in_dim3A_1087, %get3A_2208 : vector<16xf32>
        %sub3A_2233 = arith.subf %broadcast_in_dim3A_1090, %get3A_2213 : vector<16xf32>
        %sub3A_2234 = arith.subf %broadcast_in_dim3A_1093, %get3A_2218 : vector<16xf32>
        %mul3A_2235 = arith.mulf %sub3A_2232, %sub3A_2232 : vector<16xf32>
        %mul3A_2236 = arith.mulf %sub3A_2233, %sub3A_2233 : vector<16xf32>
        %add3A_2237 = arith.addf %mul3A_2235, %mul3A_2236 : vector<16xf32>
        %mul3A_2238 = arith.mulf %sub3A_2234, %sub3A_2234 : vector<16xf32>
        %add3A_2239 = arith.addf %add3A_2237, %mul3A_2238 : vector<16xf32>
        %lt3A_2240 = arith.cmpf olt, %add3A_2239, %select_n3A_2176 : vector<16xf32>
        %select_n3A_2241 = arith.select %lt3A_2240, %add3A_2239, %select_n3A_2176 : vector<16xi1>, vector<16xf32>
        %select_n3A_2242 = arith.select %lt3A_2240, %add3A_2220, %select_n3A_2177 : vector<16xi1>, vector<16xi32>
        %sub3A_2243 = arith.subf %broadcast_in_dim3A_1096, %get3A_2208 : vector<16xf32>
        %sub3A_2244 = arith.subf %broadcast_in_dim3A_1099, %get3A_2213 : vector<16xf32>
        %sub3A_2245 = arith.subf %broadcast_in_dim3A_1102, %get3A_2218 : vector<16xf32>
        %mul3A_2246 = arith.mulf %sub3A_2243, %sub3A_2243 : vector<16xf32>
        %mul3A_2247 = arith.mulf %sub3A_2244, %sub3A_2244 : vector<16xf32>
        %add3A_2248 = arith.addf %mul3A_2246, %mul3A_2247 : vector<16xf32>
        %mul3A_2249 = arith.mulf %sub3A_2245, %sub3A_2245 : vector<16xf32>
        %add3A_2250 = arith.addf %add3A_2248, %mul3A_2249 : vector<16xf32>
        %lt3A_2251 = arith.cmpf olt, %add3A_2250, %select_n3A_2187 : vector<16xf32>
        %select_n3A_2252 = arith.select %lt3A_2251, %add3A_2250, %select_n3A_2187 : vector<16xi1>, vector<16xf32>
        %select_n3A_2253 = arith.select %lt3A_2251, %add3A_2220, %select_n3A_2188 : vector<16xi1>, vector<16xi32>
        %sub3A_2254 = arith.subf %broadcast_in_dim3A_1105, %get3A_2208 : vector<16xf32>
        %sub3A_2255 = arith.subf %broadcast_in_dim3A_1108, %get3A_2213 : vector<16xf32>
        %sub3A_2256 = arith.subf %broadcast_in_dim3A_1111, %get3A_2218 : vector<16xf32>
        %mul3A_2257 = arith.mulf %sub3A_2254, %sub3A_2254 : vector<16xf32>
        %mul3A_2258 = arith.mulf %sub3A_2255, %sub3A_2255 : vector<16xf32>
        %add3A_2259 = arith.addf %mul3A_2257, %mul3A_2258 : vector<16xf32>
        %mul3A_2260 = arith.mulf %sub3A_2256, %sub3A_2256 : vector<16xf32>
        %add3A_2261 = arith.addf %add3A_2259, %mul3A_2260 : vector<16xf32>
        %lt3A_2262 = arith.cmpf olt, %add3A_2261, %select_n3A_2198 : vector<16xf32>
        %select_n3A_2263 = arith.select %lt3A_2262, %add3A_2261, %select_n3A_2198 : vector<16xi1>, vector<16xf32>
        %select_n3A_2264 = arith.select %lt3A_2262, %add3A_2220, %select_n3A_2199 : vector<16xi1>, vector<16xi32>
        %mul3A_2265 = arith.constant 4 : i32
        %mul3A_2266 = arith.muli %scan3A_2127, %mul3A_2265 : i32
        %add3A_2267 = arith.constant 2 : i32
        %add3A_2268 = arith.addi %mul3A_2266, %add3A_2267 : i32
        %mul3A_2269 = arith.constant 16 : i32
        %mul3A_2270 = arith.muli %add3A_2268, %mul3A_2269 : i32
        %get3A_2271 = arith.index_cast %mul3A_2270 : i32 to index
        %get3A_2272 = tpu.vector_load %arg6[%get3A_2271] {strides = array<i32>} : memref<24576xf32, #tpu.memory_space<vmem>>, vector<16xf32>,
        %get3A_2273 = vector.shape_cast %get3A_2272 : vector<16xf32> to vector<16xf32>
        %add3A_2274 = arith.constant 8192 : i32
        %add3A_2275 = arith.addi %add3A_2274, %mul3A_2270 : i32
        %get3A_2276 = arith.index_cast %add3A_2275 : i32 to index
        %get3A_2277 = tpu.vector_load %arg6[%get3A_2276] {strides = array<i32>} : memref<24576xf32, #tpu.memory_space<vmem>>, vector<16xf32>,
        %get3A_2278 = vector.shape_cast %get3A_2277 : vector<16xf32> to vector<16xf32>
        %add3A_2279 = arith.constant 16384 : i32
        %add3A_2280 = arith.addi %add3A_2279, %mul3A_2270 : i32
        %get3A_2281 = arith.index_cast %add3A_2280 : i32 to index
        %get3A_2282 = tpu.vector_load %arg6[%get3A_2281] {strides = array<i32>} : memref<24576xf32, #tpu.memory_space<vmem>>, vector<16xf32>,
        %get3A_2283 = vector.shape_cast %get3A_2282 : vector<16xf32> to vector<16xf32>
        %add3A_2284 = vector.broadcast %mul3A_2270 : i32 to vector<16xi32>
        %add3A_2285 = arith.addi %iota3A, %add3A_2284 : vector<16xi32>
        %sub3A_2286 = arith.subf %broadcast_in_dim3A_1078, %get3A_2273 : vector<16xf32>
        %sub3A_2287 = arith.subf %broadcast_in_dim3A_1081, %get3A_2278 : vector<16xf32>
        %sub3A_2288 = arith.subf %broadcast_in_dim3A_1084, %get3A_2283 : vector<16xf32>
        %mul3A_2289 = arith.mulf %sub3A_2286, %sub3A_2286 : vector<16xf32>
        %mul3A_2290 = arith.mulf %sub3A_2287, %sub3A_2287 : vector<16xf32>
        %add3A_2291 = arith.addf %mul3A_2289, %mul3A_2290 : vector<16xf32>
        %mul3A_2292 = arith.mulf %sub3A_2288, %sub3A_2288 : vector<16xf32>
        %add3A_2293 = arith.addf %add3A_2291, %mul3A_2292 : vector<16xf32>
        %lt3A_2294 = arith.cmpf olt, %add3A_2293, %select_n3A_2230 : vector<16xf32>
        %select_n3A_2295 = arith.select %lt3A_2294, %add3A_2293, %select_n3A_2230 : vector<16xi1>, vector<16xf32>
        %select_n3A_2296 = arith.select %lt3A_2294, %add3A_2285, %select_n3A_2231 : vector<16xi1>, vector<16xi32>
        %sub3A_2297 = arith.subf %broadcast_in_dim3A_1087, %get3A_2273 : vector<16xf32>
        %sub3A_2298 = arith.subf %broadcast_in_dim3A_1090, %get3A_2278 : vector<16xf32>
        %sub3A_2299 = arith.subf %broadcast_in_dim3A_1093, %get3A_2283 : vector<16xf32>
        %mul3A_2300 = arith.mulf %sub3A_2297, %sub3A_2297 : vector<16xf32>
        %mul3A_2301 = arith.mulf %sub3A_2298, %sub3A_2298 : vector<16xf32>
        %add3A_2302 = arith.addf %mul3A_2300, %mul3A_2301 : vector<16xf32>
        %mul3A_2303 = arith.mulf %sub3A_2299, %sub3A_2299 : vector<16xf32>
        %add3A_2304 = arith.addf %add3A_2302, %mul3A_2303 : vector<16xf32>
        %lt3A_2305 = arith.cmpf olt, %add3A_2304, %select_n3A_2241 : vector<16xf32>
        %select_n3A_2306 = arith.select %lt3A_2305, %add3A_2304, %select_n3A_2241 : vector<16xi1>, vector<16xf32>
        %select_n3A_2307 = arith.select %lt3A_2305, %add3A_2285, %select_n3A_2242 : vector<16xi1>, vector<16xi32>
        %sub3A_2308 = arith.subf %broadcast_in_dim3A_1096, %get3A_2273 : vector<16xf32>
        %sub3A_2309 = arith.subf %broadcast_in_dim3A_1099, %get3A_2278 : vector<16xf32>
        %sub3A_2310 = arith.subf %broadcast_in_dim3A_1102, %get3A_2283 : vector<16xf32>
        %mul3A_2311 = arith.mulf %sub3A_2308, %sub3A_2308 : vector<16xf32>
        %mul3A_2312 = arith.mulf %sub3A_2309, %sub3A_2309 : vector<16xf32>
        %add3A_2313 = arith.addf %mul3A_2311, %mul3A_2312 : vector<16xf32>
        %mul3A_2314 = arith.mulf %sub3A_2310, %sub3A_2310 : vector<16xf32>
        %add3A_2315 = arith.addf %add3A_2313, %mul3A_2314 : vector<16xf32>
        %lt3A_2316 = arith.cmpf olt, %add3A_2315, %select_n3A_2252 : vector<16xf32>
        %select_n3A_2317 = arith.select %lt3A_2316, %add3A_2315, %select_n3A_2252 : vector<16xi1>, vector<16xf32>
        %select_n3A_2318 = arith.select %lt3A_2316, %add3A_2285, %select_n3A_2253 : vector<16xi1>, vector<16xi32>
        %sub3A_2319 = arith.subf %broadcast_in_dim3A_1105, %get3A_2273 : vector<16xf32>
        %sub3A_2320 = arith.subf %broadcast_in_dim3A_1108, %get3A_2278 : vector<16xf32>
        %sub3A_2321 = arith.subf %broadcast_in_dim3A_1111, %get3A_2283 : vector<16xf32>
        %mul3A_2322 = arith.mulf %sub3A_2319, %sub3A_2319 : vector<16xf32>
        %mul3A_2323 = arith.mulf %sub3A_2320, %sub3A_2320 : vector<16xf32>
        %add3A_2324 = arith.addf %mul3A_2322, %mul3A_2323 : vector<16xf32>
        %mul3A_2325 = arith.mulf %sub3A_2321, %sub3A_2321 : vector<16xf32>
        %add3A_2326 = arith.addf %add3A_2324, %mul3A_2325 : vector<16xf32>
        %lt3A_2327 = arith.cmpf olt, %add3A_2326, %select_n3A_2263 : vector<16xf32>
        %select_n3A_2328 = arith.select %lt3A_2327, %add3A_2326, %select_n3A_2263 : vector<16xi1>, vector<16xf32>
        %select_n3A_2329 = arith.select %lt3A_2327, %add3A_2285, %select_n3A_2264 : vector<16xi1>, vector<16xi32>
        %mul3A_2330 = arith.constant 4 : i32
        %mul3A_2331 = arith.muli %scan3A_2127, %mul3A_2330 : i32
        %add3A_2332 = arith.constant 3 : i32
        %add3A_2333 = arith.addi %mul3A_2331, %add3A_2332 : i32
        %mul3A_2334 = arith.constant 16 : i32
        %mul3A_2335 = arith.muli %add3A_2333, %mul3A_2334 : i32
        %get3A_2336 = arith.index_cast %mul3A_2335 : i32 to index
        %get3A_2337 = tpu.vector_load %arg6[%get3A_2336] {strides = array<i32>} : memref<24576xf32, #tpu.memory_space<vmem>>, vector<16xf32>,
        %get3A_2338 = vector.shape_cast %get3A_2337 : vector<16xf32> to vector<16xf32>
        %add3A_2339 = arith.constant 8192 : i32
        %add3A_2340 = arith.addi %add3A_2339, %mul3A_2335 : i32
        %get3A_2341 = arith.index_cast %add3A_2340 : i32 to index
        %get3A_2342 = tpu.vector_load %arg6[%get3A_2341] {strides = array<i32>} : memref<24576xf32, #tpu.memory_space<vmem>>, vector<16xf32>,
        %get3A_2343 = vector.shape_cast %get3A_2342 : vector<16xf32> to vector<16xf32>
        %add3A_2344 = arith.constant 16384 : i32
        %add3A_2345 = arith.addi %add3A_2344, %mul3A_2335 : i32
        %get3A_2346 = arith.index_cast %add3A_2345 : i32 to index
        %get3A_2347 = tpu.vector_load %arg6[%get3A_2346] {strides = array<i32>} : memref<24576xf32, #tpu.memory_space<vmem>>, vector<16xf32>,
        %get3A_2348 = vector.shape_cast %get3A_2347 : vector<16xf32> to vector<16xf32>
        %add3A_2349 = vector.broadcast %mul3A_2335 : i32 to vector<16xi32>
        %add3A_2350 = arith.addi %iota3A, %add3A_2349 : vector<16xi32>
        %sub3A_2351 = arith.subf %broadcast_in_dim3A_1078, %get3A_2338 : vector<16xf32>
        %sub3A_2352 = arith.subf %broadcast_in_dim3A_1081, %get3A_2343 : vector<16xf32>
        %sub3A_2353 = arith.subf %broadcast_in_dim3A_1084, %get3A_2348 : vector<16xf32>
        %mul3A_2354 = arith.mulf %sub3A_2351, %sub3A_2351 : vector<16xf32>
        %mul3A_2355 = arith.mulf %sub3A_2352, %sub3A_2352 : vector<16xf32>
        %add3A_2356 = arith.addf %mul3A_2354, %mul3A_2355 : vector<16xf32>
        %mul3A_2357 = arith.mulf %sub3A_2353, %sub3A_2353 : vector<16xf32>
        %add3A_2358 = arith.addf %add3A_2356, %mul3A_2357 : vector<16xf32>
        %lt3A_2359 = arith.cmpf olt, %add3A_2358, %select_n3A_2295 : vector<16xf32>
        %select_n3A_2360 = arith.select %lt3A_2359, %add3A_2358, %select_n3A_2295 : vector<16xi1>, vector<16xf32>
        %select_n3A_2361 = arith.select %lt3A_2359, %add3A_2350, %select_n3A_2296 : vector<16xi1>, vector<16xi32>
        %sub3A_2362 = arith.subf %broadcast_in_dim3A_1087, %get3A_2338 : vector<16xf32>
        %sub3A_2363 = arith.subf %broadcast_in_dim3A_1090, %get3A_2343 : vector<16xf32>
        %sub3A_2364 = arith.subf %broadcast_in_dim3A_1093, %get3A_2348 : vector<16xf32>
        %mul3A_2365 = arith.mulf %sub3A_2362, %sub3A_2362 : vector<16xf32>
        %mul3A_2366 = arith.mulf %sub3A_2363, %sub3A_2363 : vector<16xf32>
        %add3A_2367 = arith.addf %mul3A_2365, %mul3A_2366 : vector<16xf32>
        %mul3A_2368 = arith.mulf %sub3A_2364, %sub3A_2364 : vector<16xf32>
        %add3A_2369 = arith.addf %add3A_2367, %mul3A_2368 : vector<16xf32>
        %lt3A_2370 = arith.cmpf olt, %add3A_2369, %select_n3A_2306 : vector<16xf32>
        %select_n3A_2371 = arith.select %lt3A_2370, %add3A_2369, %select_n3A_2306 : vector<16xi1>, vector<16xf32>
        %select_n3A_2372 = arith.select %lt3A_2370, %add3A_2350, %select_n3A_2307 : vector<16xi1>, vector<16xi32>
        %sub3A_2373 = arith.subf %broadcast_in_dim3A_1096, %get3A_2338 : vector<16xf32>
        %sub3A_2374 = arith.subf %broadcast_in_dim3A_1099, %get3A_2343 : vector<16xf32>
        %sub3A_2375 = arith.subf %broadcast_in_dim3A_1102, %get3A_2348 : vector<16xf32>
        %mul3A_2376 = arith.mulf %sub3A_2373, %sub3A_2373 : vector<16xf32>
        %mul3A_2377 = arith.mulf %sub3A_2374, %sub3A_2374 : vector<16xf32>
        %add3A_2378 = arith.addf %mul3A_2376, %mul3A_2377 : vector<16xf32>
        %mul3A_2379 = arith.mulf %sub3A_2375, %sub3A_2375 : vector<16xf32>
        %add3A_2380 = arith.addf %add3A_2378, %mul3A_2379 : vector<16xf32>
        %lt3A_2381 = arith.cmpf olt, %add3A_2380, %select_n3A_2317 : vector<16xf32>
        %select_n3A_2382 = arith.select %lt3A_2381, %add3A_2380, %select_n3A_2317 : vector<16xi1>, vector<16xf32>
        %select_n3A_2383 = arith.select %lt3A_2381, %add3A_2350, %select_n3A_2318 : vector<16xi1>, vector<16xi32>
        %sub3A_2384 = arith.subf %broadcast_in_dim3A_1105, %get3A_2338 : vector<16xf32>
        %sub3A_2385 = arith.subf %broadcast_in_dim3A_1108, %get3A_2343 : vector<16xf32>
        %sub3A_2386 = arith.subf %broadcast_in_dim3A_1111, %get3A_2348 : vector<16xf32>
        %mul3A_2387 = arith.mulf %sub3A_2384, %sub3A_2384 : vector<16xf32>
        %mul3A_2388 = arith.mulf %sub3A_2385, %sub3A_2385 : vector<16xf32>
        %add3A_2389 = arith.addf %mul3A_2387, %mul3A_2388 : vector<16xf32>
        %mul3A_2390 = arith.mulf %sub3A_2386, %sub3A_2386 : vector<16xf32>
        %add3A_2391 = arith.addf %add3A_2389, %mul3A_2390 : vector<16xf32>
        %lt3A_2392 = arith.cmpf olt, %add3A_2391, %select_n3A_2328 : vector<16xf32>
        %select_n3A_2393 = arith.select %lt3A_2392, %add3A_2391, %select_n3A_2328 : vector<16xi1>, vector<16xf32>
        %select_n3A_2394 = arith.select %lt3A_2392, %add3A_2350, %select_n3A_2329 : vector<16xi1>, vector<16xi32>
        scf.yield %select_n3A_2360, %select_n3A_2371, %select_n3A_2382, %select_n3A_2393, %select_n3A_2361, %select_n3A_2372, %select_n3A_2383, %select_n3A_2394 : vector<16xf32>, vector<16xf32>, vector<16xf32>, vector<16xf32>, vector<16xi32>, vector<16xi32>, vector<16xi32>, vector<16xi32>
      }
      %scan3A_1117 = arith.constant 128 : i32
      %swap3A_1118 = arith.constant 0 : index
      %swap3A_1119 = tpu.vector_load %arg8[%swap3A_1118] {strides = array<i32>} : memref<32xf32, #tpu.memory_space<vmem>>, vector<16xf32>,
      %swap3A_1120 = vector.shape_cast %swap3A_1119 : vector<16xf32> to vector<16xf32>
      %swap3A_1121 = vector.shape_cast %scan3A_1116#0 : vector<16xf32> to vector<16xf32>
      tpu.vector_store %arg8[%swap3A_1118], %swap3A_1121 {strides = array<i32>} : memref<32xf32, #tpu.memory_space<vmem>>, vector<16xf32>,
      %swap3A_1122 = arith.constant 16 : index
      %swap3A_1123 = tpu.vector_load %arg8[%swap3A_1122] {strides = array<i32>} : memref<32xf32, #tpu.memory_space<vmem>>, vector<16xf32>,
      %swap3A_1124 = vector.shape_cast %swap3A_1123 : vector<16xf32> to vector<16xf32>
      %swap3A_1125 = vector.shape_cast %scan3A_1116#0 : vector<16xf32> to vector<16xf32>
      tpu.vector_store %arg8[%swap3A_1122], %swap3A_1125 {strides = array<i32>} : memref<32xf32, #tpu.memory_space<vmem>>, vector<16xf32>,
      %swap3A_1126 = arith.constant 0 : index
      %swap3A_1127 = tpu.vector_load %arg9[%swap3A_1126] {strides = array<i32>} : memref<32xi32, #tpu.memory_space<vmem>>, vector<16xi32>,
      %swap3A_1128 = vector.shape_cast %swap3A_1127 : vector<16xi32> to vector<16xi32>
      %swap3A_1129 = vector.shape_cast %scan3A_1116#4 : vector<16xi32> to vector<16xi32>
      tpu.vector_store %arg9[%swap3A_1126], %swap3A_1129 {strides = array<i32>} : memref<32xi32, #tpu.memory_space<vmem>>, vector<16xi32>,
      %swap3A_1130 = arith.constant 16 : index
      %swap3A_1131 = tpu.vector_load %arg9[%swap3A_1130] {strides = array<i32>} : memref<32xi32, #tpu.memory_space<vmem>>, vector<16xi32>,
      %swap3A_1132 = vector.shape_cast %swap3A_1131 : vector<16xi32> to vector<16xi32>
      %swap3A_1133 = vector.shape_cast %scan3A_1116#4 : vector<16xi32> to vector<16xi32>
      tpu.vector_store %arg9[%swap3A_1130], %swap3A_1133 {strides = array<i32>} : memref<32xi32, #tpu.memory_space<vmem>>, vector<16xi32>,
      %get3A_1134 = arith.constant 8 : index
      %get3A_1135 = tpu.vector_load %arg8[%get3A_1134] {strides = array<i32>} : memref<32xf32, #tpu.memory_space<vmem>>, vector<16xf32>,
      %get3A_1136 = vector.shape_cast %get3A_1135 : vector<16xf32> to vector<16xf32>
      %get3A_1137 = arith.constant 8 : index
      %get3A_1138 = tpu.vector_load %arg9[%get3A_1137] {strides = array<i32>} : memref<32xi32, #tpu.memory_space<vmem>>, vector<16xi32>,
      %get3A_1139 = vector.shape_cast %get3A_1138 : vector<16xi32> to vector<16xi32>
      %lt3A_1140 = arith.cmpf olt, %get3A_1136, %scan3A_1116#0 : vector<16xf32>
      %eq3A_1141 = arith.cmpf oeq, %get3A_1136, %scan3A_1116#0 : vector<16xf32>
      %lt3A_1142 = arith.cmpi slt, %get3A_1139, %scan3A_1116#4 : vector<16xi32>
      %and3A_1143 = arith.andi %eq3A_1141, %lt3A_1142 : vector<16xi1>
      %or3A_1144 = arith.ori %lt3A_1140, %and3A_1143 : vector<16xi1>
      %select_n3A_1145 = arith.select %or3A_1144, %get3A_1136, %scan3A_1116#0 : vector<16xi1>, vector<16xf32>
      %select_n3A_1146 = arith.select %or3A_1144, %get3A_1139, %scan3A_1116#4 : vector<16xi1>, vector<16xi32>
      %swap3A_1147 = arith.constant 0 : index
      %swap3A_1148 = tpu.vector_load %arg8[%swap3A_1147] {strides = array<i32>} : memref<32xf32, #tpu.memory_space<vmem>>, vector<16xf32>,
      %swap3A_1149 = vector.shape_cast %swap3A_1148 : vector<16xf32> to vector<16xf32>
      %swap3A_1150 = vector.shape_cast %select_n3A_1145 : vector<16xf32> to vector<16xf32>
      tpu.vector_store %arg8[%swap3A_1147], %swap3A_1150 {strides = array<i32>} : memref<32xf32, #tpu.memory_space<vmem>>, vector<16xf32>,
      %swap3A_1151 = arith.constant 16 : index
      %swap3A_1152 = tpu.vector_load %arg8[%swap3A_1151] {strides = array<i32>} : memref<32xf32, #tpu.memory_space<vmem>>, vector<16xf32>,
      %swap3A_1153 = vector.shape_cast %swap3A_1152 : vector<16xf32> to vector<16xf32>
      %swap3A_1154 = vector.shape_cast %select_n3A_1145 : vector<16xf32> to vector<16xf32>
      tpu.vector_store %arg8[%swap3A_1151], %swap3A_1154 {strides = array<i32>} : memref<32xf32, #tpu.memory_space<vmem>>, vector<16xf32>,
      %swap3A_1155 = arith.constant 0 : index
      %swap3A_1156 = tpu.vector_load %arg9[%swap3A_1155] {strides = array<i32>} : memref<32xi32, #tpu.memory_space<vmem>>, vector<16xi32>,
      %swap3A_1157 = vector.shape_cast %swap3A_1156 : vector<16xi32> to vector<16xi32>
      %swap3A_1158 = vector.shape_cast %select_n3A_1146 : vector<16xi32> to vector<16xi32>
      tpu.vector_store %arg9[%swap3A_1155], %swap3A_1158 {strides = array<i32>} : memref<32xi32, #tpu.memory_space<vmem>>, vector<16xi32>,
      %swap3A_1159 = arith.constant 16 : index
      %swap3A_1160 = tpu.vector_load %arg9[%swap3A_1159] {strides = array<i32>} : memref<32xi32, #tpu.memory_space<vmem>>, vector<16xi32>,
      %swap3A_1161 = vector.shape_cast %swap3A_1160 : vector<16xi32> to vector<16xi32>
      %swap3A_1162 = vector.shape_cast %select_n3A_1146 : vector<16xi32> to vector<16xi32>
      tpu.vector_store %arg9[%swap3A_1159], %swap3A_1162 {strides = array<i32>} : memref<32xi32, #tpu.memory_space<vmem>>, vector<16xi32>,
      %get3A_1163 = arith.constant 4 : index
      %get3A_1164 = tpu.vector_load %arg8[%get3A_1163] {strides = array<i32>} : memref<32xf32, #tpu.memory_space<vmem>>, vector<16xf32>,
      %get3A_1165 = vector.shape_cast %get3A_1164 : vector<16xf32> to vector<16xf32>
      %get3A_1166 = arith.constant 4 : index
      %get3A_1167 = tpu.vector_load %arg9[%get3A_1166] {strides = array<i32>} : memref<32xi32, #tpu.memory_space<vmem>>, vector<16xi32>,
      %get3A_1168 = vector.shape_cast %get3A_1167 : vector<16xi32> to vector<16xi32>
      %lt3A_1169 = arith.cmpf olt, %get3A_1165, %select_n3A_1145 : vector<16xf32>
      %eq3A_1170 = arith.cmpf oeq, %get3A_1165, %select_n3A_1145 : vector<16xf32>
      %lt3A_1171 = arith.cmpi slt, %get3A_1168, %select_n3A_1146 : vector<16xi32>
      %and3A_1172 = arith.andi %eq3A_1170, %lt3A_1171 : vector<16xi1>
      %or3A_1173 = arith.ori %lt3A_1169, %and3A_1172 : vector<16xi1>
      %select_n3A_1174 = arith.select %or3A_1173, %get3A_1165, %select_n3A_1145 : vector<16xi1>, vector<16xf32>
      %select_n3A_1175 = arith.select %or3A_1173, %get3A_1168, %select_n3A_1146 : vector<16xi1>, vector<16xi32>
      %swap3A_1176 = arith.constant 0 : index
      %swap3A_1177 = tpu.vector_load %arg8[%swap3A_1176] {strides = array<i32>} : memref<32xf32, #tpu.memory_space<vmem>>, vector<16xf32>,
      %swap3A_1178 = vector.shape_cast %swap3A_1177 : vector<16xf32> to vector<16xf32>
      %swap3A_1179 = vector.shape_cast %select_n3A_1174 : vector<16xf32> to vector<16xf32>
      tpu.vector_store %arg8[%swap3A_1176], %swap3A_1179 {strides = array<i32>} : memref<32xf32, #tpu.memory_space<vmem>>, vector<16xf32>,
      %swap3A_1180 = arith.constant 16 : index
      %swap3A_1181 = tpu.vector_load %arg8[%swap3A_1180] {strides = array<i32>} : memref<32xf32, #tpu.memory_space<vmem>>, vector<16xf32>,
      %swap3A_1182 = vector.shape_cast %swap3A_1181 : vector<16xf32> to vector<16xf32>
      %swap3A_1183 = vector.shape_cast %select_n3A_1174 : vector<16xf32> to vector<16xf32>
      tpu.vector_store %arg8[%swap3A_1180], %swap3A_1183 {strides = array<i32>} : memref<32xf32, #tpu.memory_space<vmem>>, vector<16xf32>,
      %swap3A_1184 = arith.constant 0 : index
      %swap3A_1185 = tpu.vector_load %arg9[%swap3A_1184] {strides = array<i32>} : memref<32xi32, #tpu.memory_space<vmem>>, vector<16xi32>,
      %swap3A_1186 = vector.shape_cast %swap3A_1185 : vector<16xi32> to vector<16xi32>
      %swap3A_1187 = vector.shape_cast %select_n3A_1175 : vector<16xi32> to vector<16xi32>
      tpu.vector_store %arg9[%swap3A_1184], %swap3A_1187 {strides = array<i32>} : memref<32xi32, #tpu.memory_space<vmem>>, vector<16xi32>,
      %swap3A_1188 = arith.constant 16 : index
      %swap3A_1189 = tpu.vector_load %arg9[%swap3A_1188] {strides = array<i32>} : memref<32xi32, #tpu.memory_space<vmem>>, vector<16xi32>,
      %swap3A_1190 = vector.shape_cast %swap3A_1189 : vector<16xi32> to vector<16xi32>
      %swap3A_1191 = vector.shape_cast %select_n3A_1175 : vector<16xi32> to vector<16xi32>
      tpu.vector_store %arg9[%swap3A_1188], %swap3A_1191 {strides = array<i32>} : memref<32xi32, #tpu.memory_space<vmem>>, vector<16xi32>,
      %get3A_1192 = arith.constant 2 : index
      %get3A_1193 = tpu.vector_load %arg8[%get3A_1192] {strides = array<i32>} : memref<32xf32, #tpu.memory_space<vmem>>, vector<16xf32>,
      %get3A_1194 = vector.shape_cast %get3A_1193 : vector<16xf32> to vector<16xf32>
      %get3A_1195 = arith.constant 2 : index
      %get3A_1196 = tpu.vector_load %arg9[%get3A_1195] {strides = array<i32>} : memref<32xi32, #tpu.memory_space<vmem>>, vector<16xi32>,
      %get3A_1197 = vector.shape_cast %get3A_1196 : vector<16xi32> to vector<16xi32>
      %lt3A_1198 = arith.cmpf olt, %get3A_1194, %select_n3A_1174 : vector<16xf32>
      %eq3A_1199 = arith.cmpf oeq, %get3A_1194, %select_n3A_1174 : vector<16xf32>
      %lt3A_1200 = arith.cmpi slt, %get3A_1197, %select_n3A_1175 : vector<16xi32>
      %and3A_1201 = arith.andi %eq3A_1199, %lt3A_1200 : vector<16xi1>
      %or3A_1202 = arith.ori %lt3A_1198, %and3A_1201 : vector<16xi1>
      %select_n3A_1203 = arith.select %or3A_1202, %get3A_1194, %select_n3A_1174 : vector<16xi1>, vector<16xf32>
      %select_n3A_1204 = arith.select %or3A_1202, %get3A_1197, %select_n3A_1175 : vector<16xi1>, vector<16xi32>
      %swap3A_1205 = arith.constant 0 : index
      %swap3A_1206 = tpu.vector_load %arg8[%swap3A_1205] {strides = array<i32>} : memref<32xf32, #tpu.memory_space<vmem>>, vector<16xf32>,
      %swap3A_1207 = vector.shape_cast %swap3A_1206 : vector<16xf32> to vector<16xf32>
      %swap3A_1208 = vector.shape_cast %select_n3A_1203 : vector<16xf32> to vector<16xf32>
      tpu.vector_store %arg8[%swap3A_1205], %swap3A_1208 {strides = array<i32>} : memref<32xf32, #tpu.memory_space<vmem>>, vector<16xf32>,
      %swap3A_1209 = arith.constant 16 : index
      %swap3A_1210 = tpu.vector_load %arg8[%swap3A_1209] {strides = array<i32>} : memref<32xf32, #tpu.memory_space<vmem>>, vector<16xf32>,
      %swap3A_1211 = vector.shape_cast %swap3A_1210 : vector<16xf32> to vector<16xf32>
      %swap3A_1212 = vector.shape_cast %select_n3A_1203 : vector<16xf32> to vector<16xf32>
      tpu.vector_store %arg8[%swap3A_1209], %swap3A_1212 {strides = array<i32>} : memref<32xf32, #tpu.memory_space<vmem>>, vector<16xf32>,
      %swap3A_1213 = arith.constant 0 : index
      %swap3A_1214 = tpu.vector_load %arg9[%swap3A_1213] {strides = array<i32>} : memref<32xi32, #tpu.memory_space<vmem>>, vector<16xi32>,
      %swap3A_1215 = vector.shape_cast %swap3A_1214 : vector<16xi32> to vector<16xi32>
      %swap3A_1216 = vector.shape_cast %select_n3A_1204 : vector<16xi32> to vector<16xi32>
      tpu.vector_store %arg9[%swap3A_1213], %swap3A_1216 {strides = array<i32>} : memref<32xi32, #tpu.memory_space<vmem>>, vector<16xi32>,
      %swap3A_1217 = arith.constant 16 : index
      %swap3A_1218 = tpu.vector_load %arg9[%swap3A_1217] {strides = array<i32>} : memref<32xi32, #tpu.memory_space<vmem>>, vector<16xi32>,
      %swap3A_1219 = vector.shape_cast %swap3A_1218 : vector<16xi32> to vector<16xi32>
      %swap3A_1220 = vector.shape_cast %select_n3A_1204 : vector<16xi32> to vector<16xi32>
      tpu.vector_store %arg9[%swap3A_1217], %swap3A_1220 {strides = array<i32>} : memref<32xi32, #tpu.memory_space<vmem>>, vector<16xi32>,
      %get3A_1221 = arith.constant 1 : index
      %get3A_1222 = tpu.vector_load %arg8[%get3A_1221] {strides = array<i32>} : memref<32xf32, #tpu.memory_space<vmem>>, vector<16xf32>,
      %get3A_1223 = vector.shape_cast %get3A_1222 : vector<16xf32> to vector<16xf32>
      %get3A_1224 = arith.constant 1 : index
      %get3A_1225 = tpu.vector_load %arg9[%get3A_1224] {strides = array<i32>} : memref<32xi32, #tpu.memory_space<vmem>>, vector<16xi32>,
      %get3A_1226 = vector.shape_cast %get3A_1225 : vector<16xi32> to vector<16xi32>
      %lt3A_1227 = arith.cmpf olt, %get3A_1223, %select_n3A_1203 : vector<16xf32>
      %eq3A_1228 = arith.cmpf oeq, %get3A_1223, %select_n3A_1203 : vector<16xf32>
      %lt3A_1229 = arith.cmpi slt, %get3A_1226, %select_n3A_1204 : vector<16xi32>
      %and3A_1230 = arith.andi %eq3A_1228, %lt3A_1229 : vector<16xi1>
      %or3A_1231 = arith.ori %lt3A_1227, %and3A_1230 : vector<16xi1>
      %select_n3A_1232 = arith.select %or3A_1231, %get3A_1223, %select_n3A_1203 : vector<16xi1>, vector<16xf32>
      %select_n3A_1233 = arith.select %or3A_1231, %get3A_1226, %select_n3A_1204 : vector<16xi1>, vector<16xi32>
      %eq3A_1234 = arith.constant 8 : i32
      %eq3A_1235 = vector.broadcast %eq3A_1234 : i32 to vector<16xi32>
      %eq3A_1236 = arith.cmpi eq, %iota3A, %eq3A_1235 : vector<16xi32>
      %select_n3A_1237 = arith.select %eq3A_1236, %select_n3A_1233, %select_n3A_1075 : vector<16xi1>, vector<16xi32>
      %swap3A_1238 = arith.constant 0 : index
      %swap3A_1239 = tpu.vector_load %arg8[%swap3A_1238] {strides = array<i32>} : memref<32xf32, #tpu.memory_space<vmem>>, vector<16xf32>,
      %swap3A_1240 = vector.shape_cast %swap3A_1239 : vector<16xf32> to vector<16xf32>
      %swap3A_1241 = vector.shape_cast %scan3A_1116#1 : vector<16xf32> to vector<16xf32>
      tpu.vector_store %arg8[%swap3A_1238], %swap3A_1241 {strides = array<i32>} : memref<32xf32, #tpu.memory_space<vmem>>, vector<16xf32>,
      %swap3A_1242 = arith.constant 16 : index
      %swap3A_1243 = tpu.vector_load %arg8[%swap3A_1242] {strides = array<i32>} : memref<32xf32, #tpu.memory_space<vmem>>, vector<16xf32>,
      %swap3A_1244 = vector.shape_cast %swap3A_1243 : vector<16xf32> to vector<16xf32>
      %swap3A_1245 = vector.shape_cast %scan3A_1116#1 : vector<16xf32> to vector<16xf32>
      tpu.vector_store %arg8[%swap3A_1242], %swap3A_1245 {strides = array<i32>} : memref<32xf32, #tpu.memory_space<vmem>>, vector<16xf32>,
      %swap3A_1246 = arith.constant 0 : index
      %swap3A_1247 = tpu.vector_load %arg9[%swap3A_1246] {strides = array<i32>} : memref<32xi32, #tpu.memory_space<vmem>>, vector<16xi32>,
      %swap3A_1248 = vector.shape_cast %swap3A_1247 : vector<16xi32> to vector<16xi32>
      %swap3A_1249 = vector.shape_cast %scan3A_1116#5 : vector<16xi32> to vector<16xi32>
      tpu.vector_store %arg9[%swap3A_1246], %swap3A_1249 {strides = array<i32>} : memref<32xi32, #tpu.memory_space<vmem>>, vector<16xi32>,
      %swap3A_1250 = arith.constant 16 : index
      %swap3A_1251 = tpu.vector_load %arg9[%swap3A_1250] {strides = array<i32>} : memref<32xi32, #tpu.memory_space<vmem>>, vector<16xi32>,
      %swap3A_1252 = vector.shape_cast %swap3A_1251 : vector<16xi32> to vector<16xi32>
      %swap3A_1253 = vector.shape_cast %scan3A_1116#5 : vector<16xi32> to vector<16xi32>
      tpu.vector_store %arg9[%swap3A_1250], %swap3A_1253 {strides = array<i32>} : memref<32xi32, #tpu.memory_space<vmem>>, vector<16xi32>,
      %get3A_1254 = arith.constant 8 : index
      %get3A_1255 = tpu.vector_load %arg8[%get3A_1254] {strides = array<i32>} : memref<32xf32, #tpu.memory_space<vmem>>, vector<16xf32>,
      %get3A_1256 = vector.shape_cast %get3A_1255 : vector<16xf32> to vector<16xf32>
      %get3A_1257 = arith.constant 8 : index
      %get3A_1258 = tpu.vector_load %arg9[%get3A_1257] {strides = array<i32>} : memref<32xi32, #tpu.memory_space<vmem>>, vector<16xi32>,
      %get3A_1259 = vector.shape_cast %get3A_1258 : vector<16xi32> to vector<16xi32>
      %lt3A_1260 = arith.cmpf olt, %get3A_1256, %scan3A_1116#1 : vector<16xf32>
      %eq3A_1261 = arith.cmpf oeq, %get3A_1256, %scan3A_1116#1 : vector<16xf32>
      %lt3A_1262 = arith.cmpi slt, %get3A_1259, %scan3A_1116#5 : vector<16xi32>
      %and3A_1263 = arith.andi %eq3A_1261, %lt3A_1262 : vector<16xi1>
      %or3A_1264 = arith.ori %lt3A_1260, %and3A_1263 : vector<16xi1>
      %select_n3A_1265 = arith.select %or3A_1264, %get3A_1256, %scan3A_1116#1 : vector<16xi1>, vector<16xf32>
      %select_n3A_1266 = arith.select %or3A_1264, %get3A_1259, %scan3A_1116#5 : vector<16xi1>, vector<16xi32>
      %swap3A_1267 = arith.constant 0 : index
      %swap3A_1268 = tpu.vector_load %arg8[%swap3A_1267] {strides = array<i32>} : memref<32xf32, #tpu.memory_space<vmem>>, vector<16xf32>,
      %swap3A_1269 = vector.shape_cast %swap3A_1268 : vector<16xf32> to vector<16xf32>
      %swap3A_1270 = vector.shape_cast %select_n3A_1265 : vector<16xf32> to vector<16xf32>
      tpu.vector_store %arg8[%swap3A_1267], %swap3A_1270 {strides = array<i32>} : memref<32xf32, #tpu.memory_space<vmem>>, vector<16xf32>,
      %swap3A_1271 = arith.constant 16 : index
      %swap3A_1272 = tpu.vector_load %arg8[%swap3A_1271] {strides = array<i32>} : memref<32xf32, #tpu.memory_space<vmem>>, vector<16xf32>,
      %swap3A_1273 = vector.shape_cast %swap3A_1272 : vector<16xf32> to vector<16xf32>
      %swap3A_1274 = vector.shape_cast %select_n3A_1265 : vector<16xf32> to vector<16xf32>
      tpu.vector_store %arg8[%swap3A_1271], %swap3A_1274 {strides = array<i32>} : memref<32xf32, #tpu.memory_space<vmem>>, vector<16xf32>,
      %swap3A_1275 = arith.constant 0 : index
      %swap3A_1276 = tpu.vector_load %arg9[%swap3A_1275] {strides = array<i32>} : memref<32xi32, #tpu.memory_space<vmem>>, vector<16xi32>,
      %swap3A_1277 = vector.shape_cast %swap3A_1276 : vector<16xi32> to vector<16xi32>
      %swap3A_1278 = vector.shape_cast %select_n3A_1266 : vector<16xi32> to vector<16xi32>
      tpu.vector_store %arg9[%swap3A_1275], %swap3A_1278 {strides = array<i32>} : memref<32xi32, #tpu.memory_space<vmem>>, vector<16xi32>,
      %swap3A_1279 = arith.constant 16 : index
      %swap3A_1280 = tpu.vector_load %arg9[%swap3A_1279] {strides = array<i32>} : memref<32xi32, #tpu.memory_space<vmem>>, vector<16xi32>,
      %swap3A_1281 = vector.shape_cast %swap3A_1280 : vector<16xi32> to vector<16xi32>
      %swap3A_1282 = vector.shape_cast %select_n3A_1266 : vector<16xi32> to vector<16xi32>
      tpu.vector_store %arg9[%swap3A_1279], %swap3A_1282 {strides = array<i32>} : memref<32xi32, #tpu.memory_space<vmem>>, vector<16xi32>,
      %get3A_1283 = arith.constant 4 : index
      %get3A_1284 = tpu.vector_load %arg8[%get3A_1283] {strides = array<i32>} : memref<32xf32, #tpu.memory_space<vmem>>, vector<16xf32>,
      %get3A_1285 = vector.shape_cast %get3A_1284 : vector<16xf32> to vector<16xf32>
      %get3A_1286 = arith.constant 4 : index
      %get3A_1287 = tpu.vector_load %arg9[%get3A_1286] {strides = array<i32>} : memref<32xi32, #tpu.memory_space<vmem>>, vector<16xi32>,
      %get3A_1288 = vector.shape_cast %get3A_1287 : vector<16xi32> to vector<16xi32>
      %lt3A_1289 = arith.cmpf olt, %get3A_1285, %select_n3A_1265 : vector<16xf32>
      %eq3A_1290 = arith.cmpf oeq, %get3A_1285, %select_n3A_1265 : vector<16xf32>
      %lt3A_1291 = arith.cmpi slt, %get3A_1288, %select_n3A_1266 : vector<16xi32>
      %and3A_1292 = arith.andi %eq3A_1290, %lt3A_1291 : vector<16xi1>
      %or3A_1293 = arith.ori %lt3A_1289, %and3A_1292 : vector<16xi1>
      %select_n3A_1294 = arith.select %or3A_1293, %get3A_1285, %select_n3A_1265 : vector<16xi1>, vector<16xf32>
      %select_n3A_1295 = arith.select %or3A_1293, %get3A_1288, %select_n3A_1266 : vector<16xi1>, vector<16xi32>
      %swap3A_1296 = arith.constant 0 : index
      %swap3A_1297 = tpu.vector_load %arg8[%swap3A_1296] {strides = array<i32>} : memref<32xf32, #tpu.memory_space<vmem>>, vector<16xf32>,
      %swap3A_1298 = vector.shape_cast %swap3A_1297 : vector<16xf32> to vector<16xf32>
      %swap3A_1299 = vector.shape_cast %select_n3A_1294 : vector<16xf32> to vector<16xf32>
      tpu.vector_store %arg8[%swap3A_1296], %swap3A_1299 {strides = array<i32>} : memref<32xf32, #tpu.memory_space<vmem>>, vector<16xf32>,
      %swap3A_1300 = arith.constant 16 : index
      %swap3A_1301 = tpu.vector_load %arg8[%swap3A_1300] {strides = array<i32>} : memref<32xf32, #tpu.memory_space<vmem>>, vector<16xf32>,
      %swap3A_1302 = vector.shape_cast %swap3A_1301 : vector<16xf32> to vector<16xf32>
      %swap3A_1303 = vector.shape_cast %select_n3A_1294 : vector<16xf32> to vector<16xf32>
      tpu.vector_store %arg8[%swap3A_1300], %swap3A_1303 {strides = array<i32>} : memref<32xf32, #tpu.memory_space<vmem>>, vector<16xf32>,
      %swap3A_1304 = arith.constant 0 : index
      %swap3A_1305 = tpu.vector_load %arg9[%swap3A_1304] {strides = array<i32>} : memref<32xi32, #tpu.memory_space<vmem>>, vector<16xi32>,
      %swap3A_1306 = vector.shape_cast %swap3A_1305 : vector<16xi32> to vector<16xi32>
      %swap3A_1307 = vector.shape_cast %select_n3A_1295 : vector<16xi32> to vector<16xi32>
      tpu.vector_store %arg9[%swap3A_1304], %swap3A_1307 {strides = array<i32>} : memref<32xi32, #tpu.memory_space<vmem>>, vector<16xi32>,
      %swap3A_1308 = arith.constant 16 : index
      %swap3A_1309 = tpu.vector_load %arg9[%swap3A_1308] {strides = array<i32>} : memref<32xi32, #tpu.memory_space<vmem>>, vector<16xi32>,
      %swap3A_1310 = vector.shape_cast %swap3A_1309 : vector<16xi32> to vector<16xi32>
      %swap3A_1311 = vector.shape_cast %select_n3A_1295 : vector<16xi32> to vector<16xi32>
      tpu.vector_store %arg9[%swap3A_1308], %swap3A_1311 {strides = array<i32>} : memref<32xi32, #tpu.memory_space<vmem>>, vector<16xi32>,
      %get3A_1312 = arith.constant 2 : index
      %get3A_1313 = tpu.vector_load %arg8[%get3A_1312] {strides = array<i32>} : memref<32xf32, #tpu.memory_space<vmem>>, vector<16xf32>,
      %get3A_1314 = vector.shape_cast %get3A_1313 : vector<16xf32> to vector<16xf32>
      %get3A_1315 = arith.constant 2 : index
      %get3A_1316 = tpu.vector_load %arg9[%get3A_1315] {strides = array<i32>} : memref<32xi32, #tpu.memory_space<vmem>>, vector<16xi32>,
      %get3A_1317 = vector.shape_cast %get3A_1316 : vector<16xi32> to vector<16xi32>
      %lt3A_1318 = arith.cmpf olt, %get3A_1314, %select_n3A_1294 : vector<16xf32>
      %eq3A_1319 = arith.cmpf oeq, %get3A_1314, %select_n3A_1294 : vector<16xf32>
      %lt3A_1320 = arith.cmpi slt, %get3A_1317, %select_n3A_1295 : vector<16xi32>
      %and3A_1321 = arith.andi %eq3A_1319, %lt3A_1320 : vector<16xi1>
      %or3A_1322 = arith.ori %lt3A_1318, %and3A_1321 : vector<16xi1>
      %select_n3A_1323 = arith.select %or3A_1322, %get3A_1314, %select_n3A_1294 : vector<16xi1>, vector<16xf32>
      %select_n3A_1324 = arith.select %or3A_1322, %get3A_1317, %select_n3A_1295 : vector<16xi1>, vector<16xi32>
      %swap3A_1325 = arith.constant 0 : index
      %swap3A_1326 = tpu.vector_load %arg8[%swap3A_1325] {strides = array<i32>} : memref<32xf32, #tpu.memory_space<vmem>>, vector<16xf32>,
      %swap3A_1327 = vector.shape_cast %swap3A_1326 : vector<16xf32> to vector<16xf32>
      %swap3A_1328 = vector.shape_cast %select_n3A_1323 : vector<16xf32> to vector<16xf32>
      tpu.vector_store %arg8[%swap3A_1325], %swap3A_1328 {strides = array<i32>} : memref<32xf32, #tpu.memory_space<vmem>>, vector<16xf32>,
      %swap3A_1329 = arith.constant 16 : index
      %swap3A_1330 = tpu.vector_load %arg8[%swap3A_1329] {strides = array<i32>} : memref<32xf32, #tpu.memory_space<vmem>>, vector<16xf32>,
      %swap3A_1331 = vector.shape_cast %swap3A_1330 : vector<16xf32> to vector<16xf32>
      %swap3A_1332 = vector.shape_cast %select_n3A_1323 : vector<16xf32> to vector<16xf32>
      tpu.vector_store %arg8[%swap3A_1329], %swap3A_1332 {strides = array<i32>} : memref<32xf32, #tpu.memory_space<vmem>>, vector<16xf32>,
      %swap3A_1333 = arith.constant 0 : index
      %swap3A_1334 = tpu.vector_load %arg9[%swap3A_1333] {strides = array<i32>} : memref<32xi32, #tpu.memory_space<vmem>>, vector<16xi32>,
      %swap3A_1335 = vector.shape_cast %swap3A_1334 : vector<16xi32> to vector<16xi32>
      %swap3A_1336 = vector.shape_cast %select_n3A_1324 : vector<16xi32> to vector<16xi32>
      tpu.vector_store %arg9[%swap3A_1333], %swap3A_1336 {strides = array<i32>} : memref<32xi32, #tpu.memory_space<vmem>>, vector<16xi32>,
      %swap3A_1337 = arith.constant 16 : index
      %swap3A_1338 = tpu.vector_load %arg9[%swap3A_1337] {strides = array<i32>} : memref<32xi32, #tpu.memory_space<vmem>>, vector<16xi32>,
      %swap3A_1339 = vector.shape_cast %swap3A_1338 : vector<16xi32> to vector<16xi32>
      %swap3A_1340 = vector.shape_cast %select_n3A_1324 : vector<16xi32> to vector<16xi32>
      tpu.vector_store %arg9[%swap3A_1337], %swap3A_1340 {strides = array<i32>} : memref<32xi32, #tpu.memory_space<vmem>>, vector<16xi32>,
      %get3A_1341 = arith.constant 1 : index
      %get3A_1342 = tpu.vector_load %arg8[%get3A_1341] {strides = array<i32>} : memref<32xf32, #tpu.memory_space<vmem>>, vector<16xf32>,
      %get3A_1343 = vector.shape_cast %get3A_1342 : vector<16xf32> to vector<16xf32>
      %get3A_1344 = arith.constant 1 : index
      %get3A_1345 = tpu.vector_load %arg9[%get3A_1344] {strides = array<i32>} : memref<32xi32, #tpu.memory_space<vmem>>, vector<16xi32>,
      %get3A_1346 = vector.shape_cast %get3A_1345 : vector<16xi32> to vector<16xi32>
      %lt3A_1347 = arith.cmpf olt, %get3A_1343, %select_n3A_1323 : vector<16xf32>
      %eq3A_1348 = arith.cmpf oeq, %get3A_1343, %select_n3A_1323 : vector<16xf32>
      %lt3A_1349 = arith.cmpi slt, %get3A_1346, %select_n3A_1324 : vector<16xi32>
      %and3A_1350 = arith.andi %eq3A_1348, %lt3A_1349 : vector<16xi1>
      %or3A_1351 = arith.ori %lt3A_1347, %and3A_1350 : vector<16xi1>
      %select_n3A_1352 = arith.select %or3A_1351, %get3A_1343, %select_n3A_1323 : vector<16xi1>, vector<16xf32>
      %select_n3A_1353 = arith.select %or3A_1351, %get3A_1346, %select_n3A_1324 : vector<16xi1>, vector<16xi32>
      %eq3A_1354 = arith.constant 9 : i32
      %eq3A_1355 = vector.broadcast %eq3A_1354 : i32 to vector<16xi32>
      %eq3A_1356 = arith.cmpi eq, %iota3A, %eq3A_1355 : vector<16xi32>
      %select_n3A_1357 = arith.select %eq3A_1356, %select_n3A_1353, %select_n3A_1237 : vector<16xi1>, vector<16xi32>
      %swap3A_1358 = arith.constant 0 : index
      %swap3A_1359 = tpu.vector_load %arg8[%swap3A_1358] {strides = array<i32>} : memref<32xf32, #tpu.memory_space<vmem>>, vector<16xf32>,
      %swap3A_1360 = vector.shape_cast %swap3A_1359 : vector<16xf32> to vector<16xf32>
      %swap3A_1361 = vector.shape_cast %scan3A_1116#2 : vector<16xf32> to vector<16xf32>
      tpu.vector_store %arg8[%swap3A_1358], %swap3A_1361 {strides = array<i32>} : memref<32xf32, #tpu.memory_space<vmem>>, vector<16xf32>,
      %swap3A_1362 = arith.constant 16 : index
      %swap3A_1363 = tpu.vector_load %arg8[%swap3A_1362] {strides = array<i32>} : memref<32xf32, #tpu.memory_space<vmem>>, vector<16xf32>,
      %swap3A_1364 = vector.shape_cast %swap3A_1363 : vector<16xf32> to vector<16xf32>
      %swap3A_1365 = vector.shape_cast %scan3A_1116#2 : vector<16xf32> to vector<16xf32>
      tpu.vector_store %arg8[%swap3A_1362], %swap3A_1365 {strides = array<i32>} : memref<32xf32, #tpu.memory_space<vmem>>, vector<16xf32>,
      %swap3A_1366 = arith.constant 0 : index
      %swap3A_1367 = tpu.vector_load %arg9[%swap3A_1366] {strides = array<i32>} : memref<32xi32, #tpu.memory_space<vmem>>, vector<16xi32>,
      %swap3A_1368 = vector.shape_cast %swap3A_1367 : vector<16xi32> to vector<16xi32>
      %swap3A_1369 = vector.shape_cast %scan3A_1116#6 : vector<16xi32> to vector<16xi32>
      tpu.vector_store %arg9[%swap3A_1366], %swap3A_1369 {strides = array<i32>} : memref<32xi32, #tpu.memory_space<vmem>>, vector<16xi32>,
      %swap3A_1370 = arith.constant 16 : index
      %swap3A_1371 = tpu.vector_load %arg9[%swap3A_1370] {strides = array<i32>} : memref<32xi32, #tpu.memory_space<vmem>>, vector<16xi32>,
      %swap3A_1372 = vector.shape_cast %swap3A_1371 : vector<16xi32> to vector<16xi32>
      %swap3A_1373 = vector.shape_cast %scan3A_1116#6 : vector<16xi32> to vector<16xi32>
      tpu.vector_store %arg9[%swap3A_1370], %swap3A_1373 {strides = array<i32>} : memref<32xi32, #tpu.memory_space<vmem>>, vector<16xi32>,
      %get3A_1374 = arith.constant 8 : index
      %get3A_1375 = tpu.vector_load %arg8[%get3A_1374] {strides = array<i32>} : memref<32xf32, #tpu.memory_space<vmem>>, vector<16xf32>,
      %get3A_1376 = vector.shape_cast %get3A_1375 : vector<16xf32> to vector<16xf32>
      %get3A_1377 = arith.constant 8 : index
      %get3A_1378 = tpu.vector_load %arg9[%get3A_1377] {strides = array<i32>} : memref<32xi32, #tpu.memory_space<vmem>>, vector<16xi32>,
      %get3A_1379 = vector.shape_cast %get3A_1378 : vector<16xi32> to vector<16xi32>
      %lt3A_1380 = arith.cmpf olt, %get3A_1376, %scan3A_1116#2 : vector<16xf32>
      %eq3A_1381 = arith.cmpf oeq, %get3A_1376, %scan3A_1116#2 : vector<16xf32>
      %lt3A_1382 = arith.cmpi slt, %get3A_1379, %scan3A_1116#6 : vector<16xi32>
      %and3A_1383 = arith.andi %eq3A_1381, %lt3A_1382 : vector<16xi1>
      %or3A_1384 = arith.ori %lt3A_1380, %and3A_1383 : vector<16xi1>
      %select_n3A_1385 = arith.select %or3A_1384, %get3A_1376, %scan3A_1116#2 : vector<16xi1>, vector<16xf32>
      %select_n3A_1386 = arith.select %or3A_1384, %get3A_1379, %scan3A_1116#6 : vector<16xi1>, vector<16xi32>
      %swap3A_1387 = arith.constant 0 : index
      %swap3A_1388 = tpu.vector_load %arg8[%swap3A_1387] {strides = array<i32>} : memref<32xf32, #tpu.memory_space<vmem>>, vector<16xf32>,
      %swap3A_1389 = vector.shape_cast %swap3A_1388 : vector<16xf32> to vector<16xf32>
      %swap3A_1390 = vector.shape_cast %select_n3A_1385 : vector<16xf32> to vector<16xf32>
      tpu.vector_store %arg8[%swap3A_1387], %swap3A_1390 {strides = array<i32>} : memref<32xf32, #tpu.memory_space<vmem>>, vector<16xf32>,
      %swap3A_1391 = arith.constant 16 : index
      %swap3A_1392 = tpu.vector_load %arg8[%swap3A_1391] {strides = array<i32>} : memref<32xf32, #tpu.memory_space<vmem>>, vector<16xf32>,
      %swap3A_1393 = vector.shape_cast %swap3A_1392 : vector<16xf32> to vector<16xf32>
      %swap3A_1394 = vector.shape_cast %select_n3A_1385 : vector<16xf32> to vector<16xf32>
      tpu.vector_store %arg8[%swap3A_1391], %swap3A_1394 {strides = array<i32>} : memref<32xf32, #tpu.memory_space<vmem>>, vector<16xf32>,
      %swap3A_1395 = arith.constant 0 : index
      %swap3A_1396 = tpu.vector_load %arg9[%swap3A_1395] {strides = array<i32>} : memref<32xi32, #tpu.memory_space<vmem>>, vector<16xi32>,
      %swap3A_1397 = vector.shape_cast %swap3A_1396 : vector<16xi32> to vector<16xi32>
      %swap3A_1398 = vector.shape_cast %select_n3A_1386 : vector<16xi32> to vector<16xi32>
      tpu.vector_store %arg9[%swap3A_1395], %swap3A_1398 {strides = array<i32>} : memref<32xi32, #tpu.memory_space<vmem>>, vector<16xi32>,
      %swap3A_1399 = arith.constant 16 : index
      %swap3A_1400 = tpu.vector_load %arg9[%swap3A_1399] {strides = array<i32>} : memref<32xi32, #tpu.memory_space<vmem>>, vector<16xi32>,
      %swap3A_1401 = vector.shape_cast %swap3A_1400 : vector<16xi32> to vector<16xi32>
      %swap3A_1402 = vector.shape_cast %select_n3A_1386 : vector<16xi32> to vector<16xi32>
      tpu.vector_store %arg9[%swap3A_1399], %swap3A_1402 {strides = array<i32>} : memref<32xi32, #tpu.memory_space<vmem>>, vector<16xi32>,
      %get3A_1403 = arith.constant 4 : index
      %get3A_1404 = tpu.vector_load %arg8[%get3A_1403] {strides = array<i32>} : memref<32xf32, #tpu.memory_space<vmem>>, vector<16xf32>,
      %get3A_1405 = vector.shape_cast %get3A_1404 : vector<16xf32> to vector<16xf32>
      %get3A_1406 = arith.constant 4 : index
      %get3A_1407 = tpu.vector_load %arg9[%get3A_1406] {strides = array<i32>} : memref<32xi32, #tpu.memory_space<vmem>>, vector<16xi32>,
      %get3A_1408 = vector.shape_cast %get3A_1407 : vector<16xi32> to vector<16xi32>
      %lt3A_1409 = arith.cmpf olt, %get3A_1405, %select_n3A_1385 : vector<16xf32>
      %eq3A_1410 = arith.cmpf oeq, %get3A_1405, %select_n3A_1385 : vector<16xf32>
      %lt3A_1411 = arith.cmpi slt, %get3A_1408, %select_n3A_1386 : vector<16xi32>
      %and3A_1412 = arith.andi %eq3A_1410, %lt3A_1411 : vector<16xi1>
      %or3A_1413 = arith.ori %lt3A_1409, %and3A_1412 : vector<16xi1>
      %select_n3A_1414 = arith.select %or3A_1413, %get3A_1405, %select_n3A_1385 : vector<16xi1>, vector<16xf32>
      %select_n3A_1415 = arith.select %or3A_1413, %get3A_1408, %select_n3A_1386 : vector<16xi1>, vector<16xi32>
      %swap3A_1416 = arith.constant 0 : index
      %swap3A_1417 = tpu.vector_load %arg8[%swap3A_1416] {strides = array<i32>} : memref<32xf32, #tpu.memory_space<vmem>>, vector<16xf32>,
      %swap3A_1418 = vector.shape_cast %swap3A_1417 : vector<16xf32> to vector<16xf32>
      %swap3A_1419 = vector.shape_cast %select_n3A_1414 : vector<16xf32> to vector<16xf32>
      tpu.vector_store %arg8[%swap3A_1416], %swap3A_1419 {strides = array<i32>} : memref<32xf32, #tpu.memory_space<vmem>>, vector<16xf32>,
      %swap3A_1420 = arith.constant 16 : index
      %swap3A_1421 = tpu.vector_load %arg8[%swap3A_1420] {strides = array<i32>} : memref<32xf32, #tpu.memory_space<vmem>>, vector<16xf32>,
      %swap3A_1422 = vector.shape_cast %swap3A_1421 : vector<16xf32> to vector<16xf32>
      %swap3A_1423 = vector.shape_cast %select_n3A_1414 : vector<16xf32> to vector<16xf32>
      tpu.vector_store %arg8[%swap3A_1420], %swap3A_1423 {strides = array<i32>} : memref<32xf32, #tpu.memory_space<vmem>>, vector<16xf32>,
      %swap3A_1424 = arith.constant 0 : index
      %swap3A_1425 = tpu.vector_load %arg9[%swap3A_1424] {strides = array<i32>} : memref<32xi32, #tpu.memory_space<vmem>>, vector<16xi32>,
      %swap3A_1426 = vector.shape_cast %swap3A_1425 : vector<16xi32> to vector<16xi32>
      %swap3A_1427 = vector.shape_cast %select_n3A_1415 : vector<16xi32> to vector<16xi32>
      tpu.vector_store %arg9[%swap3A_1424], %swap3A_1427 {strides = array<i32>} : memref<32xi32, #tpu.memory_space<vmem>>, vector<16xi32>,
      %swap3A_1428 = arith.constant 16 : index
      %swap3A_1429 = tpu.vector_load %arg9[%swap3A_1428] {strides = array<i32>} : memref<32xi32, #tpu.memory_space<vmem>>, vector<16xi32>,
      %swap3A_1430 = vector.shape_cast %swap3A_1429 : vector<16xi32> to vector<16xi32>
      %swap3A_1431 = vector.shape_cast %select_n3A_1415 : vector<16xi32> to vector<16xi32>
      tpu.vector_store %arg9[%swap3A_1428], %swap3A_1431 {strides = array<i32>} : memref<32xi32, #tpu.memory_space<vmem>>, vector<16xi32>,
      %get3A_1432 = arith.constant 2 : index
      %get3A_1433 = tpu.vector_load %arg8[%get3A_1432] {strides = array<i32>} : memref<32xf32, #tpu.memory_space<vmem>>, vector<16xf32>,
      %get3A_1434 = vector.shape_cast %get3A_1433 : vector<16xf32> to vector<16xf32>
      %get3A_1435 = arith.constant 2 : index
      %get3A_1436 = tpu.vector_load %arg9[%get3A_1435] {strides = array<i32>} : memref<32xi32, #tpu.memory_space<vmem>>, vector<16xi32>,
      %get3A_1437 = vector.shape_cast %get3A_1436 : vector<16xi32> to vector<16xi32>
      %lt3A_1438 = arith.cmpf olt, %get3A_1434, %select_n3A_1414 : vector<16xf32>
      %eq3A_1439 = arith.cmpf oeq, %get3A_1434, %select_n3A_1414 : vector<16xf32>
      %lt3A_1440 = arith.cmpi slt, %get3A_1437, %select_n3A_1415 : vector<16xi32>
      %and3A_1441 = arith.andi %eq3A_1439, %lt3A_1440 : vector<16xi1>
      %or3A_1442 = arith.ori %lt3A_1438, %and3A_1441 : vector<16xi1>
      %select_n3A_1443 = arith.select %or3A_1442, %get3A_1434, %select_n3A_1414 : vector<16xi1>, vector<16xf32>
      %select_n3A_1444 = arith.select %or3A_1442, %get3A_1437, %select_n3A_1415 : vector<16xi1>, vector<16xi32>
      %swap3A_1445 = arith.constant 0 : index
      %swap3A_1446 = tpu.vector_load %arg8[%swap3A_1445] {strides = array<i32>} : memref<32xf32, #tpu.memory_space<vmem>>, vector<16xf32>,
      %swap3A_1447 = vector.shape_cast %swap3A_1446 : vector<16xf32> to vector<16xf32>
      %swap3A_1448 = vector.shape_cast %select_n3A_1443 : vector<16xf32> to vector<16xf32>
      tpu.vector_store %arg8[%swap3A_1445], %swap3A_1448 {strides = array<i32>} : memref<32xf32, #tpu.memory_space<vmem>>, vector<16xf32>,
      %swap3A_1449 = arith.constant 16 : index
      %swap3A_1450 = tpu.vector_load %arg8[%swap3A_1449] {strides = array<i32>} : memref<32xf32, #tpu.memory_space<vmem>>, vector<16xf32>,
      %swap3A_1451 = vector.shape_cast %swap3A_1450 : vector<16xf32> to vector<16xf32>
      %swap3A_1452 = vector.shape_cast %select_n3A_1443 : vector<16xf32> to vector<16xf32>
      tpu.vector_store %arg8[%swap3A_1449], %swap3A_1452 {strides = array<i32>} : memref<32xf32, #tpu.memory_space<vmem>>, vector<16xf32>,
      %swap3A_1453 = arith.constant 0 : index
      %swap3A_1454 = tpu.vector_load %arg9[%swap3A_1453] {strides = array<i32>} : memref<32xi32, #tpu.memory_space<vmem>>, vector<16xi32>,
      %swap3A_1455 = vector.shape_cast %swap3A_1454 : vector<16xi32> to vector<16xi32>
      %swap3A_1456 = vector.shape_cast %select_n3A_1444 : vector<16xi32> to vector<16xi32>
      tpu.vector_store %arg9[%swap3A_1453], %swap3A_1456 {strides = array<i32>} : memref<32xi32, #tpu.memory_space<vmem>>, vector<16xi32>,
      %swap3A_1457 = arith.constant 16 : index
      %swap3A_1458 = tpu.vector_load %arg9[%swap3A_1457] {strides = array<i32>} : memref<32xi32, #tpu.memory_space<vmem>>, vector<16xi32>,
      %swap3A_1459 = vector.shape_cast %swap3A_1458 : vector<16xi32> to vector<16xi32>
      %swap3A_1460 = vector.shape_cast %select_n3A_1444 : vector<16xi32> to vector<16xi32>
      tpu.vector_store %arg9[%swap3A_1457], %swap3A_1460 {strides = array<i32>} : memref<32xi32, #tpu.memory_space<vmem>>, vector<16xi32>,
      %get3A_1461 = arith.constant 1 : index
      %get3A_1462 = tpu.vector_load %arg8[%get3A_1461] {strides = array<i32>} : memref<32xf32, #tpu.memory_space<vmem>>, vector<16xf32>,
      %get3A_1463 = vector.shape_cast %get3A_1462 : vector<16xf32> to vector<16xf32>
      %get3A_1464 = arith.constant 1 : index
      %get3A_1465 = tpu.vector_load %arg9[%get3A_1464] {strides = array<i32>} : memref<32xi32, #tpu.memory_space<vmem>>, vector<16xi32>,
      %get3A_1466 = vector.shape_cast %get3A_1465 : vector<16xi32> to vector<16xi32>
      %lt3A_1467 = arith.cmpf olt, %get3A_1463, %select_n3A_1443 : vector<16xf32>
      %eq3A_1468 = arith.cmpf oeq, %get3A_1463, %select_n3A_1443 : vector<16xf32>
      %lt3A_1469 = arith.cmpi slt, %get3A_1466, %select_n3A_1444 : vector<16xi32>
      %and3A_1470 = arith.andi %eq3A_1468, %lt3A_1469 : vector<16xi1>
      %or3A_1471 = arith.ori %lt3A_1467, %and3A_1470 : vector<16xi1>
      %select_n3A_1472 = arith.select %or3A_1471, %get3A_1463, %select_n3A_1443 : vector<16xi1>, vector<16xf32>
      %select_n3A_1473 = arith.select %or3A_1471, %get3A_1466, %select_n3A_1444 : vector<16xi1>, vector<16xi32>
      %eq3A_1474 = arith.constant 10 : i32
      %eq3A_1475 = vector.broadcast %eq3A_1474 : i32 to vector<16xi32>
      %eq3A_1476 = arith.cmpi eq, %iota3A, %eq3A_1475 : vector<16xi32>
      %select_n3A_1477 = arith.select %eq3A_1476, %select_n3A_1473, %select_n3A_1357 : vector<16xi1>, vector<16xi32>
      %swap3A_1478 = arith.constant 0 : index
      %swap3A_1479 = tpu.vector_load %arg8[%swap3A_1478] {strides = array<i32>} : memref<32xf32, #tpu.memory_space<vmem>>, vector<16xf32>,
      %swap3A_1480 = vector.shape_cast %swap3A_1479 : vector<16xf32> to vector<16xf32>
      %swap3A_1481 = vector.shape_cast %scan3A_1116#3 : vector<16xf32> to vector<16xf32>
      tpu.vector_store %arg8[%swap3A_1478], %swap3A_1481 {strides = array<i32>} : memref<32xf32, #tpu.memory_space<vmem>>, vector<16xf32>,
      %swap3A_1482 = arith.constant 16 : index
      %swap3A_1483 = tpu.vector_load %arg8[%swap3A_1482] {strides = array<i32>} : memref<32xf32, #tpu.memory_space<vmem>>, vector<16xf32>,
      %swap3A_1484 = vector.shape_cast %swap3A_1483 : vector<16xf32> to vector<16xf32>
      %swap3A_1485 = vector.shape_cast %scan3A_1116#3 : vector<16xf32> to vector<16xf32>
      tpu.vector_store %arg8[%swap3A_1482], %swap3A_1485 {strides = array<i32>} : memref<32xf32, #tpu.memory_space<vmem>>, vector<16xf32>,
      %swap3A_1486 = arith.constant 0 : index
      %swap3A_1487 = tpu.vector_load %arg9[%swap3A_1486] {strides = array<i32>} : memref<32xi32, #tpu.memory_space<vmem>>, vector<16xi32>,
      %swap3A_1488 = vector.shape_cast %swap3A_1487 : vector<16xi32> to vector<16xi32>
      %swap3A_1489 = vector.shape_cast %scan3A_1116#7 : vector<16xi32> to vector<16xi32>
      tpu.vector_store %arg9[%swap3A_1486], %swap3A_1489 {strides = array<i32>} : memref<32xi32, #tpu.memory_space<vmem>>, vector<16xi32>,
      %swap3A_1490 = arith.constant 16 : index
      %swap3A_1491 = tpu.vector_load %arg9[%swap3A_1490] {strides = array<i32>} : memref<32xi32, #tpu.memory_space<vmem>>, vector<16xi32>,
      %swap3A_1492 = vector.shape_cast %swap3A_1491 : vector<16xi32> to vector<16xi32>
      %swap3A_1493 = vector.shape_cast %scan3A_1116#7 : vector<16xi32> to vector<16xi32>
      tpu.vector_store %arg9[%swap3A_1490], %swap3A_1493 {strides = array<i32>} : memref<32xi32, #tpu.memory_space<vmem>>, vector<16xi32>,
      %get3A_1494 = arith.constant 8 : index
      %get3A_1495 = tpu.vector_load %arg8[%get3A_1494] {strides = array<i32>} : memref<32xf32, #tpu.memory_space<vmem>>, vector<16xf32>,
      %get3A_1496 = vector.shape_cast %get3A_1495 : vector<16xf32> to vector<16xf32>
      %get3A_1497 = arith.constant 8 : index
      %get3A_1498 = tpu.vector_load %arg9[%get3A_1497] {strides = array<i32>} : memref<32xi32, #tpu.memory_space<vmem>>, vector<16xi32>,
      %get3A_1499 = vector.shape_cast %get3A_1498 : vector<16xi32> to vector<16xi32>
      %lt3A_1500 = arith.cmpf olt, %get3A_1496, %scan3A_1116#3 : vector<16xf32>
      %eq3A_1501 = arith.cmpf oeq, %get3A_1496, %scan3A_1116#3 : vector<16xf32>
      %lt3A_1502 = arith.cmpi slt, %get3A_1499, %scan3A_1116#7 : vector<16xi32>
      %and3A_1503 = arith.andi %eq3A_1501, %lt3A_1502 : vector<16xi1>
      %or3A_1504 = arith.ori %lt3A_1500, %and3A_1503 : vector<16xi1>
      %select_n3A_1505 = arith.select %or3A_1504, %get3A_1496, %scan3A_1116#3 : vector<16xi1>, vector<16xf32>
      %select_n3A_1506 = arith.select %or3A_1504, %get3A_1499, %scan3A_1116#7 : vector<16xi1>, vector<16xi32>
      %swap3A_1507 = arith.constant 0 : index
      %swap3A_1508 = tpu.vector_load %arg8[%swap3A_1507] {strides = array<i32>} : memref<32xf32, #tpu.memory_space<vmem>>, vector<16xf32>,
      %swap3A_1509 = vector.shape_cast %swap3A_1508 : vector<16xf32> to vector<16xf32>
      %swap3A_1510 = vector.shape_cast %select_n3A_1505 : vector<16xf32> to vector<16xf32>
      tpu.vector_store %arg8[%swap3A_1507], %swap3A_1510 {strides = array<i32>} : memref<32xf32, #tpu.memory_space<vmem>>, vector<16xf32>,
      %swap3A_1511 = arith.constant 16 : index
      %swap3A_1512 = tpu.vector_load %arg8[%swap3A_1511] {strides = array<i32>} : memref<32xf32, #tpu.memory_space<vmem>>, vector<16xf32>,
      %swap3A_1513 = vector.shape_cast %swap3A_1512 : vector<16xf32> to vector<16xf32>
      %swap3A_1514 = vector.shape_cast %select_n3A_1505 : vector<16xf32> to vector<16xf32>
      tpu.vector_store %arg8[%swap3A_1511], %swap3A_1514 {strides = array<i32>} : memref<32xf32, #tpu.memory_space<vmem>>, vector<16xf32>,
      %swap3A_1515 = arith.constant 0 : index
      %swap3A_1516 = tpu.vector_load %arg9[%swap3A_1515] {strides = array<i32>} : memref<32xi32, #tpu.memory_space<vmem>>, vector<16xi32>,
      %swap3A_1517 = vector.shape_cast %swap3A_1516 : vector<16xi32> to vector<16xi32>
      %swap3A_1518 = vector.shape_cast %select_n3A_1506 : vector<16xi32> to vector<16xi32>
      tpu.vector_store %arg9[%swap3A_1515], %swap3A_1518 {strides = array<i32>} : memref<32xi32, #tpu.memory_space<vmem>>, vector<16xi32>,
      %swap3A_1519 = arith.constant 16 : index
      %swap3A_1520 = tpu.vector_load %arg9[%swap3A_1519] {strides = array<i32>} : memref<32xi32, #tpu.memory_space<vmem>>, vector<16xi32>,
      %swap3A_1521 = vector.shape_cast %swap3A_1520 : vector<16xi32> to vector<16xi32>
      %swap3A_1522 = vector.shape_cast %select_n3A_1506 : vector<16xi32> to vector<16xi32>
      tpu.vector_store %arg9[%swap3A_1519], %swap3A_1522 {strides = array<i32>} : memref<32xi32, #tpu.memory_space<vmem>>, vector<16xi32>,
      %get3A_1523 = arith.constant 4 : index
      %get3A_1524 = tpu.vector_load %arg8[%get3A_1523] {strides = array<i32>} : memref<32xf32, #tpu.memory_space<vmem>>, vector<16xf32>,
      %get3A_1525 = vector.shape_cast %get3A_1524 : vector<16xf32> to vector<16xf32>
      %get3A_1526 = arith.constant 4 : index
      %get3A_1527 = tpu.vector_load %arg9[%get3A_1526] {strides = array<i32>} : memref<32xi32, #tpu.memory_space<vmem>>, vector<16xi32>,
      %get3A_1528 = vector.shape_cast %get3A_1527 : vector<16xi32> to vector<16xi32>
      %lt3A_1529 = arith.cmpf olt, %get3A_1525, %select_n3A_1505 : vector<16xf32>
      %eq3A_1530 = arith.cmpf oeq, %get3A_1525, %select_n3A_1505 : vector<16xf32>
      %lt3A_1531 = arith.cmpi slt, %get3A_1528, %select_n3A_1506 : vector<16xi32>
      %and3A_1532 = arith.andi %eq3A_1530, %lt3A_1531 : vector<16xi1>
      %or3A_1533 = arith.ori %lt3A_1529, %and3A_1532 : vector<16xi1>
      %select_n3A_1534 = arith.select %or3A_1533, %get3A_1525, %select_n3A_1505 : vector<16xi1>, vector<16xf32>
      %select_n3A_1535 = arith.select %or3A_1533, %get3A_1528, %select_n3A_1506 : vector<16xi1>, vector<16xi32>
      %swap3A_1536 = arith.constant 0 : index
      %swap3A_1537 = tpu.vector_load %arg8[%swap3A_1536] {strides = array<i32>} : memref<32xf32, #tpu.memory_space<vmem>>, vector<16xf32>,
      %swap3A_1538 = vector.shape_cast %swap3A_1537 : vector<16xf32> to vector<16xf32>
      %swap3A_1539 = vector.shape_cast %select_n3A_1534 : vector<16xf32> to vector<16xf32>
      tpu.vector_store %arg8[%swap3A_1536], %swap3A_1539 {strides = array<i32>} : memref<32xf32, #tpu.memory_space<vmem>>, vector<16xf32>,
      %swap3A_1540 = arith.constant 16 : index
      %swap3A_1541 = tpu.vector_load %arg8[%swap3A_1540] {strides = array<i32>} : memref<32xf32, #tpu.memory_space<vmem>>, vector<16xf32>,
      %swap3A_1542 = vector.shape_cast %swap3A_1541 : vector<16xf32> to vector<16xf32>
      %swap3A_1543 = vector.shape_cast %select_n3A_1534 : vector<16xf32> to vector<16xf32>
      tpu.vector_store %arg8[%swap3A_1540], %swap3A_1543 {strides = array<i32>} : memref<32xf32, #tpu.memory_space<vmem>>, vector<16xf32>,
      %swap3A_1544 = arith.constant 0 : index
      %swap3A_1545 = tpu.vector_load %arg9[%swap3A_1544] {strides = array<i32>} : memref<32xi32, #tpu.memory_space<vmem>>, vector<16xi32>,
      %swap3A_1546 = vector.shape_cast %swap3A_1545 : vector<16xi32> to vector<16xi32>
      %swap3A_1547 = vector.shape_cast %select_n3A_1535 : vector<16xi32> to vector<16xi32>
      tpu.vector_store %arg9[%swap3A_1544], %swap3A_1547 {strides = array<i32>} : memref<32xi32, #tpu.memory_space<vmem>>, vector<16xi32>,
      %swap3A_1548 = arith.constant 16 : index
      %swap3A_1549 = tpu.vector_load %arg9[%swap3A_1548] {strides = array<i32>} : memref<32xi32, #tpu.memory_space<vmem>>, vector<16xi32>,
      %swap3A_1550 = vector.shape_cast %swap3A_1549 : vector<16xi32> to vector<16xi32>
      %swap3A_1551 = vector.shape_cast %select_n3A_1535 : vector<16xi32> to vector<16xi32>
      tpu.vector_store %arg9[%swap3A_1548], %swap3A_1551 {strides = array<i32>} : memref<32xi32, #tpu.memory_space<vmem>>, vector<16xi32>,
      %get3A_1552 = arith.constant 2 : index
      %get3A_1553 = tpu.vector_load %arg8[%get3A_1552] {strides = array<i32>} : memref<32xf32, #tpu.memory_space<vmem>>, vector<16xf32>,
      %get3A_1554 = vector.shape_cast %get3A_1553 : vector<16xf32> to vector<16xf32>
      %get3A_1555 = arith.constant 2 : index
      %get3A_1556 = tpu.vector_load %arg9[%get3A_1555] {strides = array<i32>} : memref<32xi32, #tpu.memory_space<vmem>>, vector<16xi32>,
      %get3A_1557 = vector.shape_cast %get3A_1556 : vector<16xi32> to vector<16xi32>
      %lt3A_1558 = arith.cmpf olt, %get3A_1554, %select_n3A_1534 : vector<16xf32>
      %eq3A_1559 = arith.cmpf oeq, %get3A_1554, %select_n3A_1534 : vector<16xf32>
      %lt3A_1560 = arith.cmpi slt, %get3A_1557, %select_n3A_1535 : vector<16xi32>
      %and3A_1561 = arith.andi %eq3A_1559, %lt3A_1560 : vector<16xi1>
      %or3A_1562 = arith.ori %lt3A_1558, %and3A_1561 : vector<16xi1>
      %select_n3A_1563 = arith.select %or3A_1562, %get3A_1554, %select_n3A_1534 : vector<16xi1>, vector<16xf32>
      %select_n3A_1564 = arith.select %or3A_1562, %get3A_1557, %select_n3A_1535 : vector<16xi1>, vector<16xi32>
      %swap3A_1565 = arith.constant 0 : index
      %swap3A_1566 = tpu.vector_load %arg8[%swap3A_1565] {strides = array<i32>} : memref<32xf32, #tpu.memory_space<vmem>>, vector<16xf32>,
      %swap3A_1567 = vector.shape_cast %swap3A_1566 : vector<16xf32> to vector<16xf32>
      %swap3A_1568 = vector.shape_cast %select_n3A_1563 : vector<16xf32> to vector<16xf32>
      tpu.vector_store %arg8[%swap3A_1565], %swap3A_1568 {strides = array<i32>} : memref<32xf32, #tpu.memory_space<vmem>>, vector<16xf32>,
      %swap3A_1569 = arith.constant 16 : index
      %swap3A_1570 = tpu.vector_load %arg8[%swap3A_1569] {strides = array<i32>} : memref<32xf32, #tpu.memory_space<vmem>>, vector<16xf32>,
      %swap3A_1571 = vector.shape_cast %swap3A_1570 : vector<16xf32> to vector<16xf32>
      %swap3A_1572 = vector.shape_cast %select_n3A_1563 : vector<16xf32> to vector<16xf32>
      tpu.vector_store %arg8[%swap3A_1569], %swap3A_1572 {strides = array<i32>} : memref<32xf32, #tpu.memory_space<vmem>>, vector<16xf32>,
      %swap3A_1573 = arith.constant 0 : index
      %swap3A_1574 = tpu.vector_load %arg9[%swap3A_1573] {strides = array<i32>} : memref<32xi32, #tpu.memory_space<vmem>>, vector<16xi32>,
      %swap3A_1575 = vector.shape_cast %swap3A_1574 : vector<16xi32> to vector<16xi32>
      %swap3A_1576 = vector.shape_cast %select_n3A_1564 : vector<16xi32> to vector<16xi32>
      tpu.vector_store %arg9[%swap3A_1573], %swap3A_1576 {strides = array<i32>} : memref<32xi32, #tpu.memory_space<vmem>>, vector<16xi32>,
      %swap3A_1577 = arith.constant 16 : index
      %swap3A_1578 = tpu.vector_load %arg9[%swap3A_1577] {strides = array<i32>} : memref<32xi32, #tpu.memory_space<vmem>>, vector<16xi32>,
      %swap3A_1579 = vector.shape_cast %swap3A_1578 : vector<16xi32> to vector<16xi32>
      %swap3A_1580 = vector.shape_cast %select_n3A_1564 : vector<16xi32> to vector<16xi32>
      tpu.vector_store %arg9[%swap3A_1577], %swap3A_1580 {strides = array<i32>} : memref<32xi32, #tpu.memory_space<vmem>>, vector<16xi32>,
      %get3A_1581 = arith.constant 1 : index
      %get3A_1582 = tpu.vector_load %arg8[%get3A_1581] {strides = array<i32>} : memref<32xf32, #tpu.memory_space<vmem>>, vector<16xf32>,
      %get3A_1583 = vector.shape_cast %get3A_1582 : vector<16xf32> to vector<16xf32>
      %get3A_1584 = arith.constant 1 : index
      %get3A_1585 = tpu.vector_load %arg9[%get3A_1584] {strides = array<i32>} : memref<32xi32, #tpu.memory_space<vmem>>, vector<16xi32>,
      %get3A_1586 = vector.shape_cast %get3A_1585 : vector<16xi32> to vector<16xi32>
      %lt3A_1587 = arith.cmpf olt, %get3A_1583, %select_n3A_1563 : vector<16xf32>
      %eq3A_1588 = arith.cmpf oeq, %get3A_1583, %select_n3A_1563 : vector<16xf32>
      %lt3A_1589 = arith.cmpi slt, %get3A_1586, %select_n3A_1564 : vector<16xi32>
      %and3A_1590 = arith.andi %eq3A_1588, %lt3A_1589 : vector<16xi1>
      %or3A_1591 = arith.ori %lt3A_1587, %and3A_1590 : vector<16xi1>
      %select_n3A_1592 = arith.select %or3A_1591, %get3A_1583, %select_n3A_1563 : vector<16xi1>, vector<16xf32>
      %select_n3A_1593 = arith.select %or3A_1591, %get3A_1586, %select_n3A_1564 : vector<16xi1>, vector<16xi32>
      %eq3A_1594 = arith.constant 11 : i32
      %eq3A_1595 = vector.broadcast %eq3A_1594 : i32 to vector<16xi32>
      %eq3A_1596 = arith.cmpi eq, %iota3A, %eq3A_1595 : vector<16xi32>
      %select_n3A_1597 = arith.select %eq3A_1596, %select_n3A_1593, %select_n3A_1477 : vector<16xi1>, vector<16xi32>
      %slice3A_1598 = vector.extract_strided_slice %get3A_39 {offsets = [4], sizes = [1], strides = [1]} : vector<16xf32> to vector<1xf32>
      %squeeze3A_1599 = vector.extract %slice3A_1598[0] : f32 from vector<1xf32>
      %broadcast_in_dim3A_1600 = vector.broadcast %squeeze3A_1599 : f32 to vector<16xf32>
      %slice3A_1601 = vector.extract_strided_slice %get3A_39 {offsets = [5], sizes = [1], strides = [1]} : vector<16xf32> to vector<1xf32>
      %squeeze3A_1602 = vector.extract %slice3A_1601[0] : f32 from vector<1xf32>
      %broadcast_in_dim3A_1603 = vector.broadcast %squeeze3A_1602 : f32 to vector<16xf32>
      %slice3A_1604 = vector.extract_strided_slice %get3A_39 {offsets = [6], sizes = [1], strides = [1]} : vector<16xf32> to vector<1xf32>
      %squeeze3A_1605 = vector.extract %slice3A_1604[0] : f32 from vector<1xf32>
      %broadcast_in_dim3A_1606 = vector.broadcast %squeeze3A_1605 : f32 to vector<16xf32>
      %slice3A_1607 = vector.extract_strided_slice %get3A_39 {offsets = [7], sizes = [1], strides = [1]} : vector<16xf32> to vector<1xf32>
      %squeeze3A_1608 = vector.extract %slice3A_1607[0] : f32 from vector<1xf32>
      %broadcast_in_dim3A_1609 = vector.broadcast %squeeze3A_1608 : f32 to vector<16xf32>
      %slice3A_1610 = vector.extract_strided_slice %get3A_39 {offsets = [8], sizes = [1], strides = [1]} : vector<16xf32> to vector<1xf32>
      %squeeze3A_1611 = vector.extract %slice3A_1610[0] : f32 from vector<1xf32>
      %broadcast_in_dim3A_1612 = vector.broadcast %squeeze3A_1611 : f32 to vector<16xf32>
      %slice3A_1613 = vector.extract_strided_slice %get3A_39 {offsets = [9], sizes = [1], strides = [1]} : vector<16xf32> to vector<1xf32>
      %squeeze3A_1614 = vector.extract %slice3A_1613[0] : f32 from vector<1xf32>
      %broadcast_in_dim3A_1615 = vector.broadcast %squeeze3A_1614 : f32 to vector<16xf32>
      %slice3A_1616 = vector.extract_strided_slice %get3A_39 {offsets = [10], sizes = [1], strides = [1]} : vector<16xf32> to vector<1xf32>
      %squeeze3A_1617 = vector.extract %slice3A_1616[0] : f32 from vector<1xf32>
      %broadcast_in_dim3A_1618 = vector.broadcast %squeeze3A_1617 : f32 to vector<16xf32>
      %slice3A_1619 = vector.extract_strided_slice %get3A_39 {offsets = [11], sizes = [1], strides = [1]} : vector<16xf32> to vector<1xf32>
      %squeeze3A_1620 = vector.extract %slice3A_1619[0] : f32 from vector<1xf32>
      %broadcast_in_dim3A_1621 = vector.broadcast %squeeze3A_1620 : f32 to vector<16xf32>
      %slice3A_1622 = vector.extract_strided_slice %get3A_39 {offsets = [12], sizes = [1], strides = [1]} : vector<16xf32> to vector<1xf32>
      %squeeze3A_1623 = vector.extract %slice3A_1622[0] : f32 from vector<1xf32>
      %broadcast_in_dim3A_1624 = vector.broadcast %squeeze3A_1623 : f32 to vector<16xf32>
      %slice3A_1625 = vector.extract_strided_slice %get3A_39 {offsets = [13], sizes = [1], strides = [1]} : vector<16xf32> to vector<1xf32>
      %squeeze3A_1626 = vector.extract %slice3A_1625[0] : f32 from vector<1xf32>
      %broadcast_in_dim3A_1627 = vector.broadcast %squeeze3A_1626 : f32 to vector<16xf32>
      %slice3A_1628 = vector.extract_strided_slice %get3A_39 {offsets = [14], sizes = [1], strides = [1]} : vector<16xf32> to vector<1xf32>
      %squeeze3A_1629 = vector.extract %slice3A_1628[0] : f32 from vector<1xf32>
      %broadcast_in_dim3A_1630 = vector.broadcast %squeeze3A_1629 : f32 to vector<16xf32>
      %slice3A_1631 = vector.extract_strided_slice %get3A_39 {offsets = [15], sizes = [1], strides = [1]} : vector<16xf32> to vector<1xf32>
      %squeeze3A_1632 = vector.extract %slice3A_1631[0] : f32 from vector<1xf32>
      %broadcast_in_dim3A_1633 = vector.broadcast %squeeze3A_1632 : f32 to vector<16xf32>
      %scan3A_1634 = arith.constant 0 : i32
      %scan3A_1635 = arith.constant 128 : i32
      %scan3A_1636 = arith.addi %scan3A_1634, %scan3A_1635 : i32
      %scan3A_1637 = arith.constant 1 : i32
      %scan3A_1638:8 = scf.for %scan3A_2127 = %scan3A_1634 to %scan3A_1636 step %scan3A_1637 iter_args(%scan3A_2128 = %broadcast_in_dim3A_7, %scan3A_2129 = %broadcast_in_dim3A_7, %scan3A_2130 = %broadcast_in_dim3A_7, %scan3A_2131 = %broadcast_in_dim3A_7, %scan3A_2132 = %broadcast_in_dim3A_9, %scan3A_2133 = %broadcast_in_dim3A_9, %scan3A_2134 = %broadcast_in_dim3A_9, %scan3A_2135 = %broadcast_in_dim3A_9) -> (vector<16xf32>, vector<16xf32>, vector<16xf32>, vector<16xf32>, vector<16xi32>, vector<16xi32>, vector<16xi32>, vector<16xi32>)  : i32 {
        %mul3A_2136 = arith.constant 4 : i32
        %mul3A_2137 = arith.muli %scan3A_2127, %mul3A_2136 : i32
        %add3A_2138 = arith.constant 0 : i32
        %add3A_2139 = arith.addi %mul3A_2137, %add3A_2138 : i32
        %mul3A_2140 = arith.constant 16 : i32
        %mul3A_2141 = arith.muli %add3A_2139, %mul3A_2140 : i32
        %get3A_2142 = arith.index_cast %mul3A_2141 : i32 to index
        %get3A_2143 = tpu.vector_load %arg6[%get3A_2142] {strides = array<i32>} : memref<24576xf32, #tpu.memory_space<vmem>>, vector<16xf32>,
        %get3A_2144 = vector.shape_cast %get3A_2143 : vector<16xf32> to vector<16xf32>
        %add3A_2145 = arith.constant 8192 : i32
        %add3A_2146 = arith.addi %add3A_2145, %mul3A_2141 : i32
        %get3A_2147 = arith.index_cast %add3A_2146 : i32 to index
        %get3A_2148 = tpu.vector_load %arg6[%get3A_2147] {strides = array<i32>} : memref<24576xf32, #tpu.memory_space<vmem>>, vector<16xf32>,
        %get3A_2149 = vector.shape_cast %get3A_2148 : vector<16xf32> to vector<16xf32>
        %add3A_2150 = arith.constant 16384 : i32
        %add3A_2151 = arith.addi %add3A_2150, %mul3A_2141 : i32
        %get3A_2152 = arith.index_cast %add3A_2151 : i32 to index
        %get3A_2153 = tpu.vector_load %arg6[%get3A_2152] {strides = array<i32>} : memref<24576xf32, #tpu.memory_space<vmem>>, vector<16xf32>,
        %get3A_2154 = vector.shape_cast %get3A_2153 : vector<16xf32> to vector<16xf32>
        %add3A_2155 = vector.broadcast %mul3A_2141 : i32 to vector<16xi32>
        %add3A_2156 = arith.addi %iota3A, %add3A_2155 : vector<16xi32>
        %sub3A = arith.subf %broadcast_in_dim3A_1600, %get3A_2144 : vector<16xf32>
        %sub3A_2157 = arith.subf %broadcast_in_dim3A_1603, %get3A_2149 : vector<16xf32>
        %sub3A_2158 = arith.subf %broadcast_in_dim3A_1606, %get3A_2154 : vector<16xf32>
        %mul3A_2159 = arith.mulf %sub3A, %sub3A : vector<16xf32>
        %mul3A_2160 = arith.mulf %sub3A_2157, %sub3A_2157 : vector<16xf32>
        %add3A_2161 = arith.addf %mul3A_2159, %mul3A_2160 : vector<16xf32>
        %mul3A_2162 = arith.mulf %sub3A_2158, %sub3A_2158 : vector<16xf32>
        %add3A_2163 = arith.addf %add3A_2161, %mul3A_2162 : vector<16xf32>
        %lt3A_2164 = arith.cmpf olt, %add3A_2163, %scan3A_2128 : vector<16xf32>
        %select_n3A_2165 = arith.select %lt3A_2164, %add3A_2163, %scan3A_2128 : vector<16xi1>, vector<16xf32>
        %select_n3A_2166 = arith.select %lt3A_2164, %add3A_2156, %scan3A_2132 : vector<16xi1>, vector<16xi32>
        %sub3A_2167 = arith.subf %broadcast_in_dim3A_1609, %get3A_2144 : vector<16xf32>
        %sub3A_2168 = arith.subf %broadcast_in_dim3A_1612, %get3A_2149 : vector<16xf32>
        %sub3A_2169 = arith.subf %broadcast_in_dim3A_1615, %get3A_2154 : vector<16xf32>
        %mul3A_2170 = arith.mulf %sub3A_2167, %sub3A_2167 : vector<16xf32>
        %mul3A_2171 = arith.mulf %sub3A_2168, %sub3A_2168 : vector<16xf32>
        %add3A_2172 = arith.addf %mul3A_2170, %mul3A_2171 : vector<16xf32>
        %mul3A_2173 = arith.mulf %sub3A_2169, %sub3A_2169 : vector<16xf32>
        %add3A_2174 = arith.addf %add3A_2172, %mul3A_2173 : vector<16xf32>
        %lt3A_2175 = arith.cmpf olt, %add3A_2174, %scan3A_2129 : vector<16xf32>
        %select_n3A_2176 = arith.select %lt3A_2175, %add3A_2174, %scan3A_2129 : vector<16xi1>, vector<16xf32>
        %select_n3A_2177 = arith.select %lt3A_2175, %add3A_2156, %scan3A_2133 : vector<16xi1>, vector<16xi32>
        %sub3A_2178 = arith.subf %broadcast_in_dim3A_1618, %get3A_2144 : vector<16xf32>
        %sub3A_2179 = arith.subf %broadcast_in_dim3A_1621, %get3A_2149 : vector<16xf32>
        %sub3A_2180 = arith.subf %broadcast_in_dim3A_1624, %get3A_2154 : vector<16xf32>
        %mul3A_2181 = arith.mulf %sub3A_2178, %sub3A_2178 : vector<16xf32>
        %mul3A_2182 = arith.mulf %sub3A_2179, %sub3A_2179 : vector<16xf32>
        %add3A_2183 = arith.addf %mul3A_2181, %mul3A_2182 : vector<16xf32>
        %mul3A_2184 = arith.mulf %sub3A_2180, %sub3A_2180 : vector<16xf32>
        %add3A_2185 = arith.addf %add3A_2183, %mul3A_2184 : vector<16xf32>
        %lt3A_2186 = arith.cmpf olt, %add3A_2185, %scan3A_2130 : vector<16xf32>
        %select_n3A_2187 = arith.select %lt3A_2186, %add3A_2185, %scan3A_2130 : vector<16xi1>, vector<16xf32>
        %select_n3A_2188 = arith.select %lt3A_2186, %add3A_2156, %scan3A_2134 : vector<16xi1>, vector<16xi32>
        %sub3A_2189 = arith.subf %broadcast_in_dim3A_1627, %get3A_2144 : vector<16xf32>
        %sub3A_2190 = arith.subf %broadcast_in_dim3A_1630, %get3A_2149 : vector<16xf32>
        %sub3A_2191 = arith.subf %broadcast_in_dim3A_1633, %get3A_2154 : vector<16xf32>
        %mul3A_2192 = arith.mulf %sub3A_2189, %sub3A_2189 : vector<16xf32>
        %mul3A_2193 = arith.mulf %sub3A_2190, %sub3A_2190 : vector<16xf32>
        %add3A_2194 = arith.addf %mul3A_2192, %mul3A_2193 : vector<16xf32>
        %mul3A_2195 = arith.mulf %sub3A_2191, %sub3A_2191 : vector<16xf32>
        %add3A_2196 = arith.addf %add3A_2194, %mul3A_2195 : vector<16xf32>
        %lt3A_2197 = arith.cmpf olt, %add3A_2196, %scan3A_2131 : vector<16xf32>
        %select_n3A_2198 = arith.select %lt3A_2197, %add3A_2196, %scan3A_2131 : vector<16xi1>, vector<16xf32>
        %select_n3A_2199 = arith.select %lt3A_2197, %add3A_2156, %scan3A_2135 : vector<16xi1>, vector<16xi32>
        %mul3A_2200 = arith.constant 4 : i32
        %mul3A_2201 = arith.muli %scan3A_2127, %mul3A_2200 : i32
        %add3A_2202 = arith.constant 1 : i32
        %add3A_2203 = arith.addi %mul3A_2201, %add3A_2202 : i32
        %mul3A_2204 = arith.constant 16 : i32
        %mul3A_2205 = arith.muli %add3A_2203, %mul3A_2204 : i32
        %get3A_2206 = arith.index_cast %mul3A_2205 : i32 to index
        %get3A_2207 = tpu.vector_load %arg6[%get3A_2206] {strides = array<i32>} : memref<24576xf32, #tpu.memory_space<vmem>>, vector<16xf32>,
        %get3A_2208 = vector.shape_cast %get3A_2207 : vector<16xf32> to vector<16xf32>
        %add3A_2209 = arith.constant 8192 : i32
        %add3A_2210 = arith.addi %add3A_2209, %mul3A_2205 : i32
        %get3A_2211 = arith.index_cast %add3A_2210 : i32 to index
        %get3A_2212 = tpu.vector_load %arg6[%get3A_2211] {strides = array<i32>} : memref<24576xf32, #tpu.memory_space<vmem>>, vector<16xf32>,
        %get3A_2213 = vector.shape_cast %get3A_2212 : vector<16xf32> to vector<16xf32>
        %add3A_2214 = arith.constant 16384 : i32
        %add3A_2215 = arith.addi %add3A_2214, %mul3A_2205 : i32
        %get3A_2216 = arith.index_cast %add3A_2215 : i32 to index
        %get3A_2217 = tpu.vector_load %arg6[%get3A_2216] {strides = array<i32>} : memref<24576xf32, #tpu.memory_space<vmem>>, vector<16xf32>,
        %get3A_2218 = vector.shape_cast %get3A_2217 : vector<16xf32> to vector<16xf32>
        %add3A_2219 = vector.broadcast %mul3A_2205 : i32 to vector<16xi32>
        %add3A_2220 = arith.addi %iota3A, %add3A_2219 : vector<16xi32>
        %sub3A_2221 = arith.subf %broadcast_in_dim3A_1600, %get3A_2208 : vector<16xf32>
        %sub3A_2222 = arith.subf %broadcast_in_dim3A_1603, %get3A_2213 : vector<16xf32>
        %sub3A_2223 = arith.subf %broadcast_in_dim3A_1606, %get3A_2218 : vector<16xf32>
        %mul3A_2224 = arith.mulf %sub3A_2221, %sub3A_2221 : vector<16xf32>
        %mul3A_2225 = arith.mulf %sub3A_2222, %sub3A_2222 : vector<16xf32>
        %add3A_2226 = arith.addf %mul3A_2224, %mul3A_2225 : vector<16xf32>
        %mul3A_2227 = arith.mulf %sub3A_2223, %sub3A_2223 : vector<16xf32>
        %add3A_2228 = arith.addf %add3A_2226, %mul3A_2227 : vector<16xf32>
        %lt3A_2229 = arith.cmpf olt, %add3A_2228, %select_n3A_2165 : vector<16xf32>
        %select_n3A_2230 = arith.select %lt3A_2229, %add3A_2228, %select_n3A_2165 : vector<16xi1>, vector<16xf32>
        %select_n3A_2231 = arith.select %lt3A_2229, %add3A_2220, %select_n3A_2166 : vector<16xi1>, vector<16xi32>
        %sub3A_2232 = arith.subf %broadcast_in_dim3A_1609, %get3A_2208 : vector<16xf32>
        %sub3A_2233 = arith.subf %broadcast_in_dim3A_1612, %get3A_2213 : vector<16xf32>
        %sub3A_2234 = arith.subf %broadcast_in_dim3A_1615, %get3A_2218 : vector<16xf32>
        %mul3A_2235 = arith.mulf %sub3A_2232, %sub3A_2232 : vector<16xf32>
        %mul3A_2236 = arith.mulf %sub3A_2233, %sub3A_2233 : vector<16xf32>
        %add3A_2237 = arith.addf %mul3A_2235, %mul3A_2236 : vector<16xf32>
        %mul3A_2238 = arith.mulf %sub3A_2234, %sub3A_2234 : vector<16xf32>
        %add3A_2239 = arith.addf %add3A_2237, %mul3A_2238 : vector<16xf32>
        %lt3A_2240 = arith.cmpf olt, %add3A_2239, %select_n3A_2176 : vector<16xf32>
        %select_n3A_2241 = arith.select %lt3A_2240, %add3A_2239, %select_n3A_2176 : vector<16xi1>, vector<16xf32>
        %select_n3A_2242 = arith.select %lt3A_2240, %add3A_2220, %select_n3A_2177 : vector<16xi1>, vector<16xi32>
        %sub3A_2243 = arith.subf %broadcast_in_dim3A_1618, %get3A_2208 : vector<16xf32>
        %sub3A_2244 = arith.subf %broadcast_in_dim3A_1621, %get3A_2213 : vector<16xf32>
        %sub3A_2245 = arith.subf %broadcast_in_dim3A_1624, %get3A_2218 : vector<16xf32>
        %mul3A_2246 = arith.mulf %sub3A_2243, %sub3A_2243 : vector<16xf32>
        %mul3A_2247 = arith.mulf %sub3A_2244, %sub3A_2244 : vector<16xf32>
        %add3A_2248 = arith.addf %mul3A_2246, %mul3A_2247 : vector<16xf32>
        %mul3A_2249 = arith.mulf %sub3A_2245, %sub3A_2245 : vector<16xf32>
        %add3A_2250 = arith.addf %add3A_2248, %mul3A_2249 : vector<16xf32>
        %lt3A_2251 = arith.cmpf olt, %add3A_2250, %select_n3A_2187 : vector<16xf32>
        %select_n3A_2252 = arith.select %lt3A_2251, %add3A_2250, %select_n3A_2187 : vector<16xi1>, vector<16xf32>
        %select_n3A_2253 = arith.select %lt3A_2251, %add3A_2220, %select_n3A_2188 : vector<16xi1>, vector<16xi32>
        %sub3A_2254 = arith.subf %broadcast_in_dim3A_1627, %get3A_2208 : vector<16xf32>
        %sub3A_2255 = arith.subf %broadcast_in_dim3A_1630, %get3A_2213 : vector<16xf32>
        %sub3A_2256 = arith.subf %broadcast_in_dim3A_1633, %get3A_2218 : vector<16xf32>
        %mul3A_2257 = arith.mulf %sub3A_2254, %sub3A_2254 : vector<16xf32>
        %mul3A_2258 = arith.mulf %sub3A_2255, %sub3A_2255 : vector<16xf32>
        %add3A_2259 = arith.addf %mul3A_2257, %mul3A_2258 : vector<16xf32>
        %mul3A_2260 = arith.mulf %sub3A_2256, %sub3A_2256 : vector<16xf32>
        %add3A_2261 = arith.addf %add3A_2259, %mul3A_2260 : vector<16xf32>
        %lt3A_2262 = arith.cmpf olt, %add3A_2261, %select_n3A_2198 : vector<16xf32>
        %select_n3A_2263 = arith.select %lt3A_2262, %add3A_2261, %select_n3A_2198 : vector<16xi1>, vector<16xf32>
        %select_n3A_2264 = arith.select %lt3A_2262, %add3A_2220, %select_n3A_2199 : vector<16xi1>, vector<16xi32>
        %mul3A_2265 = arith.constant 4 : i32
        %mul3A_2266 = arith.muli %scan3A_2127, %mul3A_2265 : i32
        %add3A_2267 = arith.constant 2 : i32
        %add3A_2268 = arith.addi %mul3A_2266, %add3A_2267 : i32
        %mul3A_2269 = arith.constant 16 : i32
        %mul3A_2270 = arith.muli %add3A_2268, %mul3A_2269 : i32
        %get3A_2271 = arith.index_cast %mul3A_2270 : i32 to index
        %get3A_2272 = tpu.vector_load %arg6[%get3A_2271] {strides = array<i32>} : memref<24576xf32, #tpu.memory_space<vmem>>, vector<16xf32>,
        %get3A_2273 = vector.shape_cast %get3A_2272 : vector<16xf32> to vector<16xf32>
        %add3A_2274 = arith.constant 8192 : i32
        %add3A_2275 = arith.addi %add3A_2274, %mul3A_2270 : i32
        %get3A_2276 = arith.index_cast %add3A_2275 : i32 to index
        %get3A_2277 = tpu.vector_load %arg6[%get3A_2276] {strides = array<i32>} : memref<24576xf32, #tpu.memory_space<vmem>>, vector<16xf32>,
        %get3A_2278 = vector.shape_cast %get3A_2277 : vector<16xf32> to vector<16xf32>
        %add3A_2279 = arith.constant 16384 : i32
        %add3A_2280 = arith.addi %add3A_2279, %mul3A_2270 : i32
        %get3A_2281 = arith.index_cast %add3A_2280 : i32 to index
        %get3A_2282 = tpu.vector_load %arg6[%get3A_2281] {strides = array<i32>} : memref<24576xf32, #tpu.memory_space<vmem>>, vector<16xf32>,
        %get3A_2283 = vector.shape_cast %get3A_2282 : vector<16xf32> to vector<16xf32>
        %add3A_2284 = vector.broadcast %mul3A_2270 : i32 to vector<16xi32>
        %add3A_2285 = arith.addi %iota3A, %add3A_2284 : vector<16xi32>
        %sub3A_2286 = arith.subf %broadcast_in_dim3A_1600, %get3A_2273 : vector<16xf32>
        %sub3A_2287 = arith.subf %broadcast_in_dim3A_1603, %get3A_2278 : vector<16xf32>
        %sub3A_2288 = arith.subf %broadcast_in_dim3A_1606, %get3A_2283 : vector<16xf32>
        %mul3A_2289 = arith.mulf %sub3A_2286, %sub3A_2286 : vector<16xf32>
        %mul3A_2290 = arith.mulf %sub3A_2287, %sub3A_2287 : vector<16xf32>
        %add3A_2291 = arith.addf %mul3A_2289, %mul3A_2290 : vector<16xf32>
        %mul3A_2292 = arith.mulf %sub3A_2288, %sub3A_2288 : vector<16xf32>
        %add3A_2293 = arith.addf %add3A_2291, %mul3A_2292 : vector<16xf32>
        %lt3A_2294 = arith.cmpf olt, %add3A_2293, %select_n3A_2230 : vector<16xf32>
        %select_n3A_2295 = arith.select %lt3A_2294, %add3A_2293, %select_n3A_2230 : vector<16xi1>, vector<16xf32>
        %select_n3A_2296 = arith.select %lt3A_2294, %add3A_2285, %select_n3A_2231 : vector<16xi1>, vector<16xi32>
        %sub3A_2297 = arith.subf %broadcast_in_dim3A_1609, %get3A_2273 : vector<16xf32>
        %sub3A_2298 = arith.subf %broadcast_in_dim3A_1612, %get3A_2278 : vector<16xf32>
        %sub3A_2299 = arith.subf %broadcast_in_dim3A_1615, %get3A_2283 : vector<16xf32>
        %mul3A_2300 = arith.mulf %sub3A_2297, %sub3A_2297 : vector<16xf32>
        %mul3A_2301 = arith.mulf %sub3A_2298, %sub3A_2298 : vector<16xf32>
        %add3A_2302 = arith.addf %mul3A_2300, %mul3A_2301 : vector<16xf32>
        %mul3A_2303 = arith.mulf %sub3A_2299, %sub3A_2299 : vector<16xf32>
        %add3A_2304 = arith.addf %add3A_2302, %mul3A_2303 : vector<16xf32>
        %lt3A_2305 = arith.cmpf olt, %add3A_2304, %select_n3A_2241 : vector<16xf32>
        %select_n3A_2306 = arith.select %lt3A_2305, %add3A_2304, %select_n3A_2241 : vector<16xi1>, vector<16xf32>
        %select_n3A_2307 = arith.select %lt3A_2305, %add3A_2285, %select_n3A_2242 : vector<16xi1>, vector<16xi32>
        %sub3A_2308 = arith.subf %broadcast_in_dim3A_1618, %get3A_2273 : vector<16xf32>
        %sub3A_2309 = arith.subf %broadcast_in_dim3A_1621, %get3A_2278 : vector<16xf32>
        %sub3A_2310 = arith.subf %broadcast_in_dim3A_1624, %get3A_2283 : vector<16xf32>
        %mul3A_2311 = arith.mulf %sub3A_2308, %sub3A_2308 : vector<16xf32>
        %mul3A_2312 = arith.mulf %sub3A_2309, %sub3A_2309 : vector<16xf32>
        %add3A_2313 = arith.addf %mul3A_2311, %mul3A_2312 : vector<16xf32>
        %mul3A_2314 = arith.mulf %sub3A_2310, %sub3A_2310 : vector<16xf32>
        %add3A_2315 = arith.addf %add3A_2313, %mul3A_2314 : vector<16xf32>
        %lt3A_2316 = arith.cmpf olt, %add3A_2315, %select_n3A_2252 : vector<16xf32>
        %select_n3A_2317 = arith.select %lt3A_2316, %add3A_2315, %select_n3A_2252 : vector<16xi1>, vector<16xf32>
        %select_n3A_2318 = arith.select %lt3A_2316, %add3A_2285, %select_n3A_2253 : vector<16xi1>, vector<16xi32>
        %sub3A_2319 = arith.subf %broadcast_in_dim3A_1627, %get3A_2273 : vector<16xf32>
        %sub3A_2320 = arith.subf %broadcast_in_dim3A_1630, %get3A_2278 : vector<16xf32>
        %sub3A_2321 = arith.subf %broadcast_in_dim3A_1633, %get3A_2283 : vector<16xf32>
        %mul3A_2322 = arith.mulf %sub3A_2319, %sub3A_2319 : vector<16xf32>
        %mul3A_2323 = arith.mulf %sub3A_2320, %sub3A_2320 : vector<16xf32>
        %add3A_2324 = arith.addf %mul3A_2322, %mul3A_2323 : vector<16xf32>
        %mul3A_2325 = arith.mulf %sub3A_2321, %sub3A_2321 : vector<16xf32>
        %add3A_2326 = arith.addf %add3A_2324, %mul3A_2325 : vector<16xf32>
        %lt3A_2327 = arith.cmpf olt, %add3A_2326, %select_n3A_2263 : vector<16xf32>
        %select_n3A_2328 = arith.select %lt3A_2327, %add3A_2326, %select_n3A_2263 : vector<16xi1>, vector<16xf32>
        %select_n3A_2329 = arith.select %lt3A_2327, %add3A_2285, %select_n3A_2264 : vector<16xi1>, vector<16xi32>
        %mul3A_2330 = arith.constant 4 : i32
        %mul3A_2331 = arith.muli %scan3A_2127, %mul3A_2330 : i32
        %add3A_2332 = arith.constant 3 : i32
        %add3A_2333 = arith.addi %mul3A_2331, %add3A_2332 : i32
        %mul3A_2334 = arith.constant 16 : i32
        %mul3A_2335 = arith.muli %add3A_2333, %mul3A_2334 : i32
        %get3A_2336 = arith.index_cast %mul3A_2335 : i32 to index
        %get3A_2337 = tpu.vector_load %arg6[%get3A_2336] {strides = array<i32>} : memref<24576xf32, #tpu.memory_space<vmem>>, vector<16xf32>,
        %get3A_2338 = vector.shape_cast %get3A_2337 : vector<16xf32> to vector<16xf32>
        %add3A_2339 = arith.constant 8192 : i32
        %add3A_2340 = arith.addi %add3A_2339, %mul3A_2335 : i32
        %get3A_2341 = arith.index_cast %add3A_2340 : i32 to index
        %get3A_2342 = tpu.vector_load %arg6[%get3A_2341] {strides = array<i32>} : memref<24576xf32, #tpu.memory_space<vmem>>, vector<16xf32>,
        %get3A_2343 = vector.shape_cast %get3A_2342 : vector<16xf32> to vector<16xf32>
        %add3A_2344 = arith.constant 16384 : i32
        %add3A_2345 = arith.addi %add3A_2344, %mul3A_2335 : i32
        %get3A_2346 = arith.index_cast %add3A_2345 : i32 to index
        %get3A_2347 = tpu.vector_load %arg6[%get3A_2346] {strides = array<i32>} : memref<24576xf32, #tpu.memory_space<vmem>>, vector<16xf32>,
        %get3A_2348 = vector.shape_cast %get3A_2347 : vector<16xf32> to vector<16xf32>
        %add3A_2349 = vector.broadcast %mul3A_2335 : i32 to vector<16xi32>
        %add3A_2350 = arith.addi %iota3A, %add3A_2349 : vector<16xi32>
        %sub3A_2351 = arith.subf %broadcast_in_dim3A_1600, %get3A_2338 : vector<16xf32>
        %sub3A_2352 = arith.subf %broadcast_in_dim3A_1603, %get3A_2343 : vector<16xf32>
        %sub3A_2353 = arith.subf %broadcast_in_dim3A_1606, %get3A_2348 : vector<16xf32>
        %mul3A_2354 = arith.mulf %sub3A_2351, %sub3A_2351 : vector<16xf32>
        %mul3A_2355 = arith.mulf %sub3A_2352, %sub3A_2352 : vector<16xf32>
        %add3A_2356 = arith.addf %mul3A_2354, %mul3A_2355 : vector<16xf32>
        %mul3A_2357 = arith.mulf %sub3A_2353, %sub3A_2353 : vector<16xf32>
        %add3A_2358 = arith.addf %add3A_2356, %mul3A_2357 : vector<16xf32>
        %lt3A_2359 = arith.cmpf olt, %add3A_2358, %select_n3A_2295 : vector<16xf32>
        %select_n3A_2360 = arith.select %lt3A_2359, %add3A_2358, %select_n3A_2295 : vector<16xi1>, vector<16xf32>
        %select_n3A_2361 = arith.select %lt3A_2359, %add3A_2350, %select_n3A_2296 : vector<16xi1>, vector<16xi32>
        %sub3A_2362 = arith.subf %broadcast_in_dim3A_1609, %get3A_2338 : vector<16xf32>
        %sub3A_2363 = arith.subf %broadcast_in_dim3A_1612, %get3A_2343 : vector<16xf32>
        %sub3A_2364 = arith.subf %broadcast_in_dim3A_1615, %get3A_2348 : vector<16xf32>
        %mul3A_2365 = arith.mulf %sub3A_2362, %sub3A_2362 : vector<16xf32>
        %mul3A_2366 = arith.mulf %sub3A_2363, %sub3A_2363 : vector<16xf32>
        %add3A_2367 = arith.addf %mul3A_2365, %mul3A_2366 : vector<16xf32>
        %mul3A_2368 = arith.mulf %sub3A_2364, %sub3A_2364 : vector<16xf32>
        %add3A_2369 = arith.addf %add3A_2367, %mul3A_2368 : vector<16xf32>
        %lt3A_2370 = arith.cmpf olt, %add3A_2369, %select_n3A_2306 : vector<16xf32>
        %select_n3A_2371 = arith.select %lt3A_2370, %add3A_2369, %select_n3A_2306 : vector<16xi1>, vector<16xf32>
        %select_n3A_2372 = arith.select %lt3A_2370, %add3A_2350, %select_n3A_2307 : vector<16xi1>, vector<16xi32>
        %sub3A_2373 = arith.subf %broadcast_in_dim3A_1618, %get3A_2338 : vector<16xf32>
        %sub3A_2374 = arith.subf %broadcast_in_dim3A_1621, %get3A_2343 : vector<16xf32>
        %sub3A_2375 = arith.subf %broadcast_in_dim3A_1624, %get3A_2348 : vector<16xf32>
        %mul3A_2376 = arith.mulf %sub3A_2373, %sub3A_2373 : vector<16xf32>
        %mul3A_2377 = arith.mulf %sub3A_2374, %sub3A_2374 : vector<16xf32>
        %add3A_2378 = arith.addf %mul3A_2376, %mul3A_2377 : vector<16xf32>
        %mul3A_2379 = arith.mulf %sub3A_2375, %sub3A_2375 : vector<16xf32>
        %add3A_2380 = arith.addf %add3A_2378, %mul3A_2379 : vector<16xf32>
        %lt3A_2381 = arith.cmpf olt, %add3A_2380, %select_n3A_2317 : vector<16xf32>
        %select_n3A_2382 = arith.select %lt3A_2381, %add3A_2380, %select_n3A_2317 : vector<16xi1>, vector<16xf32>
        %select_n3A_2383 = arith.select %lt3A_2381, %add3A_2350, %select_n3A_2318 : vector<16xi1>, vector<16xi32>
        %sub3A_2384 = arith.subf %broadcast_in_dim3A_1627, %get3A_2338 : vector<16xf32>
        %sub3A_2385 = arith.subf %broadcast_in_dim3A_1630, %get3A_2343 : vector<16xf32>
        %sub3A_2386 = arith.subf %broadcast_in_dim3A_1633, %get3A_2348 : vector<16xf32>
        %mul3A_2387 = arith.mulf %sub3A_2384, %sub3A_2384 : vector<16xf32>
        %mul3A_2388 = arith.mulf %sub3A_2385, %sub3A_2385 : vector<16xf32>
        %add3A_2389 = arith.addf %mul3A_2387, %mul3A_2388 : vector<16xf32>
        %mul3A_2390 = arith.mulf %sub3A_2386, %sub3A_2386 : vector<16xf32>
        %add3A_2391 = arith.addf %add3A_2389, %mul3A_2390 : vector<16xf32>
        %lt3A_2392 = arith.cmpf olt, %add3A_2391, %select_n3A_2328 : vector<16xf32>
        %select_n3A_2393 = arith.select %lt3A_2392, %add3A_2391, %select_n3A_2328 : vector<16xi1>, vector<16xf32>
        %select_n3A_2394 = arith.select %lt3A_2392, %add3A_2350, %select_n3A_2329 : vector<16xi1>, vector<16xi32>
        scf.yield %select_n3A_2360, %select_n3A_2371, %select_n3A_2382, %select_n3A_2393, %select_n3A_2361, %select_n3A_2372, %select_n3A_2383, %select_n3A_2394 : vector<16xf32>, vector<16xf32>, vector<16xf32>, vector<16xf32>, vector<16xi32>, vector<16xi32>, vector<16xi32>, vector<16xi32>
      }
      %scan3A_1639 = arith.constant 128 : i32
      %swap3A_1640 = arith.constant 0 : index
      %swap3A_1641 = tpu.vector_load %arg8[%swap3A_1640] {strides = array<i32>} : memref<32xf32, #tpu.memory_space<vmem>>, vector<16xf32>,
      %swap3A_1642 = vector.shape_cast %swap3A_1641 : vector<16xf32> to vector<16xf32>
      %swap3A_1643 = vector.shape_cast %scan3A_1638#0 : vector<16xf32> to vector<16xf32>
      tpu.vector_store %arg8[%swap3A_1640], %swap3A_1643 {strides = array<i32>} : memref<32xf32, #tpu.memory_space<vmem>>, vector<16xf32>,
      %swap3A_1644 = arith.constant 16 : index
      %swap3A_1645 = tpu.vector_load %arg8[%swap3A_1644] {strides = array<i32>} : memref<32xf32, #tpu.memory_space<vmem>>, vector<16xf32>,
      %swap3A_1646 = vector.shape_cast %swap3A_1645 : vector<16xf32> to vector<16xf32>
      %swap3A_1647 = vector.shape_cast %scan3A_1638#0 : vector<16xf32> to vector<16xf32>
      tpu.vector_store %arg8[%swap3A_1644], %swap3A_1647 {strides = array<i32>} : memref<32xf32, #tpu.memory_space<vmem>>, vector<16xf32>,
      %swap3A_1648 = arith.constant 0 : index
      %swap3A_1649 = tpu.vector_load %arg9[%swap3A_1648] {strides = array<i32>} : memref<32xi32, #tpu.memory_space<vmem>>, vector<16xi32>,
      %swap3A_1650 = vector.shape_cast %swap3A_1649 : vector<16xi32> to vector<16xi32>
      %swap3A_1651 = vector.shape_cast %scan3A_1638#4 : vector<16xi32> to vector<16xi32>
      tpu.vector_store %arg9[%swap3A_1648], %swap3A_1651 {strides = array<i32>} : memref<32xi32, #tpu.memory_space<vmem>>, vector<16xi32>,
      %swap3A_1652 = arith.constant 16 : index
      %swap3A_1653 = tpu.vector_load %arg9[%swap3A_1652] {strides = array<i32>} : memref<32xi32, #tpu.memory_space<vmem>>, vector<16xi32>,
      %swap3A_1654 = vector.shape_cast %swap3A_1653 : vector<16xi32> to vector<16xi32>
      %swap3A_1655 = vector.shape_cast %scan3A_1638#4 : vector<16xi32> to vector<16xi32>
      tpu.vector_store %arg9[%swap3A_1652], %swap3A_1655 {strides = array<i32>} : memref<32xi32, #tpu.memory_space<vmem>>, vector<16xi32>,
      %get3A_1656 = arith.constant 8 : index
      %get3A_1657 = tpu.vector_load %arg8[%get3A_1656] {strides = array<i32>} : memref<32xf32, #tpu.memory_space<vmem>>, vector<16xf32>,
      %get3A_1658 = vector.shape_cast %get3A_1657 : vector<16xf32> to vector<16xf32>
      %get3A_1659 = arith.constant 8 : index
      %get3A_1660 = tpu.vector_load %arg9[%get3A_1659] {strides = array<i32>} : memref<32xi32, #tpu.memory_space<vmem>>, vector<16xi32>,
      %get3A_1661 = vector.shape_cast %get3A_1660 : vector<16xi32> to vector<16xi32>
      %lt3A_1662 = arith.cmpf olt, %get3A_1658, %scan3A_1638#0 : vector<16xf32>
      %eq3A_1663 = arith.cmpf oeq, %get3A_1658, %scan3A_1638#0 : vector<16xf32>
      %lt3A_1664 = arith.cmpi slt, %get3A_1661, %scan3A_1638#4 : vector<16xi32>
      %and3A_1665 = arith.andi %eq3A_1663, %lt3A_1664 : vector<16xi1>
      %or3A_1666 = arith.ori %lt3A_1662, %and3A_1665 : vector<16xi1>
      %select_n3A_1667 = arith.select %or3A_1666, %get3A_1658, %scan3A_1638#0 : vector<16xi1>, vector<16xf32>
      %select_n3A_1668 = arith.select %or3A_1666, %get3A_1661, %scan3A_1638#4 : vector<16xi1>, vector<16xi32>
      %swap3A_1669 = arith.constant 0 : index
      %swap3A_1670 = tpu.vector_load %arg8[%swap3A_1669] {strides = array<i32>} : memref<32xf32, #tpu.memory_space<vmem>>, vector<16xf32>,
      %swap3A_1671 = vector.shape_cast %swap3A_1670 : vector<16xf32> to vector<16xf32>
      %swap3A_1672 = vector.shape_cast %select_n3A_1667 : vector<16xf32> to vector<16xf32>
      tpu.vector_store %arg8[%swap3A_1669], %swap3A_1672 {strides = array<i32>} : memref<32xf32, #tpu.memory_space<vmem>>, vector<16xf32>,
      %swap3A_1673 = arith.constant 16 : index
      %swap3A_1674 = tpu.vector_load %arg8[%swap3A_1673] {strides = array<i32>} : memref<32xf32, #tpu.memory_space<vmem>>, vector<16xf32>,
      %swap3A_1675 = vector.shape_cast %swap3A_1674 : vector<16xf32> to vector<16xf32>
      %swap3A_1676 = vector.shape_cast %select_n3A_1667 : vector<16xf32> to vector<16xf32>
      tpu.vector_store %arg8[%swap3A_1673], %swap3A_1676 {strides = array<i32>} : memref<32xf32, #tpu.memory_space<vmem>>, vector<16xf32>,
      %swap3A_1677 = arith.constant 0 : index
      %swap3A_1678 = tpu.vector_load %arg9[%swap3A_1677] {strides = array<i32>} : memref<32xi32, #tpu.memory_space<vmem>>, vector<16xi32>,
      %swap3A_1679 = vector.shape_cast %swap3A_1678 : vector<16xi32> to vector<16xi32>
      %swap3A_1680 = vector.shape_cast %select_n3A_1668 : vector<16xi32> to vector<16xi32>
      tpu.vector_store %arg9[%swap3A_1677], %swap3A_1680 {strides = array<i32>} : memref<32xi32, #tpu.memory_space<vmem>>, vector<16xi32>,
      %swap3A_1681 = arith.constant 16 : index
      %swap3A_1682 = tpu.vector_load %arg9[%swap3A_1681] {strides = array<i32>} : memref<32xi32, #tpu.memory_space<vmem>>, vector<16xi32>,
      %swap3A_1683 = vector.shape_cast %swap3A_1682 : vector<16xi32> to vector<16xi32>
      %swap3A_1684 = vector.shape_cast %select_n3A_1668 : vector<16xi32> to vector<16xi32>
      tpu.vector_store %arg9[%swap3A_1681], %swap3A_1684 {strides = array<i32>} : memref<32xi32, #tpu.memory_space<vmem>>, vector<16xi32>,
      %get3A_1685 = arith.constant 4 : index
      %get3A_1686 = tpu.vector_load %arg8[%get3A_1685] {strides = array<i32>} : memref<32xf32, #tpu.memory_space<vmem>>, vector<16xf32>,
      %get3A_1687 = vector.shape_cast %get3A_1686 : vector<16xf32> to vector<16xf32>
      %get3A_1688 = arith.constant 4 : index
      %get3A_1689 = tpu.vector_load %arg9[%get3A_1688] {strides = array<i32>} : memref<32xi32, #tpu.memory_space<vmem>>, vector<16xi32>,
      %get3A_1690 = vector.shape_cast %get3A_1689 : vector<16xi32> to vector<16xi32>
      %lt3A_1691 = arith.cmpf olt, %get3A_1687, %select_n3A_1667 : vector<16xf32>
      %eq3A_1692 = arith.cmpf oeq, %get3A_1687, %select_n3A_1667 : vector<16xf32>
      %lt3A_1693 = arith.cmpi slt, %get3A_1690, %select_n3A_1668 : vector<16xi32>
      %and3A_1694 = arith.andi %eq3A_1692, %lt3A_1693 : vector<16xi1>
      %or3A_1695 = arith.ori %lt3A_1691, %and3A_1694 : vector<16xi1>
      %select_n3A_1696 = arith.select %or3A_1695, %get3A_1687, %select_n3A_1667 : vector<16xi1>, vector<16xf32>
      %select_n3A_1697 = arith.select %or3A_1695, %get3A_1690, %select_n3A_1668 : vector<16xi1>, vector<16xi32>
      %swap3A_1698 = arith.constant 0 : index
      %swap3A_1699 = tpu.vector_load %arg8[%swap3A_1698] {strides = array<i32>} : memref<32xf32, #tpu.memory_space<vmem>>, vector<16xf32>,
      %swap3A_1700 = vector.shape_cast %swap3A_1699 : vector<16xf32> to vector<16xf32>
      %swap3A_1701 = vector.shape_cast %select_n3A_1696 : vector<16xf32> to vector<16xf32>
      tpu.vector_store %arg8[%swap3A_1698], %swap3A_1701 {strides = array<i32>} : memref<32xf32, #tpu.memory_space<vmem>>, vector<16xf32>,
      %swap3A_1702 = arith.constant 16 : index
      %swap3A_1703 = tpu.vector_load %arg8[%swap3A_1702] {strides = array<i32>} : memref<32xf32, #tpu.memory_space<vmem>>, vector<16xf32>,
      %swap3A_1704 = vector.shape_cast %swap3A_1703 : vector<16xf32> to vector<16xf32>
      %swap3A_1705 = vector.shape_cast %select_n3A_1696 : vector<16xf32> to vector<16xf32>
      tpu.vector_store %arg8[%swap3A_1702], %swap3A_1705 {strides = array<i32>} : memref<32xf32, #tpu.memory_space<vmem>>, vector<16xf32>,
      %swap3A_1706 = arith.constant 0 : index
      %swap3A_1707 = tpu.vector_load %arg9[%swap3A_1706] {strides = array<i32>} : memref<32xi32, #tpu.memory_space<vmem>>, vector<16xi32>,
      %swap3A_1708 = vector.shape_cast %swap3A_1707 : vector<16xi32> to vector<16xi32>
      %swap3A_1709 = vector.shape_cast %select_n3A_1697 : vector<16xi32> to vector<16xi32>
      tpu.vector_store %arg9[%swap3A_1706], %swap3A_1709 {strides = array<i32>} : memref<32xi32, #tpu.memory_space<vmem>>, vector<16xi32>,
      %swap3A_1710 = arith.constant 16 : index
      %swap3A_1711 = tpu.vector_load %arg9[%swap3A_1710] {strides = array<i32>} : memref<32xi32, #tpu.memory_space<vmem>>, vector<16xi32>,
      %swap3A_1712 = vector.shape_cast %swap3A_1711 : vector<16xi32> to vector<16xi32>
      %swap3A_1713 = vector.shape_cast %select_n3A_1697 : vector<16xi32> to vector<16xi32>
      tpu.vector_store %arg9[%swap3A_1710], %swap3A_1713 {strides = array<i32>} : memref<32xi32, #tpu.memory_space<vmem>>, vector<16xi32>,
      %get3A_1714 = arith.constant 2 : index
      %get3A_1715 = tpu.vector_load %arg8[%get3A_1714] {strides = array<i32>} : memref<32xf32, #tpu.memory_space<vmem>>, vector<16xf32>,
      %get3A_1716 = vector.shape_cast %get3A_1715 : vector<16xf32> to vector<16xf32>
      %get3A_1717 = arith.constant 2 : index
      %get3A_1718 = tpu.vector_load %arg9[%get3A_1717] {strides = array<i32>} : memref<32xi32, #tpu.memory_space<vmem>>, vector<16xi32>,
      %get3A_1719 = vector.shape_cast %get3A_1718 : vector<16xi32> to vector<16xi32>
      %lt3A_1720 = arith.cmpf olt, %get3A_1716, %select_n3A_1696 : vector<16xf32>
      %eq3A_1721 = arith.cmpf oeq, %get3A_1716, %select_n3A_1696 : vector<16xf32>
      %lt3A_1722 = arith.cmpi slt, %get3A_1719, %select_n3A_1697 : vector<16xi32>
      %and3A_1723 = arith.andi %eq3A_1721, %lt3A_1722 : vector<16xi1>
      %or3A_1724 = arith.ori %lt3A_1720, %and3A_1723 : vector<16xi1>
      %select_n3A_1725 = arith.select %or3A_1724, %get3A_1716, %select_n3A_1696 : vector<16xi1>, vector<16xf32>
      %select_n3A_1726 = arith.select %or3A_1724, %get3A_1719, %select_n3A_1697 : vector<16xi1>, vector<16xi32>
      %swap3A_1727 = arith.constant 0 : index
      %swap3A_1728 = tpu.vector_load %arg8[%swap3A_1727] {strides = array<i32>} : memref<32xf32, #tpu.memory_space<vmem>>, vector<16xf32>,
      %swap3A_1729 = vector.shape_cast %swap3A_1728 : vector<16xf32> to vector<16xf32>
      %swap3A_1730 = vector.shape_cast %select_n3A_1725 : vector<16xf32> to vector<16xf32>
      tpu.vector_store %arg8[%swap3A_1727], %swap3A_1730 {strides = array<i32>} : memref<32xf32, #tpu.memory_space<vmem>>, vector<16xf32>,
      %swap3A_1731 = arith.constant 16 : index
      %swap3A_1732 = tpu.vector_load %arg8[%swap3A_1731] {strides = array<i32>} : memref<32xf32, #tpu.memory_space<vmem>>, vector<16xf32>,
      %swap3A_1733 = vector.shape_cast %swap3A_1732 : vector<16xf32> to vector<16xf32>
      %swap3A_1734 = vector.shape_cast %select_n3A_1725 : vector<16xf32> to vector<16xf32>
      tpu.vector_store %arg8[%swap3A_1731], %swap3A_1734 {strides = array<i32>} : memref<32xf32, #tpu.memory_space<vmem>>, vector<16xf32>,
      %swap3A_1735 = arith.constant 0 : index
      %swap3A_1736 = tpu.vector_load %arg9[%swap3A_1735] {strides = array<i32>} : memref<32xi32, #tpu.memory_space<vmem>>, vector<16xi32>,
      %swap3A_1737 = vector.shape_cast %swap3A_1736 : vector<16xi32> to vector<16xi32>
      %swap3A_1738 = vector.shape_cast %select_n3A_1726 : vector<16xi32> to vector<16xi32>
      tpu.vector_store %arg9[%swap3A_1735], %swap3A_1738 {strides = array<i32>} : memref<32xi32, #tpu.memory_space<vmem>>, vector<16xi32>,
      %swap3A_1739 = arith.constant 16 : index
      %swap3A_1740 = tpu.vector_load %arg9[%swap3A_1739] {strides = array<i32>} : memref<32xi32, #tpu.memory_space<vmem>>, vector<16xi32>,
      %swap3A_1741 = vector.shape_cast %swap3A_1740 : vector<16xi32> to vector<16xi32>
      %swap3A_1742 = vector.shape_cast %select_n3A_1726 : vector<16xi32> to vector<16xi32>
      tpu.vector_store %arg9[%swap3A_1739], %swap3A_1742 {strides = array<i32>} : memref<32xi32, #tpu.memory_space<vmem>>, vector<16xi32>,
      %get3A_1743 = arith.constant 1 : index
      %get3A_1744 = tpu.vector_load %arg8[%get3A_1743] {strides = array<i32>} : memref<32xf32, #tpu.memory_space<vmem>>, vector<16xf32>,
      %get3A_1745 = vector.shape_cast %get3A_1744 : vector<16xf32> to vector<16xf32>
      %get3A_1746 = arith.constant 1 : index
      %get3A_1747 = tpu.vector_load %arg9[%get3A_1746] {strides = array<i32>} : memref<32xi32, #tpu.memory_space<vmem>>, vector<16xi32>,
      %get3A_1748 = vector.shape_cast %get3A_1747 : vector<16xi32> to vector<16xi32>
      %lt3A_1749 = arith.cmpf olt, %get3A_1745, %select_n3A_1725 : vector<16xf32>
      %eq3A_1750 = arith.cmpf oeq, %get3A_1745, %select_n3A_1725 : vector<16xf32>
      %lt3A_1751 = arith.cmpi slt, %get3A_1748, %select_n3A_1726 : vector<16xi32>
      %and3A_1752 = arith.andi %eq3A_1750, %lt3A_1751 : vector<16xi1>
      %or3A_1753 = arith.ori %lt3A_1749, %and3A_1752 : vector<16xi1>
      %select_n3A_1754 = arith.select %or3A_1753, %get3A_1745, %select_n3A_1725 : vector<16xi1>, vector<16xf32>
      %select_n3A_1755 = arith.select %or3A_1753, %get3A_1748, %select_n3A_1726 : vector<16xi1>, vector<16xi32>
      %eq3A_1756 = arith.constant 12 : i32
      %eq3A_1757 = vector.broadcast %eq3A_1756 : i32 to vector<16xi32>
      %eq3A_1758 = arith.cmpi eq, %iota3A, %eq3A_1757 : vector<16xi32>
      %select_n3A_1759 = arith.select %eq3A_1758, %select_n3A_1755, %select_n3A_1597 : vector<16xi1>, vector<16xi32>
      %swap3A_1760 = arith.constant 0 : index
      %swap3A_1761 = tpu.vector_load %arg8[%swap3A_1760] {strides = array<i32>} : memref<32xf32, #tpu.memory_space<vmem>>, vector<16xf32>,
      %swap3A_1762 = vector.shape_cast %swap3A_1761 : vector<16xf32> to vector<16xf32>
      %swap3A_1763 = vector.shape_cast %scan3A_1638#1 : vector<16xf32> to vector<16xf32>
      tpu.vector_store %arg8[%swap3A_1760], %swap3A_1763 {strides = array<i32>} : memref<32xf32, #tpu.memory_space<vmem>>, vector<16xf32>,
      %swap3A_1764 = arith.constant 16 : index
      %swap3A_1765 = tpu.vector_load %arg8[%swap3A_1764] {strides = array<i32>} : memref<32xf32, #tpu.memory_space<vmem>>, vector<16xf32>,
      %swap3A_1766 = vector.shape_cast %swap3A_1765 : vector<16xf32> to vector<16xf32>
      %swap3A_1767 = vector.shape_cast %scan3A_1638#1 : vector<16xf32> to vector<16xf32>
      tpu.vector_store %arg8[%swap3A_1764], %swap3A_1767 {strides = array<i32>} : memref<32xf32, #tpu.memory_space<vmem>>, vector<16xf32>,
      %swap3A_1768 = arith.constant 0 : index
      %swap3A_1769 = tpu.vector_load %arg9[%swap3A_1768] {strides = array<i32>} : memref<32xi32, #tpu.memory_space<vmem>>, vector<16xi32>,
      %swap3A_1770 = vector.shape_cast %swap3A_1769 : vector<16xi32> to vector<16xi32>
      %swap3A_1771 = vector.shape_cast %scan3A_1638#5 : vector<16xi32> to vector<16xi32>
      tpu.vector_store %arg9[%swap3A_1768], %swap3A_1771 {strides = array<i32>} : memref<32xi32, #tpu.memory_space<vmem>>, vector<16xi32>,
      %swap3A_1772 = arith.constant 16 : index
      %swap3A_1773 = tpu.vector_load %arg9[%swap3A_1772] {strides = array<i32>} : memref<32xi32, #tpu.memory_space<vmem>>, vector<16xi32>,
      %swap3A_1774 = vector.shape_cast %swap3A_1773 : vector<16xi32> to vector<16xi32>
      %swap3A_1775 = vector.shape_cast %scan3A_1638#5 : vector<16xi32> to vector<16xi32>
      tpu.vector_store %arg9[%swap3A_1772], %swap3A_1775 {strides = array<i32>} : memref<32xi32, #tpu.memory_space<vmem>>, vector<16xi32>,
      %get3A_1776 = arith.constant 8 : index
      %get3A_1777 = tpu.vector_load %arg8[%get3A_1776] {strides = array<i32>} : memref<32xf32, #tpu.memory_space<vmem>>, vector<16xf32>,
      %get3A_1778 = vector.shape_cast %get3A_1777 : vector<16xf32> to vector<16xf32>
      %get3A_1779 = arith.constant 8 : index
      %get3A_1780 = tpu.vector_load %arg9[%get3A_1779] {strides = array<i32>} : memref<32xi32, #tpu.memory_space<vmem>>, vector<16xi32>,
      %get3A_1781 = vector.shape_cast %get3A_1780 : vector<16xi32> to vector<16xi32>
      %lt3A_1782 = arith.cmpf olt, %get3A_1778, %scan3A_1638#1 : vector<16xf32>
      %eq3A_1783 = arith.cmpf oeq, %get3A_1778, %scan3A_1638#1 : vector<16xf32>
      %lt3A_1784 = arith.cmpi slt, %get3A_1781, %scan3A_1638#5 : vector<16xi32>
      %and3A_1785 = arith.andi %eq3A_1783, %lt3A_1784 : vector<16xi1>
      %or3A_1786 = arith.ori %lt3A_1782, %and3A_1785 : vector<16xi1>
      %select_n3A_1787 = arith.select %or3A_1786, %get3A_1778, %scan3A_1638#1 : vector<16xi1>, vector<16xf32>
      %select_n3A_1788 = arith.select %or3A_1786, %get3A_1781, %scan3A_1638#5 : vector<16xi1>, vector<16xi32>
      %swap3A_1789 = arith.constant 0 : index
      %swap3A_1790 = tpu.vector_load %arg8[%swap3A_1789] {strides = array<i32>} : memref<32xf32, #tpu.memory_space<vmem>>, vector<16xf32>,
      %swap3A_1791 = vector.shape_cast %swap3A_1790 : vector<16xf32> to vector<16xf32>
      %swap3A_1792 = vector.shape_cast %select_n3A_1787 : vector<16xf32> to vector<16xf32>
      tpu.vector_store %arg8[%swap3A_1789], %swap3A_1792 {strides = array<i32>} : memref<32xf32, #tpu.memory_space<vmem>>, vector<16xf32>,
      %swap3A_1793 = arith.constant 16 : index
      %swap3A_1794 = tpu.vector_load %arg8[%swap3A_1793] {strides = array<i32>} : memref<32xf32, #tpu.memory_space<vmem>>, vector<16xf32>,
      %swap3A_1795 = vector.shape_cast %swap3A_1794 : vector<16xf32> to vector<16xf32>
      %swap3A_1796 = vector.shape_cast %select_n3A_1787 : vector<16xf32> to vector<16xf32>
      tpu.vector_store %arg8[%swap3A_1793], %swap3A_1796 {strides = array<i32>} : memref<32xf32, #tpu.memory_space<vmem>>, vector<16xf32>,
      %swap3A_1797 = arith.constant 0 : index
      %swap3A_1798 = tpu.vector_load %arg9[%swap3A_1797] {strides = array<i32>} : memref<32xi32, #tpu.memory_space<vmem>>, vector<16xi32>,
      %swap3A_1799 = vector.shape_cast %swap3A_1798 : vector<16xi32> to vector<16xi32>
      %swap3A_1800 = vector.shape_cast %select_n3A_1788 : vector<16xi32> to vector<16xi32>
      tpu.vector_store %arg9[%swap3A_1797], %swap3A_1800 {strides = array<i32>} : memref<32xi32, #tpu.memory_space<vmem>>, vector<16xi32>,
      %swap3A_1801 = arith.constant 16 : index
      %swap3A_1802 = tpu.vector_load %arg9[%swap3A_1801] {strides = array<i32>} : memref<32xi32, #tpu.memory_space<vmem>>, vector<16xi32>,
      %swap3A_1803 = vector.shape_cast %swap3A_1802 : vector<16xi32> to vector<16xi32>
      %swap3A_1804 = vector.shape_cast %select_n3A_1788 : vector<16xi32> to vector<16xi32>
      tpu.vector_store %arg9[%swap3A_1801], %swap3A_1804 {strides = array<i32>} : memref<32xi32, #tpu.memory_space<vmem>>, vector<16xi32>,
      %get3A_1805 = arith.constant 4 : index
      %get3A_1806 = tpu.vector_load %arg8[%get3A_1805] {strides = array<i32>} : memref<32xf32, #tpu.memory_space<vmem>>, vector<16xf32>,
      %get3A_1807 = vector.shape_cast %get3A_1806 : vector<16xf32> to vector<16xf32>
      %get3A_1808 = arith.constant 4 : index
      %get3A_1809 = tpu.vector_load %arg9[%get3A_1808] {strides = array<i32>} : memref<32xi32, #tpu.memory_space<vmem>>, vector<16xi32>,
      %get3A_1810 = vector.shape_cast %get3A_1809 : vector<16xi32> to vector<16xi32>
      %lt3A_1811 = arith.cmpf olt, %get3A_1807, %select_n3A_1787 : vector<16xf32>
      %eq3A_1812 = arith.cmpf oeq, %get3A_1807, %select_n3A_1787 : vector<16xf32>
      %lt3A_1813 = arith.cmpi slt, %get3A_1810, %select_n3A_1788 : vector<16xi32>
      %and3A_1814 = arith.andi %eq3A_1812, %lt3A_1813 : vector<16xi1>
      %or3A_1815 = arith.ori %lt3A_1811, %and3A_1814 : vector<16xi1>
      %select_n3A_1816 = arith.select %or3A_1815, %get3A_1807, %select_n3A_1787 : vector<16xi1>, vector<16xf32>
      %select_n3A_1817 = arith.select %or3A_1815, %get3A_1810, %select_n3A_1788 : vector<16xi1>, vector<16xi32>
      %swap3A_1818 = arith.constant 0 : index
      %swap3A_1819 = tpu.vector_load %arg8[%swap3A_1818] {strides = array<i32>} : memref<32xf32, #tpu.memory_space<vmem>>, vector<16xf32>,
      %swap3A_1820 = vector.shape_cast %swap3A_1819 : vector<16xf32> to vector<16xf32>
      %swap3A_1821 = vector.shape_cast %select_n3A_1816 : vector<16xf32> to vector<16xf32>
      tpu.vector_store %arg8[%swap3A_1818], %swap3A_1821 {strides = array<i32>} : memref<32xf32, #tpu.memory_space<vmem>>, vector<16xf32>,
      %swap3A_1822 = arith.constant 16 : index
      %swap3A_1823 = tpu.vector_load %arg8[%swap3A_1822] {strides = array<i32>} : memref<32xf32, #tpu.memory_space<vmem>>, vector<16xf32>,
      %swap3A_1824 = vector.shape_cast %swap3A_1823 : vector<16xf32> to vector<16xf32>
      %swap3A_1825 = vector.shape_cast %select_n3A_1816 : vector<16xf32> to vector<16xf32>
      tpu.vector_store %arg8[%swap3A_1822], %swap3A_1825 {strides = array<i32>} : memref<32xf32, #tpu.memory_space<vmem>>, vector<16xf32>,
      %swap3A_1826 = arith.constant 0 : index
      %swap3A_1827 = tpu.vector_load %arg9[%swap3A_1826] {strides = array<i32>} : memref<32xi32, #tpu.memory_space<vmem>>, vector<16xi32>,
      %swap3A_1828 = vector.shape_cast %swap3A_1827 : vector<16xi32> to vector<16xi32>
      %swap3A_1829 = vector.shape_cast %select_n3A_1817 : vector<16xi32> to vector<16xi32>
      tpu.vector_store %arg9[%swap3A_1826], %swap3A_1829 {strides = array<i32>} : memref<32xi32, #tpu.memory_space<vmem>>, vector<16xi32>,
      %swap3A_1830 = arith.constant 16 : index
      %swap3A_1831 = tpu.vector_load %arg9[%swap3A_1830] {strides = array<i32>} : memref<32xi32, #tpu.memory_space<vmem>>, vector<16xi32>,
      %swap3A_1832 = vector.shape_cast %swap3A_1831 : vector<16xi32> to vector<16xi32>
      %swap3A_1833 = vector.shape_cast %select_n3A_1817 : vector<16xi32> to vector<16xi32>
      tpu.vector_store %arg9[%swap3A_1830], %swap3A_1833 {strides = array<i32>} : memref<32xi32, #tpu.memory_space<vmem>>, vector<16xi32>,
      %get3A_1834 = arith.constant 2 : index
      %get3A_1835 = tpu.vector_load %arg8[%get3A_1834] {strides = array<i32>} : memref<32xf32, #tpu.memory_space<vmem>>, vector<16xf32>,
      %get3A_1836 = vector.shape_cast %get3A_1835 : vector<16xf32> to vector<16xf32>
      %get3A_1837 = arith.constant 2 : index
      %get3A_1838 = tpu.vector_load %arg9[%get3A_1837] {strides = array<i32>} : memref<32xi32, #tpu.memory_space<vmem>>, vector<16xi32>,
      %get3A_1839 = vector.shape_cast %get3A_1838 : vector<16xi32> to vector<16xi32>
      %lt3A_1840 = arith.cmpf olt, %get3A_1836, %select_n3A_1816 : vector<16xf32>
      %eq3A_1841 = arith.cmpf oeq, %get3A_1836, %select_n3A_1816 : vector<16xf32>
      %lt3A_1842 = arith.cmpi slt, %get3A_1839, %select_n3A_1817 : vector<16xi32>
      %and3A_1843 = arith.andi %eq3A_1841, %lt3A_1842 : vector<16xi1>
      %or3A_1844 = arith.ori %lt3A_1840, %and3A_1843 : vector<16xi1>
      %select_n3A_1845 = arith.select %or3A_1844, %get3A_1836, %select_n3A_1816 : vector<16xi1>, vector<16xf32>
      %select_n3A_1846 = arith.select %or3A_1844, %get3A_1839, %select_n3A_1817 : vector<16xi1>, vector<16xi32>
      %swap3A_1847 = arith.constant 0 : index
      %swap3A_1848 = tpu.vector_load %arg8[%swap3A_1847] {strides = array<i32>} : memref<32xf32, #tpu.memory_space<vmem>>, vector<16xf32>,
      %swap3A_1849 = vector.shape_cast %swap3A_1848 : vector<16xf32> to vector<16xf32>
      %swap3A_1850 = vector.shape_cast %select_n3A_1845 : vector<16xf32> to vector<16xf32>
      tpu.vector_store %arg8[%swap3A_1847], %swap3A_1850 {strides = array<i32>} : memref<32xf32, #tpu.memory_space<vmem>>, vector<16xf32>,
      %swap3A_1851 = arith.constant 16 : index
      %swap3A_1852 = tpu.vector_load %arg8[%swap3A_1851] {strides = array<i32>} : memref<32xf32, #tpu.memory_space<vmem>>, vector<16xf32>,
      %swap3A_1853 = vector.shape_cast %swap3A_1852 : vector<16xf32> to vector<16xf32>
      %swap3A_1854 = vector.shape_cast %select_n3A_1845 : vector<16xf32> to vector<16xf32>
      tpu.vector_store %arg8[%swap3A_1851], %swap3A_1854 {strides = array<i32>} : memref<32xf32, #tpu.memory_space<vmem>>, vector<16xf32>,
      %swap3A_1855 = arith.constant 0 : index
      %swap3A_1856 = tpu.vector_load %arg9[%swap3A_1855] {strides = array<i32>} : memref<32xi32, #tpu.memory_space<vmem>>, vector<16xi32>,
      %swap3A_1857 = vector.shape_cast %swap3A_1856 : vector<16xi32> to vector<16xi32>
      %swap3A_1858 = vector.shape_cast %select_n3A_1846 : vector<16xi32> to vector<16xi32>
      tpu.vector_store %arg9[%swap3A_1855], %swap3A_1858 {strides = array<i32>} : memref<32xi32, #tpu.memory_space<vmem>>, vector<16xi32>,
      %swap3A_1859 = arith.constant 16 : index
      %swap3A_1860 = tpu.vector_load %arg9[%swap3A_1859] {strides = array<i32>} : memref<32xi32, #tpu.memory_space<vmem>>, vector<16xi32>,
      %swap3A_1861 = vector.shape_cast %swap3A_1860 : vector<16xi32> to vector<16xi32>
      %swap3A_1862 = vector.shape_cast %select_n3A_1846 : vector<16xi32> to vector<16xi32>
      tpu.vector_store %arg9[%swap3A_1859], %swap3A_1862 {strides = array<i32>} : memref<32xi32, #tpu.memory_space<vmem>>, vector<16xi32>,
      %get3A_1863 = arith.constant 1 : index
      %get3A_1864 = tpu.vector_load %arg8[%get3A_1863] {strides = array<i32>} : memref<32xf32, #tpu.memory_space<vmem>>, vector<16xf32>,
      %get3A_1865 = vector.shape_cast %get3A_1864 : vector<16xf32> to vector<16xf32>
      %get3A_1866 = arith.constant 1 : index
      %get3A_1867 = tpu.vector_load %arg9[%get3A_1866] {strides = array<i32>} : memref<32xi32, #tpu.memory_space<vmem>>, vector<16xi32>,
      %get3A_1868 = vector.shape_cast %get3A_1867 : vector<16xi32> to vector<16xi32>
      %lt3A_1869 = arith.cmpf olt, %get3A_1865, %select_n3A_1845 : vector<16xf32>
      %eq3A_1870 = arith.cmpf oeq, %get3A_1865, %select_n3A_1845 : vector<16xf32>
      %lt3A_1871 = arith.cmpi slt, %get3A_1868, %select_n3A_1846 : vector<16xi32>
      %and3A_1872 = arith.andi %eq3A_1870, %lt3A_1871 : vector<16xi1>
      %or3A_1873 = arith.ori %lt3A_1869, %and3A_1872 : vector<16xi1>
      %select_n3A_1874 = arith.select %or3A_1873, %get3A_1865, %select_n3A_1845 : vector<16xi1>, vector<16xf32>
      %select_n3A_1875 = arith.select %or3A_1873, %get3A_1868, %select_n3A_1846 : vector<16xi1>, vector<16xi32>
      %eq3A_1876 = arith.constant 13 : i32
      %eq3A_1877 = vector.broadcast %eq3A_1876 : i32 to vector<16xi32>
      %eq3A_1878 = arith.cmpi eq, %iota3A, %eq3A_1877 : vector<16xi32>
      %select_n3A_1879 = arith.select %eq3A_1878, %select_n3A_1875, %select_n3A_1759 : vector<16xi1>, vector<16xi32>
      %swap3A_1880 = arith.constant 0 : index
      %swap3A_1881 = tpu.vector_load %arg8[%swap3A_1880] {strides = array<i32>} : memref<32xf32, #tpu.memory_space<vmem>>, vector<16xf32>,
      %swap3A_1882 = vector.shape_cast %swap3A_1881 : vector<16xf32> to vector<16xf32>
      %swap3A_1883 = vector.shape_cast %scan3A_1638#2 : vector<16xf32> to vector<16xf32>
      tpu.vector_store %arg8[%swap3A_1880], %swap3A_1883 {strides = array<i32>} : memref<32xf32, #tpu.memory_space<vmem>>, vector<16xf32>,
      %swap3A_1884 = arith.constant 16 : index
      %swap3A_1885 = tpu.vector_load %arg8[%swap3A_1884] {strides = array<i32>} : memref<32xf32, #tpu.memory_space<vmem>>, vector<16xf32>,
      %swap3A_1886 = vector.shape_cast %swap3A_1885 : vector<16xf32> to vector<16xf32>
      %swap3A_1887 = vector.shape_cast %scan3A_1638#2 : vector<16xf32> to vector<16xf32>
      tpu.vector_store %arg8[%swap3A_1884], %swap3A_1887 {strides = array<i32>} : memref<32xf32, #tpu.memory_space<vmem>>, vector<16xf32>,
      %swap3A_1888 = arith.constant 0 : index
      %swap3A_1889 = tpu.vector_load %arg9[%swap3A_1888] {strides = array<i32>} : memref<32xi32, #tpu.memory_space<vmem>>, vector<16xi32>,
      %swap3A_1890 = vector.shape_cast %swap3A_1889 : vector<16xi32> to vector<16xi32>
      %swap3A_1891 = vector.shape_cast %scan3A_1638#6 : vector<16xi32> to vector<16xi32>
      tpu.vector_store %arg9[%swap3A_1888], %swap3A_1891 {strides = array<i32>} : memref<32xi32, #tpu.memory_space<vmem>>, vector<16xi32>,
      %swap3A_1892 = arith.constant 16 : index
      %swap3A_1893 = tpu.vector_load %arg9[%swap3A_1892] {strides = array<i32>} : memref<32xi32, #tpu.memory_space<vmem>>, vector<16xi32>,
      %swap3A_1894 = vector.shape_cast %swap3A_1893 : vector<16xi32> to vector<16xi32>
      %swap3A_1895 = vector.shape_cast %scan3A_1638#6 : vector<16xi32> to vector<16xi32>
      tpu.vector_store %arg9[%swap3A_1892], %swap3A_1895 {strides = array<i32>} : memref<32xi32, #tpu.memory_space<vmem>>, vector<16xi32>,
      %get3A_1896 = arith.constant 8 : index
      %get3A_1897 = tpu.vector_load %arg8[%get3A_1896] {strides = array<i32>} : memref<32xf32, #tpu.memory_space<vmem>>, vector<16xf32>,
      %get3A_1898 = vector.shape_cast %get3A_1897 : vector<16xf32> to vector<16xf32>
      %get3A_1899 = arith.constant 8 : index
      %get3A_1900 = tpu.vector_load %arg9[%get3A_1899] {strides = array<i32>} : memref<32xi32, #tpu.memory_space<vmem>>, vector<16xi32>,
      %get3A_1901 = vector.shape_cast %get3A_1900 : vector<16xi32> to vector<16xi32>
      %lt3A_1902 = arith.cmpf olt, %get3A_1898, %scan3A_1638#2 : vector<16xf32>
      %eq3A_1903 = arith.cmpf oeq, %get3A_1898, %scan3A_1638#2 : vector<16xf32>
      %lt3A_1904 = arith.cmpi slt, %get3A_1901, %scan3A_1638#6 : vector<16xi32>
      %and3A_1905 = arith.andi %eq3A_1903, %lt3A_1904 : vector<16xi1>
      %or3A_1906 = arith.ori %lt3A_1902, %and3A_1905 : vector<16xi1>
      %select_n3A_1907 = arith.select %or3A_1906, %get3A_1898, %scan3A_1638#2 : vector<16xi1>, vector<16xf32>
      %select_n3A_1908 = arith.select %or3A_1906, %get3A_1901, %scan3A_1638#6 : vector<16xi1>, vector<16xi32>
      %swap3A_1909 = arith.constant 0 : index
      %swap3A_1910 = tpu.vector_load %arg8[%swap3A_1909] {strides = array<i32>} : memref<32xf32, #tpu.memory_space<vmem>>, vector<16xf32>,
      %swap3A_1911 = vector.shape_cast %swap3A_1910 : vector<16xf32> to vector<16xf32>
      %swap3A_1912 = vector.shape_cast %select_n3A_1907 : vector<16xf32> to vector<16xf32>
      tpu.vector_store %arg8[%swap3A_1909], %swap3A_1912 {strides = array<i32>} : memref<32xf32, #tpu.memory_space<vmem>>, vector<16xf32>,
      %swap3A_1913 = arith.constant 16 : index
      %swap3A_1914 = tpu.vector_load %arg8[%swap3A_1913] {strides = array<i32>} : memref<32xf32, #tpu.memory_space<vmem>>, vector<16xf32>,
      %swap3A_1915 = vector.shape_cast %swap3A_1914 : vector<16xf32> to vector<16xf32>
      %swap3A_1916 = vector.shape_cast %select_n3A_1907 : vector<16xf32> to vector<16xf32>
      tpu.vector_store %arg8[%swap3A_1913], %swap3A_1916 {strides = array<i32>} : memref<32xf32, #tpu.memory_space<vmem>>, vector<16xf32>,
      %swap3A_1917 = arith.constant 0 : index
      %swap3A_1918 = tpu.vector_load %arg9[%swap3A_1917] {strides = array<i32>} : memref<32xi32, #tpu.memory_space<vmem>>, vector<16xi32>,
      %swap3A_1919 = vector.shape_cast %swap3A_1918 : vector<16xi32> to vector<16xi32>
      %swap3A_1920 = vector.shape_cast %select_n3A_1908 : vector<16xi32> to vector<16xi32>
      tpu.vector_store %arg9[%swap3A_1917], %swap3A_1920 {strides = array<i32>} : memref<32xi32, #tpu.memory_space<vmem>>, vector<16xi32>,
      %swap3A_1921 = arith.constant 16 : index
      %swap3A_1922 = tpu.vector_load %arg9[%swap3A_1921] {strides = array<i32>} : memref<32xi32, #tpu.memory_space<vmem>>, vector<16xi32>,
      %swap3A_1923 = vector.shape_cast %swap3A_1922 : vector<16xi32> to vector<16xi32>
      %swap3A_1924 = vector.shape_cast %select_n3A_1908 : vector<16xi32> to vector<16xi32>
      tpu.vector_store %arg9[%swap3A_1921], %swap3A_1924 {strides = array<i32>} : memref<32xi32, #tpu.memory_space<vmem>>, vector<16xi32>,
      %get3A_1925 = arith.constant 4 : index
      %get3A_1926 = tpu.vector_load %arg8[%get3A_1925] {strides = array<i32>} : memref<32xf32, #tpu.memory_space<vmem>>, vector<16xf32>,
      %get3A_1927 = vector.shape_cast %get3A_1926 : vector<16xf32> to vector<16xf32>
      %get3A_1928 = arith.constant 4 : index
      %get3A_1929 = tpu.vector_load %arg9[%get3A_1928] {strides = array<i32>} : memref<32xi32, #tpu.memory_space<vmem>>, vector<16xi32>,
      %get3A_1930 = vector.shape_cast %get3A_1929 : vector<16xi32> to vector<16xi32>
      %lt3A_1931 = arith.cmpf olt, %get3A_1927, %select_n3A_1907 : vector<16xf32>
      %eq3A_1932 = arith.cmpf oeq, %get3A_1927, %select_n3A_1907 : vector<16xf32>
      %lt3A_1933 = arith.cmpi slt, %get3A_1930, %select_n3A_1908 : vector<16xi32>
      %and3A_1934 = arith.andi %eq3A_1932, %lt3A_1933 : vector<16xi1>
      %or3A_1935 = arith.ori %lt3A_1931, %and3A_1934 : vector<16xi1>
      %select_n3A_1936 = arith.select %or3A_1935, %get3A_1927, %select_n3A_1907 : vector<16xi1>, vector<16xf32>
      %select_n3A_1937 = arith.select %or3A_1935, %get3A_1930, %select_n3A_1908 : vector<16xi1>, vector<16xi32>
      %swap3A_1938 = arith.constant 0 : index
      %swap3A_1939 = tpu.vector_load %arg8[%swap3A_1938] {strides = array<i32>} : memref<32xf32, #tpu.memory_space<vmem>>, vector<16xf32>,
      %swap3A_1940 = vector.shape_cast %swap3A_1939 : vector<16xf32> to vector<16xf32>
      %swap3A_1941 = vector.shape_cast %select_n3A_1936 : vector<16xf32> to vector<16xf32>
      tpu.vector_store %arg8[%swap3A_1938], %swap3A_1941 {strides = array<i32>} : memref<32xf32, #tpu.memory_space<vmem>>, vector<16xf32>,
      %swap3A_1942 = arith.constant 16 : index
      %swap3A_1943 = tpu.vector_load %arg8[%swap3A_1942] {strides = array<i32>} : memref<32xf32, #tpu.memory_space<vmem>>, vector<16xf32>,
      %swap3A_1944 = vector.shape_cast %swap3A_1943 : vector<16xf32> to vector<16xf32>
      %swap3A_1945 = vector.shape_cast %select_n3A_1936 : vector<16xf32> to vector<16xf32>
      tpu.vector_store %arg8[%swap3A_1942], %swap3A_1945 {strides = array<i32>} : memref<32xf32, #tpu.memory_space<vmem>>, vector<16xf32>,
      %swap3A_1946 = arith.constant 0 : index
      %swap3A_1947 = tpu.vector_load %arg9[%swap3A_1946] {strides = array<i32>} : memref<32xi32, #tpu.memory_space<vmem>>, vector<16xi32>,
      %swap3A_1948 = vector.shape_cast %swap3A_1947 : vector<16xi32> to vector<16xi32>
      %swap3A_1949 = vector.shape_cast %select_n3A_1937 : vector<16xi32> to vector<16xi32>
      tpu.vector_store %arg9[%swap3A_1946], %swap3A_1949 {strides = array<i32>} : memref<32xi32, #tpu.memory_space<vmem>>, vector<16xi32>,
      %swap3A_1950 = arith.constant 16 : index
      %swap3A_1951 = tpu.vector_load %arg9[%swap3A_1950] {strides = array<i32>} : memref<32xi32, #tpu.memory_space<vmem>>, vector<16xi32>,
      %swap3A_1952 = vector.shape_cast %swap3A_1951 : vector<16xi32> to vector<16xi32>
      %swap3A_1953 = vector.shape_cast %select_n3A_1937 : vector<16xi32> to vector<16xi32>
      tpu.vector_store %arg9[%swap3A_1950], %swap3A_1953 {strides = array<i32>} : memref<32xi32, #tpu.memory_space<vmem>>, vector<16xi32>,
      %get3A_1954 = arith.constant 2 : index
      %get3A_1955 = tpu.vector_load %arg8[%get3A_1954] {strides = array<i32>} : memref<32xf32, #tpu.memory_space<vmem>>, vector<16xf32>,
      %get3A_1956 = vector.shape_cast %get3A_1955 : vector<16xf32> to vector<16xf32>
      %get3A_1957 = arith.constant 2 : index
      %get3A_1958 = tpu.vector_load %arg9[%get3A_1957] {strides = array<i32>} : memref<32xi32, #tpu.memory_space<vmem>>, vector<16xi32>,
      %get3A_1959 = vector.shape_cast %get3A_1958 : vector<16xi32> to vector<16xi32>
      %lt3A_1960 = arith.cmpf olt, %get3A_1956, %select_n3A_1936 : vector<16xf32>
      %eq3A_1961 = arith.cmpf oeq, %get3A_1956, %select_n3A_1936 : vector<16xf32>
      %lt3A_1962 = arith.cmpi slt, %get3A_1959, %select_n3A_1937 : vector<16xi32>
      %and3A_1963 = arith.andi %eq3A_1961, %lt3A_1962 : vector<16xi1>
      %or3A_1964 = arith.ori %lt3A_1960, %and3A_1963 : vector<16xi1>
      %select_n3A_1965 = arith.select %or3A_1964, %get3A_1956, %select_n3A_1936 : vector<16xi1>, vector<16xf32>
      %select_n3A_1966 = arith.select %or3A_1964, %get3A_1959, %select_n3A_1937 : vector<16xi1>, vector<16xi32>
      %swap3A_1967 = arith.constant 0 : index
      %swap3A_1968 = tpu.vector_load %arg8[%swap3A_1967] {strides = array<i32>} : memref<32xf32, #tpu.memory_space<vmem>>, vector<16xf32>,
      %swap3A_1969 = vector.shape_cast %swap3A_1968 : vector<16xf32> to vector<16xf32>
      %swap3A_1970 = vector.shape_cast %select_n3A_1965 : vector<16xf32> to vector<16xf32>
      tpu.vector_store %arg8[%swap3A_1967], %swap3A_1970 {strides = array<i32>} : memref<32xf32, #tpu.memory_space<vmem>>, vector<16xf32>,
      %swap3A_1971 = arith.constant 16 : index
      %swap3A_1972 = tpu.vector_load %arg8[%swap3A_1971] {strides = array<i32>} : memref<32xf32, #tpu.memory_space<vmem>>, vector<16xf32>,
      %swap3A_1973 = vector.shape_cast %swap3A_1972 : vector<16xf32> to vector<16xf32>
      %swap3A_1974 = vector.shape_cast %select_n3A_1965 : vector<16xf32> to vector<16xf32>
      tpu.vector_store %arg8[%swap3A_1971], %swap3A_1974 {strides = array<i32>} : memref<32xf32, #tpu.memory_space<vmem>>, vector<16xf32>,
      %swap3A_1975 = arith.constant 0 : index
      %swap3A_1976 = tpu.vector_load %arg9[%swap3A_1975] {strides = array<i32>} : memref<32xi32, #tpu.memory_space<vmem>>, vector<16xi32>,
      %swap3A_1977 = vector.shape_cast %swap3A_1976 : vector<16xi32> to vector<16xi32>
      %swap3A_1978 = vector.shape_cast %select_n3A_1966 : vector<16xi32> to vector<16xi32>
      tpu.vector_store %arg9[%swap3A_1975], %swap3A_1978 {strides = array<i32>} : memref<32xi32, #tpu.memory_space<vmem>>, vector<16xi32>,
      %swap3A_1979 = arith.constant 16 : index
      %swap3A_1980 = tpu.vector_load %arg9[%swap3A_1979] {strides = array<i32>} : memref<32xi32, #tpu.memory_space<vmem>>, vector<16xi32>,
      %swap3A_1981 = vector.shape_cast %swap3A_1980 : vector<16xi32> to vector<16xi32>
      %swap3A_1982 = vector.shape_cast %select_n3A_1966 : vector<16xi32> to vector<16xi32>
      tpu.vector_store %arg9[%swap3A_1979], %swap3A_1982 {strides = array<i32>} : memref<32xi32, #tpu.memory_space<vmem>>, vector<16xi32>,
      %get3A_1983 = arith.constant 1 : index
      %get3A_1984 = tpu.vector_load %arg8[%get3A_1983] {strides = array<i32>} : memref<32xf32, #tpu.memory_space<vmem>>, vector<16xf32>,
      %get3A_1985 = vector.shape_cast %get3A_1984 : vector<16xf32> to vector<16xf32>
      %get3A_1986 = arith.constant 1 : index
      %get3A_1987 = tpu.vector_load %arg9[%get3A_1986] {strides = array<i32>} : memref<32xi32, #tpu.memory_space<vmem>>, vector<16xi32>,
      %get3A_1988 = vector.shape_cast %get3A_1987 : vector<16xi32> to vector<16xi32>
      %lt3A_1989 = arith.cmpf olt, %get3A_1985, %select_n3A_1965 : vector<16xf32>
      %eq3A_1990 = arith.cmpf oeq, %get3A_1985, %select_n3A_1965 : vector<16xf32>
      %lt3A_1991 = arith.cmpi slt, %get3A_1988, %select_n3A_1966 : vector<16xi32>
      %and3A_1992 = arith.andi %eq3A_1990, %lt3A_1991 : vector<16xi1>
      %or3A_1993 = arith.ori %lt3A_1989, %and3A_1992 : vector<16xi1>
      %select_n3A_1994 = arith.select %or3A_1993, %get3A_1985, %select_n3A_1965 : vector<16xi1>, vector<16xf32>
      %select_n3A_1995 = arith.select %or3A_1993, %get3A_1988, %select_n3A_1966 : vector<16xi1>, vector<16xi32>
      %eq3A_1996 = arith.constant 14 : i32
      %eq3A_1997 = vector.broadcast %eq3A_1996 : i32 to vector<16xi32>
      %eq3A_1998 = arith.cmpi eq, %iota3A, %eq3A_1997 : vector<16xi32>
      %select_n3A_1999 = arith.select %eq3A_1998, %select_n3A_1995, %select_n3A_1879 : vector<16xi1>, vector<16xi32>
      %swap3A_2000 = arith.constant 0 : index
      %swap3A_2001 = tpu.vector_load %arg8[%swap3A_2000] {strides = array<i32>} : memref<32xf32, #tpu.memory_space<vmem>>, vector<16xf32>,
      %swap3A_2002 = vector.shape_cast %swap3A_2001 : vector<16xf32> to vector<16xf32>
      %swap3A_2003 = vector.shape_cast %scan3A_1638#3 : vector<16xf32> to vector<16xf32>
      tpu.vector_store %arg8[%swap3A_2000], %swap3A_2003 {strides = array<i32>} : memref<32xf32, #tpu.memory_space<vmem>>, vector<16xf32>,
      %swap3A_2004 = arith.constant 16 : index
      %swap3A_2005 = tpu.vector_load %arg8[%swap3A_2004] {strides = array<i32>} : memref<32xf32, #tpu.memory_space<vmem>>, vector<16xf32>,
      %swap3A_2006 = vector.shape_cast %swap3A_2005 : vector<16xf32> to vector<16xf32>
      %swap3A_2007 = vector.shape_cast %scan3A_1638#3 : vector<16xf32> to vector<16xf32>
      tpu.vector_store %arg8[%swap3A_2004], %swap3A_2007 {strides = array<i32>} : memref<32xf32, #tpu.memory_space<vmem>>, vector<16xf32>,
      %swap3A_2008 = arith.constant 0 : index
      %swap3A_2009 = tpu.vector_load %arg9[%swap3A_2008] {strides = array<i32>} : memref<32xi32, #tpu.memory_space<vmem>>, vector<16xi32>,
      %swap3A_2010 = vector.shape_cast %swap3A_2009 : vector<16xi32> to vector<16xi32>
      %swap3A_2011 = vector.shape_cast %scan3A_1638#7 : vector<16xi32> to vector<16xi32>
      tpu.vector_store %arg9[%swap3A_2008], %swap3A_2011 {strides = array<i32>} : memref<32xi32, #tpu.memory_space<vmem>>, vector<16xi32>,
      %swap3A_2012 = arith.constant 16 : index
      %swap3A_2013 = tpu.vector_load %arg9[%swap3A_2012] {strides = array<i32>} : memref<32xi32, #tpu.memory_space<vmem>>, vector<16xi32>,
      %swap3A_2014 = vector.shape_cast %swap3A_2013 : vector<16xi32> to vector<16xi32>
      %swap3A_2015 = vector.shape_cast %scan3A_1638#7 : vector<16xi32> to vector<16xi32>
      tpu.vector_store %arg9[%swap3A_2012], %swap3A_2015 {strides = array<i32>} : memref<32xi32, #tpu.memory_space<vmem>>, vector<16xi32>,
      %get3A_2016 = arith.constant 8 : index
      %get3A_2017 = tpu.vector_load %arg8[%get3A_2016] {strides = array<i32>} : memref<32xf32, #tpu.memory_space<vmem>>, vector<16xf32>,
      %get3A_2018 = vector.shape_cast %get3A_2017 : vector<16xf32> to vector<16xf32>
      %get3A_2019 = arith.constant 8 : index
      %get3A_2020 = tpu.vector_load %arg9[%get3A_2019] {strides = array<i32>} : memref<32xi32, #tpu.memory_space<vmem>>, vector<16xi32>,
      %get3A_2021 = vector.shape_cast %get3A_2020 : vector<16xi32> to vector<16xi32>
      %lt3A_2022 = arith.cmpf olt, %get3A_2018, %scan3A_1638#3 : vector<16xf32>
      %eq3A_2023 = arith.cmpf oeq, %get3A_2018, %scan3A_1638#3 : vector<16xf32>
      %lt3A_2024 = arith.cmpi slt, %get3A_2021, %scan3A_1638#7 : vector<16xi32>
      %and3A_2025 = arith.andi %eq3A_2023, %lt3A_2024 : vector<16xi1>
      %or3A_2026 = arith.ori %lt3A_2022, %and3A_2025 : vector<16xi1>
      %select_n3A_2027 = arith.select %or3A_2026, %get3A_2018, %scan3A_1638#3 : vector<16xi1>, vector<16xf32>
      %select_n3A_2028 = arith.select %or3A_2026, %get3A_2021, %scan3A_1638#7 : vector<16xi1>, vector<16xi32>
      %swap3A_2029 = arith.constant 0 : index
      %swap3A_2030 = tpu.vector_load %arg8[%swap3A_2029] {strides = array<i32>} : memref<32xf32, #tpu.memory_space<vmem>>, vector<16xf32>,
      %swap3A_2031 = vector.shape_cast %swap3A_2030 : vector<16xf32> to vector<16xf32>
      %swap3A_2032 = vector.shape_cast %select_n3A_2027 : vector<16xf32> to vector<16xf32>
      tpu.vector_store %arg8[%swap3A_2029], %swap3A_2032 {strides = array<i32>} : memref<32xf32, #tpu.memory_space<vmem>>, vector<16xf32>,
      %swap3A_2033 = arith.constant 16 : index
      %swap3A_2034 = tpu.vector_load %arg8[%swap3A_2033] {strides = array<i32>} : memref<32xf32, #tpu.memory_space<vmem>>, vector<16xf32>,
      %swap3A_2035 = vector.shape_cast %swap3A_2034 : vector<16xf32> to vector<16xf32>
      %swap3A_2036 = vector.shape_cast %select_n3A_2027 : vector<16xf32> to vector<16xf32>
      tpu.vector_store %arg8[%swap3A_2033], %swap3A_2036 {strides = array<i32>} : memref<32xf32, #tpu.memory_space<vmem>>, vector<16xf32>,
      %swap3A_2037 = arith.constant 0 : index
      %swap3A_2038 = tpu.vector_load %arg9[%swap3A_2037] {strides = array<i32>} : memref<32xi32, #tpu.memory_space<vmem>>, vector<16xi32>,
      %swap3A_2039 = vector.shape_cast %swap3A_2038 : vector<16xi32> to vector<16xi32>
      %swap3A_2040 = vector.shape_cast %select_n3A_2028 : vector<16xi32> to vector<16xi32>
      tpu.vector_store %arg9[%swap3A_2037], %swap3A_2040 {strides = array<i32>} : memref<32xi32, #tpu.memory_space<vmem>>, vector<16xi32>,
      %swap3A_2041 = arith.constant 16 : index
      %swap3A_2042 = tpu.vector_load %arg9[%swap3A_2041] {strides = array<i32>} : memref<32xi32, #tpu.memory_space<vmem>>, vector<16xi32>,
      %swap3A_2043 = vector.shape_cast %swap3A_2042 : vector<16xi32> to vector<16xi32>
      %swap3A_2044 = vector.shape_cast %select_n3A_2028 : vector<16xi32> to vector<16xi32>
      tpu.vector_store %arg9[%swap3A_2041], %swap3A_2044 {strides = array<i32>} : memref<32xi32, #tpu.memory_space<vmem>>, vector<16xi32>,
      %get3A_2045 = arith.constant 4 : index
      %get3A_2046 = tpu.vector_load %arg8[%get3A_2045] {strides = array<i32>} : memref<32xf32, #tpu.memory_space<vmem>>, vector<16xf32>,
      %get3A_2047 = vector.shape_cast %get3A_2046 : vector<16xf32> to vector<16xf32>
      %get3A_2048 = arith.constant 4 : index
      %get3A_2049 = tpu.vector_load %arg9[%get3A_2048] {strides = array<i32>} : memref<32xi32, #tpu.memory_space<vmem>>, vector<16xi32>,
      %get3A_2050 = vector.shape_cast %get3A_2049 : vector<16xi32> to vector<16xi32>
      %lt3A_2051 = arith.cmpf olt, %get3A_2047, %select_n3A_2027 : vector<16xf32>
      %eq3A_2052 = arith.cmpf oeq, %get3A_2047, %select_n3A_2027 : vector<16xf32>
      %lt3A_2053 = arith.cmpi slt, %get3A_2050, %select_n3A_2028 : vector<16xi32>
      %and3A_2054 = arith.andi %eq3A_2052, %lt3A_2053 : vector<16xi1>
      %or3A_2055 = arith.ori %lt3A_2051, %and3A_2054 : vector<16xi1>
      %select_n3A_2056 = arith.select %or3A_2055, %get3A_2047, %select_n3A_2027 : vector<16xi1>, vector<16xf32>
      %select_n3A_2057 = arith.select %or3A_2055, %get3A_2050, %select_n3A_2028 : vector<16xi1>, vector<16xi32>
      %swap3A_2058 = arith.constant 0 : index
      %swap3A_2059 = tpu.vector_load %arg8[%swap3A_2058] {strides = array<i32>} : memref<32xf32, #tpu.memory_space<vmem>>, vector<16xf32>,
      %swap3A_2060 = vector.shape_cast %swap3A_2059 : vector<16xf32> to vector<16xf32>
      %swap3A_2061 = vector.shape_cast %select_n3A_2056 : vector<16xf32> to vector<16xf32>
      tpu.vector_store %arg8[%swap3A_2058], %swap3A_2061 {strides = array<i32>} : memref<32xf32, #tpu.memory_space<vmem>>, vector<16xf32>,
      %swap3A_2062 = arith.constant 16 : index
      %swap3A_2063 = tpu.vector_load %arg8[%swap3A_2062] {strides = array<i32>} : memref<32xf32, #tpu.memory_space<vmem>>, vector<16xf32>,
      %swap3A_2064 = vector.shape_cast %swap3A_2063 : vector<16xf32> to vector<16xf32>
      %swap3A_2065 = vector.shape_cast %select_n3A_2056 : vector<16xf32> to vector<16xf32>
      tpu.vector_store %arg8[%swap3A_2062], %swap3A_2065 {strides = array<i32>} : memref<32xf32, #tpu.memory_space<vmem>>, vector<16xf32>,
      %swap3A_2066 = arith.constant 0 : index
      %swap3A_2067 = tpu.vector_load %arg9[%swap3A_2066] {strides = array<i32>} : memref<32xi32, #tpu.memory_space<vmem>>, vector<16xi32>,
      %swap3A_2068 = vector.shape_cast %swap3A_2067 : vector<16xi32> to vector<16xi32>
      %swap3A_2069 = vector.shape_cast %select_n3A_2057 : vector<16xi32> to vector<16xi32>
      tpu.vector_store %arg9[%swap3A_2066], %swap3A_2069 {strides = array<i32>} : memref<32xi32, #tpu.memory_space<vmem>>, vector<16xi32>,
      %swap3A_2070 = arith.constant 16 : index
      %swap3A_2071 = tpu.vector_load %arg9[%swap3A_2070] {strides = array<i32>} : memref<32xi32, #tpu.memory_space<vmem>>, vector<16xi32>,
      %swap3A_2072 = vector.shape_cast %swap3A_2071 : vector<16xi32> to vector<16xi32>
      %swap3A_2073 = vector.shape_cast %select_n3A_2057 : vector<16xi32> to vector<16xi32>
      tpu.vector_store %arg9[%swap3A_2070], %swap3A_2073 {strides = array<i32>} : memref<32xi32, #tpu.memory_space<vmem>>, vector<16xi32>,
      %get3A_2074 = arith.constant 2 : index
      %get3A_2075 = tpu.vector_load %arg8[%get3A_2074] {strides = array<i32>} : memref<32xf32, #tpu.memory_space<vmem>>, vector<16xf32>,
      %get3A_2076 = vector.shape_cast %get3A_2075 : vector<16xf32> to vector<16xf32>
      %get3A_2077 = arith.constant 2 : index
      %get3A_2078 = tpu.vector_load %arg9[%get3A_2077] {strides = array<i32>} : memref<32xi32, #tpu.memory_space<vmem>>, vector<16xi32>,
      %get3A_2079 = vector.shape_cast %get3A_2078 : vector<16xi32> to vector<16xi32>
      %lt3A_2080 = arith.cmpf olt, %get3A_2076, %select_n3A_2056 : vector<16xf32>
      %eq3A_2081 = arith.cmpf oeq, %get3A_2076, %select_n3A_2056 : vector<16xf32>
      %lt3A_2082 = arith.cmpi slt, %get3A_2079, %select_n3A_2057 : vector<16xi32>
      %and3A_2083 = arith.andi %eq3A_2081, %lt3A_2082 : vector<16xi1>
      %or3A_2084 = arith.ori %lt3A_2080, %and3A_2083 : vector<16xi1>
      %select_n3A_2085 = arith.select %or3A_2084, %get3A_2076, %select_n3A_2056 : vector<16xi1>, vector<16xf32>
      %select_n3A_2086 = arith.select %or3A_2084, %get3A_2079, %select_n3A_2057 : vector<16xi1>, vector<16xi32>
      %swap3A_2087 = arith.constant 0 : index
      %swap3A_2088 = tpu.vector_load %arg8[%swap3A_2087] {strides = array<i32>} : memref<32xf32, #tpu.memory_space<vmem>>, vector<16xf32>,
      %swap3A_2089 = vector.shape_cast %swap3A_2088 : vector<16xf32> to vector<16xf32>
      %swap3A_2090 = vector.shape_cast %select_n3A_2085 : vector<16xf32> to vector<16xf32>
      tpu.vector_store %arg8[%swap3A_2087], %swap3A_2090 {strides = array<i32>} : memref<32xf32, #tpu.memory_space<vmem>>, vector<16xf32>,
      %swap3A_2091 = arith.constant 16 : index
      %swap3A_2092 = tpu.vector_load %arg8[%swap3A_2091] {strides = array<i32>} : memref<32xf32, #tpu.memory_space<vmem>>, vector<16xf32>,
      %swap3A_2093 = vector.shape_cast %swap3A_2092 : vector<16xf32> to vector<16xf32>
      %swap3A_2094 = vector.shape_cast %select_n3A_2085 : vector<16xf32> to vector<16xf32>
      tpu.vector_store %arg8[%swap3A_2091], %swap3A_2094 {strides = array<i32>} : memref<32xf32, #tpu.memory_space<vmem>>, vector<16xf32>,
      %swap3A_2095 = arith.constant 0 : index
      %swap3A_2096 = tpu.vector_load %arg9[%swap3A_2095] {strides = array<i32>} : memref<32xi32, #tpu.memory_space<vmem>>, vector<16xi32>,
      %swap3A_2097 = vector.shape_cast %swap3A_2096 : vector<16xi32> to vector<16xi32>
      %swap3A_2098 = vector.shape_cast %select_n3A_2086 : vector<16xi32> to vector<16xi32>
      tpu.vector_store %arg9[%swap3A_2095], %swap3A_2098 {strides = array<i32>} : memref<32xi32, #tpu.memory_space<vmem>>, vector<16xi32>,
      %swap3A_2099 = arith.constant 16 : index
      %swap3A_2100 = tpu.vector_load %arg9[%swap3A_2099] {strides = array<i32>} : memref<32xi32, #tpu.memory_space<vmem>>, vector<16xi32>,
      %swap3A_2101 = vector.shape_cast %swap3A_2100 : vector<16xi32> to vector<16xi32>
      %swap3A_2102 = vector.shape_cast %select_n3A_2086 : vector<16xi32> to vector<16xi32>
      tpu.vector_store %arg9[%swap3A_2099], %swap3A_2102 {strides = array<i32>} : memref<32xi32, #tpu.memory_space<vmem>>, vector<16xi32>,
      %get3A_2103 = arith.constant 1 : index
      %get3A_2104 = tpu.vector_load %arg8[%get3A_2103] {strides = array<i32>} : memref<32xf32, #tpu.memory_space<vmem>>, vector<16xf32>,
      %get3A_2105 = vector.shape_cast %get3A_2104 : vector<16xf32> to vector<16xf32>
      %get3A_2106 = arith.constant 1 : index
      %get3A_2107 = tpu.vector_load %arg9[%get3A_2106] {strides = array<i32>} : memref<32xi32, #tpu.memory_space<vmem>>, vector<16xi32>,
      %get3A_2108 = vector.shape_cast %get3A_2107 : vector<16xi32> to vector<16xi32>
      %lt3A_2109 = arith.cmpf olt, %get3A_2105, %select_n3A_2085 : vector<16xf32>
      %eq3A_2110 = arith.cmpf oeq, %get3A_2105, %select_n3A_2085 : vector<16xf32>
      %lt3A_2111 = arith.cmpi slt, %get3A_2108, %select_n3A_2086 : vector<16xi32>
      %and3A_2112 = arith.andi %eq3A_2110, %lt3A_2111 : vector<16xi1>
      %or3A_2113 = arith.ori %lt3A_2109, %and3A_2112 : vector<16xi1>
      %select_n3A_2114 = arith.select %or3A_2113, %get3A_2105, %select_n3A_2085 : vector<16xi1>, vector<16xf32>
      %select_n3A_2115 = arith.select %or3A_2113, %get3A_2108, %select_n3A_2086 : vector<16xi1>, vector<16xi32>
      %eq3A_2116 = arith.constant 15 : i32
      %eq3A_2117 = vector.broadcast %eq3A_2116 : i32 to vector<16xi32>
      %eq3A_2118 = arith.cmpi eq, %iota3A, %eq3A_2117 : vector<16xi32>
      %select_n3A_2119 = arith.select %eq3A_2118, %select_n3A_2115, %select_n3A_1999 : vector<16xi1>, vector<16xi32>
      %mul3A_2120 = arith.constant 16 : i32
      %mul3A_2121 = arith.muli %scan3A_18, %mul3A_2120 : i32
      %swap3A_2122 = arith.index_cast %mul3A_2121 : i32 to index
      %swap3A_2123 = tpu.vector_load %arg7[%swap3A_2122] {strides = array<i32>} : memref<80xi32, #tpu.memory_space<vmem>>, vector<16xi32>,
      %swap3A_2124 = vector.shape_cast %swap3A_2123 : vector<16xi32> to vector<16xi32>
      %swap3A_2125 = vector.shape_cast %select_n3A_2119 : vector<16xi32> to vector<16xi32>
      tpu.vector_store %arg7[%swap3A_2122], %swap3A_2125 {strides = array<i32>} : memref<80xi32, #tpu.memory_space<vmem>>, vector<16xi32>,
      %scan3A_2126 = arith.constant 0 : i32
      scf.yield %scan3A_2126 : i32
    }
    %scan3A_15 = arith.constant 5 : i32
    %mul3A_16 = arith.constant 80 : i32
    %mul3A_17 = arith.muli %add3A, %mul3A_16 : i32
    "tpu.region"() ({
      %run_scoped3A = tpu.sem_alloc : memref<!tpu.dma_semaphore, #tpu.memory_space<semaphore_mem>>
      %dma_start3A = tpu.memref_slice %arg4[%mul3A_17] : memref<2560xi32, #tpu.memory_space<hbm>> -> memref<80xi32, #tpu.memory_space<hbm>>
      %dma_start3A_18 = tpu.memref_slice %arg4[%mul3A_17] : memref<2560xi32, #tpu.memory_space<hbm>> -> memref<80xi32, #tpu.memory_space<hbm>>
      tpu.enqueue_dma source(%arg7 : memref<80xi32, #tpu.memory_space<vmem>>) target(%dma_start3A_18 : memref<80xi32, #tpu.memory_space<hbm>>) target_semaphore(%run_scoped3A : memref<!tpu.dma_semaphore, #tpu.memory_space<semaphore_mem>>)
      %dma_wait3A = tpu.memref_slice %arg4[%mul3A_17] : memref<2560xi32, #tpu.memory_space<hbm>> -> memref<80xi32, #tpu.memory_space<hbm>>
      %dma_wait3A_19 = tpu.memref_slice %arg4[%mul3A_17] : memref<2560xi32, #tpu.memory_space<hbm>> -> memref<80xi32, #tpu.memory_space<hbm>>
      tpu.wait_dma2 semaphore(%run_scoped3A : memref<!tpu.dma_semaphore, #tpu.memory_space<semaphore_mem>>) src(%arg7 : memref<80xi32, #tpu.memory_space<vmem>>) dst(%dma_wait3A_19 : memref<80xi32, #tpu.memory_space<hbm>>)
      tpu.yield
    }) : () -> ()
    return
  }
}

module attributes {stable_mosaic.version = 14 : i64} {
  func.func @_tc_body(%arg0: i32, %arg1: memref<256x3xf32, #tpu.memory_space<vmem>>, %arg2: memref<3x8192xf32, #tpu.memory_space<vmem>>, %arg3: memref<256x1xi32, #tpu.memory_space<vmem>>) attributes {dimension_semantics = [#tpu.dimension_semantics<arbitrary>], iteration_bounds = array<i64: 22>, scalar_prefetch = 0 : i64, scratch_operands = 0 : i64, tpu.core_type = #tpu.core_type<tc>, window_params = [{transform_indices = @transform_0, window_bounds = array<i64: 256, 3>}, {pipeline_mode = #tpu.pipeline_mode<synchronous>, transform_indices = @transform_1, window_bounds = array<i64: 3, 8192>}, {transform_indices = @transform_2, window_bounds = array<i64: 256, 1>}]} {
    %get3A = arith.constant 0 : index
    %get3A_0 = arith.constant 0 : index
    %get3A_1 = vector.load %arg1[%get3A, %get3A_0] : memref<256x3xf32, #tpu.memory_space<vmem>>, vector<256x1xf32>
    %get3A_2 = arith.constant 0 : index
    %get3A_3 = arith.constant 1 : index
    %get3A_4 = vector.load %arg1[%get3A_2, %get3A_3] : memref<256x3xf32, #tpu.memory_space<vmem>>, vector<256x1xf32>
    %get3A_5 = arith.constant 0 : index
    %get3A_6 = arith.constant 2 : index
    %get3A_7 = vector.load %arg1[%get3A_5, %get3A_6] : memref<256x3xf32, #tpu.memory_space<vmem>>, vector<256x1xf32>
    %get3A_8 = arith.constant 0 : index
    %get3A_9 = arith.constant 0 : index
    %get3A_10 = vector.load %arg2[%get3A_8, %get3A_9] : memref<3x8192xf32, #tpu.memory_space<vmem>>, vector<1x8192xf32>
    %get3A_11 = arith.constant 1 : index
    %get3A_12 = arith.constant 0 : index
    %get3A_13 = vector.load %arg2[%get3A_11, %get3A_12] : memref<3x8192xf32, #tpu.memory_space<vmem>>, vector<1x8192xf32>
    %get3A_14 = arith.constant 2 : index
    %get3A_15 = arith.constant 0 : index
    %get3A_16 = vector.load %arg2[%get3A_14, %get3A_15] : memref<3x8192xf32, #tpu.memory_space<vmem>>, vector<1x8192xf32>
    %sub3A = vector.broadcast %get3A_1 : vector<256x1xf32> to vector<256x8192xf32>
    %sub3A_17 = vector.broadcast %get3A_10 : vector<1x8192xf32> to vector<256x8192xf32>
    %sub3A_18 = arith.subf %sub3A, %sub3A_17 : vector<256x8192xf32>
    %sub3A_19 = vector.broadcast %get3A_4 : vector<256x1xf32> to vector<256x8192xf32>
    %sub3A_20 = vector.broadcast %get3A_13 : vector<1x8192xf32> to vector<256x8192xf32>
    %sub3A_21 = arith.subf %sub3A_19, %sub3A_20 : vector<256x8192xf32>
    %sub3A_22 = vector.broadcast %get3A_7 : vector<256x1xf32> to vector<256x8192xf32>
    %sub3A_23 = vector.broadcast %get3A_16 : vector<1x8192xf32> to vector<256x8192xf32>
    %sub3A_24 = arith.subf %sub3A_22, %sub3A_23 : vector<256x8192xf32>
    %mul3A = arith.mulf %sub3A_18, %sub3A_18 : vector<256x8192xf32>
    %mul3A_25 = arith.mulf %sub3A_21, %sub3A_21 : vector<256x8192xf32>
    %add3A = arith.addf %mul3A, %mul3A_25 : vector<256x8192xf32>
    %mul3A_26 = arith.mulf %sub3A_24, %sub3A_24 : vector<256x8192xf32>
    %add3A_27 = arith.addf %add3A, %mul3A_26 : vector<256x8192xf32>
    %argmin3A = tpu.reduce_index %add3A_27 {axis = 1 : i32, kind = #tpu.reduction_kind<arg_min>} : vector<256x8192xf32> -> vector<256xi32>
    %broadcast_in_dim3A = vector.shape_cast %argmin3A : vector<256xi32> to vector<256x1xi32>
    %swap3A = arith.constant 0 : index
    %swap3A_28 = arith.constant 0 : index
    %swap3A_29 = vector.load %arg3[%swap3A, %swap3A_28] : memref<256x1xi32, #tpu.memory_space<vmem>>, vector<256x1xi32>
    tpu.vector_store %arg3[%swap3A, %swap3A_28], %broadcast_in_dim3A {strides = array<i32>} : memref<256x1xi32, #tpu.memory_space<vmem>>, vector<256x1xi32>,
    return
  }
  func.func @transform_0(%arg0: i32) -> (i32, i32) {
    %c0_i32 = arith.constant 0 : i32
    %c0_i32_0 = arith.constant 0 : i32
    return %arg0, %c0_i32 : i32, i32
  }
  func.func @transform_1(%arg0: i32) -> (i32, i32) {
    %c0_i32 = arith.constant 0 : i32
    %c0_i32_0 = arith.constant 0 : i32
    %c0_i32_1 = arith.constant 0 : i32
    return %c0_i32, %c0_i32_0 : i32, i32
  }
  func.func @transform_2(%arg0: i32) -> (i32, i32) {
    %c0_i32 = arith.constant 0 : i32
    %c0_i32_0 = arith.constant 0 : i32
    return %arg0, %c0_i32 : i32, i32
  }
}

</mosaic_0001>

<sc_bundles>
// kernel: kernel.4.cloned.1.call-start
scs
__scs_entry_jumppad:
0x0: {  	(pc) =	sbr.rel $0x88, $3  }
0x1: {  	(tag) =	ssettag $0x0;
	lr =	simm.s32 $0x1  }
0x2: {  	[smem:$0x3F9F] =	sst lr;
	_ =	strace $0xD0000000  }
0x3: {  	_ = 	snop  }
0x4: {  	_ = 	snop  }
0x5: {  	_ = 	snop  }
0x6: {  	_ = 	snop  }
0x7: {  	_ = 	snop  }
__scs_overlays_trampoline_lowered:
0x8: {  	[smem:$0x3FAE] =	sst s0  }
0x9: {  	[smem:$0x3FAF] =	sst s1  }
0xa: {  	[smem:$0x3FB0] =	sst s2  }
0xb: {  	[smem:$0x3FB1] =	sst s3  }
0xc: {  	[smem:$0x3FB2] =	sst s4  }
0xd: {  	[smem:$0x3FB3] =	sst s5  }
0xe: {  	[smem:$0x3FB4] =	sst s6  }
0xf: {  	[smem:$0x3FB5] =	sst s7  }
0x10: {  	[smem:$0x3FB6] =	sst s8  }
0x11: {  	[smem:$0x3FB7] =	sst s9;
	s0 =	simm.s32 @!p0 $0x0  }
0x12: {  	s1 =	sld [smem:$0x3F9D];
	s0 =	simm.s32 @p0 $0x1  }
0x13: {  	[smem:$0x3FB8] =	sst s0;
	s0 =	simm.s32 @!p1 $0x0  }
0x14: {  	s2 =	sld [smem:$0x3F9C];
	s0 =	simm.s32 @p1 $0x1  }
0x15: {  	[smem:$0x3FB9] =	sst s0;
	s0 =	simm.s32 @!p2 $0x0  }
0x16: {  	s3 =	sld [smem:$0x3FDB];
	s0 =	simm.s32 @p2 $0x1  }
0x17: {  	s4 =	simm.s32 $0x1BF5;
	[smem:$0x3FBB] =	sst s0  }
0x18: {  	s0 =	sld [smem:$0x3F9E];
	_ =	swait.ge [sflag:s4], $0x0  }
0x19: {  	s7 =	sld [smem:$0x3F9F]  }
0x1a: {  	s8 =	sadd.s32 $0xFFFFE003, lr  }
0x1b: {  	s9 =	sadd.s32 $0xFFFFFEF7, lr;
	s5 =	simm.s32 $0xFFFFFFFF;
	p2 =	slt.u32 s8, $0xFFFFF086  }
0x1c: {  	p1 =	slt.u32 s9, $0xF7A;
	s5 =	simm.s32 @!p2 $0x0  }
0x1d: {  	s5 =	simm.s32 @p1 $0x1;
	p0 =	seq.s32 s7, s2  }
0x1e: {  	s7 =	smul.u32 @!p0 $0xF7A, s2;
	p2 =	seq.s32 @!p0 s5, $0x0  }
0x1f: {  	s9 =	smul.u32 $0xF7A, s1;
	s8 =	simm.s32 @!p0 $0x1BF5;
	p2 =	por !p2, p0  }
0x20: {  	[sflag:s8] =	ssyncset.s32 @!p0 $0xFFFFF086;
	s6 =	sadd.s32 @!p0 s3, s7;
	s7 =	simm.s32 @!p0 $0x108  }
0x21: {  	s3 =	sadd.s32 s3, s9;
	s6 =	sadd.s32 @!p0 $0x88, s6;
	s7 =	simm.s32 @p2 $0x1082  }
0x22: {  	[simem:s7], [sflag:s8] =	dma.local @!p0 [hbm:s6], $0xF7A  }
0x23: {  	s9 =	sor.u32 $0xD0000000, s2;
	s6 =	simm.s32 $0x108;
	_ =	swait.ge @!p0 [sflag:s8], $0x0  }
0x24: {  	s3 =	sadd.s32 $0x88, s3;
	s6 =	simm.s32 @!p1 $0x1082;
	[sflag:s4] =	ssyncset.s32 $0xFFFFF086  }
0x25: {  	[simem:s6], [sflag:s4] =	dma.local [hbm:s3], $0xF7A  }
0x26: {  	[smem:$0x3F9F] =	sst s1;
	(tag) =	ssettag s2;
	_ =	strace s9  }
0x27: {  	s1 =	sld [smem:$0x3FAF]  }
0x28: {  	s2 =	sld [smem:$0x3FB0]  }
0x29: {  	s4 =	sld [smem:$0x3FB2]  }
0x2a: {  	p0 =	seq.s32 s5, $0x0;
	s5 =	sld [smem:$0x3FB3]  }
0x2b: {  	s6 =	sld [smem:$0x3FB4]  }
0x2c: {  	s7 =	sld [smem:$0x3FB5]  }
0x2d: {  	s3 =	simm.s32 $0x108;
	s8 =	sld [smem:$0x3FB6]  }
0x2e: {  	s3 =	simm.s32 @!p0 $0x1082;
	s9 =	sld [smem:$0x3FB7]  }
0x2f: {  	lr =	sadd.s32 s0, s3;
	s0 =	sld [smem:$0x3FAE]  }
0x30: {  	s3 =	sld [smem:$0x3FB1]  }
0x31: {  	[smem:$0x3FBA] =	sst s10  }
0x32: {  	s10 =	sld [smem:$0x3FB8];
	_ =	sdelay $0x3  }
0x33: {  	p0 =	seq.s32 s10, $0x1;
	s10 =	sld [smem:$0x3FBA];
	_ =	sdelay $0x3  }
0x34: {  	[smem:$0x3FBA] =	sst s10  }
0x35: {  	s10 =	sld [smem:$0x3FB9];
	_ =	sdelay $0x3  }
0x36: {  	p1 =	seq.s32 s10, $0x1;
	s10 =	sld [smem:$0x3FBA];
	_ =	sdelay $0x3  }
0x37: {  	[smem:$0x3FBA] =	sst s10  }
0x38: {  	s10 =	sld [smem:$0x3FBB]  }
0x39: {  	_ = 	snop;
	(pc) =	sbr.ind lr, $3  }
0x3a: {  	_ = 	snop  }
0x3b: {  	_ = 	snop  }
0x3c: {  	p2 =	seq.s32 s10, $0x1;
	s10 =	sld [smem:$0x3FBA]  }
0x3d: {  	_ =	shalt  }
0x3e: {  	_ =	shalt  }
0x3f: {  	_ =	shalt  }
0x40: {  	_ =	shalt  }
0x41: {  	_ =	shalt  }
0x42: {  	_ =	shalt  }
0x43: {  	_ =	shalt  }
0x44: {  	_ =	shalt  }
0x45: {  	_ =	shalt  }
0x46: {  	_ =	shalt  }
0x47: {  	_ =	shalt  }
0x48: {  	_ =	shalt  }
0x49: {  	_ =	shalt  }
0x4a: {  	_ =	shalt  }
0x4b: {  	_ =	shalt  }
0x4c: {  	_ =	shalt  }
0x4d: {  	_ =	shalt  }
0x4e: {  	_ =	shalt  }
0x4f: {  	_ =	shalt  }
0x50: {  	_ =	shalt  }
0x51: {  	_ =	shalt  }
0x52: {  	_ =	shalt  }
0x53: {  	_ =	shalt  }
0x54: {  	_ =	shalt  }
0x55: {  	_ =	shalt  }
0x56: {  	_ =	shalt  }
0x57: {  	_ =	shalt  }
0x58: {  	_ =	shalt  }
0x59: {  	_ =	shalt  }
0x5a: {  	_ =	shalt  }
0x5b: {  	_ =	shalt  }
0x5c: {  	_ =	shalt  }
0x5d: {  	_ =	shalt  }
0x5e: {  	_ =	shalt  }
0x5f: {  	_ =	shalt  }
0x60: {  	_ =	shalt  }
0x61: {  	_ =	shalt  }
0x62: {  	_ =	shalt  }
0x63: {  	_ =	shalt  }
0x64: {  	_ =	shalt  }
0x65: {  	_ =	shalt  }
0x66: {  	_ =	shalt  }
0x67: {  	_ =	shalt  }
0x68: {  	_ =	shalt  }
0x69: {  	_ =	shalt  }
0x6a: {  	_ =	shalt  }
0x6b: {  	_ =	shalt  }
0x6c: {  	_ =	shalt  }
0x6d: {  	_ =	shalt  }
0x6e: {  	_ =	shalt  }
0x6f: {  	_ =	shalt  }
0x70: {  	_ =	shalt  }
0x71: {  	_ =	shalt  }
0x72: {  	_ =	shalt  }
0x73: {  	_ =	shalt  }
0x74: {  	_ =	shalt  }
0x75: {  	_ =	shalt  }
0x76: {  	_ =	shalt  }
0x77: {  	_ =	shalt  }
0x78: {  	_ =	shalt  }
0x79: {  	_ =	shalt  }
0x7a: {  	_ =	shalt  }
0x7b: {  	_ =	shalt  }
0x7c: {  	_ =	shalt  }
0x7d: {  	_ =	shalt  }
0x7e: {  	_ =	shalt  }
0x7f: {  	_ =	shalt  }
0x80: {  	_ =	shalt  }
0x81: {  	_ =	shalt  }
0x82: {  	_ =	shalt  }
0x83: {  	_ =	shalt  }
0x84: {  	_ =	shalt  }
0x85: {  	_ =	shalt  }
0x86: {  	_ =	shalt  }
0x87: {  	_ =	shalt  }
.Lfunc_end0:
.L_simem_size_0:
called_computation_lowered:
.L_overlay_start_0:
0x88: {  	s2 =	sld [smem:$0x3FD9]  }
0x89: {  	s3 =	sld [smem:$0x3FFE];
	_ =	sdelay $0x1  }
0x8a: {  	s1 =	srdreg.scid  }
0x8b: {  	s0 =	sand.u32 $0x1, s1  }
0x8c: {  	s14 =	sshll.u32 s0, $0xA;
	s2 =	sadd.s32 s3, s2  }
0x8d: {  	s2 =	sadd.s32 s2, s14  }
0x8e: {  	[smem:$0x3FC6] =	sst s2  }
0x8f: {  	_ = 	snop  }
0x90: {  	s2 =	sld [smem:$0x3FD0];
	_ =	sdelay $0x2  }
0x91: {  	s15 =	simm.s32 $0xA;
	s4 =	simm.s32 $0x10  }
0x92: {  	[smem:s4], [sflag:s15] =	dma.local [hbm:s2], $0x1  }
0x93: {  	_ =	swait.eq [sflag:s15], $0x1  }
0x94: {  	[sflag:s15] =	ssyncset.done $0x0  }
0x95: {  	[sflag:s15] =	ssyncadd.s32 $0xFFFFFFFF  }
0x96: {  	s16 =	sld [smem:$0x11];
	(tm) =	ssettm $0x1  }
0x97: {  	s17 =	sld [smem:$0x3FFB];
	_ =	sdelay $0x3  }
0x98: {  	_ =	strace s17  }
0x99: {  	s3 =	sld [smem:$0x3FFC];
	_ =	sdelay $0x3  }
0x9a: {  	_ =	strace s3  }
0x9b: {  	s3 =	sld [smem:$0x3FFD];
	_ =	sdelay $0x3  }
0x9c: {  	_ =	strace s3  }
0x9d: {  	_ =	strace $0x8FFFFFFF  }
0x9e: {  	s18 =	sld [smem:$0x3FDB];
	_ =	sdelay $0x1  }
0x9f: {  	s19 =	simm.s32 $_scs_section_size  }
0xa0: {  	s5 =	simm.s32 $_size__tile_overlayer_lowered;
	s6 =	simm.s32 $_tile_overlayer_lowered  }
0xa1: {  	s22 =	simm.s32 $0x1BFF;
	s21 =	sshll.u32 s6, $0x1;
	s3 =	sadd.s32 s19, s18  }
0xa2: {  	s7 =	simm.s32 $0x0;
	s20 =	sshll.u32 s5, $0x1;
	s5 =	sadd.s32 s21, s3  }
0xa3: {  	[timem:s7], [sflag:s22] =	dma.local [hbm:s5], s20  }
0xa4: {  	_ =	swait.ge [sflag:s22], s20  }
0xa5: {  	s4 =	ssub.s32 $0x0, s20;
	[sflag:s22] =	ssyncset.done $0x0  }
0xa6: {  	[sflag:s22] =	ssyncadd.s32 s4;
	_ =	sdelay $0x1  }
0xa7: {  	s23 =	simm.s32 $0x1B8B  }
0xa8: {  	_ =	swait.ge [sflag:s23], $0x1  }
0xa9: {  	[sflag:s23] =	ssyncset.done $0x0  }
0xaa: {  	s25 =	simm.s32 $0x1B8E;
	s24 =	sld [smem:$0x3FFE];
	[sflag:s23] =	ssyncadd.s32 $0xFFFFFFFF  }
0xab: {  	s26 =	simm.s32 $execute0_lowered;
	[smem:$0x3FD2] =	sst s25  }
0xac: {  	s5 =	sshll.u32 s26, $0x1;
	_ =	strace $0x80000046;
	[dreg:$0x1] =	wrdreg $0xFFFFFFFF  }
0xad: {  	s28 =	simm.s32 $_size_execute0_lowered;
	s3 =	sadd.s32 s3, s5;
	[dreg:$0x0] =	wrdreg $0x0  }
0xae: {  	s5 =	sshll.u32 s28, $0x1;
	[dreg:$0x2] =	wrdreg s3  }
0xaf: {  	[dreg:$0x3] =	wrdreg s5  }
0xb0: {  	[dreg:$0x4] =	wrdreg $0xC0  }
0xb1: {  	_ =	task [dreg:s7], $0x5FFFF  }
0xb2: {  	[dreg:$0x1] =	wrdreg $0xFFFFFFFF  }
0xb3: {  	[dreg:$0x0] =	wrdreg $0x60  }
0xb4: {  	[dreg:$0x2] =	wrdreg s16  }
0xb5: {  	[dreg:$0x3] =	wrdreg s24  }
0xb6: {  	[dreg:$0x4] =	wrdreg $0x9  }
0xb7: {  	_ =	task.clear_ibuf [dreg:s7], $0x5FFFF;
	_ =	strace $0x90000046  }
0xb8: {  	s29 =	simm.s32 $0x9;
	_ =	strace $0x80000048  }
0xb9: {  	_ =	swait.ge [sflag:s29], $0x1  }
0xba: {  	[sflag:s29] =	ssyncadd.s32 $0xFFFFFFFF  }
0xbb: {  	_ =	strace $0x90000048  }
0xbc: {  	_ =	sfence  }
0xbd: {  	s30 =	sld [smem:$0x0];
	_ =	sdelay $0x2  }
0xbe: {  	s31 =	sshll.u32 s1, $0xD;
	s1 =	sshrl.u32 s1, $0x2  }
0xbf: {  	s3 =	sand.u32 $0x4000, s31;
	s1 =	sadd.s32 s1, s30  }
0xc0: {  	s0 =	sor.u32 s3, s0;
	s1 =	sshll.u32 s1, $0x11  }
0xc1: {  	s0 =	sor.u32 s1, s0  }
0xc2: {  	s0 =	sadd.s32 $0x8F2B, s0  }
0xc3: {  	[sflag:s0] =	ssyncadd.remote.s32 $0x1  }
0xc4: {  	_ =	sfence.sel $0xFFFF  }
0xc5: {  	[dreg:$0x0] =	wrdreg $0xFFFFFFFF;
	(pc) =	sbr.abs _section_cstart, $3  }
0xc6: {  	[dreg:$0x1] =	wrdreg $0xFFFFFFFF  }
0xc7: {  	_ =	task.clear_ibuf [dreg:s7], $0x2FFFF;
	_ =	strace $0x9FFFFFFF  }
0xc8: {  	(tm) =	ssettm $0x7FFFFFFF  }
0xc9: {  	_ =	shalt  }
tec
execute0_lowered:
.L_overlay_start_1:
0x0: {  	(tag) =	ssettag $0x1  }
0x1: {  	s4 =	rddreg [dreg:$0x0]  }
0x2: {  	s1 =	srdreg.scid;
	s0 =	stileid.u32  }
0x3: {  	s5 =	rddreg [dreg:$0x1];
	s2 =	simm.s32 $0x0;
	s10 =	simm.s32 $0x0  }
0x4: {  	s3 =	sand.u32 $0x1, s1;
	s6 =	sshll.u32 s0, $0x1;
	s1 =	rddreg [dreg:$0x2]  }
0x5: {  	[smem:$0x7FF] =	sst s2;
	s6 =	sor.u32 s3, s6;
	s8 =	ssub.s32 $0x2, s3  }
0x6: {  	_ =	strace $0x80000047;
	s7 =	smul.u32 $0xF0, s6;
	s9 =	sshrl.u32 s8, $0x1  }
0x7: {  	s3 =	sadd.s32 $0x600, s5;
	s6 =	smul.u32 $0xA, s6;
	s31 =	ssub.s32 s8, s9  }
0x8: {  	s8 =	simm.s32 $0x1;
	s9 =	simm.s32 $0x6100;
	s7 =	sshrl.u32 s7, $0x3  }
0x9: {  	s5 =	sadd.s32 s6, s5;
	s6 =	smax.u32 s31, $0x1;
	s4 =	sadd.s32 s4, s7  }
0xa: {  	v51 =	vlaneseq.u32;
	s5 =	sadd.s32 $0x1200, s5;
	s7 =	simm.s32 $0x100;
	s4 =	sadd.s32 $0x840, s4  }
.LBB2_1:
0xb: {  	[tilespmem:s7], [sflag:$0x1] =	stream.linear.gather [hbm4b:s3+s2], $0x6000, $0x38;
	[tilespmem:$0x6280] =	vst v63  }
0xc: {  	_ =	swait.ge [sflag:s8], $0x6000  }
0xd: {  	[sflag:s8] =	ssyncset.done $0x0  }
0xe: {  	[sflag:s8] =	ssyncadd.s32 $0xFFFFA000  }
0xf: {  	[tilespmem:s2], [sflag:$0x1] =	stream.linear.gather [hbm4b:s4+s2], $0xF0, $0x38;
	[tilespmem:$0x6280] =	vst v63  }
0x10: {  	_ =	swait.ge [sflag:s8], $0xF0  }
0x11: {  	[sflag:s8] =	ssyncset.done $0x0  }
0x12: {  	s11 =	simm.s32 $0x0;
	[sflag:s8] =	ssyncadd.s32 $0xFFFFFF10  }
.LBB2_2:
0x13: {  	s12 =	smul.u32 $0xC0, s11;
	_ =	sdelay $0x1  }
0x14: {  	s12 =	sshra.s32 s12, $0x2  }
0x15: {  	s14 =	simm.s32 $0x100;
	v0 =	vld [tilespmem:s12+$0x0]  }
0x16: {  	v13 =	vld [tilespmem:s14+$0x0]  }
0x17: {  	v12 =	vld [tilespmem:s14+$0x4020]  }
0x18: {  	v14 =	vld [tilespmem:s14+$0x2010]  }
0x19: {  	v15 =	vld [tilespmem:s14+$0x4030]  }
0x1a: {  	v18 =	vld [tilespmem:s14+$0x10];
	v1 =	vbroadcast v0, $0x0;
	v2 =	vbroadcast v0, $0x1  }
0x1b: {  	v20 =	vld [tilespmem:s14+$0x30];
	v4 =	vbroadcast v0, $0x3;
	v7 =	vbroadcast v0, $0x9  }
0x1c: {  	s13 =	simm.s32 $0x0;
	v8 =	vbroadcast v0, $0x6;
	v9 =	vbroadcast v0, $0xA;
	v17 =	vsub.f32 v1, v13  }
0x1d: {  	s15 =	sand.u32 $0x1FC0, s13;
	v24 =	vld [tilespmem:s14+$0x2030];
	v6 =	vbroadcast v0, $0x5;
	v21 =	vsub.f32 v7, v13;
	v22 =	vsub.f32 v4, v13  }
0x1e: {  	v23 =	vld [tilespmem:s15+$0x2100];
	v11 =	vbroadcast v0, $0x8;
	v13 =	vsub.f32 v8, v13;
	v19 =	vsub.f32 v9, v14  }
0x1f: {  	v28 =	vld [tilespmem:s15+$0x4100];
	v5 =	vbroadcast v0, $0x4;
	v26 =	vsub.f32 v6, v12;
	v27 =	vsub.f32 v1, v18  }
0x20: {  	v10 =	vbroadcast v0, $0x7;
	v29 =	vsub.f32 v11, v15;
	v30 =	vsub.f32 v8, v20  }
0x21: {  	v31 =	vsub.f32 v2, v14;
	v32 =	vsub.f32 v5, v14  }
0x22: {  	v3 =	vbroadcast v0, $0x2;
	v14 =	vsub.f32 v10, v14;
	v33 =	vsub.f32 v7, v18  }
0x23: {  	v34 =	vsub.f32 v10, v24;
	v35 =	vsub.f32 v2, v23  }
0x24: {  	v62 =	vld [tilespmem:s14+$0x20];
	v36 =	vsub.f32 v4, v20;
	v39 =	vsub.f32 v3, v28  }
0x25: {  	v58 =	vimm.f32 $+Inf;
	v40 =	vsub.f32 v10, v23;
	v60 =	vsub.f32 v4, v18  }
0x26: {  	[tilespmem:$0x1FF10] =	vst v0;
	v0 =	vbroadcast v0, $0xB;
	v61 =	vsub.f32 v11, v28;
	v18 =	vsub.f32 v8, v18  }
0x27: {  	v44 =	vsub.f32 v1, v20;
	v25 =	vmul.f32 v17, v17;
	v13 =	vmul.f32 v13, v13  }
0x28: {  	v45 =	vsub.f32 v2, v24;
	v27 =	vmul.f32 v27, v27;
	v19 =	vmul.f32 v19, v19  }
0x29: {  	v47 =	vsub.f32 v1, v62;
	v32 =	vmul.f32 v32, v32;
	v33 =	vmul.f32 v33, v33  }
0x2a: {  	v49 =	vsub.f32 v4, v62;
	v35 =	vmul.f32 v35, v35;
	v14 =	vmul.f32 v14, v14  }
0x2b: {  	v50 =	vsub.f32 v8, v62;
	v39 =	vmul.f32 v39, v39;
	v40 =	vmul.f32 v40, v40  }
0x2c: {  	v56 =	vsub.f32 v3, v12;
	v31 =	vmul.f32 v31, v31;
	v34 =	vmul.f32 v34, v34  }
0x2d: {  	v57 =	vsub.f32 v6, v15;
	v18 =	vmul.f32 v18, v18;
	v30 =	vmul.f32 v30, v30  }
0x2e: {  	v20 =	vsub.f32 v7, v20;
	v26 =	vmul.f32 v26, v26;
	v29 =	vmul.f32 v29, v29  }
0x2f: {  	v59 =	vsub.f32 v6, v28;
	v36 =	vmul.f32 v36, v36;
	v22 =	vmul.f32 v22, v22  }
0x30: {  	v28 =	vsub.f32 v0, v28;
	v21 =	vmul.f32 v21, v21;
	v20 =	vmul.f32 v20, v20  }
0x31: {  	v19 =	vadd.f32 v19, v33;
	v25 =	vadd.f32 v35, v25;
	v35 =	vmul.f32 v61, v61  }
0x32: {  	v17 =	vld [tilespmem:s14+$0x4010];
	v13 =	vadd.f32 v40, v13;
	v27 =	vadd.f32 v31, v27;
	v33 =	vmul.f32 v60, v60  }
0x33: {  	v30 =	vadd.f32 v34, v30;
	v18 =	vadd.f32 v14, v18;
	v34 =	vmul.f32 v45, v45  }
0x34: {  	v40 =	vmul.f32 v47, v47;
	v25 =	vadd.f32 v39, v25;
	v13 =	vadd.f32 v35, v13  }
0x35: {  	v60 =	vmul.f32 v59, v59;
	v32 =	vadd.f32 v32, v33;
	v41 =	vadd.f32 v29, v30  }
0x36: {  	v31 =	vld [tilespmem:s14+$0x2020];
	v35 =	vmul.f32 v44, v44;
	v29 =	vsub.f32 v5, v24;
	v24 =	vsub.f32 v9, v24  }
0x37: {  	v14 =	vimm.s32 $0x0;
	v37 =	vsub.f32 v11, v17;
	v38 =	vsub.f32 v3, v17  }
0x38: {  	v33 =	vmul.f32 v49, v49;
	v63 =	vsub.f32 v6, v17;
	v34 =	vadd.f32 v34, v35  }
0x39: {  	v35 =	vmul.f32 v50, v50;
	v29 =	vmul.f32 v29, v29;
	vm2 =	vlt.f32 v25, v58  }
0x3a: {  	vm4 =	vlt.f32 v13, v58;
	v37 =	vmul.f32 v37, v37;
	v46 =	vmul.f32 v63, v63  }
0x3b: {  	v48 =	vsub.f32 v5, v31;
	v38 =	vmul.f32 v38, v38;
	v52 =	vsub.f32 v2, v31  }
0x3c: {  	v53 =	vsub.f32 v10, v31;
	v25 =	vsel vm2, v25, v58;
	v13 =	vsel vm4, v13, v58  }
0x3d: {  	v29 =	vadd.f32 v29, v36;
	v18 =	vadd.f32 v37, v18;
	v37 =	vmul.f32 v48, v48  }
0x3e: {  	v32 =	vadd.f32 v46, v32;
	v27 =	vadd.f32 v38, v27;
	v38 =	vmul.f32 v52, v52  }
0x3f: {  	v54 =	vmul.f32 v53, v53;
	v33 =	vadd.f32 v37, v33;
	vm5 =	vlt.f32 v18, v13  }
0x40: {  	v55 =	vadd.f32 v38, v40;
	v18 =	vsel vm5, v18, v13;
	v13 =	vsub.f32 v9, v31  }
0x41: {  	v38 =	vmul.f32 v56, v56;
	v30 =	vadd.f32 v26, v33;
	v26 =	vsub.f32 v5, v23  }
0x42: {  	vm1 =	vlt.f32 v27, v25;
	v33 =	vadd.f32 v54, v35;
	v23 =	vsub.f32 v9, v23  }
0x43: {  	v35 =	vmul.f32 v57, v57;
	v37 =	vadd.f32 v38, v55;
	v26 =	vmul.f32 v26, v26  }
0x44: {  	v25 =	vsel vm1, v27, v25;
	v13 =	vmul.f32 v13, v13;
	v23 =	vmul.f32 v23, v23  }
0x45: {  	vm3 =	vlt.f32 v37, v25;
	v22 =	vadd.f32 v26, v22;
	v26 =	vsub.f32 v3, v15  }
0x46: {  	v21 =	vadd.f32 v23, v21;
	v23 =	vmul.f32 v28, v28;
	v28 =	vsub.f32 v11, v12  }
0x47: {  	v27 =	vadd.f32 v35, v29;
	v25 =	vsel vm3, v37, v25;
	v15 =	vsub.f32 v0, v15  }
0x48: {  	v26 =	vmul.f32 v26, v26;
	v21 =	vadd.f32 v23, v21;
	v23 =	vmul.f32 v28, v28  }
0x49: {  	v22 =	vadd.f32 v60, v22;
	v28 =	vsub.f32 v7, v62;
	v15 =	vmul.f32 v15, v15  }
0x4a: {  	[tilespmem:$0x1FF20] =	vst v1;
	v26 =	vadd.f32 v26, v34;
	v29 =	vadd.f32 v23, v33;
	v23 =	vmul.f32 v24, v24  }
0x4b: {  	[tilespmem:$0x1FF30] =	vst v4;
	v24 =	vmul.f32 v28, v28;
	v28 =	vsub.f32 v0, v12;
	vm6 =	vlt.f32 v22, v58  }
0x4c: {  	[tilespmem:$0x1FF40] =	vst v8;
	vm0 =	vlt.f32 v21, v58;
	v12 =	vor.u32 s13, v51;
	v31 =	vsel vm6, v22, v58  }
0x4d: {  	[tilespmem:$0x1FF50] =	vst v2;
	v20 =	vadd.f32 v23, v20;
	v24 =	vadd.f32 v13, v24;
	v23 =	vsel vm0, v21, v58  }
0x4e: {  	s29 =	simm.s32 $0x10;
	[tilespmem:$0x1FF60] =	vst v10;
	v21 =	vmul.f32 v28, v28;
	vm7 =	vlt.f32 v29, v18;
	v28 =	vsub.f32 v0, v17  }
0x4f: {  	[tilespmem:$0x1FF70] =	vst v5;
	v17 =	vor.u32 s29, v51;
	v33 =	vsel vm7, v29, v18;
	v18 =	vsel vm4, v12, v14  }
0x50: {  	[tilespmem:$0x1FF80] =	vst v3;
	vm4 =	vlt.f32 v26, v25;
	v22 =	vadd.f32 v21, v24;
	v24 =	vsel vm2, v12, v14  }
0x51: {  	s30 =	simm.s32 $0x20;
	[tilespmem:$0x1FF90] =	vst v6;
	v63 =	vld [tilespmem:s12+$0x20];
	v21 =	vsel vm4, v26, v25;
	v25 =	vmul.f32 v28, v28;
	v61 =	vsel vm5, v17, v18  }
0x52: {  	[tilespmem:$0x1FFA0] =	vst v11;
	v62 =	vld [tilespmem:s12+$0x10];
	vm2 =	vlt.f32 v32, v31;
	v18 =	vor.u32 s30, v51;
	vm5 =	vlt.f32 v41, v33  }
0x53: {  	[tilespmem:$0x1FFB0] =	vst v9;
	v26 =	vsel vm1, v17, v24;
	v31 =	vsel vm2, v32, v31;
	v24 =	vadd.f32 v25, v19  }
0x54: {  	s31 =	simm.s32 $0x30;
	[tilespmem:$0x1FFC0] =	vst v7;
	v19 =	vsel vm6, v12, v14;
	v28 =	vsel vm3, v18, v26;
	v26 =	vadd.f32 v15, v20  }
0x55: {  	[tilespmem:$0x1FFD0] =	vst v0;
	v25 =	vor.u32 s31, v51;
	v29 =	vsel vm2, v17, v19;
	vm2 =	vlt.f32 v30, v31  }
0x56: {  	[tilespmem:$0x1FFF0] =	vst v63;
	v20 =	vsel vm5, v41, v33;
	v19 =	vsel vm7, v18, v61;
	v30 =	vsel vm2, v30, v31  }
0x57: {  	s12 =	simm.s32 $0x70;
	s13 =	simm.s32 $0x140;
	[tilespmem:$0x1FFE0] =	vst v62;
	vm1 =	vlt.f32 v24, v23;
	v4 =	vsel vm5, v25, v19;
	vm3 =	vlt.f32 v27, v30  }
.LBB2_3:
0x58: {  	v31 =	vld [tilespmem:s13+$0x0]  }
0x59: {  	v34 =	vld [tilespmem:s13+$0x4020]  }
0x5a: {  	v23 =	vsel vm1, v24, v23;
	v24 =	vsel vm2, v18, v29;
	v29 =	vld [tilespmem:s13+$0x2010]  }
0x5b: {  	v35 =	vld [tilespmem:s13+$0x4030]  }
0x5c: {  	v5 =	vld [tilespmem:$0x1FF20]  }
0x5d: {  	v10 =	vld [tilespmem:$0x1FFC0]  }
0x5e: {  	v36 =	vld [tilespmem:s13+$0x10]  }
0x5f: {  	v7 =	vld [tilespmem:$0x1FF30]  }
0x60: {  	v11 =	vld [tilespmem:$0x1FF40]  }
0x61: {  	v37 =	vld [tilespmem:s13+$0x2020]  }
0x62: {  	v13 =	vsel vm0, v12, v14;
	v9 =	vld [tilespmem:$0x1FF90];
	vm0 =	vlt.f32 v22, v23  }
0x63: {  	v3 =	vld [tilespmem:$0x1FFA0];
	v13 =	vsel vm1, v17, v13;
	v17 =	vsel vm0, v22, v23  }
0x64: {  	v19 =	vld [tilespmem:$0x1FFD0];
	v13 =	vsel vm0, v18, v13;
	vm0 =	vlt.f32 v26, v17  }
0x65: {  	v28 =	vsel vm4, v25, v28;
	v6 =	vld [tilespmem:$0x1FF50];
	v0 =	vsel vm3, v25, v24;
	v23 =	vsel vm0, v26, v17  }
0x66: {  	v1 =	vld [tilespmem:$0x1FFB0];
	v14 =	vsel vm0, v25, v13;
	v17 =	vsub.f32 v5, v31;
	v25 =	vsub.f32 v10, v31  }
0x67: {  	v46 =	vld [tilespmem:s13+$0x4010];
	v24 =	vsel vm3, v27, v30;
	v26 =	vsub.f32 v7, v31;
	v30 =	vsub.f32 v11, v31  }
0x68: {  	v43 =	vld [tilespmem:s13+$0x2030];
	v31 =	vsub.f32 v9, v34;
	v41 =	vsub.f32 v3, v35  }
0x69: {  	s15 =	sadd.s32 $0xFFFFFFD0, s12;
	v8 =	vld [tilespmem:$0x1FF70];
	v42 =	vsub.f32 v19, v35;
	v44 =	vsub.f32 v9, v35  }
0x6a: {  	v12 =	vor.u32 s15, v51;
	v51 =	vld [tilespmem:s13+$0x20];
	v47 =	vsub.f32 v5, v36;
	v48 =	vsub.f32 v6, v29  }
0x6b: {  	v49 =	vsub.f32 v19, v34;
	v53 =	vsub.f32 v10, v36  }
0x6c: {  	v55 =	vsub.f32 v3, v46;
	v56 =	vsub.f32 v1, v37  }
0x6d: {  	v18 =	vld [tilespmem:s13+$0x30];
	v2 =	vsub.f32 v9, v46;
	v61 =	vsub.f32 v1, v43  }
0x6e: {  	v62 =	vsub.f32 v8, v37;
	v16 =	vsub.f32 v7, v36  }
0x6f: {  	[tilespmem:$0x1FF00] =	vst v0;
	v22 =	vmovc v4;
	v4 =	vlaneseq.u32;
	v0 =	vld [tilespmem:$0x1FF80];
	v36 =	vsub.f32 v11, v36;
	v60 =	vsub.f32 v5, v51  }
0x70: {  	s16 =	sand.u32 $0x1FC0, s15;
	v63 =	vsub.f32 v11, v51;
	v39 =	vmul.f32 v17, v17;
	v25 =	vmul.f32 v25, v25  }
0x71: {  	v38 =	vld [tilespmem:s16+$0x2100];
	v17 =	vsub.f32 v1, v29;
	v27 =	vmul.f32 v26, v26;
	v33 =	vmul.f32 v31, v31  }
0x72: {  	v40 =	vld [tilespmem:s16+$0x4100];
	v45 =	vsub.f32 v11, v18;
	v26 =	vmul.f32 v42, v42;
	v42 =	vmul.f32 v30, v30  }
0x73: {  	v30 =	vsub.f32 v10, v18;
	v47 =	vmul.f32 v47, v47;
	v31 =	vsub.f32 v8, v29  }
0x74: {  	v54 =	vsub.f32 v7, v18;
	v58 =	vsub.f32 v0, v46;
	v55 =	vmul.f32 v55, v55  }
0x75: {  	v13 =	vld [tilespmem:$0x1FF60];
	v35 =	vsub.f32 v0, v35;
	v53 =	vmul.f32 v53, v53;
	v44 =	vmul.f32 v44, v44  }
0x76: {  	v59 =	vsub.f32 v6, v38;
	v41 =	vmul.f32 v41, v41;
	v36 =	vmul.f32 v36, v36  }
0x77: {  	v15 =	vsub.f32 v19, v40;
	v48 =	vmul.f32 v48, v48;
	v16 =	vmul.f32 v16, v16  }
0x78: {  	v1 =	vsub.f32 v1, v38;
	v56 =	vmul.f32 v56, v56;
	v60 =	vmul.f32 v60, v60  }
0x79: {  	v11 =	vsub.f32 v6, v37;
	v63 =	vmul.f32 v63, v63;
	v17 =	vmul.f32 v17, v17  }
0x7a: {  	v50 =	vsub.f32 v13, v29;
	v29 =	vmul.f32 v30, v30;
	v52 =	vmul.f32 v31, v31  }
0x7b: {  	v31 =	vsub.f32 v3, v34;
	v58 =	vmul.f32 v58, v58;
	v34 =	vsub.f32 v0, v34  }
0x7c: {  	v0 =	vsub.f32 v0, v40;
	v3 =	vsub.f32 v3, v40;
	v59 =	vmul.f32 v59, v59  }
0x7d: {  	v40 =	vsub.f32 v9, v40;
	v45 =	vmul.f32 v45, v45;
	v9 =	vmul.f32 v11, v11  }
0x7e: {  	v30 =	vsub.f32 v13, v43;
	v35 =	vmul.f32 v35, v35;
	v11 =	vmul.f32 v62, v62  }
0x7f: {  	v46 =	vsub.f32 v19, v46;
	v15 =	vmul.f32 v15, v15;
	v1 =	vmul.f32 v1, v1  }
0x80: {  	v32 =	vsub.f32 v13, v38;
	v50 =	vmul.f32 v50, v50;
	v57 =	vmul.f32 v30, v30  }
0x81: {  	s14 =	smov.u32 s12;
	v37 =	vsub.f32 v13, v37;
	v31 =	vmul.f32 v31, v31;
	v30 =	vmul.f32 v49, v49  }
0x82: {  	s30 =	sadd.s32 $0xFFFFFFE0, s14;
	v38 =	vsub.f32 v8, v38;
	v49 =	vmul.f32 v2, v2;
	v2 =	vmul.f32 v34, v34  }
0x83: {  	v34 =	vadd.f32 v17, v53;
	v32 =	vmul.f32 v32, v32;
	v17 =	vor.u32 s30, v4  }
0x84: {  	s31 =	sadd.s32 $0xFFFFFFF0, s14;
	v53 =	vsub.f32 v5, v18;
	v0 =	vmul.f32 v0, v0;
	v39 =	vadd.f32 v59, v39  }
0x85: {  	v18 =	vor.u32 s31, v4;
	v4 =	vsub.f32 v6, v43;
	v43 =	vsub.f32 v8, v43  }
0x86: {  	v3 =	vmul.f32 v3, v3;
	v16 =	vadd.f32 v52, v16;
	v59 =	vadd.f32 v9, v60  }
0x87: {  	v40 =	vmul.f32 v40, v40;
	v1 =	vadd.f32 v1, v25;
	v0 =	vadd.f32 v0, v39  }
0x88: {  	v38 =	vmul.f32 v38, v38;
	v39 =	vsub.f32 v10, v51;
	v32 =	vadd.f32 v32, v42  }
0x89: {  	v37 =	vmul.f32 v37, v37;
	v42 =	vadd.f32 v48, v47;
	v10 =	vsub.f32 v7, v51  }
0x8a: {  	v25 =	vmul.f32 v61, v61;
	v45 =	vadd.f32 v57, v45;
	v36 =	vadd.f32 v50, v36  }
0x8b: {  	v53 =	vmul.f32 v53, v53;
	v16 =	vadd.f32 v49, v16;
	v37 =	vadd.f32 v37, v63  }
0x8c: {  	v4 =	vmul.f32 v4, v4;
	v38 =	vadd.f32 v38, v27;
	v2 =	vadd.f32 v2, v59  }
0x8d: {  	v51 =	vlaneseq.u32;
	v1 =	vadd.f32 v15, v1;
	v3 =	vadd.f32 v3, v32  }
0x8e: {  	vm1 =	vlt.f32 v0, v21;
	v4 =	vadd.f32 v4, v53;
	v57 =	vadd.f32 v58, v42  }
0x8f: {  	v41 =	vadd.f32 v41, v45;
	v0 =	vsel vm1, v0, v21;
	v21 =	vmul.f32 v10, v10  }
0x90: {  	v58 =	vmul.f32 v54, v54;
	v60 =	vadd.f32 v31, v37;
	v31 =	vadd.f32 v25, v29  }
0x91: {  	v25 =	vor.u32 s14, v51;
	vm0 =	vlt.f32 v3, v20;
	v21 =	vadd.f32 v11, v21  }
0x92: {  	v28 =	vsel vm1, v12, v28;
	v3 =	vsel vm0, v3, v20;
	v19 =	vsel vm0, v12, v22  }
0x93: {  	vm0 =	vlt.f32 v57, v0;
	v33 =	vadd.f32 v33, v21;
	v21 =	vmul.f32 v43, v43  }
0x94: {  	v4 =	vadd.f32 v35, v4;
	v20 =	vadd.f32 v55, v36;
	v0 =	vsel vm0, v57, v0  }
0x95: {  	v15 =	vsel vm0, v17, v28;
	vm0 =	vlt.f32 v1, v23;
	v21 =	vadd.f32 v21, v58  }
0x96: {  	v26 =	vadd.f32 v26, v31;
	vm1 =	vlt.f32 v20, v3;
	v23 =	vsel vm0, v1, v23  }
0x97: {  	v5 =	vld [tilespmem:$0x1FF00];
	v3 =	vsel vm1, v20, v3;
	v27 =	vadd.f32 v44, v21;
	v21 =	vadd.f32 v40, v38  }
0x98: {  	v20 =	vmul.f32 v46, v46;
	v19 =	vsel vm1, v17, v19;
	vm1 =	vlt.f32 v2, v0  }
0x99: {  	v0 =	vsel vm1, v2, v0;
	vm3 =	vlt.f32 v60, v3;
	vm2 =	vlt.f32 v21, v24  }
0x9a: {  	v28 =	vsel vm1, v18, v15;
	v24 =	vsel vm2, v21, v24;
	v21 =	vmul.f32 v39, v39  }
0x9b: {  	p0 =	sne.s32 s12, $0x1FF0;
	vm4 =	vlt.f32 v4, v0;
	v61 =	vsel vm3, v60, v3;
	v63 =	vsel vm3, v18, v19  }
.Ltmp0:
0x9c: {  	vm5 =	vlt.f32 v16, v24;
	v15 =	vadd.f32 v56, v21;
	v21 =	vsel vm2, v12, v5;
	(pc) =	sbr.rel @p0 .LBB2_3-.Ltmp0, $4  }
0x9d: {  	v62 =	vsel vm5, v16, v24;
	v24 =	vadd.f32 v20, v34;
	v29 =	vsel vm5, v17, v21  }
0x9e: {  	v21 =	vsel vm4, v4, v0;
	vm5 =	vlt.f32 v41, v61;
	vm2 =	vlt.f32 v33, v62  }
0x9f: {  	v22 =	vadd.f32 v30, v15;
	vm1 =	vlt.f32 v24, v23;
	v30 =	vsel vm2, v33, v62  }
0xa0: {  	s12 =	sadd.s32 $0x40, s12;
	s13 =	sadd.s32 $0x40, s13;
	v20 =	vsel vm5, v41, v61;
	v4 =	vsel vm5, v25, v63;
	vm3 =	vlt.f32 v27, v30  }
0xa1: {  	[tilespmem:$0x6180] =	vst v21  }
0xa2: {  	v0 =	vsel vm4, v25, v28;
	[tilespmem:$0x6190] =	vst v21  }
0xa3: {  	[tilespmem:$0x6200] =	vst v0  }
0xa4: {  	[tilespmem:$0x6210] =	vst v0;
	v1 =	vld [tilespmem:$0x6188]  }
0xa5: {  	v2 =	vld [tilespmem:$0x6208];
	_ =	sdelay $0x4  }
0xa6: {  	vm4 =	veq.f32 v1, v21;
	vm5 =	vlt.s32 v2, v0  }
0xa7: {  	vm6 =	vlt.f32 v1, v21;
	vm4 =	vmand vm4, vm5  }
0xa8: {  	vm4 =	vmor vm6, vm4  }
0xa9: {  	v1 =	vsel vm4, v1, v21  }
0xaa: {  	[tilespmem:$0x6180] =	vst v1  }
0xab: {  	v0 =	vsel vm4, v2, v0;
	[tilespmem:$0x6190] =	vst v1  }
0xac: {  	[tilespmem:$0x6200] =	vst v0  }
0xad: {  	[tilespmem:$0x6210] =	vst v0;
	v2 =	vld [tilespmem:$0x6184]  }
0xae: {  	v3 =	vld [tilespmem:$0x6204];
	_ =	sdelay $0x4  }
0xaf: {  	vm4 =	veq.f32 v2, v1;
	vm5 =	vlt.s32 v3, v0  }
0xb0: {  	vm6 =	vlt.f32 v2, v1;
	vm4 =	vmand vm4, vm5  }
0xb1: {  	vm4 =	vmor vm6, vm4  }
0xb2: {  	v1 =	vsel vm4, v2, v1  }
0xb3: {  	[tilespmem:$0x6180] =	vst v1  }
0xb4: {  	v0 =	vsel vm4, v3, v0;
	[tilespmem:$0x6190] =	vst v1  }
0xb5: {  	[tilespmem:$0x6200] =	vst v0  }
0xb6: {  	[tilespmem:$0x6210] =	vst v0;
	v2 =	vld [tilespmem:$0x6182]  }
0xb7: {  	v3 =	vld [tilespmem:$0x6202];
	_ =	sdelay $0x4  }
0xb8: {  	vm4 =	veq.f32 v2, v1;
	vm5 =	vlt.s32 v3, v0  }
0xb9: {  	vm6 =	vlt.f32 v2, v1;
	vm4 =	vmand vm4, vm5  }
0xba: {  	vm4 =	vmor vm6, vm4  }
0xbb: {  	v2 =	vsel vm4, v2, v1  }
0xbc: {  	[tilespmem:$0x6180] =	vst v2  }
0xbd: {  	v1 =	vsel vm4, v3, v0;
	[tilespmem:$0x6190] =	vst v2  }
0xbe: {  	[tilespmem:$0x6200] =	vst v1  }
0xbf: {  	[tilespmem:$0x1FD60] =	vst v1  }
0xc0: {  	[tilespmem:$0x6210] =	vst v1;
	v1 =	vld [tilespmem:$0x6181]  }
0xc1: {  	[tilespmem:$0x1FD50] =	vst v2;
	v2 =	vld [tilespmem:$0x6201]  }
0xc2: {  	v0 =	vsel vm3, v27, v30  }
0xc3: {  	[tilespmem:$0x6180] =	vst v0  }
0xc4: {  	[tilespmem:$0x6190] =	vst v0  }
0xc5: {  	[tilespmem:$0x1FD70] =	vst v1;
	v1 =	vsel vm2, v18, v29  }
0xc6: {  	[tilespmem:$0x1FD80] =	vst v2;
	v1 =	vsel vm3, v25, v1  }
0xc7: {  	[tilespmem:$0x6200] =	vst v1  }
0xc8: {  	v2 =	vld [tilespmem:$0x6188];
	[tilespmem:$0x6210] =	vst v1  }
0xc9: {  	v3 =	vld [tilespmem:$0x6208];
	_ =	sdelay $0x4  }
0xca: {  	vm2 =	veq.f32 v2, v0;
	vm3 =	vlt.s32 v3, v1  }
0xcb: {  	vm4 =	vlt.f32 v2, v0;
	vm2 =	vmand vm2, vm3  }
0xcc: {  	vm2 =	vmor vm4, vm2  }
0xcd: {  	v0 =	vsel vm2, v2, v0  }
0xce: {  	[tilespmem:$0x6180] =	vst v0  }
0xcf: {  	v1 =	vsel vm2, v3, v1;
	[tilespmem:$0x6190] =	vst v0  }
0xd0: {  	[tilespmem:$0x6200] =	vst v1  }
0xd1: {  	[tilespmem:$0x6210] =	vst v1;
	v2 =	vld [tilespmem:$0x6184]  }
0xd2: {  	v3 =	vld [tilespmem:$0x6204];
	_ =	sdelay $0x4  }
0xd3: {  	vm2 =	veq.f32 v2, v0;
	vm3 =	vlt.s32 v3, v1  }
0xd4: {  	vm4 =	vlt.f32 v2, v0;
	vm2 =	vmand vm2, vm3  }
0xd5: {  	vm2 =	vmor vm4, vm2  }
0xd6: {  	v0 =	vsel vm2, v2, v0  }
0xd7: {  	[tilespmem:$0x6180] =	vst v0  }
0xd8: {  	v1 =	vsel vm2, v3, v1;
	[tilespmem:$0x6190] =	vst v0  }
0xd9: {  	[tilespmem:$0x6200] =	vst v1  }
0xda: {  	[tilespmem:$0x6210] =	vst v1;
	v2 =	vld [tilespmem:$0x6182]  }
0xdb: {  	v3 =	vld [tilespmem:$0x6202];
	_ =	sdelay $0x4  }
0xdc: {  	vm2 =	veq.f32 v2, v0;
	vm3 =	vlt.s32 v3, v1  }
0xdd: {  	vm4 =	vlt.f32 v2, v0;
	vm2 =	vmand vm2, vm3  }
0xde: {  	vm2 =	vmor vm4, vm2  }
0xdf: {  	v2 =	vsel vm2, v2, v0  }
0xe0: {  	[tilespmem:$0x6180] =	vst v2  }
0xe1: {  	v0 =	vsel vm2, v3, v1;
	[tilespmem:$0x6190] =	vst v2  }
0xe2: {  	[tilespmem:$0x6200] =	vst v0  }
0xe3: {  	[tilespmem:$0x1FDA0] =	vst v0  }
0xe4: {  	[tilespmem:$0x6210] =	vst v0;
	v0 =	vld [tilespmem:$0x6181];
	_ =	sdelay $0x4  }
0xe5: {  	[tilespmem:$0x1FDB0] =	vst v0;
	v0 =	vld [tilespmem:$0x6201]  }
0xe6: {  	[tilespmem:$0x6180] =	vst v20  }
0xe7: {  	[tilespmem:$0x6200] =	vst v4  }
0xe8: {  	[tilespmem:$0x6210] =	vst v4  }
0xe9: {  	[tilespmem:$0x6190] =	vst v20;
	v1 =	vld [tilespmem:$0x6208]  }
0xea: {  	[tilespmem:$0x1FDC0] =	vst v0;
	v0 =	vld [tilespmem:$0x6188];
	_ =	sdelay $0x4  }
0xeb: {  	vm3 =	vlt.s32 v1, v4;
	vm2 =	veq.f32 v0, v20  }
0xec: {  	vm4 =	vlt.f32 v0, v20;
	vm2 =	vmand vm2, vm3  }
0xed: {  	vm2 =	vmor vm4, vm2  }
0xee: {  	[tilespmem:$0x1FD90] =	vst v2;
	v0 =	vsel vm2, v0, v20  }
0xef: {  	[tilespmem:$0x6180] =	vst v0  }
0xf0: {  	v1 =	vsel vm2, v1, v4;
	[tilespmem:$0x6190] =	vst v0  }
0xf1: {  	[tilespmem:$0x6200] =	vst v1  }
0xf2: {  	[tilespmem:$0x6210] =	vst v1;
	v2 =	vld [tilespmem:$0x6184]  }
0xf3: {  	v3 =	vld [tilespmem:$0x6204];
	_ =	sdelay $0x4  }
0xf4: {  	vm2 =	veq.f32 v2, v0;
	vm3 =	vlt.s32 v3, v1  }
0xf5: {  	vm4 =	vlt.f32 v2, v0;
	vm2 =	vmand vm2, vm3  }
0xf6: {  	vm2 =	vmor vm4, vm2  }
0xf7: {  	v0 =	vsel vm2, v2, v0  }
0xf8: {  	[tilespmem:$0x6180] =	vst v0  }
0xf9: {  	v1 =	vsel vm2, v3, v1;
	[tilespmem:$0x6190] =	vst v0  }
0xfa: {  	[tilespmem:$0x6200] =	vst v1  }
0xfb: {  	[tilespmem:$0x6210] =	vst v1;
	v2 =	vld [tilespmem:$0x6182]  }
0xfc: {  	v3 =	vld [tilespmem:$0x6202];
	_ =	sdelay $0x4  }
0xfd: {  	vm2 =	veq.f32 v2, v0;
	vm3 =	vlt.s32 v3, v1  }
0xfe: {  	vm4 =	vlt.f32 v2, v0;
	vm2 =	vmand vm2, vm3  }
0xff: {  	vm2 =	vmor vm4, vm2  }
0x100: {  	v5 =	vsel vm2, v2, v0  }
0x101: {  	[tilespmem:$0x6180] =	vst v5  }
0x102: {  	v2 =	vsel vm2, v3, v1;
	[tilespmem:$0x6190] =	vst v5  }
0x103: {  	[tilespmem:$0x6200] =	vst v2  }
0x104: {  	[tilespmem:$0x1FDE0] =	vst v2  }
0x105: {  	[tilespmem:$0x6210] =	vst v2;
	v2 =	vld [tilespmem:$0x6181]  }
0x106: {  	v4 =	vsel vm1, v24, v23  }
0x107: {  	vm3 =	vlt.f32 v22, v4  }
0x108: {  	v0 =	vsel vm3, v22, v4;
	v1 =	vsel vm0, v12, v14  }
0x109: {  	vm0 =	vlt.f32 v26, v0;
	v1 =	vsel vm1, v17, v1  }
0x10a: {  	v0 =	vsel vm0, v26, v0;
	v1 =	vsel vm3, v18, v1;
	[tilespmem:$0x1FDF0] =	vst v2;
	v2 =	vld [tilespmem:$0x6201]  }
0x10b: {  	[tilespmem:$0x6180] =	vst v0;
	v1 =	vsel vm0, v25, v1  }
0x10c: {  	[tilespmem:$0x6200] =	vst v1  }
0x10d: {  	[tilespmem:$0x6210] =	vst v1  }
0x10e: {  	[tilespmem:$0x6190] =	vst v0;
	v3 =	vld [tilespmem:$0x6208]  }
0x10f: {  	[tilespmem:$0x1FE00] =	vst v2;
	v2 =	vld [tilespmem:$0x6188];
	_ =	sdelay $0x4  }
0x110: {  	vm1 =	vlt.s32 v3, v1;
	vm0 =	veq.f32 v2, v0  }
0x111: {  	vm2 =	vlt.f32 v2, v0;
	vm0 =	vmand vm0, vm1  }
0x112: {  	vm0 =	vmor vm2, vm0  }
0x113: {  	v0 =	vsel vm0, v2, v0  }
0x114: {  	[tilespmem:$0x6180] =	vst v0  }
0x115: {  	v1 =	vsel vm0, v3, v1;
	[tilespmem:$0x6190] =	vst v0  }
0x116: {  	[tilespmem:$0x6200] =	vst v1  }
0x117: {  	[tilespmem:$0x6210] =	vst v1;
	v2 =	vld [tilespmem:$0x6184]  }
0x118: {  	v3 =	vld [tilespmem:$0x6204];
	_ =	sdelay $0x4  }
0x119: {  	vm0 =	veq.f32 v2, v0;
	vm1 =	vlt.s32 v3, v1  }
0x11a: {  	vm2 =	vlt.f32 v2, v0;
	vm0 =	vmand vm0, vm1  }
0x11b: {  	vm0 =	vmor vm2, vm0  }
0x11c: {  	v0 =	vsel vm0, v2, v0  }
0x11d: {  	[tilespmem:$0x6180] =	vst v0  }
0x11e: {  	v1 =	vsel vm0, v3, v1;
	[tilespmem:$0x6190] =	vst v0  }
0x11f: {  	[tilespmem:$0x6200] =	vst v1  }
0x120: {  	[tilespmem:$0x6210] =	vst v1;
	v2 =	vld [tilespmem:$0x6182]  }
0x121: {  	v3 =	vld [tilespmem:$0x6202];
	_ =	sdelay $0x4  }
0x122: {  	vm0 =	veq.f32 v2, v0;
	vm1 =	vlt.s32 v3, v1  }
0x123: {  	vm2 =	vlt.f32 v2, v0;
	vm0 =	vmand vm0, vm1  }
0x124: {  	vm0 =	vmor vm2, vm0  }
0x125: {  	[tilespmem:$0x1FDD0] =	vst v5;
	v2 =	vsel vm0, v2, v0  }
0x126: {  	[tilespmem:$0x6180] =	vst v2  }
0x127: {  	v5 =	vld [tilespmem:$0x1FFE0];
	v0 =	vsel vm0, v3, v1;
	[tilespmem:$0x6190] =	vst v2  }
0x128: {  	v3 =	vld [tilespmem:$0x1FF10];
	[tilespmem:$0x6200] =	vst v0  }
0x129: {  	s13 =	simm.s32 $0x100;
	[tilespmem:$0x6210] =	vst v0  }
0x12a: {  	[tilespmem:$0x1FE20] =	vst v0;
	v0 =	vld [tilespmem:s13+$0x0]  }
0x12b: {  	v4 =	vld [tilespmem:s13+$0x4020]  }
0x12c: {  	v14 =	vbroadcast v5, $0x0;
	v1 =	vld [tilespmem:s13+$0x2010]  }
0x12d: {  	s12 =	simm.s32 $0x0;
	v18 =	vbroadcast v5, $0x1;
	[tilespmem:$0x1FE10] =	vst v2;
	v2 =	vld [tilespmem:s13+$0x4030];
	v6 =	vbroadcast v3, $0xC  }
0x12e: {  	s14 =	sand.u32 $0x1FC0, s12;
	v19 =	vbroadcast v5, $0x5;
	v8 =	vld [tilespmem:s13+$0x30];
	v13 =	vbroadcast v3, $0xF  }
0x12f: {  	v55 =	vbroadcast v5, $0x2;
	v21 =	vbroadcast v5, $0x6;
	v15 =	vld [tilespmem:s14+$0x2100];
	v7 =	vsub.f32 v6, v0  }
0x130: {  	v23 =	vbroadcast v5, $0x4;
	v17 =	vld [tilespmem:s13+$0x2030];
	v11 =	vsub.f32 v19, v0;
	v12 =	vsub.f32 v13, v0  }
0x131: {  	v32 =	vld [tilespmem:s14+$0x4100];
	v9 =	vbroadcast v3, $0xD;
	v0 =	vsub.f32 v55, v0;
	v16 =	vsub.f32 v21, v1  }
0x132: {  	v56 =	vbroadcast v5, $0x3;
	v30 =	vsub.f32 v18, v4;
	v33 =	vsub.f32 v23, v2  }
0x133: {  	v34 =	vsub.f32 v55, v8;
	v35 =	vsub.f32 v9, v1  }
0x134: {  	v10 =	vbroadcast v3, $0xE;
	v36 =	vsub.f32 v14, v1;
	v1 =	vsub.f32 v56, v1  }
0x135: {  	v38 =	vsub.f32 v56, v17;
	v39 =	vsub.f32 v9, v15  }
0x136: {  	v40 =	vsub.f32 v13, v8;
	v43 =	vsub.f32 v10, v32  }
0x137: {  	v45 =	vsub.f32 v56, v15;
	v58 =	vsub.f32 v23, v32;
	v29 =	vmul.f32 v7, v7  }
0x138: {  	v3 =	vld [tilespmem:s13+$0x10];
	v61 =	vsub.f32 v6, v8;
	v0 =	vmul.f32 v0, v0;
	v16 =	vmul.f32 v16, v16  }
0x139: {  	v63 =	vsub.f32 v9, v17;
	v36 =	vmul.f32 v36, v36;
	v39 =	vmul.f32 v39, v39  }
0x13a: {  	v53 =	vsub.f32 v14, v17;
	v44 =	vmul.f32 v1, v1;
	v57 =	vmul.f32 v43, v43  }
0x13b: {  	v8 =	vsub.f32 v19, v8;
	v59 =	vmul.f32 v45, v45;
	v35 =	vmul.f32 v35, v35  }
0x13c: {  	v17 =	vsub.f32 v21, v17;
	v7 =	vld [tilespmem:s13+$0x4010];
	v38 =	vmul.f32 v38, v38;
	v30 =	vmul.f32 v30, v30  }
0x13d: {  	v8 =	vmul.f32 v8, v8;
	v31 =	vsub.f32 v6, v3;
	v37 =	vsub.f32 v19, v3  }
0x13e: {  	v17 =	vmul.f32 v17, v17;
	v29 =	vadd.f32 v39, v29;
	v0 =	vadd.f32 v59, v0  }
0x13f: {  	v39 =	vmul.f32 v58, v58;
	v58 =	vsub.f32 v10, v4;
	v59 =	vsub.f32 v18, v2  }
0x140: {  	v43 =	vld [tilespmem:s13+$0x2020];
	v17 =	vadd.f32 v17, v8;
	v37 =	vmul.f32 v37, v37;
	v29 =	vadd.f32 v57, v29  }
0x141: {  	v33 =	vmul.f32 v33, v33;
	v0 =	vadd.f32 v39, v0;
	v41 =	vsub.f32 v23, v7  }
0x142: {  	v31 =	vmul.f32 v31, v31;
	v42 =	vsub.f32 v10, v7;
	v1 =	vadd.f32 v16, v37  }
0x143: {  	v12 =	vmul.f32 v12, v12;
	v16 =	vsub.f32 v13, v3;
	v3 =	vsub.f32 v55, v3  }
0x144: {  	v11 =	vmul.f32 v11, v11;
	v35 =	vadd.f32 v35, v31;
	v60 =	vsub.f32 v18, v7  }
0x145: {  	v31 =	vmul.f32 v34, v34;
	v26 =	vsub.f32 v14, v43;
	v34 =	vmul.f32 v61, v61  }
0x146: {  	[tilespmem:$0x1FE70] =	vst v56;
	v37 =	vld [tilespmem:s13+$0x20];
	v52 =	vsub.f32 v56, v43;
	v56 =	vmul.f32 v40, v40;
	v3 =	vmul.f32 v3, v3  }
0x147: {  	v50 =	vsub.f32 v9, v43;
	v16 =	vmul.f32 v16, v16;
	v62 =	vmul.f32 v41, v41  }
0x148: {  	v38 =	vadd.f32 v38, v31;
	v31 =	vbroadcast v5, $0x7;
	v24 =	vmul.f32 v60, v60  }
0x149: {  	v61 =	vsub.f32 v18, v32;
	v41 =	vmul.f32 v63, v63;
	v42 =	vmul.f32 v42, v42  }
0x14a: {  	v39 =	vmul.f32 v26, v26;
	v60 =	vimm.f32 $+Inf;
	v3 =	vadd.f32 v44, v3  }
0x14b: {  	vm2 =	vlt.f32 v29, v60;
	v16 =	vadd.f32 v36, v16;
	v48 =	vsub.f32 v13, v37  }
0x14c: {  	vm4 =	vlt.f32 v0, v60;
	v34 =	vadd.f32 v41, v34;
	v35 =	vadd.f32 v42, v35  }
0x14d: {  	v42 =	vmul.f32 v50, v50;
	v38 =	vadd.f32 v33, v38;
	v36 =	vmul.f32 v48, v48  }
0x14e: {  	v33 =	vmul.f32 v53, v53;
	v32 =	vsub.f32 v31, v32;
	v63 =	vsub.f32 v31, v7  }
0x14f: {  	v29 =	vsel vm2, v29, v60;
	v25 =	vsub.f32 v6, v37;
	v36 =	vadd.f32 v39, v36  }
0x150: {  	v0 =	vsel vm4, v0, v60;
	v49 =	vsub.f32 v55, v37;
	v3 =	vadd.f32 v62, v3  }
0x151: {  	[tilespmem:$0x1FE50] =	vst v55;
	v55 =	vmul.f32 v52, v52;
	v54 =	vadd.f32 v30, v36;
	v30 =	vsub.f32 v14, v15  }
0x152: {  	v16 =	vadd.f32 v24, v16;
	v33 =	vadd.f32 v33, v56;
	v44 =	vmul.f32 v25, v25  }
0x153: {  	vm1 =	vlt.f32 v35, v29;
	v41 =	vmul.f32 v49, v49;
	v30 =	vmul.f32 v30, v30  }
0x154: {  	v29 =	vsel vm1, v35, v29;
	vm5 =	vlt.f32 v3, v0;
	v57 =	vadd.f32 v42, v44  }
0x155: {  	v42 =	vmul.f32 v58, v58;
	v12 =	vadd.f32 v30, v12;
	v30 =	vsub.f32 v10, v2  }
0x156: {  	v0 =	vsel vm5, v3, v0;
	v3 =	vsub.f32 v21, v43;
	v15 =	vsub.f32 v21, v15  }
0x157: {  	v41 =	vadd.f32 v55, v41;
	v36 =	vmul.f32 v59, v59;
	v30 =	vmul.f32 v30, v30  }
0x158: {  	v40 =	vadd.f32 v42, v57;
	v3 =	vmul.f32 v3, v3;
	v15 =	vmul.f32 v15, v15  }
0x159: {  	v36 =	vadd.f32 v36, v33;
	v34 =	vadd.f32 v30, v34;
	v30 =	vmul.f32 v61, v61  }
0x15a: {  	s29 =	simm.s32 $0x10;
	vm3 =	vlt.f32 v40, v29;
	v11 =	vadd.f32 v15, v11;
	v15 =	vmul.f32 v32, v32  }
0x15b: {  	v33 =	vor.u32 s29, v51;
	v12 =	vadd.f32 v30, v12;
	v30 =	vsub.f32 v23, v4  }
0x15c: {  	v62 =	vsel vm3, v40, v29;
	v2 =	vsub.f32 v31, v2;
	v11 =	vadd.f32 v15, v11  }
0x15d: {  	v29 =	vor.u32 s12, v51;
	v15 =	vmul.f32 v30, v30;
	v30 =	vsub.f32 v19, v37  }
0x15e: {  	v2 =	vmul.f32 v2, v2;
	vm0 =	vlt.f32 v11, v60;
	v4 =	vsub.f32 v31, v4  }
0x15f: {  	vm6 =	vlt.f32 v12, v60;
	v15 =	vadd.f32 v15, v41;
	v30 =	vmul.f32 v30, v30  }
0x160: {  	[tilespmem:$0x1FE80] =	vst v14;
	v17 =	vadd.f32 v2, v17;
	v4 =	vmul.f32 v4, v4;
	v12 =	vsel vm6, v12, v60  }
0x161: {  	[tilespmem:$0x1FEA0] =	vst v18;
	v3 =	vadd.f32 v3, v30;
	v30 =	vimm.s32 $0x0;
	vm7 =	vlt.f32 v15, v0  }
0x162: {  	[tilespmem:$0x1FEB0] =	vst v23;
	v0 =	vsel vm7, v15, v0;
	v15 =	vsel vm4, v29, v30;
	vm4 =	vlt.f32 v34, v62  }
0x163: {  	[tilespmem:$0x1FEC0] =	vst v21;
	v8 =	vadd.f32 v4, v3;
	v3 =	vsel vm2, v29, v30;
	v4 =	vmul.f32 v63, v63  }
0x164: {  	[tilespmem:$0x1FED0] =	vst v19;
	v2 =	vld [tilespmem:$0x6181];
	v15 =	vsel vm5, v33, v15;
	vm2 =	vlt.f32 v16, v12;
	vm5 =	vlt.f32 v38, v0  }
0x165: {  	[tilespmem:$0x1FE30] =	vst v6;
	v16 =	vsel vm2, v16, v12;
	v12 =	vadd.f32 v4, v1;
	v4 =	vsel vm5, v38, v0;
	v0 =	vld [tilespmem:$0x6201]  }
0x166: {  	s30 =	simm.s32 $0x20;
	[tilespmem:$0x1FE40] =	vst v13;
	v11 =	vsel vm0, v11, v60;
	v7 =	vsel vm4, v34, v62  }
0x167: {  	[tilespmem:$0x1FE60] =	vst v9;
	v34 =	vor.u32 s30, v51;
	v3 =	vsel vm1, v33, v3;
	v1 =	vsel vm6, v29, v30  }
0x168: {  	s31 =	simm.s32 $0x30;
	[tilespmem:$0x1FE90] =	vst v10;
	v37 =	vsel vm3, v34, v3;
	v3 =	vsel vm2, v33, v1;
	vm2 =	vlt.f32 v54, v16  }
0x169: {  	[tilespmem:$0x1FEE0] =	vst v2;
	v2 =	vsel vm7, v34, v15;
	v1 =	vsel vm2, v54, v16;
	v16 =	vor.u32 s31, v51  }
0x16a: {  	s13 =	simm.s32 $0x140;
	s12 =	simm.s32 $0x70;
	vm1 =	vlt.f32 v12, v11;
	vm3 =	vlt.f32 v36, v1;
	v2 =	vsel vm5, v16, v2;
	[tilespmem:$0x1FEF0] =	vst v0  }
.LBB2_5:
0x16b: {  	v0 =	vld [tilespmem:s13+$0x0]  }
0x16c: {  	v32 =	vld [tilespmem:s13+$0x4020]  }
0x16d: {  	v38 =	vld [tilespmem:s13+$0x2010]  }
0x16e: {  	v20 =	vld [tilespmem:$0x1FE30]  }
0x16f: {  	v26 =	vld [tilespmem:$0x1FED0]  }
0x170: {  	v41 =	vld [tilespmem:s13+$0x10]  }
0x171: {  	v23 =	vld [tilespmem:$0x1FE40]  }
0x172: {  	v27 =	vld [tilespmem:$0x1FE50]  }
0x173: {  	v42 =	vld [tilespmem:s13+$0x2020]  }
0x174: {  	v18 =	vld [tilespmem:$0x1FEC0]  }
0x175: {  	v25 =	vld [tilespmem:$0x1FEA0]  }
0x176: {  	v19 =	vld [tilespmem:$0x1FEB0]  }
0x177: {  	v11 =	vsel vm1, v12, v11;
	v46 =	vld [tilespmem:s13+$0x2030]  }
0x178: {  	v15 =	vsel vm0, v29, v30;
	v22 =	vld [tilespmem:$0x1FE60];
	vm0 =	vlt.f32 v8, v11  }
0x179: {  	v24 =	vld [tilespmem:$0x1FE80];
	v12 =	vsel vm1, v33, v15;
	v11 =	vsel vm0, v8, v11  }
0x17a: {  	v28 =	vld [tilespmem:$0x1FE70];
	v15 =	vsel vm0, v34, v12;
	v12 =	vsel vm3, v36, v1;
	vm0 =	vlt.f32 v17, v11  }
0x17b: {  	v49 =	vld [tilespmem:s13+$0x4010];
	v30 =	vsel vm0, v16, v15;
	v1 =	vsub.f32 v20, v0;
	v15 =	vsub.f32 v26, v0  }
0x17c: {  	v14 =	vld [tilespmem:$0x1FE90];
	v11 =	vsel vm0, v17, v11;
	v17 =	vsub.f32 v23, v0;
	v0 =	vsub.f32 v27, v0  }
0x17d: {  	v3 =	vsel vm2, v34, v3;
	v53 =	vld [tilespmem:s13+$0x20];
	v61 =	vsub.f32 v25, v32;
	v50 =	vsub.f32 v22, v38  }
0x17e: {  	v8 =	vsel vm3, v16, v3;
	v3 =	vld [tilespmem:s13+$0x4030];
	v39 =	vsub.f32 v24, v38;
	v52 =	vsub.f32 v31, v32  }
0x17f: {  	v37 =	vsel vm4, v16, v37;
	v33 =	vsub.f32 v26, v41;
	v63 =	vsub.f32 v28, v46  }
0x180: {  	s15 =	sadd.s32 $0xFFFFFFD0, s12;
	v21 =	vlaneseq.u32;
	v34 =	vld [tilespmem:s13+$0x30];
	v57 =	vsub.f32 v19, v49;
	v58 =	vsub.f32 v18, v42  }
0x181: {  	v29 =	vor.u32 s15, v51;
	v60 =	vsub.f32 v14, v49;
	v5 =	vsub.f32 v24, v42  }
0x182: {  	s16 =	sand.u32 $0x1FC0, s15;
	v6 =	vsub.f32 v27, v53;
	v13 =	vsub.f32 v23, v41;
	v44 =	vmul.f32 v1, v1  }
0x183: {  	v43 =	vld [tilespmem:s16+$0x2100];
	v1 =	vsub.f32 v18, v38;
	v16 =	vmul.f32 v15, v15;
	v15 =	vsub.f32 v19, v3  }
0x184: {  	v35 =	vsub.f32 v31, v3;
	v36 =	vmul.f32 v17, v17;
	v47 =	vsub.f32 v25, v3  }
0x185: {  	v45 =	vld [tilespmem:s16+$0x4100];
	v48 =	vsub.f32 v27, v34;
	v17 =	vsub.f32 v20, v41;
	v40 =	vmul.f32 v61, v61  }
0x186: {  	v0 =	vmul.f32 v0, v0;
	v62 =	vsub.f32 v26, v34;
	v38 =	vsub.f32 v28, v38  }
0x187: {  	v54 =	vmul.f32 v39, v39;
	v56 =	vsub.f32 v23, v34;
	v59 =	vmul.f32 v63, v63  }
0x188: {  	v57 =	vmul.f32 v57, v57;
	v3 =	vsub.f32 v14, v3;
	v61 =	vsub.f32 v22, v43  }
0x189: {  	v60 =	vmul.f32 v60, v60;
	v33 =	vmul.f32 v33, v33;
	v63 =	vsub.f32 v18, v46  }
0x18a: {  	v9 =	vsub.f32 v31, v45;
	v10 =	vsub.f32 v28, v43;
	v6 =	vmul.f32 v6, v6  }
0x18b: {  	v18 =	vsub.f32 v18, v43;
	v50 =	vmul.f32 v50, v50;
	v13 =	vmul.f32 v13, v13  }
0x18c: {  	v41 =	vsub.f32 v27, v41;
	v5 =	vmul.f32 v5, v5;
	v35 =	vmul.f32 v35, v35  }
0x18d: {  	v43 =	vsub.f32 v24, v43;
	v51 =	vmul.f32 v17, v17;
	v1 =	vmul.f32 v1, v1  }
0x18e: {  	v17 =	vmul.f32 v62, v62;
	v55 =	vmul.f32 v38, v38;
	v38 =	vsub.f32 v19, v32  }
0x18f: {  	v62 =	vsub.f32 v20, v53;
	v47 =	vmul.f32 v47, v47;
	v32 =	vsub.f32 v14, v32  }
0x190: {  	v14 =	vsub.f32 v14, v45;
	v19 =	vsub.f32 v19, v45;
	v15 =	vmul.f32 v15, v15  }
0x191: {  	s14 =	smov.u32 s12;
	v10 =	vmul.f32 v10, v10;
	v20 =	vsub.f32 v20, v34;
	v61 =	vmul.f32 v61, v61  }
0x192: {  	s31 =	sadd.s32 $0xFFFFFFF0, s14;
	v45 =	vsub.f32 v25, v45;
	v41 =	vmul.f32 v41, v41;
	v48 =	vmul.f32 v48, v48  }
0x193: {  	v34 =	vor.u32 s31, v21;
	v3 =	vmul.f32 v3, v3;
	v43 =	vmul.f32 v43, v43  }
0x194: {  	v13 =	vadd.f32 v54, v13;
	v9 =	vmul.f32 v9, v9;
	v39 =	vmul.f32 v38, v38  }
0x195: {  	s30 =	sadd.s32 $0xFFFFFFE0, s14;
	v38 =	vmul.f32 v52, v52;
	v52 =	vsub.f32 v25, v49;
	v62 =	vmul.f32 v62, v62  }
0x196: {  	v32 =	vmul.f32 v32, v32;
	v1 =	vadd.f32 v1, v33;
	v33 =	vor.u32 s30, v21  }
0x197: {  	v14 =	vmul.f32 v14, v14;
	v44 =	vadd.f32 v61, v44;
	v49 =	vsub.f32 v31, v49  }
0x198: {  	v20 =	vmul.f32 v20, v20;
	v61 =	vsub.f32 v22, v42;
	v25 =	vsub.f32 v22, v46  }
0x199: {  	v19 =	vmul.f32 v19, v19;
	v0 =	vadd.f32 v10, v0;
	v10 =	vsub.f32 v28, v42  }
0x19a: {  	v42 =	vmul.f32 v45, v45;
	v46 =	vsub.f32 v24, v46;
	v48 =	vadd.f32 v59, v48  }
0x19b: {  	v41 =	vadd.f32 v55, v41;
	v52 =	vmul.f32 v52, v52;
	v14 =	vadd.f32 v14, v44  }
0x19c: {  	v44 =	vsub.f32 v26, v53;
	v21 =	vmul.f32 v25, v25;
	v25 =	vadd.f32 v50, v51  }
0x19d: {  	v51 =	vlaneseq.u32;
	v26 =	vmul.f32 v61, v61;
	v0 =	vadd.f32 v19, v0  }
0x19e: {  	v19 =	vsub.f32 v23, v53;
	v10 =	vmul.f32 v10, v10;
	v15 =	vadd.f32 v15, v48  }
0x19f: {  	v61 =	vmul.f32 v46, v46;
	vm0 =	vlt.f32 v0, v4;
	v13 =	vadd.f32 v52, v13  }
0x1a0: {  	vm1 =	vlt.f32 v14, v7;
	v20 =	vadd.f32 v21, v20;
	v60 =	vadd.f32 v60, v25  }
0x1a1: {  	v62 =	vadd.f32 v26, v62;
	v6 =	vadd.f32 v10, v6;
	v10 =	vmul.f32 v18, v18  }
0x1a2: {  	v18 =	vadd.f32 v43, v36;
	v0 =	vsel vm0, v0, v4;
	v4 =	vsel vm1, v14, v7  }
0x1a3: {  	v7 =	vadd.f32 v57, v41;
	v14 =	vmul.f32 v19, v19;
	v19 =	vmul.f32 v58, v58  }
0x1a4: {  	v2 =	vsel vm0, v29, v2;
	v37 =	vsel vm1, v29, v37;
	v32 =	vadd.f32 v32, v62  }
0x1a5: {  	vm0 =	vlt.f32 v60, v4;
	v20 =	vadd.f32 v3, v20;
	v3 =	vadd.f32 v10, v16  }
0x1a6: {  	v10 =	vmul.f32 v49, v49;
	v6 =	vadd.f32 v39, v6;
	v16 =	vor.u32 s14, v51  }
0x1a7: {  	v5 =	vadd.f32 v5, v14;
	v14 =	vmul.f32 v56, v56;
	vm1 =	vlt.f32 v7, v0  }
0x1a8: {  	v4 =	vsel vm0, v60, v4;
	v0 =	vsel vm1, v7, v0;
	v7 =	vadd.f32 v42, v18  }
0x1a9: {  	v2 =	vsel vm1, v33, v2;
	vm1 =	vlt.f32 v32, v4;
	v3 =	vadd.f32 v9, v3  }
0x1aa: {  	v9 =	vsel vm0, v33, v37;
	v5 =	vadd.f32 v40, v5;
	v14 =	vadd.f32 v61, v14  }
0x1ab: {  	v4 =	vsel vm1, v32, v4;
	vm3 =	vlt.f32 v6, v0;
	v37 =	vsel vm1, v34, v9  }
0x1ac: {  	vm2 =	vlt.f32 v7, v12;
	vm0 =	vlt.f32 v3, v11;
	vm4 =	vlt.f32 v20, v4  }
0x1ad: {  	v0 =	vsel vm3, v6, v0;
	v12 =	vsel vm2, v7, v12;
	v7 =	vmul.f32 v44, v44  }
0x1ae: {  	v2 =	vsel vm3, v34, v2;
	v36 =	vadd.f32 v47, v14;
	v14 =	vmul.f32 v63, v63  }
0x1af: {  	p0 =	sne.s32 s12, $0x1FF0;
	v8 =	vsel vm2, v29, v8;
	vm5 =	vlt.f32 v13, v12;
	v7 =	vadd.f32 v19, v7  }
.Ltmp1:
0x1b0: {  	v11 =	vsel vm0, v3, v11;
	v14 =	vadd.f32 v14, v17;
	v3 =	vsel vm5, v33, v8;
	(pc) =	sbr.rel @p0 .LBB2_5-.Ltmp1, $4  }
0x1b1: {  	v8 =	vadd.f32 v38, v7;
	v7 =	vsel vm4, v20, v4;
	v4 =	vsel vm5, v13, v12  }
0x1b2: {  	v12 =	vadd.f32 v10, v1;
	vm5 =	vlt.f32 v15, v0;
	vm2 =	vlt.f32 v5, v4  }
0x1b3: {  	v17 =	vadd.f32 v35, v14;
	v2 =	vsel vm5, v16, v2;
	v1 =	vsel vm2, v5, v4  }
0x1b4: {  	s12 =	sadd.s32 $0x40, s12;
	s13 =	sadd.s32 $0x40, s13;
	vm1 =	vlt.f32 v12, v11;
	v4 =	vsel vm5, v15, v0;
	vm3 =	vlt.f32 v36, v1  }
0x1b5: {  	[tilespmem:$0x6180] =	vst v7  }
0x1b6: {  	v0 =	vsel vm4, v16, v37;
	[tilespmem:$0x6190] =	vst v7  }
0x1b7: {  	[tilespmem:$0x6200] =	vst v0  }
0x1b8: {  	[tilespmem:$0x6210] =	vst v0;
	v5 =	vld [tilespmem:$0x6188]  }
0x1b9: {  	v6 =	vld [tilespmem:$0x6208];
	_ =	sdelay $0x4  }
0x1ba: {  	vm4 =	veq.f32 v5, v7;
	vm5 =	vlt.s32 v6, v0  }
0x1bb: {  	vm6 =	vlt.f32 v5, v7;
	vm4 =	vmand vm4, vm5  }
0x1bc: {  	vm4 =	vmor vm6, vm4  }
0x1bd: {  	v5 =	vsel vm4, v5, v7  }
0x1be: {  	[tilespmem:$0x6180] =	vst v5  }
0x1bf: {  	v0 =	vsel vm4, v6, v0;
	[tilespmem:$0x6190] =	vst v5  }
0x1c0: {  	[tilespmem:$0x6200] =	vst v0  }
0x1c1: {  	[tilespmem:$0x6210] =	vst v0;
	v6 =	vld [tilespmem:$0x6184]  }
0x1c2: {  	v7 =	vld [tilespmem:$0x6204];
	_ =	sdelay $0x4  }
0x1c3: {  	vm4 =	veq.f32 v6, v5;
	vm5 =	vlt.s32 v7, v0  }
0x1c4: {  	vm6 =	vlt.f32 v6, v5;
	vm4 =	vmand vm4, vm5  }
0x1c5: {  	vm4 =	vmor vm6, vm4  }
0x1c6: {  	v5 =	vsel vm4, v6, v5  }
0x1c7: {  	[tilespmem:$0x6180] =	vst v5  }
0x1c8: {  	v0 =	vsel vm4, v7, v0;
	[tilespmem:$0x6190] =	vst v5  }
0x1c9: {  	[tilespmem:$0x6200] =	vst v0  }
0x1ca: {  	[tilespmem:$0x6210] =	vst v0;
	v6 =	vld [tilespmem:$0x6182]  }
0x1cb: {  	v7 =	vld [tilespmem:$0x6202];
	_ =	sdelay $0x4  }
0x1cc: {  	vm4 =	veq.f32 v6, v5;
	vm5 =	vlt.s32 v7, v0  }
0x1cd: {  	vm6 =	vlt.f32 v6, v5;
	vm4 =	vmand vm4, vm5  }
0x1ce: {  	vm4 =	vmor vm6, vm4  }
0x1cf: {  	v6 =	vsel vm4, v6, v5  }
0x1d0: {  	[tilespmem:$0x6180] =	vst v6  }
0x1d1: {  	[tilespmem:$0x6190] =	vst v6  }
0x1d2: {  	v5 =	vsel vm4, v7, v0;
	v0 =	vsel vm3, v36, v1;
	v1 =	vld [tilespmem:$0x6181];
	_ =	sdelay $0x1  }
0x1d3: {  	[tilespmem:$0x6200] =	vst v5  }
0x1d4: {  	[tilespmem:$0x1FBB0] =	vst v5  }
0x1d5: {  	[tilespmem:$0x6210] =	vst v5  }
0x1d6: {  	[tilespmem:$0x1FBC0] =	vst v1;
	v1 =	vsel vm2, v34, v3;
	v3 =	vld [tilespmem:$0x6201]  }
0x1d7: {  	[tilespmem:$0x6180] =	vst v0;
	v1 =	vsel vm3, v16, v1  }
0x1d8: {  	[tilespmem:$0x6200] =	vst v1  }
0x1d9: {  	[tilespmem:$0x6210] =	vst v1  }
0x1da: {  	[tilespmem:$0x6190] =	vst v0;
	v5 =	vld [tilespmem:$0x6208]  }
0x1db: {  	[tilespmem:$0x1FBD0] =	vst v3;
	v3 =	vld [tilespmem:$0x6188];
	_ =	sdelay $0x4  }
0x1dc: {  	vm3 =	vlt.s32 v5, v1;
	vm2 =	veq.f32 v3, v0  }
0x1dd: {  	vm4 =	vlt.f32 v3, v0;
	vm2 =	vmand vm2, vm3  }
0x1de: {  	vm2 =	vmor vm4, vm2  }
0x1df: {  	v0 =	vsel vm2, v3, v0  }
0x1e0: {  	[tilespmem:$0x6180] =	vst v0  }
0x1e1: {  	v1 =	vsel vm2, v5, v1;
	[tilespmem:$0x6190] =	vst v0  }
0x1e2: {  	[tilespmem:$0x6200] =	vst v1  }
0x1e3: {  	[tilespmem:$0x6210] =	vst v1;
	v3 =	vld [tilespmem:$0x6184]  }
0x1e4: {  	v5 =	vld [tilespmem:$0x6204];
	_ =	sdelay $0x4  }
0x1e5: {  	vm2 =	veq.f32 v3, v0;
	vm3 =	vlt.s32 v5, v1  }
0x1e6: {  	vm4 =	vlt.f32 v3, v0;
	vm2 =	vmand vm2, vm3  }
0x1e7: {  	vm2 =	vmor vm4, vm2  }
0x1e8: {  	v0 =	vsel vm2, v3, v0  }
0x1e9: {  	[tilespmem:$0x6180] =	vst v0  }
0x1ea: {  	v1 =	vsel vm2, v5, v1;
	[tilespmem:$0x6190] =	vst v0  }
0x1eb: {  	[tilespmem:$0x6200] =	vst v1  }
0x1ec: {  	[tilespmem:$0x6210] =	vst v1;
	v3 =	vld [tilespmem:$0x6182]  }
0x1ed: {  	v5 =	vld [tilespmem:$0x6202];
	_ =	sdelay $0x4  }
0x1ee: {  	vm2 =	veq.f32 v3, v0;
	vm3 =	vlt.s32 v5, v1  }
0x1ef: {  	vm4 =	vlt.f32 v3, v0;
	vm2 =	vmand vm2, vm3  }
0x1f0: {  	vm2 =	vmor vm4, vm2  }
0x1f1: {  	v3 =	vsel vm2, v3, v0  }
0x1f2: {  	[tilespmem:$0x6180] =	vst v3  }
0x1f3: {  	v0 =	vsel vm2, v5, v1;
	[tilespmem:$0x6190] =	vst v3  }
0x1f4: {  	[tilespmem:$0x6200] =	vst v0  }
0x1f5: {  	[tilespmem:$0x1FBF0] =	vst v0  }
0x1f6: {  	[tilespmem:$0x6210] =	vst v0;
	v0 =	vld [tilespmem:$0x6181];
	_ =	sdelay $0x4  }
0x1f7: {  	[tilespmem:$0x1FC00] =	vst v0;
	v0 =	vld [tilespmem:$0x6201]  }
0x1f8: {  	[tilespmem:$0x6180] =	vst v4  }
0x1f9: {  	[tilespmem:$0x6200] =	vst v2  }
0x1fa: {  	[tilespmem:$0x6210] =	vst v2  }
0x1fb: {  	[tilespmem:$0x6190] =	vst v4;
	v1 =	vld [tilespmem:$0x6208]  }
0x1fc: {  	[tilespmem:$0x1FC10] =	vst v0;
	v0 =	vld [tilespmem:$0x6188];
	_ =	sdelay $0x4  }
0x1fd: {  	vm3 =	vlt.s32 v1, v2;
	vm2 =	veq.f32 v0, v4  }
0x1fe: {  	vm4 =	vlt.f32 v0, v4;
	vm2 =	vmand vm2, vm3  }
0x1ff: {  	vm2 =	vmor vm4, vm2  }
0x200: {  	v0 =	vsel vm2, v0, v4  }
0x201: {  	[tilespmem:$0x6180] =	vst v0  }
0x202: {  	v1 =	vsel vm2, v1, v2;
	[tilespmem:$0x6190] =	vst v0  }
0x203: {  	[tilespmem:$0x6200] =	vst v1  }
0x204: {  	[tilespmem:$0x6210] =	vst v1;
	v2 =	vld [tilespmem:$0x6184]  }
0x205: {  	[tilespmem:$0x1FBE0] =	vst v3;
	v3 =	vld [tilespmem:$0x6204];
	_ =	sdelay $0x4  }
0x206: {  	vm2 =	veq.f32 v2, v0;
	vm3 =	vlt.s32 v3, v1  }
0x207: {  	vm4 =	vlt.f32 v2, v0;
	vm2 =	vmand vm2, vm3  }
0x208: {  	vm2 =	vmor vm4, vm2  }
0x209: {  	v0 =	vsel vm2, v2, v0  }
0x20a: {  	[tilespmem:$0x6180] =	vst v0  }
0x20b: {  	v1 =	vsel vm2, v3, v1;
	[tilespmem:$0x6190] =	vst v0  }
0x20c: {  	[tilespmem:$0x6200] =	vst v1  }
0x20d: {  	[tilespmem:$0x6210] =	vst v1;
	v2 =	vld [tilespmem:$0x6182]  }
0x20e: {  	v3 =	vld [tilespmem:$0x6202];
	_ =	sdelay $0x4  }
0x20f: {  	vm2 =	veq.f32 v2, v0;
	vm3 =	vlt.s32 v3, v1  }
0x210: {  	vm4 =	vlt.f32 v2, v0;
	vm2 =	vmand vm2, vm3  }
0x211: {  	vm2 =	vmor vm4, vm2  }
0x212: {  	v5 =	vsel vm2, v2, v0  }
0x213: {  	[tilespmem:$0x6180] =	vst v5  }
0x214: {  	v2 =	vsel vm2, v3, v1;
	[tilespmem:$0x6190] =	vst v5  }
0x215: {  	[tilespmem:$0x6200] =	vst v2  }
0x216: {  	[tilespmem:$0x1FC30] =	vst v2  }
0x217: {  	[tilespmem:$0x6210] =	vst v2;
	v2 =	vld [tilespmem:$0x6181]  }
0x218: {  	v4 =	vsel vm1, v12, v11  }
0x219: {  	vm3 =	vlt.f32 v8, v4  }
0x21a: {  	v0 =	vsel vm3, v8, v4;
	v1 =	vsel vm0, v29, v30  }
0x21b: {  	vm0 =	vlt.f32 v17, v0;
	v1 =	vsel vm1, v33, v1  }
0x21c: {  	v0 =	vsel vm0, v17, v0;
	v1 =	vsel vm3, v34, v1;
	[tilespmem:$0x1FC40] =	vst v2;
	v2 =	vld [tilespmem:$0x6201]  }
0x21d: {  	[tilespmem:$0x6180] =	vst v0;
	v1 =	vsel vm0, v16, v1  }
0x21e: {  	[tilespmem:$0x6200] =	vst v1  }
0x21f: {  	[tilespmem:$0x6210] =	vst v1  }
0x220: {  	[tilespmem:$0x6190] =	vst v0;
	v3 =	vld [tilespmem:$0x6208]  }
0x221: {  	[tilespmem:$0x1FC50] =	vst v2;
	v2 =	vld [tilespmem:$0x6188];
	_ =	sdelay $0x4  }
0x222: {  	vm1 =	vlt.s32 v3, v1;
	vm0 =	veq.f32 v2, v0  }
0x223: {  	vm2 =	vlt.f32 v2, v0;
	vm0 =	vmand vm0, vm1  }
0x224: {  	vm0 =	vmor vm2, vm0  }
0x225: {  	v0 =	vsel vm0, v2, v0  }
0x226: {  	[tilespmem:$0x6180] =	vst v0  }
0x227: {  	v1 =	vsel vm0, v3, v1;
	[tilespmem:$0x6190] =	vst v0  }
0x228: {  	[tilespmem:$0x6200] =	vst v1  }
0x229: {  	[tilespmem:$0x6210] =	vst v1;
	v2 =	vld [tilespmem:$0x6184]  }
0x22a: {  	v3 =	vld [tilespmem:$0x6204];
	_ =	sdelay $0x4  }
0x22b: {  	vm0 =	veq.f32 v2, v0;
	vm1 =	vlt.s32 v3, v1  }
0x22c: {  	vm2 =	vlt.f32 v2, v0;
	vm0 =	vmand vm0, vm1  }
0x22d: {  	vm0 =	vmor vm2, vm0  }
0x22e: {  	v0 =	vsel vm0, v2, v0  }
0x22f: {  	[tilespmem:$0x6180] =	vst v0  }
0x230: {  	v1 =	vsel vm0, v3, v1;
	[tilespmem:$0x6190] =	vst v0  }
0x231: {  	[tilespmem:$0x6200] =	vst v1  }
0x232: {  	[tilespmem:$0x6210] =	vst v1;
	v2 =	vld [tilespmem:$0x6182]  }
0x233: {  	v3 =	vld [tilespmem:$0x6202];
	_ =	sdelay $0x4  }
0x234: {  	vm0 =	veq.f32 v2, v0;
	vm1 =	vlt.s32 v3, v1  }
0x235: {  	vm2 =	vlt.f32 v2, v0;
	vm0 =	vmand vm0, vm1  }
0x236: {  	vm0 =	vmor vm2, vm0  }
0x237: {  	v2 =	vsel vm0, v2, v0  }
0x238: {  	[tilespmem:$0x6180] =	vst v2  }
0x239: {  	v18 =	vld [tilespmem:$0x1FFF0];
	v0 =	vsel vm0, v3, v1;
	[tilespmem:$0x6190] =	vst v2  }
0x23a: {  	[tilespmem:$0x6200] =	vst v0  }
0x23b: {  	s13 =	simm.s32 $0x100;
	v7 =	vld [tilespmem:$0x1FFE0];
	[tilespmem:$0x6210] =	vst v0  }
0x23c: {  	[tilespmem:$0x1FC70] =	vst v0;
	v0 =	vld [tilespmem:s13+$0x0]  }
0x23d: {  	v4 =	vld [tilespmem:s13+$0x4020]  }
0x23e: {  	v31 =	vbroadcast v18, $0x1;
	v1 =	vld [tilespmem:s13+$0x2010]  }
0x23f: {  	v35 =	vbroadcast v18, $0x2;
	v43 =	vbroadcast v18, $0x0;
	[tilespmem:$0x1FC60] =	vst v2;
	v2 =	vld [tilespmem:s13+$0x4030]  }
0x240: {  	v19 =	vbroadcast v7, $0x8;
	v22 =	vbroadcast v7, $0x9;
	v3 =	vld [tilespmem:s13+$0x10]  }
0x241: {  	v26 =	vbroadcast v7, $0xB;
	v41 =	vbroadcast v7, $0xE;
	[tilespmem:$0x1FC20] =	vst v5;
	v5 =	vld [tilespmem:s13+$0x30]  }
0x242: {  	s12 =	simm.s32 $0x0;
	[tilespmem:$0x1FBA0] =	vst v6;
	v40 =	vbroadcast v7, $0xD;
	v6 =	vsub.f32 v19, v0;
	v8 =	vsub.f32 v31, v0  }
0x243: {  	s14 =	sand.u32 $0x1FC0, s12;
	v24 =	vbroadcast v7, $0xA;
	v12 =	vld [tilespmem:s13+$0x2030];
	v9 =	vsub.f32 v26, v0;
	v0 =	vsub.f32 v41, v0  }
0x244: {  	v27 =	vbroadcast v7, $0xC;
	v10 =	vld [tilespmem:s14+$0x2100];
	v11 =	vsub.f32 v35, v1;
	v13 =	vsub.f32 v40, v4  }
0x245: {  	v42 =	vbroadcast v7, $0xF;
	v7 =	vld [tilespmem:s13+$0x4010];
	v14 =	vsub.f32 v19, v3;
	v16 =	vsub.f32 v43, v2  }
0x246: {  	v15 =	vld [tilespmem:s14+$0x4100];
	v17 =	vsub.f32 v41, v5;
	v20 =	vsub.f32 v22, v1  }
0x247: {  	v21 =	vsub.f32 v27, v1;
	v1 =	vsub.f32 v42, v1  }
0x248: {  	v23 =	vsub.f32 v31, v3;
	v25 =	vsub.f32 v42, v12  }
0x249: {  	v63 =	vimm.f32 $+Inf;
	s29 =	simm.s32 $0x10;
	v28 =	vsub.f32 v22, v10;
	v52 =	vsub.f32 v26, v5  }
0x24a: {  	v48 =	vor.u32 s29, v51;
	v32 =	vsub.f32 v43, v7;
	v53 =	vsub.f32 v24, v7  }
0x24b: {  	v56 =	vld [tilespmem:s13+$0x2020];
	v45 =	vsub.f32 v24, v15;
	v6 =	vmul.f32 v6, v6;
	v0 =	vmul.f32 v0, v0  }
0x24c: {  	v47 =	vsub.f32 v42, v10;
	v14 =	vmul.f32 v14, v14;
	v11 =	vmul.f32 v11, v11  }
0x24d: {  	v54 =	vsub.f32 v43, v15;
	v21 =	vmul.f32 v21, v21;
	v23 =	vmul.f32 v23, v23  }
0x24e: {  	v57 =	vsub.f32 v19, v5;
	v28 =	vmul.f32 v28, v28;
	v46 =	vmul.f32 v1, v1  }
0x24f: {  	v58 =	vsub.f32 v22, v12;
	v55 =	vmul.f32 v47, v47;
	v20 =	vmul.f32 v20, v20  }
0x250: {  	v59 =	vsub.f32 v27, v56;
	v25 =	vmul.f32 v25, v25;
	v17 =	vmul.f32 v17, v17  }
0x251: {  	v61 =	vsub.f32 v42, v56;
	v32 =	vmul.f32 v32, v32;
	v47 =	vbroadcast v18, $0x3  }
0x252: {  	v62 =	vsub.f32 v40, v2;
	v13 =	vmul.f32 v13, v13;
	v16 =	vmul.f32 v16, v16  }
0x253: {  	v5 =	vsub.f32 v31, v5;
	v29 =	vmul.f32 v52, v52;
	v9 =	vmul.f32 v9, v9  }
0x254: {  	v8 =	vmul.f32 v8, v8;
	v1 =	vadd.f32 v11, v23;
	v11 =	vsub.f32 v26, v3  }
0x255: {  	v23 =	vmul.f32 v45, v45;
	v6 =	vadd.f32 v28, v6;
	v3 =	vsub.f32 v41, v3  }
0x256: {  	v5 =	vmul.f32 v5, v5;
	v0 =	vadd.f32 v55, v0;
	v14 =	vadd.f32 v20, v14  }
0x257: {  	v28 =	vmul.f32 v54, v54;
	v20 =	vsub.f32 v40, v7;
	v6 =	vadd.f32 v23, v6;
	v23 =	vld [tilespmem:s13+$0x20]  }
0x258: {  	v17 =	vadd.f32 v25, v17;
	v25 =	vmul.f32 v58, v58;
	v11 =	vmul.f32 v11, v11  }
0x259: {  	v45 =	vor.u32 s12, v51;
	v3 =	vmul.f32 v3, v3;
	v0 =	vadd.f32 v28, v0  }
0x25a: {  	v20 =	vmul.f32 v20, v20;
	v50 =	vadd.f32 v16, v17;
	v11 =	vadd.f32 v21, v11  }
0x25b: {  	v28 =	vmul.f32 v57, v57;
	v16 =	vsub.f32 v27, v12;
	v3 =	vadd.f32 v46, v3  }
0x25c: {  	v17 =	vmul.f32 v61, v61;
	v49 =	vadd.f32 v20, v11;
	v11 =	vsub.f32 v26, v23  }
0x25d: {  	v25 =	vadd.f32 v25, v28;
	v16 =	vmul.f32 v16, v16;
	v20 =	vmul.f32 v53, v53  }
0x25e: {  	v3 =	vadd.f32 v32, v3;
	v32 =	vmul.f32 v59, v59;
	v11 =	vmul.f32 v11, v11  }
0x25f: {  	vm2 =	vlt.f32 v6, v63;
	v21 =	vsub.f32 v19, v23;
	v14 =	vadd.f32 v20, v14  }
0x260: {  	vm4 =	vlt.f32 v0, v63;
	v20 =	vsub.f32 v22, v56;
	v11 =	vadd.f32 v32, v11  }
0x261: {  	v46 =	vimm.s32 $0x0;
	v0 =	vsel vm4, v0, v63;
	v21 =	vmul.f32 v21, v21  }
0x262: {  	v20 =	vmul.f32 v20, v20;
	v13 =	vadd.f32 v13, v11;
	v11 =	vsub.f32 v27, v10  }
0x263: {  	v6 =	vsel vm2, v6, v63;
	v60 =	vsub.f32 v41, v23;
	vm5 =	vlt.f32 v3, v0  }
0x264: {  	v20 =	vadd.f32 v20, v21;
	v21 =	vsub.f32 v24, v4;
	v11 =	vmul.f32 v11, v11  }
0x265: {  	v16 =	vadd.f32 v16, v29;
	v28 =	vmul.f32 v60, v60;
	v0 =	vsel vm5, v3, v0  }
0x266: {  	v21 =	vmul.f32 v21, v21;
	v9 =	vadd.f32 v11, v9;
	v11 =	vsub.f32 v24, v2  }
0x267: {  	v3 =	vsub.f32 v35, v56;
	vm1 =	vlt.f32 v14, v6;
	v10 =	vsub.f32 v35, v10  }
0x268: {  	v21 =	vadd.f32 v21, v20;
	v20 =	vsub.f32 v40, v15;
	v11 =	vmul.f32 v11, v11  }
0x269: {  	v17 =	vadd.f32 v17, v28;
	v10 =	vmul.f32 v10, v10;
	v15 =	vsub.f32 v47, v15  }
0x26a: {  	v6 =	vsel vm1, v14, v6;
	v14 =	vadd.f32 v11, v25;
	v11 =	vmul.f32 v20, v20  }
0x26b: {  	v28 =	vmul.f32 v62, v62;
	v8 =	vadd.f32 v10, v8;
	v10 =	vmul.f32 v15, v15  }
0x26c: {  	v3 =	vmul.f32 v3, v3;
	v9 =	vadd.f32 v11, v9;
	v11 =	vsub.f32 v43, v4  }
0x26d: {  	v2 =	vsub.f32 v47, v2;
	vm3 =	vlt.f32 v21, v6;
	v8 =	vadd.f32 v10, v8  }
0x26e: {  	v10 =	vmul.f32 v11, v11;
	v11 =	vsub.f32 v35, v12;
	v12 =	vsub.f32 v31, v23  }
0x26f: {  	v6 =	vsel vm3, v21, v6;
	v2 =	vmul.f32 v2, v2;
	v4 =	vsub.f32 v47, v4  }
0x270: {  	[tilespmem:$0x1FD00] =	vst v43;
	vm0 =	vlt.f32 v8, v63;
	v11 =	vmul.f32 v11, v11;
	v12 =	vmul.f32 v12, v12  }
0x271: {  	[tilespmem:$0x1FD10] =	vst v35;
	vm6 =	vlt.f32 v9, v63;
	v4 =	vmul.f32 v4, v4;
	v10 =	vadd.f32 v10, v17  }
0x272: {  	[tilespmem:$0x1FD20] =	vst v31;
	v9 =	vsel vm6, v9, v63;
	v5 =	vadd.f32 v11, v5;
	v3 =	vadd.f32 v3, v12  }
0x273: {  	[tilespmem:$0x1FC80] =	vst v19;
	v11 =	vsel vm0, v8, v63;
	vm7 =	vlt.f32 v10, v0;
	v12 =	vsub.f32 v47, v7  }
0x274: {  	[tilespmem:$0x1FC90] =	vst v26;
	v0 =	vsel vm7, v10, v0;
	v10 =	vsel vm4, v45, v46;
	vm4 =	vlt.f32 v14, v6  }
0x275: {  	[tilespmem:$0x1FCA0] =	vst v41;
	v8 =	vadd.f32 v4, v3;
	v7 =	vsel vm4, v14, v6;
	v4 =	vmul.f32 v12, v12  }
0x276: {  	[tilespmem:$0x1FCB0] =	vst v22;
	v6 =	vsel vm5, v48, v10;
	vm5 =	vlt.f32 v50, v0;
	v17 =	vadd.f32 v2, v5;
	v2 =	vld [tilespmem:$0x6181]  }
0x277: {  	[tilespmem:$0x1FCC0] =	vst v42;
	v3 =	vsel vm2, v45, v46;
	v12 =	vadd.f32 v4, v1;
	v4 =	vsel vm5, v50, v0;
	v0 =	vld [tilespmem:$0x6201]  }
0x278: {  	s30 =	simm.s32 $0x20;
	[tilespmem:$0x1FCD0] =	vst v27;
	v20 =	vadd.f32 v28, v16;
	vm2 =	vlt.f32 v49, v9;
	v3 =	vsel vm1, v48, v3  }
0x279: {  	[tilespmem:$0x1FCE0] =	vst v24;
	v9 =	vsel vm2, v49, v9;
	v49 =	vor.u32 s30, v51;
	v1 =	vsel vm6, v45, v46  }
0x27a: {  	s31 =	simm.s32 $0x30;
	[tilespmem:$0x1FCF0] =	vst v40;
	v21 =	vsel vm3, v49, v3;
	v3 =	vsel vm2, v48, v1;
	vm2 =	vlt.f32 v13, v9  }
0x27b: {  	v16 =	vor.u32 s31, v51;
	v1 =	vsel vm2, v13, v9;
	[tilespmem:$0x1FD30] =	vst v2;
	v2 =	vsel vm7, v49, v6  }
0x27c: {  	s12 =	simm.s32 $0x70;
	s13 =	simm.s32 $0x140;
	vm1 =	vlt.f32 v12, v11;
	vm3 =	vlt.f32 v20, v1;
	v2 =	vsel vm5, v16, v2;
	[tilespmem:$0x1FD40] =	vst v0  }
.LBB2_7:
0x27d: {  	v0 =	vld [tilespmem:s13+$0x0]  }
0x27e: {  	v9 =	vld [tilespmem:s13+$0x4020]  }
0x27f: {  	v10 =	vld [tilespmem:s13+$0x2010]  }
0x280: {  	v13 =	vld [tilespmem:s13+$0x30]  }
0x281: {  	v36 =	vld [tilespmem:$0x1FC80]  }
0x282: {  	v42 =	vld [tilespmem:$0x1FD20]  }
0x283: {  	v39 =	vld [tilespmem:$0x1FC90]  }
0x284: {  	v43 =	vld [tilespmem:$0x1FCA0]  }
0x285: {  	v15 =	vld [tilespmem:s13+$0x2020]  }
0x286: {  	v34 =	vld [tilespmem:$0x1FD10]  }
0x287: {  	v6 =	vsel vm1, v12, v11;
	v41 =	vld [tilespmem:$0x1FCF0]  }
0x288: {  	v5 =	vsel vm0, v45, v46;
	v35 =	vld [tilespmem:$0x1FD00];
	vm0 =	vlt.f32 v8, v6  }
0x289: {  	v38 =	vld [tilespmem:$0x1FCB0];
	v5 =	vsel vm1, v48, v5;
	v6 =	vsel vm0, v8, v6  }
0x28a: {  	v12 =	vsel vm3, v20, v1;
	v53 =	vld [tilespmem:s13+$0x4010];
	v5 =	vsel vm0, v49, v5;
	vm0 =	vlt.f32 v17, v6  }
0x28b: {  	v31 =	vld [tilespmem:$0x1FCE0];
	v46 =	vsel vm0, v16, v5;
	v1 =	vsub.f32 v36, v0;
	v5 =	vsub.f32 v42, v0  }
0x28c: {  	v3 =	vsel vm2, v49, v3;
	v57 =	vld [tilespmem:s13+$0x20];
	v14 =	vsub.f32 v39, v0;
	v0 =	vsub.f32 v43, v0  }
0x28d: {  	v40 =	vld [tilespmem:$0x1FCD0];
	v11 =	vsel vm0, v17, v6;
	v17 =	vsub.f32 v41, v9;
	v52 =	vsub.f32 v43, v13  }
0x28e: {  	v8 =	vsel vm3, v16, v3;
	v3 =	vld [tilespmem:s13+$0x4030];
	v54 =	vsub.f32 v38, v10;
	v56 =	vsub.f32 v47, v9  }
0x28f: {  	v21 =	vsel vm4, v16, v21;
	v60 =	vsub.f32 v39, v13;
	v61 =	vsub.f32 v35, v53  }
0x290: {  	s15 =	sadd.s32 $0xFFFFFFD0, s12;
	v37 =	vlaneseq.u32;
	v62 =	vsub.f32 v34, v15;
	v32 =	vsub.f32 v31, v53  }
0x291: {  	s16 =	sand.u32 $0x1FC0, s15;
	v45 =	vor.u32 s15, v51;
	v27 =	vsub.f32 v41, v53;
	v18 =	vsub.f32 v36, v57  }
0x292: {  	v29 =	vld [tilespmem:s16+$0x2100];
	v22 =	vsub.f32 v40, v15;
	v24 =	vsub.f32 v43, v57;
	v51 =	vmul.f32 v1, v1  }
0x293: {  	v1 =	vsub.f32 v34, v10;
	v16 =	vmul.f32 v5, v5;
	v5 =	vsub.f32 v35, v3  }
0x294: {  	v6 =	vld [tilespmem:s13+$0x10];
	v23 =	vsub.f32 v47, v3;
	v20 =	vmul.f32 v14, v14;
	v48 =	vsub.f32 v41, v3  }
0x295: {  	v44 =	vld [tilespmem:$0x1FCC0];
	v28 =	vmul.f32 v17, v17;
	v0 =	vmul.f32 v0, v0;
	v17 =	vsub.f32 v42, v13  }
0x296: {  	v61 =	vmul.f32 v61, v61;
	v3 =	vsub.f32 v31, v3;
	v32 =	vmul.f32 v32, v32  }
0x297: {  	v33 =	vsub.f32 v38, v29;
	v18 =	vmul.f32 v18, v18;
	v24 =	vmul.f32 v24, v24  }
0x298: {  	v49 =	vld [tilespmem:s16+$0x4100];
	v13 =	vsub.f32 v36, v13;
	v52 =	vmul.f32 v52, v52;
	v22 =	vmul.f32 v22, v22  }
0x299: {  	v25 =	vsub.f32 v36, v6;
	v50 =	vmul.f32 v23, v23;
	v23 =	vsub.f32 v40, v10  }
0x29a: {  	v10 =	vsub.f32 v44, v10;
	v1 =	vmul.f32 v1, v1;
	v17 =	vmul.f32 v17, v17  }
0x29b: {  	v59 =	vsub.f32 v42, v6;
	v26 =	vmul.f32 v48, v48;
	v48 =	vsub.f32 v44, v29  }
0x29c: {  	v30 =	vsub.f32 v39, v6;
	v5 =	vmul.f32 v5, v5;
	v33 =	vmul.f32 v33, v33  }
0x29d: {  	v36 =	vsub.f32 v41, v49;
	v6 =	vsub.f32 v43, v6;
	v13 =	vmul.f32 v13, v13  }
0x29e: {  	v43 =	vsub.f32 v42, v57;
	v3 =	vmul.f32 v3, v3;
	v57 =	vsub.f32 v39, v57  }
0x29f: {  	v14 =	vld [tilespmem:s13+$0x2030];
	v55 =	vmul.f32 v25, v25;
	v58 =	vmul.f32 v23, v23;
	v25 =	vsub.f32 v35, v9  }
0x2a0: {  	v10 =	vmul.f32 v10, v10;
	v9 =	vsub.f32 v31, v9;
	v31 =	vsub.f32 v31, v49  }
0x2a1: {  	v59 =	vmul.f32 v59, v59;
	v35 =	vsub.f32 v35, v49;
	v33 =	vadd.f32 v33, v51  }
0x2a2: {  	v6 =	vmul.f32 v6, v6;
	v51 =	vsub.f32 v47, v53;
	v53 =	vmul.f32 v54, v54  }
0x2a3: {  	v54 =	vsub.f32 v38, v15;
	v15 =	vsub.f32 v44, v15;
	v36 =	vmul.f32 v36, v36  }
0x2a4: {  	v30 =	vmul.f32 v30, v30;
	v23 =	vsub.f32 v44, v14;
	v19 =	vsub.f32 v34, v14  }
0x2a5: {  	s14 =	smov.u32 s12;
	v34 =	vsub.f32 v34, v29;
	v29 =	vsub.f32 v40, v29;
	v25 =	vmul.f32 v25, v25  }
0x2a6: {  	s30 =	sadd.s32 $0xFFFFFFE0, s14;
	v9 =	vmul.f32 v9, v9;
	v1 =	vadd.f32 v1, v59;
	v59 =	vmul.f32 v48, v48  }
0x2a7: {  	v48 =	vor.u32 s30, v37;
	v31 =	vmul.f32 v31, v31;
	v41 =	vmul.f32 v35, v35  }
0x2a8: {  	v53 =	vadd.f32 v53, v55;
	v30 =	vadd.f32 v58, v30;
	v63 =	vmul.f32 v23, v23  }
0x2a9: {  	s31 =	sadd.s32 $0xFFFFFFF0, s14;
	v6 =	vadd.f32 v10, v6;
	v23 =	vmul.f32 v56, v56;
	v56 =	vmul.f32 v27, v27  }
0x2aa: {  	v27 =	vsub.f32 v47, v49;
	v49 =	vor.u32 s31, v37;
	v37 =	vsub.f32 v38, v14  }
0x2ab: {  	v54 =	vmul.f32 v54, v54;
	v14 =	vsub.f32 v40, v14;
	v31 =	vadd.f32 v31, v33  }
0x2ac: {  	v15 =	vmul.f32 v15, v15;
	v0 =	vadd.f32 v59, v0;
	v6 =	vadd.f32 v61, v6  }
0x2ad: {  	v61 =	vmul.f32 v62, v62;
	v62 =	vadd.f32 v32, v53;
	v18 =	vadd.f32 v54, v18  }
0x2ae: {  	v10 =	vmul.f32 v29, v29;
	v15 =	vadd.f32 v15, v24;
	v52 =	vadd.f32 v63, v52  }
0x2af: {  	v37 =	vmul.f32 v37, v37;
	v59 =	vadd.f32 v56, v30;
	v0 =	vadd.f32 v41, v0  }
0x2b0: {  	v63 =	vmul.f32 v34, v34;
	v10 =	vadd.f32 v10, v20;
	vm1 =	vlt.f32 v31, v7  }
0x2b1: {  	v9 =	vadd.f32 v9, v18;
	v13 =	vadd.f32 v37, v13;
	vm0 =	vlt.f32 v0, v4  }
0x2b2: {  	v0 =	vsel vm0, v0, v4;
	v4 =	vsel vm1, v31, v7;
	v7 =	vmul.f32 v57, v57  }
0x2b3: {  	v5 =	vadd.f32 v5, v52;
	v21 =	vsel vm1, v45, v21;
	v13 =	vadd.f32 v3, v13  }
0x2b4: {  	v2 =	vsel vm0, v45, v2;
	v3 =	vadd.f32 v63, v16;
	v7 =	vadd.f32 v22, v7  }
0x2b5: {  	vm0 =	vlt.f32 v62, v4;
	vm1 =	vlt.f32 v6, v0;
	v22 =	vmul.f32 v60, v60  }
0x2b6: {  	v4 =	vsel vm0, v62, v4;
	v28 =	vadd.f32 v28, v7;
	v7 =	vmul.f32 v14, v14  }
0x2b7: {  	v0 =	vsel vm1, v6, v0;
	v6 =	vmul.f32 v51, v51;
	v51 =	vlaneseq.u32  }
0x2b8: {  	v2 =	vsel vm1, v48, v2;
	vm1 =	vlt.f32 v9, v4;
	v7 =	vadd.f32 v7, v22  }
0x2b9: {  	v14 =	vmul.f32 v27, v27;
	v4 =	vsel vm1, v9, v4;
	v9 =	vadd.f32 v25, v15  }
0x2ba: {  	v16 =	vor.u32 s14, v51;
	v20 =	vadd.f32 v26, v7;
	v7 =	vadd.f32 v36, v10  }
0x2bb: {  	vm4 =	vlt.f32 v13, v4;
	v3 =	vadd.f32 v14, v3;
	vm3 =	vlt.f32 v9, v0  }
0x2bc: {  	v14 =	vmul.f32 v19, v19;
	v0 =	vsel vm3, v9, v0;
	vm2 =	vlt.f32 v7, v12  }
0x2bd: {  	v2 =	vsel vm3, v49, v2;
	v12 =	vsel vm2, v7, v12;
	v7 =	vmul.f32 v43, v43  }
0x2be: {  	v10 =	vsel vm0, v48, v21;
	vm0 =	vlt.f32 v3, v11;
	v14 =	vadd.f32 v14, v17  }
0x2bf: {  	p0 =	sne.s32 s12, $0x1FF0;
	v8 =	vsel vm2, v45, v8;
	vm5 =	vlt.f32 v59, v12;
	v7 =	vadd.f32 v61, v7  }
.Ltmp2:
0x2c0: {  	v21 =	vsel vm1, v49, v10;
	v11 =	vsel vm0, v3, v11;
	v3 =	vsel vm5, v48, v8;
	(pc) =	sbr.rel @p0 .LBB2_7-.Ltmp2, $4  }
0x2c1: {  	v8 =	vadd.f32 v23, v7;
	v7 =	vsel vm4, v13, v4;
	v4 =	vsel vm5, v59, v12  }
0x2c2: {  	v12 =	vadd.f32 v6, v1;
	vm5 =	vlt.f32 v5, v0;
	vm2 =	vlt.f32 v28, v4  }
0x2c3: {  	v17 =	vadd.f32 v50, v14;
	v2 =	vsel vm5, v16, v2;
	v1 =	vsel vm2, v28, v4  }
0x2c4: {  	s12 =	sadd.s32 $0x40, s12;
	s13 =	sadd.s32 $0x40, s13;
	vm1 =	vlt.f32 v12, v11;
	v4 =	vsel vm5, v5, v0;
	vm3 =	vlt.f32 v20, v1  }
0x2c5: {  	[tilespmem:$0x6180] =	vst v7  }
0x2c6: {  	v0 =	vsel vm4, v16, v21;
	[tilespmem:$0x6190] =	vst v7  }
0x2c7: {  	[tilespmem:$0x6200] =	vst v0  }
0x2c8: {  	[tilespmem:$0x6210] =	vst v0;
	v5 =	vld [tilespmem:$0x6188]  }
0x2c9: {  	v6 =	vld [tilespmem:$0x6208];
	_ =	sdelay $0x4  }
0x2ca: {  	vm4 =	veq.f32 v5, v7;
	vm5 =	vlt.s32 v6, v0  }
0x2cb: {  	vm6 =	vlt.f32 v5, v7;
	vm4 =	vmand vm4, vm5  }
0x2cc: {  	vm4 =	vmor vm6, vm4  }
0x2cd: {  	v5 =	vsel vm4, v5, v7  }
0x2ce: {  	[tilespmem:$0x6180] =	vst v5  }
0x2cf: {  	v0 =	vsel vm4, v6, v0;
	[tilespmem:$0x6190] =	vst v5  }
0x2d0: {  	[tilespmem:$0x6200] =	vst v0  }
0x2d1: {  	[tilespmem:$0x6210] =	vst v0;
	v6 =	vld [tilespmem:$0x6184]  }
0x2d2: {  	v7 =	vld [tilespmem:$0x6204];
	_ =	sdelay $0x4  }
0x2d3: {  	vm4 =	veq.f32 v6, v5;
	vm5 =	vlt.s32 v7, v0  }
0x2d4: {  	vm6 =	vlt.f32 v6, v5;
	vm4 =	vmand vm4, vm5  }
0x2d5: {  	vm4 =	vmor vm6, vm4  }
0x2d6: {  	v5 =	vsel vm4, v6, v5  }
0x2d7: {  	[tilespmem:$0x6180] =	vst v5  }
0x2d8: {  	v0 =	vsel vm4, v7, v0;
	[tilespmem:$0x6190] =	vst v5  }
0x2d9: {  	[tilespmem:$0x6200] =	vst v0  }
0x2da: {  	[tilespmem:$0x6210] =	vst v0;
	v6 =	vld [tilespmem:$0x6182]  }
0x2db: {  	v7 =	vld [tilespmem:$0x6202];
	_ =	sdelay $0x4  }
0x2dc: {  	vm4 =	veq.f32 v6, v5;
	vm5 =	vlt.s32 v7, v0  }
0x2dd: {  	vm6 =	vlt.f32 v6, v5;
	vm4 =	vmand vm4, vm5  }
0x2de: {  	vm4 =	vmor vm6, vm4  }
0x2df: {  	v6 =	vsel vm4, v6, v5  }
0x2e0: {  	[tilespmem:$0x6180] =	vst v6  }
0x2e1: {  	[tilespmem:$0x6190] =	vst v6  }
0x2e2: {  	v5 =	vsel vm4, v7, v0;
	v0 =	vsel vm3, v20, v1;
	v1 =	vld [tilespmem:$0x6181];
	_ =	sdelay $0x1  }
0x2e3: {  	[tilespmem:$0x6200] =	vst v5  }
0x2e4: {  	[tilespmem:$0x1FA00] =	vst v5  }
0x2e5: {  	[tilespmem:$0x6210] =	vst v5  }
0x2e6: {  	[tilespmem:$0x1FA10] =	vst v1;
	v1 =	vsel vm2, v49, v3;
	v3 =	vld [tilespmem:$0x6201]  }
0x2e7: {  	[tilespmem:$0x6180] =	vst v0;
	v1 =	vsel vm3, v16, v1  }
0x2e8: {  	[tilespmem:$0x6200] =	vst v1  }
0x2e9: {  	[tilespmem:$0x6210] =	vst v1  }
0x2ea: {  	[tilespmem:$0x6190] =	vst v0;
	v5 =	vld [tilespmem:$0x6208]  }
0x2eb: {  	[tilespmem:$0x1FA20] =	vst v3;
	v3 =	vld [tilespmem:$0x6188];
	_ =	sdelay $0x4  }
0x2ec: {  	vm3 =	vlt.s32 v5, v1;
	vm2 =	veq.f32 v3, v0  }
0x2ed: {  	vm4 =	vlt.f32 v3, v0;
	vm2 =	vmand vm2, vm3  }
0x2ee: {  	vm2 =	vmor vm4, vm2  }
0x2ef: {  	v0 =	vsel vm2, v3, v0  }
0x2f0: {  	[tilespmem:$0x6180] =	vst v0  }
0x2f1: {  	v1 =	vsel vm2, v5, v1;
	[tilespmem:$0x6190] =	vst v0  }
0x2f2: {  	[tilespmem:$0x6200] =	vst v1  }
0x2f3: {  	[tilespmem:$0x6210] =	vst v1;
	v3 =	vld [tilespmem:$0x6184]  }
0x2f4: {  	v5 =	vld [tilespmem:$0x6204];
	_ =	sdelay $0x4  }
0x2f5: {  	vm2 =	veq.f32 v3, v0;
	vm3 =	vlt.s32 v5, v1  }
0x2f6: {  	vm4 =	vlt.f32 v3, v0;
	vm2 =	vmand vm2, vm3  }
0x2f7: {  	vm2 =	vmor vm4, vm2  }
0x2f8: {  	v0 =	vsel vm2, v3, v0  }
0x2f9: {  	[tilespmem:$0x6180] =	vst v0  }
0x2fa: {  	v1 =	vsel vm2, v5, v1;
	[tilespmem:$0x6190] =	vst v0  }
0x2fb: {  	[tilespmem:$0x6200] =	vst v1  }
0x2fc: {  	[tilespmem:$0x6210] =	vst v1;
	v3 =	vld [tilespmem:$0x6182]  }
0x2fd: {  	v5 =	vld [tilespmem:$0x6202];
	_ =	sdelay $0x4  }
0x2fe: {  	vm2 =	veq.f32 v3, v0;
	vm3 =	vlt.s32 v5, v1  }
0x2ff: {  	vm4 =	vlt.f32 v3, v0;
	vm2 =	vmand vm2, vm3  }
0x300: {  	vm2 =	vmor vm4, vm2  }
0x301: {  	v3 =	vsel vm2, v3, v0  }
0x302: {  	[tilespmem:$0x6180] =	vst v3  }
0x303: {  	v0 =	vsel vm2, v5, v1;
	[tilespmem:$0x6190] =	vst v3  }
0x304: {  	[tilespmem:$0x6200] =	vst v0  }
0x305: {  	[tilespmem:$0x1FA40] =	vst v0  }
0x306: {  	[tilespmem:$0x6210] =	vst v0;
	v0 =	vld [tilespmem:$0x6181];
	_ =	sdelay $0x4  }
0x307: {  	[tilespmem:$0x1FA50] =	vst v0;
	v0 =	vld [tilespmem:$0x6201]  }
0x308: {  	[tilespmem:$0x6180] =	vst v4  }
0x309: {  	[tilespmem:$0x6200] =	vst v2  }
0x30a: {  	[tilespmem:$0x6210] =	vst v2  }
0x30b: {  	[tilespmem:$0x6190] =	vst v4;
	v1 =	vld [tilespmem:$0x6208]  }
0x30c: {  	[tilespmem:$0x1FA60] =	vst v0;
	v0 =	vld [tilespmem:$0x6188];
	_ =	sdelay $0x4  }
0x30d: {  	vm3 =	vlt.s32 v1, v2;
	vm2 =	veq.f32 v0, v4  }
0x30e: {  	vm4 =	vlt.f32 v0, v4;
	vm2 =	vmand vm2, vm3  }
0x30f: {  	vm2 =	vmor vm4, vm2  }
0x310: {  	v0 =	vsel vm2, v0, v4  }
0x311: {  	[tilespmem:$0x6180] =	vst v0  }
0x312: {  	v1 =	vsel vm2, v1, v2;
	[tilespmem:$0x6190] =	vst v0  }
0x313: {  	[tilespmem:$0x6200] =	vst v1  }
0x314: {  	[tilespmem:$0x6210] =	vst v1;
	v2 =	vld [tilespmem:$0x6184]  }
0x315: {  	[tilespmem:$0x1FA30] =	vst v3;
	v3 =	vld [tilespmem:$0x6204];
	_ =	sdelay $0x4  }
0x316: {  	vm2 =	veq.f32 v2, v0;
	vm3 =	vlt.s32 v3, v1  }
0x317: {  	vm4 =	vlt.f32 v2, v0;
	vm2 =	vmand vm2, vm3  }
0x318: {  	vm2 =	vmor vm4, vm2  }
0x319: {  	v0 =	vsel vm2, v2, v0  }
0x31a: {  	[tilespmem:$0x6180] =	vst v0  }
0x31b: {  	v1 =	vsel vm2, v3, v1;
	[tilespmem:$0x6190] =	vst v0  }
0x31c: {  	[tilespmem:$0x6200] =	vst v1  }
0x31d: {  	[tilespmem:$0x6210] =	vst v1;
	v2 =	vld [tilespmem:$0x6182]  }
0x31e: {  	v3 =	vld [tilespmem:$0x6202];
	_ =	sdelay $0x4  }
0x31f: {  	vm2 =	veq.f32 v2, v0;
	vm3 =	vlt.s32 v3, v1  }
0x320: {  	vm4 =	vlt.f32 v2, v0;
	vm2 =	vmand vm2, vm3  }
0x321: {  	vm2 =	vmor vm4, vm2  }
0x322: {  	v5 =	vsel vm2, v2, v0  }
0x323: {  	[tilespmem:$0x6180] =	vst v5  }
0x324: {  	v2 =	vsel vm2, v3, v1;
	[tilespmem:$0x6190] =	vst v5  }
0x325: {  	[tilespmem:$0x6200] =	vst v2  }
0x326: {  	[tilespmem:$0x1FA80] =	vst v2  }
0x327: {  	[tilespmem:$0x6210] =	vst v2;
	v2 =	vld [tilespmem:$0x6181]  }
0x328: {  	v4 =	vsel vm1, v12, v11  }
0x329: {  	vm3 =	vlt.f32 v8, v4  }
0x32a: {  	v0 =	vsel vm3, v8, v4;
	v1 =	vsel vm0, v45, v46  }
0x32b: {  	vm0 =	vlt.f32 v17, v0;
	v1 =	vsel vm1, v48, v1  }
0x32c: {  	v0 =	vsel vm0, v17, v0;
	v1 =	vsel vm3, v49, v1;
	[tilespmem:$0x1FA90] =	vst v2;
	v2 =	vld [tilespmem:$0x6201]  }
0x32d: {  	[tilespmem:$0x6180] =	vst v0;
	v1 =	vsel vm0, v16, v1  }
0x32e: {  	[tilespmem:$0x6200] =	vst v1  }
0x32f: {  	[tilespmem:$0x6210] =	vst v1  }
0x330: {  	[tilespmem:$0x6190] =	vst v0;
	v3 =	vld [tilespmem:$0x6208]  }
0x331: {  	[tilespmem:$0x1FAA0] =	vst v2;
	v2 =	vld [tilespmem:$0x6188];
	_ =	sdelay $0x4  }
0x332: {  	vm1 =	vlt.s32 v3, v1;
	vm0 =	veq.f32 v2, v0  }
0x333: {  	vm2 =	vlt.f32 v2, v0;
	vm0 =	vmand vm0, vm1  }
0x334: {  	vm0 =	vmor vm2, vm0  }
0x335: {  	v0 =	vsel vm0, v2, v0  }
0x336: {  	[tilespmem:$0x6180] =	vst v0  }
0x337: {  	v1 =	vsel vm0, v3, v1;
	[tilespmem:$0x6190] =	vst v0  }
0x338: {  	[tilespmem:$0x6200] =	vst v1  }
0x339: {  	[tilespmem:$0x6210] =	vst v1;
	v2 =	vld [tilespmem:$0x6184]  }
0x33a: {  	v3 =	vld [tilespmem:$0x6204];
	_ =	sdelay $0x4  }
0x33b: {  	vm0 =	veq.f32 v2, v0;
	vm1 =	vlt.s32 v3, v1  }
0x33c: {  	vm2 =	vlt.f32 v2, v0;
	vm0 =	vmand vm0, vm1  }
0x33d: {  	vm0 =	vmor vm2, vm0  }
0x33e: {  	v0 =	vsel vm0, v2, v0  }
0x33f: {  	[tilespmem:$0x6180] =	vst v0  }
0x340: {  	v1 =	vsel vm0, v3, v1;
	[tilespmem:$0x6190] =	vst v0  }
0x341: {  	[tilespmem:$0x6200] =	vst v1  }
0x342: {  	[tilespmem:$0x6210] =	vst v1;
	v2 =	vld [tilespmem:$0x6182]  }
0x343: {  	v3 =	vld [tilespmem:$0x6202];
	_ =	sdelay $0x4  }
0x344: {  	vm0 =	veq.f32 v2, v0;
	vm1 =	vlt.s32 v3, v1  }
0x345: {  	vm2 =	vlt.f32 v2, v0;
	vm0 =	vmand vm0, vm1  }
0x346: {  	vm0 =	vmor vm2, vm0  }
0x347: {  	v2 =	vsel vm0, v2, v0  }
0x348: {  	[tilespmem:$0x6180] =	vst v2  }
0x349: {  	v0 =	vsel vm0, v3, v1;
	[tilespmem:$0x6190] =	vst v2  }
0x34a: {  	v27 =	vld [tilespmem:$0x1FFF0];
	[tilespmem:$0x6200] =	vst v0  }
0x34b: {  	s13 =	simm.s32 $0x100;
	[tilespmem:$0x6210] =	vst v0  }
0x34c: {  	[tilespmem:$0x1FAC0] =	vst v0;
	v0 =	vld [tilespmem:s13+$0x0]  }
0x34d: {  	v4 =	vld [tilespmem:s13+$0x4020]  }
0x34e: {  	v1 =	vld [tilespmem:s13+$0x2010]  }
0x34f: {  	v28 =	vbroadcast v27, $0x4;
	v29 =	vbroadcast v27, $0x5;
	[tilespmem:$0x1FAB0] =	vst v2;
	v2 =	vld [tilespmem:s13+$0x4030]  }
0x350: {  	s12 =	simm.s32 $0x0;
	v31 =	vbroadcast v27, $0x7;
	v34 =	vbroadcast v27, $0xD;
	v3 =	vld [tilespmem:s13+$0x10]  }
0x351: {  	v60 =	vor.u32 s12, v51;
	v33 =	vbroadcast v27, $0x9;
	v35 =	vbroadcast v27, $0xA  }
0x352: {  	v36 =	vbroadcast v27, $0xE;
	[tilespmem:$0x1F9F0] =	vst v6;
	v6 =	vsub.f32 v28, v0;
	v8 =	vsub.f32 v34, v0  }
0x353: {  	s14 =	sand.u32 $0x1FC0, s12;
	v38 =	vbroadcast v27, $0xC;
	v58 =	vld [tilespmem:s13+$0x2030];
	v9 =	vsub.f32 v31, v0;
	v0 =	vsub.f32 v35, v0  }
0x354: {  	v32 =	vbroadcast v27, $0x8;
	v10 =	vld [tilespmem:s14+$0x2100];
	v11 =	vsub.f32 v36, v1;
	v13 =	vsub.f32 v33, v4  }
0x355: {  	v37 =	vbroadcast v27, $0xB;
	v14 =	vsub.f32 v28, v3;
	v15 =	vsub.f32 v38, v2  }
0x356: {  	v30 =	vbroadcast v27, $0x6;
	v17 =	vld [tilespmem:s14+$0x4100];
	v18 =	vsub.f32 v29, v1;
	v19 =	vsub.f32 v32, v1  }
0x357: {  	v62 =	vbroadcast v27, $0xF;
	[tilespmem:$0x1FA70] =	vst v5;
	v5 =	vld [tilespmem:s13+$0x30];
	v1 =	vsub.f32 v37, v1;
	v20 =	vsub.f32 v34, v3  }
0x358: {  	v21 =	vsub.f32 v37, v58;
	v6 =	vmul.f32 v6, v6;
	v0 =	vmul.f32 v0, v0  }
0x359: {  	v7 =	vld [tilespmem:s13+$0x4010];
	v22 =	vsub.f32 v29, v10;
	v14 =	vmul.f32 v14, v14;
	v11 =	vmul.f32 v11, v11  }
0x35a: {  	v25 =	vsub.f32 v37, v10;
	v19 =	vmul.f32 v19, v19;
	v23 =	vmul.f32 v1, v1  }
0x35b: {  	v26 =	vsub.f32 v30, v17;
	v1 =	vmul.f32 v20, v20;
	v22 =	vmul.f32 v22, v22  }
0x35c: {  	v16 =	vsub.f32 v35, v5;
	v21 =	vmul.f32 v21, v21;
	v25 =	vmul.f32 v25, v25  }
0x35d: {  	v24 =	vsub.f32 v31, v5;
	v26 =	vmul.f32 v26, v26;
	v18 =	vmul.f32 v18, v18  }
0x35e: {  	v20 =	vsub.f32 v38, v7;
	v16 =	vmul.f32 v16, v16;
	v13 =	vmul.f32 v13, v13  }
0x35f: {  	v15 =	vmul.f32 v15, v15;
	v1 =	vadd.f32 v11, v1;
	v11 =	vsub.f32 v38, v17  }
0x360: {  	v24 =	vmul.f32 v24, v24;
	v6 =	vadd.f32 v22, v6;
	v22 =	vsub.f32 v31, v3  }
0x361: {  	v9 =	vmul.f32 v9, v9;
	v3 =	vsub.f32 v35, v3;
	v0 =	vadd.f32 v25, v0  }
0x362: {  	v8 =	vmul.f32 v8, v8;
	v14 =	vadd.f32 v18, v14;
	v16 =	vadd.f32 v21, v16  }
0x363: {  	v20 =	vmul.f32 v20, v20;
	v21 =	vsub.f32 v28, v5;
	v5 =	vsub.f32 v34, v5  }
0x364: {  	v25 =	vld [tilespmem:s13+$0x20];
	v11 =	vmul.f32 v11, v11;
	v6 =	vadd.f32 v26, v6;
	v26 =	vsub.f32 v30, v7  }
0x365: {  	v18 =	vld [tilespmem:s13+$0x2020];
	v3 =	vmul.f32 v3, v3;
	v15 =	vadd.f32 v15, v16;
	v16 =	vsub.f32 v32, v58  }
0x366: {  	v22 =	vmul.f32 v22, v22;
	v0 =	vadd.f32 v11, v0;
	v11 =	vsub.f32 v33, v7  }
0x367: {  	v21 =	vmul.f32 v21, v21;
	v3 =	vadd.f32 v23, v3;
	v23 =	vsub.f32 v29, v58  }
0x368: {  	v19 =	vadd.f32 v19, v22;
	v26 =	vmul.f32 v26, v26;
	v7 =	vsub.f32 v62, v7  }
0x369: {  	v22 =	vsub.f32 v28, v25;
	v63 =	vsub.f32 v34, v25;
	v11 =	vmul.f32 v11, v11  }
0x36a: {  	v16 =	vmul.f32 v16, v16;
	v3 =	vadd.f32 v20, v3;
	v20 =	vsub.f32 v32, v18  }
0x36b: {  	v5 =	vmul.f32 v5, v5;
	v19 =	vadd.f32 v11, v19;
	v11 =	vsub.f32 v31, v25  }
0x36c: {  	v23 =	vmul.f32 v23, v23;
	v14 =	vadd.f32 v26, v14;
	v16 =	vadd.f32 v16, v24  }
0x36d: {  	v24 =	vimm.f32 $+Inf;
	v20 =	vmul.f32 v20, v20;
	v11 =	vmul.f32 v11, v11  }
0x36e: {  	v26 =	vsub.f32 v29, v18;
	v22 =	vmul.f32 v22, v22;
	vm2 =	vlt.f32 v6, v24  }
0x36f: {  	s29 =	simm.s32 $0x10;
	vm4 =	vlt.f32 v0, v24;
	v12 =	vmul.f32 v63, v63;
	v11 =	vadd.f32 v20, v11  }
0x370: {  	v63 =	vor.u32 s29, v51;
	v21 =	vadd.f32 v23, v21;
	v26 =	vmul.f32 v26, v26  }
0x371: {  	v6 =	vsel vm2, v6, v24;
	v13 =	vadd.f32 v13, v11;
	v11 =	vsub.f32 v32, v10  }
0x372: {  	v23 =	vsub.f32 v35, v25;
	v0 =	vsel vm4, v0, v24;
	vm1 =	vlt.f32 v14, v6  }
0x373: {  	v22 =	vadd.f32 v26, v22;
	v26 =	vsub.f32 v30, v4;
	v11 =	vmul.f32 v11, v11  }
0x374: {  	vm5 =	vlt.f32 v3, v0;
	v23 =	vmul.f32 v23, v23;
	v6 =	vsel vm1, v14, v6  }
0x375: {  	v26 =	vmul.f32 v26, v26;
	v9 =	vadd.f32 v11, v9;
	v11 =	vsub.f32 v30, v2  }
0x376: {  	v0 =	vsel vm5, v3, v0;
	v3 =	vsub.f32 v36, v18;
	v10 =	vsub.f32 v36, v10  }
0x377: {  	v22 =	vadd.f32 v26, v22;
	v26 =	vsub.f32 v33, v17;
	v11 =	vmul.f32 v11, v11  }
0x378: {  	v20 =	vsub.f32 v37, v18;
	v3 =	vmul.f32 v3, v3;
	v10 =	vmul.f32 v10, v10  }
0x379: {  	v17 =	vsub.f32 v62, v17;
	v59 =	vadd.f32 v11, v21;
	v11 =	vmul.f32 v26, v26  }
0x37a: {  	v18 =	vimm.s32 $0x0;
	v20 =	vmul.f32 v20, v20;
	v8 =	vadd.f32 v10, v8  }
0x37b: {  	v10 =	vmul.f32 v17, v17;
	v9 =	vadd.f32 v11, v9;
	v11 =	vsub.f32 v38, v4  }
0x37c: {  	v20 =	vadd.f32 v20, v23;
	v23 =	vsub.f32 v33, v2;
	vm3 =	vlt.f32 v22, v6  }
0x37d: {  	v8 =	vadd.f32 v10, v8;
	v10 =	vmul.f32 v11, v11;
	v11 =	vsub.f32 v36, v58  }
0x37e: {  	v3 =	vadd.f32 v3, v12;
	v6 =	vsel vm3, v22, v6;
	v4 =	vsub.f32 v62, v4  }
0x37f: {  	[tilespmem:$0x1FAD0] =	vst v28;
	v23 =	vmul.f32 v23, v23;
	v2 =	vsub.f32 v62, v2;
	v11 =	vmul.f32 v11, v11  }
0x380: {  	[tilespmem:$0x1FAE0] =	vst v31;
	vm0 =	vlt.f32 v8, v24;
	v4 =	vmul.f32 v4, v4;
	v10 =	vadd.f32 v10, v20  }
0x381: {  	[tilespmem:$0x1FAF0] =	vst v35;
	v21 =	vadd.f32 v23, v16;
	v16 =	vsel vm0, v8, v24;
	v5 =	vadd.f32 v11, v5  }
0x382: {  	[tilespmem:$0x1FB00] =	vst v29;
	vm7 =	vlt.f32 v10, v0;
	v11 =	vadd.f32 v4, v3;
	v4 =	vmul.f32 v7, v7  }
0x383: {  	[tilespmem:$0x1FB10] =	vst v37;
	v0 =	vsel vm7, v10, v0;
	v10 =	vsel vm4, v60, v18;
	vm4 =	vlt.f32 v59, v6  }
0x384: {  	[tilespmem:$0x1FB20] =	vst v32;
	vm6 =	vlt.f32 v9, v24;
	v7 =	vmul.f32 v2, v2;
	v8 =	vsel vm4, v59, v6  }
0x385: {  	[tilespmem:$0x1FB30] =	vst v30;
	v6 =	vsel vm5, v63, v10;
	v23 =	vadd.f32 v4, v1;
	vm5 =	vlt.f32 v15, v0;
	v4 =	vld [tilespmem:$0x6181]  }
0x386: {  	s31 =	simm.s32 $0x30;
	[tilespmem:$0x1FB40] =	vst v33;
	v9 =	vsel vm6, v9, v24;
	v17 =	vadd.f32 v7, v5;
	v7 =	vsel vm5, v15, v0;
	v0 =	vld [tilespmem:$0x6201]  }
0x387: {  	s30 =	simm.s32 $0x20;
	[tilespmem:$0x1FB50] =	vst v38;
	v20 =	vor.u32 s31, v51;
	v3 =	vsel vm2, v60, v18;
	vm2 =	vlt.f32 v19, v9  }
0x388: {  	[tilespmem:$0x1FB60] =	vst v36;
	v2 =	vor.u32 s30, v51;
	v9 =	vsel vm2, v19, v9;
	v1 =	vsel vm6, v60, v18  }
0x389: {  	[tilespmem:$0x1FB70] =	vst v34;
	v3 =	vsel vm1, v63, v3;
	v1 =	vsel vm2, v63, v1;
	vm2 =	vlt.f32 v13, v9  }
0x38a: {  	v25 =	vsel vm3, v2, v3;
	v3 =	vsel vm2, v13, v9;
	[tilespmem:$0x1FB80] =	vst v4;
	v4 =	vsel vm7, v2, v6  }
0x38b: {  	s12 =	simm.s32 $0x70;
	s13 =	simm.s32 $0x140;
	vm1 =	vlt.f32 v23, v16;
	vm3 =	vlt.f32 v21, v3;
	[tilespmem:$0x1FB90] =	vst v0;
	v4 =	vsel vm5, v20, v4  }
.LBB2_9:
0x38c: {  	v0 =	vld [tilespmem:s13+$0x0]  }
0x38d: {  	v9 =	vld [tilespmem:s13+$0x4020]  }
0x38e: {  	v10 =	vld [tilespmem:s13+$0x2010]  }
0x38f: {  	v13 =	vld [tilespmem:s13+$0x4030]  }
0x390: {  	v53 =	vld [tilespmem:$0x1FAD0]  }
0x391: {  	v58 =	vld [tilespmem:$0x1FB70]  }
0x392: {  	v59 =	vld [tilespmem:$0x1FAF0]  }
0x393: {  	v14 =	vld [tilespmem:s13+$0x2020]  }
0x394: {  	v49 =	vld [tilespmem:$0x1FB60]  }
0x395: {  	v57 =	vld [tilespmem:$0x1FB40]  }
0x396: {  	v50 =	vld [tilespmem:$0x1FB50]  }
0x397: {  	v54 =	vld [tilespmem:$0x1FB00]  }
0x398: {  	v56 =	vld [tilespmem:$0x1FB20]  }
0x399: {  	v6 =	vsel vm1, v23, v16;
	v23 =	vsel vm4, v20, v25;
	v61 =	vld [tilespmem:$0x1FB10]  }
0x39a: {  	v1 =	vsel vm2, v2, v1;
	v16 =	vsel vm3, v21, v3;
	v31 =	vld [tilespmem:s13+$0x4010];
	v3 =	vsub.f32 v58, v0  }
0x39b: {  	s15 =	sadd.s32 $0xFFFFFFD0, s12;
	v47 =	vld [tilespmem:$0x1FB30];
	v5 =	vsel vm0, v60, v18;
	v22 =	vsub.f32 v49, v10;
	v26 =	vsub.f32 v50, v13  }
0x39c: {  	v36 =	vld [tilespmem:s13+$0x20];
	v60 =	vor.u32 s15, v51;
	v27 =	vsub.f32 v57, v13;
	v32 =	vsub.f32 v54, v10  }
0x39d: {  	vm0 =	vlt.f32 v11, v6;
	v28 =	vsub.f32 v56, v10;
	v34 =	vsub.f32 v62, v9  }
0x39e: {  	v5 =	vsel vm1, v63, v5;
	v10 =	vsub.f32 v61, v10;
	v29 =	vsub.f32 v50, v9  }
0x39f: {  	s14 =	smov.u32 s12;
	v55 =	vld [tilespmem:$0x1FAE0];
	v6 =	vsel vm0, v11, v6;
	v41 =	vsub.f32 v50, v31;
	v44 =	vsub.f32 v49, v14  }
0x3a0: {  	s30 =	sadd.s32 $0xFFFFFFE0, s14;
	v11 =	vsel vm3, v20, v1;
	v15 =	vsub.f32 v47, v31;
	v38 =	vsub.f32 v57, v31  }
0x3a1: {  	v46 =	vsub.f32 v53, v36;
	v40 =	vsub.f32 v59, v36;
	v63 =	vor.u32 s30, v51  }
0x3a2: {  	s16 =	sand.u32 $0x1FC0, s15;
	v31 =	vsub.f32 v62, v31;
	v1 =	vsel vm0, v2, v5;
	vm0 =	vlt.f32 v17, v6  }
0x3a3: {  	v24 =	vld [tilespmem:s16+$0x4100];
	v12 =	vsel vm0, v17, v6;
	v1 =	vsel vm0, v20, v1;
	v20 =	vmul.f32 v3, v3  }
0x3a4: {  	v6 =	vsub.f32 v55, v0;
	v22 =	vmul.f32 v22, v22;
	v37 =	vmul.f32 v28, v28  }
0x3a5: {  	v3 =	vsub.f32 v62, v13;
	v10 =	vmul.f32 v10, v10;
	v29 =	vmul.f32 v29, v29  }
0x3a6: {  	v18 =	vld [tilespmem:s16+$0x2100];
	v28 =	vmul.f32 v34, v34;
	v41 =	vmul.f32 v41, v41;
	v13 =	vsub.f32 v47, v13  }
0x3a7: {  	v15 =	vmul.f32 v15, v15;
	v34 =	vmul.f32 v38, v38;
	v38 =	vsub.f32 v56, v14  }
0x3a8: {  	v27 =	vmul.f32 v27, v27;
	v42 =	vsub.f32 v62, v24;
	v43 =	vmul.f32 v46, v46  }
0x3a9: {  	v2 =	vld [tilespmem:s13+$0x30];
	v40 =	vmul.f32 v40, v40;
	v50 =	vsub.f32 v50, v24;
	v32 =	vmul.f32 v32, v32  }
0x3aa: {  	v5 =	vld [tilespmem:s13+$0x10];
	[tilespmem:$0x1F9E0] =	vst v1;
	v1 =	vsub.f32 v53, v0;
	v0 =	vsub.f32 v59, v0;
	v21 =	vmul.f32 v6, v6  }
0x3ab: {  	v17 =	vmul.f32 v3, v3;
	v48 =	vsub.f32 v54, v18;
	v52 =	vsub.f32 v61, v18  }
0x3ac: {  	v19 =	vmul.f32 v1, v1;
	v1 =	vsub.f32 v57, v9;
	v9 =	vsub.f32 v47, v9  }
0x3ad: {  	v13 =	vmul.f32 v13, v13;
	v47 =	vsub.f32 v47, v24;
	v24 =	vsub.f32 v57, v24  }
0x3ae: {  	v38 =	vmul.f32 v38, v38;
	v57 =	vsub.f32 v54, v14;
	v14 =	vsub.f32 v61, v14  }
0x3af: {  	v0 =	vmul.f32 v0, v0;
	v30 =	vsub.f32 v59, v2;
	v25 =	vsub.f32 v53, v5  }
0x3b0: {  	v3 =	vsub.f32 v58, v2;
	v39 =	vsub.f32 v55, v2;
	v48 =	vmul.f32 v48, v48  }
0x3b1: {  	v51 =	vsub.f32 v53, v2;
	v53 =	vmul.f32 v50, v50;
	v1 =	vmul.f32 v1, v1  }
0x3b2: {  	v6 =	vld [tilespmem:s13+$0x2030];
	v46 =	vsub.f32 v55, v5;
	v9 =	vmul.f32 v9, v9;
	v47 =	vmul.f32 v47, v47  }
0x3b3: {  	v50 =	vsub.f32 v58, v36;
	v24 =	vmul.f32 v24, v24;
	v14 =	vmul.f32 v14, v14  }
0x3b4: {  	v36 =	vsub.f32 v55, v36;
	v33 =	vmul.f32 v25, v25;
	v25 =	vmul.f32 v3, v3  }
0x3b5: {  	v3 =	vsub.f32 v58, v5;
	v5 =	vsub.f32 v59, v5;
	v51 =	vmul.f32 v51, v51  }
0x3b6: {  	v19 =	vadd.f32 v48, v19;
	v30 =	vmul.f32 v30, v30;
	v46 =	vmul.f32 v46, v46  }
0x3b7: {  	v35 =	vsub.f32 v61, v6;
	v59 =	vsub.f32 v54, v6;
	v54 =	vmul.f32 v57, v57  }
0x3b8: {  	v14 =	vadd.f32 v14, v40;
	v61 =	vmul.f32 v50, v50;
	v19 =	vadd.f32 v47, v19  }
0x3b9: {  	v3 =	vmul.f32 v3, v3;
	v32 =	vadd.f32 v32, v33;
	v37 =	vadd.f32 v37, v46  }
0x3ba: {  	v45 =	vmul.f32 v35, v35;
	v35 =	vsub.f32 v49, v6;
	v49 =	vsub.f32 v49, v18  }
0x3bb: {  	v5 =	vmul.f32 v5, v5;
	v6 =	vsub.f32 v56, v6;
	v18 =	vsub.f32 v56, v18  }
0x3bc: {  	v56 =	vmul.f32 v39, v39;
	v3 =	vadd.f32 v22, v3;
	v22 =	vmul.f32 v26, v26  }
0x3bd: {  	s31 =	sadd.s32 $0xFFFFFFF0, s14;
	v26 =	vmul.f32 v52, v52;
	v52 =	vlaneseq.u32;
	v5 =	vadd.f32 v10, v5  }
0x3be: {  	vm1 =	vlt.f32 v19, v8;
	v15 =	vadd.f32 v15, v32;
	v2 =	vor.u32 s31, v52  }
0x3bf: {  	v30 =	vadd.f32 v45, v30;
	v10 =	vmul.f32 v18, v18;
	v0 =	vadd.f32 v26, v0  }
0x3c0: {  	v18 =	vadd.f32 v34, v37;
	v23 =	vsel vm1, v60, v23;
	v58 =	vmul.f32 v49, v49  }
0x3c1: {  	v26 =	vmul.f32 v59, v59;
	v10 =	vadd.f32 v10, v21;
	v0 =	vadd.f32 v53, v0  }
0x3c2: {  	v5 =	vadd.f32 v41, v5;
	v59 =	vmul.f32 v35, v35;
	v22 =	vadd.f32 v22, v30  }
0x3c3: {  	v26 =	vadd.f32 v26, v51;
	v10 =	vadd.f32 v24, v10;
	vm0 =	vlt.f32 v0, v7  }
0x3c4: {  	v0 =	vsel vm0, v0, v7;
	v7 =	vsel vm1, v19, v8;
	v8 =	vmul.f32 v36, v36  }
0x3c5: {  	v51 =	vlaneseq.u32;
	v19 =	vmul.f32 v44, v44;
	v4 =	vsel vm0, v60, v4  }
0x3c6: {  	vm2 =	vlt.f32 v10, v16;
	vm0 =	vlt.f32 v15, v7;
	v8 =	vadd.f32 v38, v8  }
0x3c7: {  	vm1 =	vlt.f32 v5, v0;
	v10 =	vsel vm2, v10, v16;
	v11 =	vsel vm2, v60, v11  }
0x3c8: {  	v57 =	vadd.f32 v1, v8;
	v1 =	vmul.f32 v6, v6;
	v8 =	vadd.f32 v54, v43  }
0x3c9: {  	v7 =	vsel vm0, v15, v7;
	v0 =	vsel vm1, v5, v0;
	v5 =	vmul.f32 v31, v31  }
0x3ca: {  	v4 =	vsel vm1, v63, v4;
	v1 =	vadd.f32 v1, v56;
	v8 =	vadd.f32 v9, v8  }
0x3cb: {  	v6 =	vmul.f32 v42, v42;
	v9 =	vadd.f32 v13, v26;
	v13 =	vadd.f32 v59, v25  }
0x3cc: {  	v21 =	vadd.f32 v27, v1;
	v1 =	vadd.f32 v58, v20;
	vm1 =	vlt.f32 v8, v7  }
0x3cd: {  	vm5 =	vlt.f32 v18, v10;
	v7 =	vsel vm1, v8, v7;
	v8 =	vadd.f32 v29, v14  }
0x3ce: {  	v20 =	vor.u32 s14, v51;
	v17 =	vadd.f32 v17, v13;
	v1 =	vadd.f32 v6, v1  }
0x3cf: {  	v6 =	vsel vm0, v63, v23;
	vm4 =	vlt.f32 v9, v7;
	vm3 =	vlt.f32 v8, v0  }
0x3d0: {  	p0 =	sne.s32 s12, $0x1FF0;
	v25 =	vsel vm1, v2, v6;
	v6 =	vadd.f32 v19, v61;
	vm0 =	vlt.f32 v1, v12  }
.Ltmp3:
0x3d1: {  	v23 =	vadd.f32 v5, v3;
	v0 =	vsel vm3, v8, v0;
	v16 =	vsel vm0, v1, v12;
	(pc) =	sbr.rel @p0 .LBB2_9-.Ltmp3, $4  }
0x3d2: {  	v1 =	vsel vm5, v63, v11;
	v11 =	vadd.f32 v28, v6;
	v6 =	vsel vm5, v18, v10  }
0x3d3: {  	v8 =	vsel vm4, v9, v7;
	v4 =	vsel vm3, v2, v4;
	vm2 =	vlt.f32 v57, v6  }
0x3d4: {  	vm5 =	vlt.f32 v22, v0;
	vm1 =	vlt.f32 v23, v16;
	v3 =	vsel vm2, v57, v6  }
0x3d5: {  	s12 =	sadd.s32 $0x40, s12;
	s13 =	sadd.s32 $0x40, s13;
	v18 =	vld [tilespmem:$0x1F9E0];
	v7 =	vsel vm5, v22, v0;
	v4 =	vsel vm5, v20, v4;
	vm3 =	vlt.f32 v21, v3  }
0x3d6: {  	[tilespmem:$0x6180] =	vst v8  }
0x3d7: {  	v0 =	vsel vm4, v20, v25;
	[tilespmem:$0x6190] =	vst v8  }
0x3d8: {  	[tilespmem:$0x6200] =	vst v0  }
0x3d9: {  	[tilespmem:$0x6210] =	vst v0;
	v5 =	vld [tilespmem:$0x6188]  }
0x3da: {  	v6 =	vld [tilespmem:$0x6208];
	_ =	sdelay $0x4  }
0x3db: {  	vm11 =	veq.f32 v5, v8;
	vm5 =	vlt.s32 v6, v0  }
0x3dc: {  	vm12 =	vlt.f32 v5, v8;
	vm4 =	vmand vm11, vm5  }
0x3dd: {  	vm4 =	vmor vm12, vm4  }
0x3de: {  	v5 =	vsel vm4, v5, v8  }
0x3df: {  	[tilespmem:$0x6180] =	vst v5  }
0x3e0: {  	v0 =	vsel vm4, v6, v0;
	[tilespmem:$0x6190] =	vst v5  }
0x3e1: {  	[tilespmem:$0x6200] =	vst v0  }
0x3e2: {  	[tilespmem:$0x6210] =	vst v0;
	v58 =	vld [tilespmem:$0x6184]  }
0x3e3: {  	v59 =	vld [tilespmem:$0x6204];
	_ =	sdelay $0x4  }
0x3e4: {  	vm13 =	veq.f32 v58, v5;
	vm14 =	vlt.s32 v59, v0  }
0x3e5: {  	vm15 =	vlt.f32 v58, v5;
	vm4 =	vmand vm13, vm14  }
0x3e6: {  	vm4 =	vmor vm15, vm4  }
0x3e7: {  	v5 =	vsel vm4, v58, v5  }
0x3e8: {  	[tilespmem:$0x6180] =	vst v5  }
0x3e9: {  	v0 =	vsel vm4, v59, v0;
	[tilespmem:$0x6190] =	vst v5  }
0x3ea: {  	[tilespmem:$0x6200] =	vst v0  }
0x3eb: {  	[tilespmem:$0x6210] =	vst v0;
	v61 =	vld [tilespmem:$0x6182]  }
0x3ec: {  	v62 =	vld [tilespmem:$0x6202];
	_ =	sdelay $0x4  }
0x3ed: {  	vm8 =	veq.f32 v61, v5;
	vm9 =	vlt.s32 v62, v0  }
0x3ee: {  	vm10 =	vlt.f32 v61, v5;
	vm4 =	vmand vm8, vm9  }
0x3ef: {  	vm4 =	vmor vm10, vm4  }
0x3f0: {  	v50 =	vsel vm4, v61, v5  }
0x3f1: {  	[tilespmem:$0x6180] =	vst v50  }
0x3f2: {  	v49 =	vsel vm4, v62, v0;
	[tilespmem:$0x6190] =	vst v50  }
0x3f3: {  	[tilespmem:$0x6200] =	vst v49  }
0x3f4: {  	v10 =	vsel vm3, v21, v3;
	[tilespmem:$0x6210] =	vst v49  }
0x3f5: {  	v1 =	vsel vm2, v2, v1;
	v52 =	vld [tilespmem:$0x6181];
	[tilespmem:$0x6180] =	vst v10  }
0x3f6: {  	v1 =	vsel vm3, v20, v1;
	[tilespmem:$0x6190] =	vst v10  }
0x3f7: {  	v51 =	vld [tilespmem:$0x6201];
	[tilespmem:$0x6200] =	vst v1  }
0x3f8: {  	[tilespmem:$0x6210] =	vst v1;
	v12 =	vld [tilespmem:$0x6188]  }
0x3f9: {  	v13 =	vld [tilespmem:$0x6208];
	_ =	sdelay $0x4  }
0x3fa: {  	vm11 =	veq.f32 v12, v10;
	vm3 =	vlt.s32 v13, v1  }
0x3fb: {  	vm12 =	vlt.f32 v12, v10;
	vm2 =	vmand vm11, vm3  }
0x3fc: {  	vm2 =	vmor vm12, vm2  }
0x3fd: {  	v0 =	vsel vm2, v12, v10  }
0x3fe: {  	[tilespmem:$0x6180] =	vst v0  }
0x3ff: {  	v1 =	vsel vm2, v13, v1;
	[tilespmem:$0x6190] =	vst v0  }
0x400: {  	[tilespmem:$0x6200] =	vst v1  }
0x401: {  	[tilespmem:$0x6210] =	vst v1;
	v14 =	vld [tilespmem:$0x6184]  }
0x402: {  	v15 =	vld [tilespmem:$0x6204];
	_ =	sdelay $0x4  }
0x403: {  	vm13 =	veq.f32 v14, v0;
	vm14 =	vlt.s32 v15, v1  }
0x404: {  	vm15 =	vlt.f32 v14, v0;
	vm2 =	vmand vm13, vm14  }
0x405: {  	vm2 =	vmor vm15, vm2  }
0x406: {  	v0 =	vsel vm2, v14, v0  }
0x407: {  	[tilespmem:$0x6180] =	vst v0  }
0x408: {  	v1 =	vsel vm2, v15, v1;
	[tilespmem:$0x6190] =	vst v0  }
0x409: {  	[tilespmem:$0x6200] =	vst v1  }
0x40a: {  	[tilespmem:$0x6210] =	vst v1;
	v19 =	vld [tilespmem:$0x6182]  }
0x40b: {  	v21 =	vld [tilespmem:$0x6202];
	_ =	sdelay $0x4  }
0x40c: {  	vm8 =	veq.f32 v19, v0;
	vm9 =	vlt.s32 v21, v1  }
0x40d: {  	vm10 =	vlt.f32 v19, v0;
	vm2 =	vmand vm8, vm9  }
0x40e: {  	vm2 =	vmor vm10, vm2  }
0x40f: {  	v12 =	vsel vm2, v19, v0  }
0x410: {  	[tilespmem:$0x6180] =	vst v12  }
0x411: {  	v8 =	vsel vm2, v21, v1;
	[tilespmem:$0x6190] =	vst v12  }
0x412: {  	[tilespmem:$0x6200] =	vst v8  }
0x413: {  	[tilespmem:$0x6210] =	vst v8  }
0x414: {  	v54 =	vld [tilespmem:$0x6181];
	[tilespmem:$0x6180] =	vst v7  }
0x415: {  	[tilespmem:$0x6190] =	vst v7  }
0x416: {  	v53 =	vld [tilespmem:$0x6201];
	[tilespmem:$0x6200] =	vst v4  }
0x417: {  	[tilespmem:$0x6210] =	vst v4;
	v22 =	vld [tilespmem:$0x6188]  }
0x418: {  	v24 =	vld [tilespmem:$0x6208];
	_ =	sdelay $0x4  }
0x419: {  	vm11 =	veq.f32 v22, v7;
	vm12 =	vlt.s32 v24, v4  }
0x41a: {  	vm13 =	vlt.f32 v22, v7;
	vm2 =	vmand vm11, vm12  }
0x41b: {  	vm2 =	vmor vm13, vm2  }
0x41c: {  	v0 =	vsel vm2, v22, v7  }
0x41d: {  	[tilespmem:$0x6180] =	vst v0  }
0x41e: {  	v1 =	vsel vm2, v24, v4;
	[tilespmem:$0x6190] =	vst v0  }
0x41f: {  	[tilespmem:$0x6200] =	vst v1  }
0x420: {  	[tilespmem:$0x6210] =	vst v1;
	v25 =	vld [tilespmem:$0x6184]  }
0x421: {  	v26 =	vld [tilespmem:$0x6204];
	_ =	sdelay $0x1  }
0x422: {  	v34 =	vld [tilespmem:$0x1FD50]  }
0x423: {  	v35 =	vld [tilespmem:$0x1FD70]  }
0x424: {  	v36 =	vld [tilespmem:$0x1FD60]  }
0x425: {  	v37 =	vld [tilespmem:$0x1FD80];
	vm14 =	veq.f32 v25, v0;
	vm15 =	vlt.s32 v26, v1  }
0x426: {  	v38 =	vld [tilespmem:$0x1FD90];
	vm6 =	vlt.f32 v25, v0;
	vm2 =	vmand vm14, vm15  }
0x427: {  	v39 =	vld [tilespmem:$0x1FDB0];
	vm2 =	vmor vm6, vm2  }
0x428: {  	v9 =	vld [tilespmem:$0x1FDA0];
	v0 =	vsel vm2, v25, v0  }
0x429: {  	v41 =	vld [tilespmem:$0x1FDD0];
	[tilespmem:$0x6180] =	vst v0  }
0x42a: {  	v42 =	vld [tilespmem:$0x1FDE0];
	v1 =	vsel vm2, v26, v1;
	[tilespmem:$0x6190] =	vst v0  }
0x42b: {  	v46 =	vld [tilespmem:$0x1FE10];
	[tilespmem:$0x6200] =	vst v1  }
0x42c: {  	[tilespmem:$0x6210] =	vst v1;
	v27 =	vld [tilespmem:$0x6182]  }
0x42d: {  	v28 =	vld [tilespmem:$0x6202]  }
0x42e: {  	v47 =	vld [tilespmem:$0x1FEE0]  }
0x42f: {  	v48 =	vld [tilespmem:$0x1FE20]  }
0x430: {  	v56 =	vld [tilespmem:$0x1FBA0]  }
0x431: {  	v29 =	vsel vm1, v23, v16;
	v57 =	vld [tilespmem:$0x1FBC0]  }
0x432: {  	v23 =	vld [tilespmem:$0x1FC40];
	v30 =	vsel vm0, v60, v18;
	vm7 =	veq.f32 v27, v0;
	vm8 =	vlt.s32 v28, v1  }
0x433: {  	v31 =	vsel vm1, v63, v30;
	v63 =	vld [tilespmem:$0x1FBF0];
	vm9 =	vlt.f32 v27, v0;
	vm2 =	vmand vm7, vm8  }
0x434: {  	v30 =	vld [tilespmem:$0x1FC70];
	vm2 =	vmor vm9, vm2  }
0x435: {  	v58 =	vld [tilespmem:$0x1FBB0];
	v4 =	vsel vm2, v27, v0  }
0x436: {  	v10 =	vld [tilespmem:$0x1FDC0];
	vm10 =	vlt.f32 v11, v29;
	[tilespmem:$0x6180] =	vst v4  }
0x437: {  	v13 =	vld [tilespmem:$0x1FE00];
	v32 =	vsel vm10, v11, v29;
	v0 =	vsel vm10, v2, v31;
	v2 =	vsel vm2, v28, v1;
	[tilespmem:$0x6190] =	vst v4  }
0x438: {  	v14 =	vld [tilespmem:$0x1FDF0];
	vm11 =	vlt.f32 v17, v32;
	[tilespmem:$0x6200] =	vst v2  }
0x439: {  	v15 =	vld [tilespmem:$0x1FEF0];
	v33 =	vsel vm11, v17, v32;
	[tilespmem:$0x6210] =	vst v2  }
0x43a: {  	v3 =	vld [tilespmem:$0x6181];
	[tilespmem:$0x6180] =	vst v33  }
0x43b: {  	v59 =	vld [tilespmem:$0x1FBD0];
	vm12 =	vlt.f32 v35, v34;
	v0 =	vsel vm11, v20, v0;
	[tilespmem:$0x6190] =	vst v33  }
0x43c: {  	vm13 =	veq.f32 v35, v34;
	vm14 =	vlt.s32 v37, v36;
	vm15 =	veq.f32 v39, v38;
	v6 =	vld [tilespmem:$0x6201];
	[tilespmem:$0x6200] =	vst v0  }
0x43d: {  	vm1 =	vmand vm13, vm14;
	vm6 =	vlt.s32 v10, v9;
	vm13 =	veq.f32 v47, v46;
	[tilespmem:$0x6210] =	vst v0;
	v43 =	vld [tilespmem:$0x6188]  }
0x43e: {  	vm14 =	vlt.s32 v15, v48;
	vm0 =	vmor vm12, vm1;
	vm12 =	vlt.f32 v14, v41;
	v44 =	vld [tilespmem:$0x6208]  }
0x43f: {  	v61 =	vld [tilespmem:$0x1FBE0];
	v5 =	vsel vm0, v37, v36;
	vm9 =	veq.f32 v14, v41;
	vm10 =	vlt.s32 v13, v42  }
0x440: {  	v62 =	vld [tilespmem:$0x1FC00];
	vm7 =	vlt.f32 v39, v38;
	vm2 =	vmand vm15, vm6;
	vm0 =	vmand vm9, vm10  }
0x441: {  	v29 =	vld [tilespmem:$0x1FD30];
	vm6 =	vlt.f32 v47, v46;
	vm8 =	vmor vm7, vm2;
	vm0 =	vmor vm12, vm0  }
0x442: {  	v32 =	vld [tilespmem:$0x1F9F0];
	v40 =	vsel vm8, v10, v9;
	v45 =	vsel vm0, v13, v42;
	vm0 =	vmand vm13, vm14  }
0x443: {  	v34 =	vld [tilespmem:$0x1FA00];
	vm0 =	vmor vm6, vm0;
	vm7 =	veq.f32 v43, v33;
	vm8 =	vlt.s32 v44, v0  }
0x444: {  	v22 =	vld [tilespmem:$0x1FC20];
	v55 =	vsel vm0, v15, v48;
	vm10 =	vlt.f32 v43, v33;
	vm0 =	vmand vm7, vm8  }
0x445: {  	v24 =	vld [tilespmem:$0x1FC30];
	vm0 =	vmor vm10, vm0  }
0x446: {  	v25 =	vld [tilespmem:$0x1FC50];
	v1 =	vsel vm0, v43, v33  }
0x447: {  	vm4 =	veq.f32 v62, v61;
	vm15 =	vmmov $0x3;
	v28 =	vld [tilespmem:$0x1FC60];
	[tilespmem:$0x6180] =	vst v1  }
0x448: {  	vm11 =	vmmov $0x1;
	vm9 =	vmmov $0x7;
	v20 =	vld [tilespmem:$0x1FC10];
	v0 =	vsel vm0, v44, v0;
	[tilespmem:$0x6190] =	vst v1  }
0x449: {  	v39 =	vld [tilespmem:$0x1FA30];
	vm12 =	vlt.s32 v59, v58;
	v5 =	vsel vm11, v5, v40;
	vm11 =	veq.f32 v57, v56;
	[tilespmem:$0x6200] =	vst v0  }
0x44a: {  	vm13 =	vlt.f32 v57, v56;
	vm14 =	vmmov $0xf;
	v5 =	vsel vm15, v5, v45;
	[tilespmem:$0x6210] =	vst v0;
	v21 =	vld [tilespmem:$0x6184]  }
0x44b: {  	vm1 =	vmand vm11, vm12;
	vm15 =	vlt.f32 v62, v61;
	vm6 =	veq.f32 v23, v22;
	v26 =	vld [tilespmem:$0x6204]  }
0x44c: {  	v41 =	vld [tilespmem:$0x1FA40];
	vm1 =	vmor vm13, vm1;
	vm11 =	veq.f32 v29, v28;
	v5 =	vsel vm9, v5, v55  }
0x44d: {  	v31 =	vld [tilespmem:$0x1FD40];
	v60 =	vsel vm1, v59, v58;
	vm5 =	vlt.s32 v20, v63;
	vm9 =	vmmov $0x1f  }
0x44e: {  	v40 =	vld [tilespmem:$0x1FA50];
	v5 =	vsel vm14, v5, v60;
	vm1 =	vmand vm4, vm5;
	vm7 =	vlt.s32 v25, v24  }
0x44f: {  	v42 =	vld [tilespmem:$0x1FA60];
	vm8 =	vlt.f32 v23, v22;
	vm2 =	vmand vm6, vm7;
	vm0 =	vmor vm15, vm1  }
0x450: {  	v35 =	vld [tilespmem:$0x1FA20];
	vm1 =	vmor vm8, vm2;
	vm13 =	veq.f32 v21, v1;
	vm14 =	vlt.s32 v26, v0  }
0x451: {  	v46 =	vld [tilespmem:$0x1FA80];
	v10 =	vsel vm0, v20, v63;
	vm7 =	vlt.f32 v21, v1;
	vm2 =	vmand vm13, vm14  }
0x452: {  	v47 =	vld [tilespmem:$0x1FAA0];
	vm12 =	vlt.s32 v31, v30;
	v5 =	vsel vm9, v5, v10;
	vm9 =	vmor vm7, vm2  }
0x453: {  	vm5 =	veq.f32 v40, v39;
	vm10 =	vmmov $0x3f;
	v33 =	vld [tilespmem:$0x1FA10];
	v1 =	vsel vm9, v21, v1  }
0x454: {  	v45 =	vld [tilespmem:$0x1FA90];
	vm6 =	vlt.s32 v42, v41;
	vm15 =	vlt.f32 v29, v28;
	v27 =	vsel vm1, v25, v24;
	[tilespmem:$0x6180] =	vst v1  }
0x455: {  	v44 =	vld [tilespmem:$0x1FA70];
	vm1 =	vmand vm11, vm12;
	vm11 =	vlt.s32 v35, v34;
	v0 =	vsel vm9, v26, v0;
	[tilespmem:$0x6190] =	vst v1  }
0x456: {  	vm8 =	vmor vm15, vm1;
	vm15 =	vlt.f32 v40, v39;
	vm1 =	vmand vm5, vm6;
	[tilespmem:$0x6200] =	vst v0  }
0x457: {  	vm5 =	vlt.f32 v54, v12;
	vm6 =	vmmov $0xfff;
	v5 =	vsel vm10, v5, v27;
	[tilespmem:$0x6210] =	vst v0;
	v38 =	vld [tilespmem:$0x6182]  }
0x458: {  	v36 =	vsel vm8, v31, v30;
	vm8 =	vlt.s32 v47, v46;
	vm10 =	veq.f32 v33, v32;
	v43 =	vld [tilespmem:$0x6202]  }
0x459: {  	v56 =	vld [tilespmem:$0x1FB80];
	vm12 =	vlt.f32 v33, v32;
	vm13 =	vmmov $0x7f;
	vm14 =	vmmov $0xff  }
0x45a: {  	v55 =	vld [tilespmem:$0x1FAB0];
	vm2 =	vmand vm10, vm11;
	v5 =	vsel vm13, v5, v36;
	vm7 =	veq.f32 v45, v44  }
0x45b: {  	v57 =	vld [tilespmem:$0x1FAC0];
	vm10 =	vmmov $0x1ff;
	vm0 =	vmor vm12, vm2;
	vm9 =	vlt.f32 v45, v44  }
0x45c: {  	v58 =	vld [tilespmem:$0x1FB90];
	vm2 =	vmand vm7, vm8;
	v37 =	vsel vm0, v35, v34;
	vm0 =	vmor vm15, vm1  }
0x45d: {  	vm1 =	vmor vm9, vm2;
	vm12 =	veq.f32 v38, v1;
	vm13 =	vlt.s32 v43, v0  }
0x45e: {  	v48 =	vsel vm1, v47, v46;
	vm15 =	vlt.f32 v38, v1;
	vm1 =	vmand vm12, vm13  }
0x45f: {  	vm11 =	veq.f32 v56, v55;
	vm8 =	vlt.f32 v56, v55;
	vm1 =	vmor vm15, vm1  }
0x460: {  	vm7 =	vmmov $0x1fff;
	vm9 =	vmmov $0x3ff;
	v1 =	vsel vm1, v38, v1  }
0x461: {  	v5 =	vsel vm14, v5, v37;
	v10 =	vsel vm0, v42, v41;
	vm14 =	vlt.s32 v58, v57;
	[tilespmem:$0x6180] =	vst v1  }
0x462: {  	v5 =	vsel vm10, v5, v10;
	vm0 =	vmand vm11, vm14;
	v0 =	vsel vm1, v43, v0;
	[tilespmem:$0x6190] =	vst v1  }
0x463: {  	vm10 =	vmmov $0x7ff;
	vm11 =	vlt.f32 v52, v50;
	vm0 =	vmor vm8, vm0;
	[tilespmem:$0x6200] =	vst v0  }
0x464: {  	vm14 =	veq.f32 v54, v12;
	v5 =	vsel vm9, v5, v48;
	v59 =	vsel vm0, v58, v57;
	[tilespmem:$0x6210] =	vst v0;
	v60 =	vld [tilespmem:$0x6181]  }
0x465: {  	vm8 =	vlt.f32 v3, v4;
	vm9 =	veq.f32 v3, v4;
	v5 =	vsel vm10, v5, v59;
	v61 =	vld [tilespmem:$0x6201]  }
0x466: {  	vm12 =	veq.f32 v52, v50;
	vm13 =	vlt.s32 v51, v49;
	vm15 =	vlt.s32 v53, v8  }
0x467: {  	vm10 =	vlt.s32 v6, v2;
	vm1 =	vmand vm12, vm13;
	vm2 =	vmand vm14, vm15  }
0x468: {  	vm14 =	vmmov $0x3fff;
	vm0 =	vmor vm11, vm1;
	vm1 =	vmor vm5, vm2  }
0x469: {  	s12 =	sshll.u32 s11, $0x4;
	s11 =	sadd.s32 $0x1, s11;
	v62 =	vsel vm0, v51, v49;
	v8 =	vsel vm1, v53, v8;
	vm1 =	vmand vm9, vm10  }
0x46a: {  	p0 =	sne.s32 s11, $0x5;
	v5 =	vsel vm6, v5, v62;
	vm11 =	veq.f32 v60, v1;
	vm12 =	vlt.s32 v61, v0  }
.Ltmp4:
0x46b: {  	vm0 =	vmor vm8, vm1;
	vm13 =	vlt.f32 v60, v1;
	vm2 =	vmand vm11, vm12;
	(pc) =	sbr.rel @p0 .LBB2_2-.Ltmp4, $4  }
0x46c: {  	v5 =	vsel vm7, v5, v8;
	v63 =	vsel vm0, v6, v2;
	vm1 =	vmor vm13, vm2  }
0x46d: {  	vm15 =	vmmov $0x7fff;
	v1 =	vsel vm14, v5, v63;
	v0 =	vsel vm1, v61, v0  }
0x46e: {  	s12 =	sand.u32 $0x3FFFFFF0, s12;
	v0 =	vsel vm15, v1, v0  }
0x46f: {  	v51 =	vlaneseq.u32;
	[tilespmem:s12+$0x6100] =	vst v0  }
0x470: {  	s10 =	sadd.s32 $0x1, s10  }
0x471: {  	p0 =	sne.s32 s10, s6  }
.Ltmp5:
0x472: {  	_ = 	snop;
	(pc) =	sbr.rel @p0 .LBB2_1-.Ltmp5, $4  }
0x473: {  	[hbm4b:s5+s2] =	stream.linear.scatter [tilespmem:s9], [sflag:$0x1], $0x50, $0x38;
	[tilespmem:$0x6280] =	vst v63  }
0x474: {  	_ =	swait.ge [sflag:s8], $0x50  }
0x475: {  	[sflag:s8] =	ssyncset.done $0x0  }
0x476: {  	[sflag:s8] =	ssyncadd.s32 $0xFFFFFFB0  }
0x477: {  	_ =	sfence.sel $0x180000  }
0x478: {  	[bflag:$0x0] =	sbarrier.arrive $0xFFFF  }
0x479: {  	p0 =	sne.s32 s0, $0x0;
	_ =	strace $0x90000047  }
0x47a: {  	s0 =	sadd.s32 @!p0 $0x100000, s1;
	[bflag:$0x2] =	sbarrier.arrive $0xFFFF  }
0x47b: {  	[sflag:s0] =	ssyncadd.tile.s32 @!p0 $0x1;
	_ =	shalt  }
.Lfunc_end2:
_tile_overlayer_lowered:
.L_overlay_start_2:
0x47c: {  	(tag) =	ssettag $0x2  }
0x47d: {  	s0 =	rddreg [dreg:$0x0];
	s2 =	stileid.u32  }
0x47e: {  	s1 =	rddreg [dreg:$0x1];
	p0 =	sne.s32 s2, $0x0  }
0x47f: {  	s3 =	rddreg [dreg:$0x2];
	[bflag:$0x3] =	sbarrier.arrive $0xFFFF;
	s2 =	simm.s32 @!p0 $0x1C01  }
0x480: {  	[timem:s3], [sflag:s2] =	dma.local @!p0 [hbm:s0], s1  }
0x481: {  	s0 =	simm.s32 @!p0 $0x1  }
0x482: {  	_ =	swait.ge @!p0 [sflag:s0], s1  }
0x483: {  	s1 =	ssub.s32 @!p0 $0x0, s1;
	[sflag:s0] =	ssyncset.done @!p0 $0x0  }
0x484: {  	[sflag:s0] =	ssyncadd.s32 @!p0 s1  }
0x485: {  	[bflag:$0x3] =	sbarrier.arrive $0xFFFF  }
0x486: {  	_ =	shalt  }

</sc_bundles>
